<compile_context>
chip_gen: v7x
topology: tpu7x:2x2x1
jax: 0.10.2.dev20260603
libtpu: 0.0.44.dev20260713+nightly
codegen_flags: <defaults>
</compile_context>

<pallas_src>
import dataclasses
import functools

import jax
import jax.numpy as jnp
from jax import lax
from jax.experimental import pallas as pl
from jax.experimental.pallas import tpu as pltpu
from jax.experimental.pallas import tpu_sc as plsc

B, L, H = 4, 2048, 1024
N = B * L
NC, NS = 2, 16
NW = NC * NS
P = L // NW
PC = 8
NCH = P // PC
CR = B * PC
RING = 3
PRING = 3
AHEAD = 2
LANES = 16


def kernel(X, W_word, W_pos):
    X = X.astype(jnp.int32)
    mesh = plsc.VectorSubcoreMesh(core_axis_name="c", subcore_axis_name="s")

    cp = pltpu.CompilerParams()
    if "needs_layout_passes" in pltpu.CompilerParams.__dataclass_fields__:
        cp = dataclasses.replace(cp, needs_layout_passes=False)

    @functools.partial(
        pl.kernel,
        out_type=jax.ShapeDtypeStruct((N, H), jnp.float32),
        mesh=mesh,
        compiler_params=cp,
        scratch_types=(
            [pltpu.VMEM((B * P,), jnp.int32),
             pltpu.VMEM((B * P,), jnp.int32)]
            + [pltpu.VMEM((CR, H), jnp.float32) for _ in range(RING)]
            + [pltpu.VMEM((PC, H), jnp.float32) for _ in range(PRING)]
            + [pltpu.SemaphoreType.DMA for _ in range(2 * RING + PRING + 1)]
        ),
    )
    def embed(x_hbm, w_hbm, p_hbm, o_hbm, *scr):
        idx_b = scr[0]
        idx_c = scr[1]
        ring = list(scr[2:2 + RING])
        pos = list(scr[2 + RING:2 + RING + PRING])
        sems = list(scr[2 + RING + PRING:])
        sg = sems[:RING]
        so = sems[RING:2 * RING]
        sp = sems[2 * RING:2 * RING + PRING]
        si = sems[2 * RING + PRING]

        wid = lax.axis_index("s") * NC + lax.axis_index("c")
        l0 = wid * P

        icp = [
            pltpu.async_copy(x_hbm.at[b, pl.ds(l0, P)],
                             idx_b.at[pl.ds(b * P, P)], si)
            for b in range(B)
        ]
        for c in icp:
            c.wait()

        lane = lax.iota(jnp.int32, 16)
        j = lane & (PC - 1)
        bh = lane >> 3
        for t in range(B * P // 16):
            k, half = t // 2, t % 2
            src = (2 * half + bh) * P + k * PC + j
            idx_c.at[pl.ds(t * 16, 16)][...] = plsc.load_gather(idx_b, [src])

        def start(k):
            p = k % RING
            g = pltpu.async_copy(
                w_hbm.at[idx_c.at[pl.ds(k * CR, CR)]], ring[p], sg[p])
            q = pltpu.async_copy(
                p_hbm.at[pl.ds(l0 + k * PC, PC)], pos[k % PRING],
                sp[k % PRING])
            return g, q

        inflight = {k: start(k) for k in range(AHEAD)}
        out_cp = {}

        for k in range(NCH):
            p = k % RING
            g, q = inflight.pop(k)
            g.wait()
            q.wait()

            if k + AHEAD < NCH:
                kd = k + AHEAD - RING
                if kd >= 0:
                    for b in range(B):
                        out_cp.pop((kd, b)).wait()
                inflight[k + AHEAD] = start(k + AHEAD)

            @pl.loop(0, PC)
            def _(r):
                @plsc.parallel_loop(0, H, step=LANES, unroll=8)
                def _(c):
                    s = pl.ds(c, LANES)
                    pv = pos[k % PRING].at[r, s][...]
                    for b in range(B):
                        ring[p].at[b * PC + r, s][...] = jnp.maximum(
                            ring[p].at[b * PC + r, s][...] + pv, 0.0)

            for b in range(B):
                out_cp[(k, b)] = pltpu.async_copy(
                    ring[p].at[pl.ds(b * PC, PC)],
                    o_hbm.at[pl.ds(b * L + l0 + k * PC, PC)],
                    so[p])

        for kk in list(out_cp.keys()):
            out_cp.pop(kk).wait()

    out = embed(X, W_word, W_pos)
    return out.reshape(B, L, H)

# --- scband reference (transcript-rebuilt; emitter-appended) ---
"""Pipeline reference for scband-positional-embeddings-68178310856901 (READ-ONLY COPY).

The authoritative reference and input builder live on the scoring server;
editing this copy changes nothing except your own understanding.
"""

import jax, jax.numpy as jnp
import numpy as np

VOCAB = 100000
HIDDEN = 1024
SEQ_LEN = 2048
BATCH = 4


def setup_inputs(seed: int = 0) -> dict:
    key = jax.random.key(seed)
    k1, k2, k3 = jax.random.split(key, 3)
    X = jax.random.randint(k1, (BATCH, SEQ_LEN), 0, VOCAB, dtype=jnp.int64 if jax.config.jax_enable_x64 else jnp.int32)
    # xavier_normal init: std = sqrt(2 / (fan_in + fan_out))
    std_w = float(np.sqrt(2.0 / (VOCAB + HIDDEN)))
    std_p = float(np.sqrt(2.0 / (SEQ_LEN + HIDDEN)))
    W_word = jax.random.normal(k2, (VOCAB, HIDDEN), dtype=jnp.float32) * std_w
    W_pos = jax.random.normal(k3, (SEQ_LEN, HIDDEN), dtype=jnp.float32) * std_p
    return {"X": X, "W_word": W_word, "W_pos": W_pos}


def reference(X, W_word, W_pos):
    # word embedding gather
    w_embedding = jnp.take(W_word, X, axis=0)  # [B, L, H]
    positions = jnp.arange(X.shape[1])[None, :]  # [1, L]
    p_embedding = jnp.take(W_pos, positions, axis=0)  # [1, L, H]
    embeddings = w_embedding + p_embedding
    # Dropout in eval mode is identity; ReLU
    return jnp.maximum(embeddings, 0.0)

if __name__ == "__main__":
    import jax
    _d = setup_inputs()
    print(jax.jit(kernel)(*tuple(_d.values())))

</pallas_src>

<mosaic_0001>
#map = affine_map<(d0, d1) -> (0, 0)>
module attributes {stable_mosaic.version = 14 : i64} {
  func.func @embed(%arg0: i32, %arg1: i32, %arg2: memref<4x2048xi32, #tpu.memory_space<hbm>>, %arg3: memref<100000x1024xf32, #tpu.memory_space<hbm>>, %arg4: memref<2048x1024xf32, #tpu.memory_space<hbm>>, %arg5: memref<8192x1024xf32, #tpu.memory_space<hbm>>, %arg6: memref<256xi32, #tpu.memory_space<vmem>>, %arg7: memref<256xi32, #tpu.memory_space<vmem>>, %arg8: memref<32x1024xf32, #tpu.memory_space<vmem>>, %arg9: memref<32x1024xf32, #tpu.memory_space<vmem>>, %arg10: memref<32x1024xf32, #tpu.memory_space<vmem>>, %arg11: memref<8x1024xf32, #tpu.memory_space<vmem>>, %arg12: memref<8x1024xf32, #tpu.memory_space<vmem>>, %arg13: memref<8x1024xf32, #tpu.memory_space<vmem>>, %arg14: memref<!tpu.dma_semaphore, #tpu.memory_space<semaphore_mem>>, %arg15: memref<!tpu.dma_semaphore, #tpu.memory_space<semaphore_mem>>, %arg16: memref<!tpu.dma_semaphore, #tpu.memory_space<semaphore_mem>>, %arg17: memref<!tpu.dma_semaphore, #tpu.memory_space<semaphore_mem>>, %arg18: memref<!tpu.dma_semaphore, #tpu.memory_space<semaphore_mem>>, %arg19: memref<!tpu.dma_semaphore, #tpu.memory_space<semaphore_mem>>, %arg20: memref<!tpu.dma_semaphore, #tpu.memory_space<semaphore_mem>>, %arg21: memref<!tpu.dma_semaphore, #tpu.memory_space<semaphore_mem>>, %arg22: memref<!tpu.dma_semaphore, #tpu.memory_space<semaphore_mem>>, %arg23: memref<!tpu.dma_semaphore, #tpu.memory_space<semaphore_mem>>) attributes {dimension_semantics = [#tpu.dimension_semantics<core_parallel>, #tpu.dimension_semantics<subcore_parallel>], iteration_bounds = array<i64: 2, 16>, scalar_prefetch = 0 : i64, scratch_operands = 18 : i64, tpu.core_type = #tpu.core_type<sc_vector_subcore>, window_params = [{transform_indices = #map}, {transform_indices = #map}, {transform_indices = #map}, {transform_indices = #map}]} {
    %mul3A = arith.constant 2 : i32
    %mul3A_0 = arith.muli %arg1, %mul3A : i32
    %add3A = arith.addi %mul3A_0, %arg0 : i32
    %mul3A_1 = arith.constant 64 : i32
    %mul3A_2 = arith.muli %add3A, %mul3A_1 : i32
    %dma_start3A = arith.constant 0 : i32
    %dma_start3A_3 = arith.constant 0 : i32
    %dma_start3A_4 = tpu.memref_slice %arg6[%dma_start3A_3] : memref<256xi32, #tpu.memory_space<vmem>> -> memref<64xi32, #tpu.memory_space<vmem>>
    %dma_start3A_5 = tpu.memref_slice %arg2[%dma_start3A, %mul3A_2] : memref<4x2048xi32, #tpu.memory_space<hbm>> -> memref<1x64xi32, #tpu.memory_space<hbm>>
    %dma_start3A_6 = tpu.memref_squeeze %dma_start3A_5 : memref<1x64xi32, #tpu.memory_space<hbm>> -> memref<64xi32, #tpu.memory_space<hbm>>
    %dma_start3A_7 = arith.constant 0 : i32
    %dma_start3A_8 = tpu.memref_slice %arg6[%dma_start3A_7] : memref<256xi32, #tpu.memory_space<vmem>> -> memref<64xi32, #tpu.memory_space<vmem>>
    %dma_start3A_9 = tpu.memref_slice %arg2[%dma_start3A, %mul3A_2] : memref<4x2048xi32, #tpu.memory_space<hbm>> -> memref<1x64xi32, #tpu.memory_space<hbm>>
    %dma_start3A_10 = tpu.memref_squeeze %dma_start3A_9 : memref<1x64xi32, #tpu.memory_space<hbm>> -> memref<64xi32, #tpu.memory_space<hbm>>
    tpu.enqueue_dma source(%dma_start3A_10 : memref<64xi32, #tpu.memory_space<hbm>>) target(%dma_start3A_8 : memref<64xi32, #tpu.memory_space<vmem>>) target_semaphore(%arg23 : memref<!tpu.dma_semaphore, #tpu.memory_space<semaphore_mem>>)
    %dma_start3A_11 = arith.constant 1 : i32
    %dma_start3A_12 = arith.constant 64 : i32
    %dma_start3A_13 = tpu.memref_slice %arg6[%dma_start3A_12] : memref<256xi32, #tpu.memory_space<vmem>> -> memref<64xi32, #tpu.memory_space<vmem>>
    %dma_start3A_14 = tpu.memref_slice %arg2[%dma_start3A_11, %mul3A_2] : memref<4x2048xi32, #tpu.memory_space<hbm>> -> memref<1x64xi32, #tpu.memory_space<hbm>>
    %dma_start3A_15 = tpu.memref_squeeze %dma_start3A_14 : memref<1x64xi32, #tpu.memory_space<hbm>> -> memref<64xi32, #tpu.memory_space<hbm>>
    %dma_start3A_16 = arith.constant 64 : i32
    %dma_start3A_17 = tpu.memref_slice %arg6[%dma_start3A_16] : memref<256xi32, #tpu.memory_space<vmem>> -> memref<64xi32, #tpu.memory_space<vmem>>
    %dma_start3A_18 = tpu.memref_slice %arg2[%dma_start3A_11, %mul3A_2] : memref<4x2048xi32, #tpu.memory_space<hbm>> -> memref<1x64xi32, #tpu.memory_space<hbm>>
    %dma_start3A_19 = tpu.memref_squeeze %dma_start3A_18 : memref<1x64xi32, #tpu.memory_space<hbm>> -> memref<64xi32, #tpu.memory_space<hbm>>
    tpu.enqueue_dma source(%dma_start3A_19 : memref<64xi32, #tpu.memory_space<hbm>>) target(%dma_start3A_17 : memref<64xi32, #tpu.memory_space<vmem>>) target_semaphore(%arg23 : memref<!tpu.dma_semaphore, #tpu.memory_space<semaphore_mem>>)
    %dma_start3A_20 = arith.constant 2 : i32
    %dma_start3A_21 = arith.constant 128 : i32
    %dma_start3A_22 = tpu.memref_slice %arg6[%dma_start3A_21] : memref<256xi32, #tpu.memory_space<vmem>> -> memref<64xi32, #tpu.memory_space<vmem>>
    %dma_start3A_23 = tpu.memref_slice %arg2[%dma_start3A_20, %mul3A_2] : memref<4x2048xi32, #tpu.memory_space<hbm>> -> memref<1x64xi32, #tpu.memory_space<hbm>>
    %dma_start3A_24 = tpu.memref_squeeze %dma_start3A_23 : memref<1x64xi32, #tpu.memory_space<hbm>> -> memref<64xi32, #tpu.memory_space<hbm>>
    %dma_start3A_25 = arith.constant 128 : i32
    %dma_start3A_26 = tpu.memref_slice %arg6[%dma_start3A_25] : memref<256xi32, #tpu.memory_space<vmem>> -> memref<64xi32, #tpu.memory_space<vmem>>
    %dma_start3A_27 = tpu.memref_slice %arg2[%dma_start3A_20, %mul3A_2] : memref<4x2048xi32, #tpu.memory_space<hbm>> -> memref<1x64xi32, #tpu.memory_space<hbm>>
    %dma_start3A_28 = tpu.memref_squeeze %dma_start3A_27 : memref<1x64xi32, #tpu.memory_space<hbm>> -> memref<64xi32, #tpu.memory_space<hbm>>
    tpu.enqueue_dma source(%dma_start3A_28 : memref<64xi32, #tpu.memory_space<hbm>>) target(%dma_start3A_26 : memref<64xi32, #tpu.memory_space<vmem>>) target_semaphore(%arg23 : memref<!tpu.dma_semaphore, #tpu.memory_space<semaphore_mem>>)
    %dma_start3A_29 = arith.constant 3 : i32
    %dma_start3A_30 = arith.constant 192 : i32
    %dma_start3A_31 = tpu.memref_slice %arg6[%dma_start3A_30] : memref<256xi32, #tpu.memory_space<vmem>> -> memref<64xi32, #tpu.memory_space<vmem>>
    %dma_start3A_32 = tpu.memref_slice %arg2[%dma_start3A_29, %mul3A_2] : memref<4x2048xi32, #tpu.memory_space<hbm>> -> memref<1x64xi32, #tpu.memory_space<hbm>>
    %dma_start3A_33 = tpu.memref_squeeze %dma_start3A_32 : memref<1x64xi32, #tpu.memory_space<hbm>> -> memref<64xi32, #tpu.memory_space<hbm>>
    %dma_start3A_34 = arith.constant 192 : i32
    %dma_start3A_35 = tpu.memref_slice %arg6[%dma_start3A_34] : memref<256xi32, #tpu.memory_space<vmem>> -> memref<64xi32, #tpu.memory_space<vmem>>
    %dma_start3A_36 = tpu.memref_slice %arg2[%dma_start3A_29, %mul3A_2] : memref<4x2048xi32, #tpu.memory_space<hbm>> -> memref<1x64xi32, #tpu.memory_space<hbm>>
    %dma_start3A_37 = tpu.memref_squeeze %dma_start3A_36 : memref<1x64xi32, #tpu.memory_space<hbm>> -> memref<64xi32, #tpu.memory_space<hbm>>
    tpu.enqueue_dma source(%dma_start3A_37 : memref<64xi32, #tpu.memory_space<hbm>>) target(%dma_start3A_35 : memref<64xi32, #tpu.memory_space<vmem>>) target_semaphore(%arg23 : memref<!tpu.dma_semaphore, #tpu.memory_space<semaphore_mem>>)
    %dma_wait3A = arith.constant 0 : i32
    %dma_wait3A_38 = arith.constant 0 : i32
    %dma_wait3A_39 = tpu.memref_slice %arg6[%dma_wait3A_38] : memref<256xi32, #tpu.memory_space<vmem>> -> memref<64xi32, #tpu.memory_space<vmem>>
    %dma_wait3A_40 = tpu.memref_slice %arg2[%dma_wait3A, %mul3A_2] : memref<4x2048xi32, #tpu.memory_space<hbm>> -> memref<1x64xi32, #tpu.memory_space<hbm>>
    %dma_wait3A_41 = tpu.memref_squeeze %dma_wait3A_40 : memref<1x64xi32, #tpu.memory_space<hbm>> -> memref<64xi32, #tpu.memory_space<hbm>>
    %dma_wait3A_42 = arith.constant 0 : i32
    %dma_wait3A_43 = tpu.memref_slice %arg6[%dma_wait3A_42] : memref<256xi32, #tpu.memory_space<vmem>> -> memref<64xi32, #tpu.memory_space<vmem>>
    %dma_wait3A_44 = tpu.memref_slice %arg2[%dma_wait3A, %mul3A_2] : memref<4x2048xi32, #tpu.memory_space<hbm>> -> memref<1x64xi32, #tpu.memory_space<hbm>>
    %dma_wait3A_45 = tpu.memref_squeeze %dma_wait3A_44 : memref<1x64xi32, #tpu.memory_space<hbm>> -> memref<64xi32, #tpu.memory_space<hbm>>
    tpu.wait_dma2 semaphore(%arg23 : memref<!tpu.dma_semaphore, #tpu.memory_space<semaphore_mem>>) src(%dma_wait3A_45 : memref<64xi32, #tpu.memory_space<hbm>>) dst(%dma_wait3A_43 : memref<64xi32, #tpu.memory_space<vmem>>)
    %dma_wait3A_46 = arith.constant 1 : i32
    %dma_wait3A_47 = arith.constant 64 : i32
    %dma_wait3A_48 = tpu.memref_slice %arg6[%dma_wait3A_47] : memref<256xi32, #tpu.memory_space<vmem>> -> memref<64xi32, #tpu.memory_space<vmem>>
    %dma_wait3A_49 = tpu.memref_slice %arg2[%dma_wait3A_46, %mul3A_2] : memref<4x2048xi32, #tpu.memory_space<hbm>> -> memref<1x64xi32, #tpu.memory_space<hbm>>
    %dma_wait3A_50 = tpu.memref_squeeze %dma_wait3A_49 : memref<1x64xi32, #tpu.memory_space<hbm>> -> memref<64xi32, #tpu.memory_space<hbm>>
    %dma_wait3A_51 = arith.constant 64 : i32
    %dma_wait3A_52 = tpu.memref_slice %arg6[%dma_wait3A_51] : memref<256xi32, #tpu.memory_space<vmem>> -> memref<64xi32, #tpu.memory_space<vmem>>
    %dma_wait3A_53 = tpu.memref_slice %arg2[%dma_wait3A_46, %mul3A_2] : memref<4x2048xi32, #tpu.memory_space<hbm>> -> memref<1x64xi32, #tpu.memory_space<hbm>>
    %dma_wait3A_54 = tpu.memref_squeeze %dma_wait3A_53 : memref<1x64xi32, #tpu.memory_space<hbm>> -> memref<64xi32, #tpu.memory_space<hbm>>
    tpu.wait_dma2 semaphore(%arg23 : memref<!tpu.dma_semaphore, #tpu.memory_space<semaphore_mem>>) src(%dma_wait3A_54 : memref<64xi32, #tpu.memory_space<hbm>>) dst(%dma_wait3A_52 : memref<64xi32, #tpu.memory_space<vmem>>)
    %dma_wait3A_55 = arith.constant 2 : i32
    %dma_wait3A_56 = arith.constant 128 : i32
    %dma_wait3A_57 = tpu.memref_slice %arg6[%dma_wait3A_56] : memref<256xi32, #tpu.memory_space<vmem>> -> memref<64xi32, #tpu.memory_space<vmem>>
    %dma_wait3A_58 = tpu.memref_slice %arg2[%dma_wait3A_55, %mul3A_2] : memref<4x2048xi32, #tpu.memory_space<hbm>> -> memref<1x64xi32, #tpu.memory_space<hbm>>
    %dma_wait3A_59 = tpu.memref_squeeze %dma_wait3A_58 : memref<1x64xi32, #tpu.memory_space<hbm>> -> memref<64xi32, #tpu.memory_space<hbm>>
    %dma_wait3A_60 = arith.constant 128 : i32
    %dma_wait3A_61 = tpu.memref_slice %arg6[%dma_wait3A_60] : memref<256xi32, #tpu.memory_space<vmem>> -> memref<64xi32, #tpu.memory_space<vmem>>
    %dma_wait3A_62 = tpu.memref_slice %arg2[%dma_wait3A_55, %mul3A_2] : memref<4x2048xi32, #tpu.memory_space<hbm>> -> memref<1x64xi32, #tpu.memory_space<hbm>>
    %dma_wait3A_63 = tpu.memref_squeeze %dma_wait3A_62 : memref<1x64xi32, #tpu.memory_space<hbm>> -> memref<64xi32, #tpu.memory_space<hbm>>
    tpu.wait_dma2 semaphore(%arg23 : memref<!tpu.dma_semaphore, #tpu.memory_space<semaphore_mem>>) src(%dma_wait3A_63 : memref<64xi32, #tpu.memory_space<hbm>>) dst(%dma_wait3A_61 : memref<64xi32, #tpu.memory_space<vmem>>)
    %dma_wait3A_64 = arith.constant 3 : i32
    %dma_wait3A_65 = arith.constant 192 : i32
    %dma_wait3A_66 = tpu.memref_slice %arg6[%dma_wait3A_65] : memref<256xi32, #tpu.memory_space<vmem>> -> memref<64xi32, #tpu.memory_space<vmem>>
    %dma_wait3A_67 = tpu.memref_slice %arg2[%dma_wait3A_64, %mul3A_2] : memref<4x2048xi32, #tpu.memory_space<hbm>> -> memref<1x64xi32, #tpu.memory_space<hbm>>
    %dma_wait3A_68 = tpu.memref_squeeze %dma_wait3A_67 : memref<1x64xi32, #tpu.memory_space<hbm>> -> memref<64xi32, #tpu.memory_space<hbm>>
    %dma_wait3A_69 = arith.constant 192 : i32
    %dma_wait3A_70 = tpu.memref_slice %arg6[%dma_wait3A_69] : memref<256xi32, #tpu.memory_space<vmem>> -> memref<64xi32, #tpu.memory_space<vmem>>
    %dma_wait3A_71 = tpu.memref_slice %arg2[%dma_wait3A_64, %mul3A_2] : memref<4x2048xi32, #tpu.memory_space<hbm>> -> memref<1x64xi32, #tpu.memory_space<hbm>>
    %dma_wait3A_72 = tpu.memref_squeeze %dma_wait3A_71 : memref<1x64xi32, #tpu.memory_space<hbm>> -> memref<64xi32, #tpu.memory_space<hbm>>
    tpu.wait_dma2 semaphore(%arg23 : memref<!tpu.dma_semaphore, #tpu.memory_space<semaphore_mem>>) src(%dma_wait3A_72 : memref<64xi32, #tpu.memory_space<hbm>>) dst(%dma_wait3A_70 : memref<64xi32, #tpu.memory_space<vmem>>)
    %iota3A = tpu.iota {dimensions = array<i32: 0>} : vector<16xi32>
    %and3A = arith.constant 7 : i32
    %and3A_73 = vector.broadcast %and3A : i32 to vector<16xi32>
    %and3A_74 = arith.andi %iota3A, %and3A_73 : vector<16xi32>
    %shift_right_arithmetic3A = arith.constant 3 : i32
    %shift_right_arithmetic3A_75 = vector.broadcast %shift_right_arithmetic3A : i32 to vector<16xi32>
    %shift_right_arithmetic3A_76 = arith.shrsi %iota3A, %shift_right_arithmetic3A_75 : vector<16xi32>
    %add3A_77 = arith.constant 0 : i32
    %add3A_78 = vector.broadcast %add3A_77 : i32 to vector<16xi32>
    %add3A_79 = arith.addi %add3A_78, %shift_right_arithmetic3A_76 : vector<16xi32>
    %mul3A_80 = arith.constant 64 : i32
    %mul3A_81 = vector.broadcast %mul3A_80 : i32 to vector<16xi32>
    %mul3A_82 = arith.muli %add3A_79, %mul3A_81 : vector<16xi32>
    %add3A_83 = arith.constant 0 : i32
    %add3A_84 = vector.broadcast %add3A_83 : i32 to vector<16xi32>
    %add3A_85 = arith.addi %mul3A_82, %add3A_84 : vector<16xi32>
    %add3A_86 = arith.addi %add3A_85, %and3A_74 : vector<16xi32>
    %gather3A = tpu.vector_load_idx %arg6[%add3A_86] : memref<256xi32, #tpu.memory_space<vmem>>[vector<16xi32>], vector<16xi32>,
    %swap3A = arith.constant 0 : index
    %swap3A_87 = tpu.vector_load %arg7[%swap3A] {strides = array<i32>} : memref<256xi32, #tpu.memory_space<vmem>>, vector<16xi32>,
    tpu.vector_store %arg7[%swap3A], %gather3A {strides = array<i32>} : memref<256xi32, #tpu.memory_space<vmem>>, vector<16xi32>,
    %add3A_88 = arith.constant 2 : i32
    %add3A_89 = vector.broadcast %add3A_88 : i32 to vector<16xi32>
    %add3A_90 = arith.addi %add3A_89, %shift_right_arithmetic3A_76 : vector<16xi32>
    %mul3A_91 = arith.constant 64 : i32
    %mul3A_92 = vector.broadcast %mul3A_91 : i32 to vector<16xi32>
    %mul3A_93 = arith.muli %add3A_90, %mul3A_92 : vector<16xi32>
    %add3A_94 = arith.constant 0 : i32
    %add3A_95 = vector.broadcast %add3A_94 : i32 to vector<16xi32>
    %add3A_96 = arith.addi %mul3A_93, %add3A_95 : vector<16xi32>
    %add3A_97 = arith.addi %add3A_96, %and3A_74 : vector<16xi32>
    %gather3A_98 = tpu.vector_load_idx %arg6[%add3A_97] : memref<256xi32, #tpu.memory_space<vmem>>[vector<16xi32>], vector<16xi32>,
    %swap3A_99 = arith.constant 16 : index
    %swap3A_100 = tpu.vector_load %arg7[%swap3A_99] {strides = array<i32>} : memref<256xi32, #tpu.memory_space<vmem>>, vector<16xi32>,
    tpu.vector_store %arg7[%swap3A_99], %gather3A_98 {strides = array<i32>} : memref<256xi32, #tpu.memory_space<vmem>>, vector<16xi32>,
    %add3A_101 = arith.constant 0 : i32
    %add3A_102 = vector.broadcast %add3A_101 : i32 to vector<16xi32>
    %add3A_103 = arith.addi %add3A_102, %shift_right_arithmetic3A_76 : vector<16xi32>
    %mul3A_104 = arith.constant 64 : i32
    %mul3A_105 = vector.broadcast %mul3A_104 : i32 to vector<16xi32>
    %mul3A_106 = arith.muli %add3A_103, %mul3A_105 : vector<16xi32>
    %add3A_107 = arith.constant 8 : i32
    %add3A_108 = vector.broadcast %add3A_107 : i32 to vector<16xi32>
    %add3A_109 = arith.addi %mul3A_106, %add3A_108 : vector<16xi32>
    %add3A_110 = arith.addi %add3A_109, %and3A_74 : vector<16xi32>
    %gather3A_111 = tpu.vector_load_idx %arg6[%add3A_110] : memref<256xi32, #tpu.memory_space<vmem>>[vector<16xi32>], vector<16xi32>,
    %swap3A_112 = arith.constant 32 : index
    %swap3A_113 = tpu.vector_load %arg7[%swap3A_112] {strides = array<i32>} : memref<256xi32, #tpu.memory_space<vmem>>, vector<16xi32>,
    tpu.vector_store %arg7[%swap3A_112], %gather3A_111 {strides = array<i32>} : memref<256xi32, #tpu.memory_space<vmem>>, vector<16xi32>,
    %add3A_114 = arith.constant 2 : i32
    %add3A_115 = vector.broadcast %add3A_114 : i32 to vector<16xi32>
    %add3A_116 = arith.addi %add3A_115, %shift_right_arithmetic3A_76 : vector<16xi32>
    %mul3A_117 = arith.constant 64 : i32
    %mul3A_118 = vector.broadcast %mul3A_117 : i32 to vector<16xi32>
    %mul3A_119 = arith.muli %add3A_116, %mul3A_118 : vector<16xi32>
    %add3A_120 = arith.constant 8 : i32
    %add3A_121 = vector.broadcast %add3A_120 : i32 to vector<16xi32>
    %add3A_122 = arith.addi %mul3A_119, %add3A_121 : vector<16xi32>
    %add3A_123 = arith.addi %add3A_122, %and3A_74 : vector<16xi32>
    %gather3A_124 = tpu.vector_load_idx %arg6[%add3A_123] : memref<256xi32, #tpu.memory_space<vmem>>[vector<16xi32>], vector<16xi32>,
    %swap3A_125 = arith.constant 48 : index
    %swap3A_126 = tpu.vector_load %arg7[%swap3A_125] {strides = array<i32>} : memref<256xi32, #tpu.memory_space<vmem>>, vector<16xi32>,
    tpu.vector_store %arg7[%swap3A_125], %gather3A_124 {strides = array<i32>} : memref<256xi32, #tpu.memory_space<vmem>>, vector<16xi32>,
    %add3A_127 = arith.constant 0 : i32
    %add3A_128 = vector.broadcast %add3A_127 : i32 to vector<16xi32>
    %add3A_129 = arith.addi %add3A_128, %shift_right_arithmetic3A_76 : vector<16xi32>
    %mul3A_130 = arith.constant 64 : i32
    %mul3A_131 = vector.broadcast %mul3A_130 : i32 to vector<16xi32>
    %mul3A_132 = arith.muli %add3A_129, %mul3A_131 : vector<16xi32>
    %add3A_133 = arith.constant 16 : i32
    %add3A_134 = vector.broadcast %add3A_133 : i32 to vector<16xi32>
    %add3A_135 = arith.addi %mul3A_132, %add3A_134 : vector<16xi32>
    %add3A_136 = arith.addi %add3A_135, %and3A_74 : vector<16xi32>
    %gather3A_137 = tpu.vector_load_idx %arg6[%add3A_136] : memref<256xi32, #tpu.memory_space<vmem>>[vector<16xi32>], vector<16xi32>,
    %swap3A_138 = arith.constant 64 : index
    %swap3A_139 = tpu.vector_load %arg7[%swap3A_138] {strides = array<i32>} : memref<256xi32, #tpu.memory_space<vmem>>, vector<16xi32>,
    tpu.vector_store %arg7[%swap3A_138], %gather3A_137 {strides = array<i32>} : memref<256xi32, #tpu.memory_space<vmem>>, vector<16xi32>,
    %add3A_140 = arith.constant 2 : i32
    %add3A_141 = vector.broadcast %add3A_140 : i32 to vector<16xi32>
    %add3A_142 = arith.addi %add3A_141, %shift_right_arithmetic3A_76 : vector<16xi32>
    %mul3A_143 = arith.constant 64 : i32
    %mul3A_144 = vector.broadcast %mul3A_143 : i32 to vector<16xi32>
    %mul3A_145 = arith.muli %add3A_142, %mul3A_144 : vector<16xi32>
    %add3A_146 = arith.constant 16 : i32
    %add3A_147 = vector.broadcast %add3A_146 : i32 to vector<16xi32>
    %add3A_148 = arith.addi %mul3A_145, %add3A_147 : vector<16xi32>
    %add3A_149 = arith.addi %add3A_148, %and3A_74 : vector<16xi32>
    %gather3A_150 = tpu.vector_load_idx %arg6[%add3A_149] : memref<256xi32, #tpu.memory_space<vmem>>[vector<16xi32>], vector<16xi32>,
    %swap3A_151 = arith.constant 80 : index
    %swap3A_152 = tpu.vector_load %arg7[%swap3A_151] {strides = array<i32>} : memref<256xi32, #tpu.memory_space<vmem>>, vector<16xi32>,
    tpu.vector_store %arg7[%swap3A_151], %gather3A_150 {strides = array<i32>} : memref<256xi32, #tpu.memory_space<vmem>>, vector<16xi32>,
    %add3A_153 = arith.constant 0 : i32
    %add3A_154 = vector.broadcast %add3A_153 : i32 to vector<16xi32>
    %add3A_155 = arith.addi %add3A_154, %shift_right_arithmetic3A_76 : vector<16xi32>
    %mul3A_156 = arith.constant 64 : i32
    %mul3A_157 = vector.broadcast %mul3A_156 : i32 to vector<16xi32>
    %mul3A_158 = arith.muli %add3A_155, %mul3A_157 : vector<16xi32>
    %add3A_159 = arith.constant 24 : i32
    %add3A_160 = vector.broadcast %add3A_159 : i32 to vector<16xi32>
    %add3A_161 = arith.addi %mul3A_158, %add3A_160 : vector<16xi32>
    %add3A_162 = arith.addi %add3A_161, %and3A_74 : vector<16xi32>
    %gather3A_163 = tpu.vector_load_idx %arg6[%add3A_162] : memref<256xi32, #tpu.memory_space<vmem>>[vector<16xi32>], vector<16xi32>,
    %swap3A_164 = arith.constant 96 : index
    %swap3A_165 = tpu.vector_load %arg7[%swap3A_164] {strides = array<i32>} : memref<256xi32, #tpu.memory_space<vmem>>, vector<16xi32>,
    tpu.vector_store %arg7[%swap3A_164], %gather3A_163 {strides = array<i32>} : memref<256xi32, #tpu.memory_space<vmem>>, vector<16xi32>,
    %add3A_166 = arith.constant 2 : i32
    %add3A_167 = vector.broadcast %add3A_166 : i32 to vector<16xi32>
    %add3A_168 = arith.addi %add3A_167, %shift_right_arithmetic3A_76 : vector<16xi32>
    %mul3A_169 = arith.constant 64 : i32
    %mul3A_170 = vector.broadcast %mul3A_169 : i32 to vector<16xi32>
    %mul3A_171 = arith.muli %add3A_168, %mul3A_170 : vector<16xi32>
    %add3A_172 = arith.constant 24 : i32
    %add3A_173 = vector.broadcast %add3A_172 : i32 to vector<16xi32>
    %add3A_174 = arith.addi %mul3A_171, %add3A_173 : vector<16xi32>
    %add3A_175 = arith.addi %add3A_174, %and3A_74 : vector<16xi32>
    %gather3A_176 = tpu.vector_load_idx %arg6[%add3A_175] : memref<256xi32, #tpu.memory_space<vmem>>[vector<16xi32>], vector<16xi32>,
    %swap3A_177 = arith.constant 112 : index
    %swap3A_178 = tpu.vector_load %arg7[%swap3A_177] {strides = array<i32>} : memref<256xi32, #tpu.memory_space<vmem>>, vector<16xi32>,
    tpu.vector_store %arg7[%swap3A_177], %gather3A_176 {strides = array<i32>} : memref<256xi32, #tpu.memory_space<vmem>>, vector<16xi32>,
    %add3A_179 = arith.constant 0 : i32
    %add3A_180 = vector.broadcast %add3A_179 : i32 to vector<16xi32>
    %add3A_181 = arith.addi %add3A_180, %shift_right_arithmetic3A_76 : vector<16xi32>
    %mul3A_182 = arith.constant 64 : i32
    %mul3A_183 = vector.broadcast %mul3A_182 : i32 to vector<16xi32>
    %mul3A_184 = arith.muli %add3A_181, %mul3A_183 : vector<16xi32>
    %add3A_185 = arith.constant 32 : i32
    %add3A_186 = vector.broadcast %add3A_185 : i32 to vector<16xi32>
    %add3A_187 = arith.addi %mul3A_184, %add3A_186 : vector<16xi32>
    %add3A_188 = arith.addi %add3A_187, %and3A_74 : vector<16xi32>
    %gather3A_189 = tpu.vector_load_idx %arg6[%add3A_188] : memref<256xi32, #tpu.memory_space<vmem>>[vector<16xi32>], vector<16xi32>,
    %swap3A_190 = arith.constant 128 : index
    %swap3A_191 = tpu.vector_load %arg7[%swap3A_190] {strides = array<i32>} : memref<256xi32, #tpu.memory_space<vmem>>, vector<16xi32>,
    tpu.vector_store %arg7[%swap3A_190], %gather3A_189 {strides = array<i32>} : memref<256xi32, #tpu.memory_space<vmem>>, vector<16xi32>,
    %add3A_192 = arith.constant 2 : i32
    %add3A_193 = vector.broadcast %add3A_192 : i32 to vector<16xi32>
    %add3A_194 = arith.addi %add3A_193, %shift_right_arithmetic3A_76 : vector<16xi32>
    %mul3A_195 = arith.constant 64 : i32
    %mul3A_196 = vector.broadcast %mul3A_195 : i32 to vector<16xi32>
    %mul3A_197 = arith.muli %add3A_194, %mul3A_196 : vector<16xi32>
    %add3A_198 = arith.constant 32 : i32
    %add3A_199 = vector.broadcast %add3A_198 : i32 to vector<16xi32>
    %add3A_200 = arith.addi %mul3A_197, %add3A_199 : vector<16xi32>
    %add3A_201 = arith.addi %add3A_200, %and3A_74 : vector<16xi32>
    %gather3A_202 = tpu.vector_load_idx %arg6[%add3A_201] : memref<256xi32, #tpu.memory_space<vmem>>[vector<16xi32>], vector<16xi32>,
    %swap3A_203 = arith.constant 144 : index
    %swap3A_204 = tpu.vector_load %arg7[%swap3A_203] {strides = array<i32>} : memref<256xi32, #tpu.memory_space<vmem>>, vector<16xi32>,
    tpu.vector_store %arg7[%swap3A_203], %gather3A_202 {strides = array<i32>} : memref<256xi32, #tpu.memory_space<vmem>>, vector<16xi32>,
    %add3A_205 = arith.constant 0 : i32
    %add3A_206 = vector.broadcast %add3A_205 : i32 to vector<16xi32>
    %add3A_207 = arith.addi %add3A_206, %shift_right_arithmetic3A_76 : vector<16xi32>
    %mul3A_208 = arith.constant 64 : i32
    %mul3A_209 = vector.broadcast %mul3A_208 : i32 to vector<16xi32>
    %mul3A_210 = arith.muli %add3A_207, %mul3A_209 : vector<16xi32>
    %add3A_211 = arith.constant 40 : i32
    %add3A_212 = vector.broadcast %add3A_211 : i32 to vector<16xi32>
    %add3A_213 = arith.addi %mul3A_210, %add3A_212 : vector<16xi32>
    %add3A_214 = arith.addi %add3A_213, %and3A_74 : vector<16xi32>
    %gather3A_215 = tpu.vector_load_idx %arg6[%add3A_214] : memref<256xi32, #tpu.memory_space<vmem>>[vector<16xi32>], vector<16xi32>,
    %swap3A_216 = arith.constant 160 : index
    %swap3A_217 = tpu.vector_load %arg7[%swap3A_216] {strides = array<i32>} : memref<256xi32, #tpu.memory_space<vmem>>, vector<16xi32>,
    tpu.vector_store %arg7[%swap3A_216], %gather3A_215 {strides = array<i32>} : memref<256xi32, #tpu.memory_space<vmem>>, vector<16xi32>,
    %add3A_218 = arith.constant 2 : i32
    %add3A_219 = vector.broadcast %add3A_218 : i32 to vector<16xi32>
    %add3A_220 = arith.addi %add3A_219, %shift_right_arithmetic3A_76 : vector<16xi32>
    %mul3A_221 = arith.constant 64 : i32
    %mul3A_222 = vector.broadcast %mul3A_221 : i32 to vector<16xi32>
    %mul3A_223 = arith.muli %add3A_220, %mul3A_222 : vector<16xi32>
    %add3A_224 = arith.constant 40 : i32
    %add3A_225 = vector.broadcast %add3A_224 : i32 to vector<16xi32>
    %add3A_226 = arith.addi %mul3A_223, %add3A_225 : vector<16xi32>
    %add3A_227 = arith.addi %add3A_226, %and3A_74 : vector<16xi32>
    %gather3A_228 = tpu.vector_load_idx %arg6[%add3A_227] : memref<256xi32, #tpu.memory_space<vmem>>[vector<16xi32>], vector<16xi32>,
    %swap3A_229 = arith.constant 176 : index
    %swap3A_230 = tpu.vector_load %arg7[%swap3A_229] {strides = array<i32>} : memref<256xi32, #tpu.memory_space<vmem>>, vector<16xi32>,
    tpu.vector_store %arg7[%swap3A_229], %gather3A_228 {strides = array<i32>} : memref<256xi32, #tpu.memory_space<vmem>>, vector<16xi32>,
    %add3A_231 = arith.constant 0 : i32
    %add3A_232 = vector.broadcast %add3A_231 : i32 to vector<16xi32>
    %add3A_233 = arith.addi %add3A_232, %shift_right_arithmetic3A_76 : vector<16xi32>
    %mul3A_234 = arith.constant 64 : i32
    %mul3A_235 = vector.broadcast %mul3A_234 : i32 to vector<16xi32>
    %mul3A_236 = arith.muli %add3A_233, %mul3A_235 : vector<16xi32>
    %add3A_237 = arith.constant 48 : i32
    %add3A_238 = vector.broadcast %add3A_237 : i32 to vector<16xi32>
    %add3A_239 = arith.addi %mul3A_236, %add3A_238 : vector<16xi32>
    %add3A_240 = arith.addi %add3A_239, %and3A_74 : vector<16xi32>
    %gather3A_241 = tpu.vector_load_idx %arg6[%add3A_240] : memref<256xi32, #tpu.memory_space<vmem>>[vector<16xi32>], vector<16xi32>,
    %swap3A_242 = arith.constant 192 : index
    %swap3A_243 = tpu.vector_load %arg7[%swap3A_242] {strides = array<i32>} : memref<256xi32, #tpu.memory_space<vmem>>, vector<16xi32>,
    tpu.vector_store %arg7[%swap3A_242], %gather3A_241 {strides = array<i32>} : memref<256xi32, #tpu.memory_space<vmem>>, vector<16xi32>,
    %add3A_244 = arith.constant 2 : i32
    %add3A_245 = vector.broadcast %add3A_244 : i32 to vector<16xi32>
    %add3A_246 = arith.addi %add3A_245, %shift_right_arithmetic3A_76 : vector<16xi32>
    %mul3A_247 = arith.constant 64 : i32
    %mul3A_248 = vector.broadcast %mul3A_247 : i32 to vector<16xi32>
    %mul3A_249 = arith.muli %add3A_246, %mul3A_248 : vector<16xi32>
    %add3A_250 = arith.constant 48 : i32
    %add3A_251 = vector.broadcast %add3A_250 : i32 to vector<16xi32>
    %add3A_252 = arith.addi %mul3A_249, %add3A_251 : vector<16xi32>
    %add3A_253 = arith.addi %add3A_252, %and3A_74 : vector<16xi32>
    %gather3A_254 = tpu.vector_load_idx %arg6[%add3A_253] : memref<256xi32, #tpu.memory_space<vmem>>[vector<16xi32>], vector<16xi32>,
    %swap3A_255 = arith.constant 208 : index
    %swap3A_256 = tpu.vector_load %arg7[%swap3A_255] {strides = array<i32>} : memref<256xi32, #tpu.memory_space<vmem>>, vector<16xi32>,
    tpu.vector_store %arg7[%swap3A_255], %gather3A_254 {strides = array<i32>} : memref<256xi32, #tpu.memory_space<vmem>>, vector<16xi32>,
    %add3A_257 = arith.constant 0 : i32
    %add3A_258 = vector.broadcast %add3A_257 : i32 to vector<16xi32>
    %add3A_259 = arith.addi %add3A_258, %shift_right_arithmetic3A_76 : vector<16xi32>
    %mul3A_260 = arith.constant 64 : i32
    %mul3A_261 = vector.broadcast %mul3A_260 : i32 to vector<16xi32>
    %mul3A_262 = arith.muli %add3A_259, %mul3A_261 : vector<16xi32>
    %add3A_263 = arith.constant 56 : i32
    %add3A_264 = vector.broadcast %add3A_263 : i32 to vector<16xi32>
    %add3A_265 = arith.addi %mul3A_262, %add3A_264 : vector<16xi32>
    %add3A_266 = arith.addi %add3A_265, %and3A_74 : vector<16xi32>
    %gather3A_267 = tpu.vector_load_idx %arg6[%add3A_266] : memref<256xi32, #tpu.memory_space<vmem>>[vector<16xi32>], vector<16xi32>,
    %swap3A_268 = arith.constant 224 : index
    %swap3A_269 = tpu.vector_load %arg7[%swap3A_268] {strides = array<i32>} : memref<256xi32, #tpu.memory_space<vmem>>, vector<16xi32>,
    tpu.vector_store %arg7[%swap3A_268], %gather3A_267 {strides = array<i32>} : memref<256xi32, #tpu.memory_space<vmem>>, vector<16xi32>,
    %add3A_270 = arith.constant 2 : i32
    %add3A_271 = vector.broadcast %add3A_270 : i32 to vector<16xi32>
    %add3A_272 = arith.addi %add3A_271, %shift_right_arithmetic3A_76 : vector<16xi32>
    %mul3A_273 = arith.constant 64 : i32
    %mul3A_274 = vector.broadcast %mul3A_273 : i32 to vector<16xi32>
    %mul3A_275 = arith.muli %add3A_272, %mul3A_274 : vector<16xi32>
    %add3A_276 = arith.constant 56 : i32
    %add3A_277 = vector.broadcast %add3A_276 : i32 to vector<16xi32>
    %add3A_278 = arith.addi %mul3A_275, %add3A_277 : vector<16xi32>
    %add3A_279 = arith.addi %add3A_278, %and3A_74 : vector<16xi32>
    %gather3A_280 = tpu.vector_load_idx %arg6[%add3A_279] : memref<256xi32, #tpu.memory_space<vmem>>[vector<16xi32>], vector<16xi32>,
    %swap3A_281 = arith.constant 240 : index
    %swap3A_282 = tpu.vector_load %arg7[%swap3A_281] {strides = array<i32>} : memref<256xi32, #tpu.memory_space<vmem>>, vector<16xi32>,
    tpu.vector_store %arg7[%swap3A_281], %gather3A_280 {strides = array<i32>} : memref<256xi32, #tpu.memory_space<vmem>>, vector<16xi32>,
    %dma_start3A_283 = arith.constant 0 : i32
    %dma_start3A_284 = tpu.memref_slice %arg7[%dma_start3A_283] : memref<256xi32, #tpu.memory_space<vmem>> -> memref<32xi32, #tpu.memory_space<vmem>>
    %dma_start3A_285 = arith.constant 0 : i32
    %dma_start3A_286 = arith.constant 0 : i32
    %dma_start3A_287 = tpu.memref_slice %arg3[%dma_start3A_285, %dma_start3A_286] : memref<100000x1024xf32, #tpu.memory_space<hbm>> -> memref<100000x1024xf32, #tpu.memory_space<hbm>>
    tpu.enqueue_indirect_dma source(%dma_start3A_287 : memref<100000x1024xf32, #tpu.memory_space<hbm>>) target(%arg8 : memref<32x1024xf32, #tpu.memory_space<vmem>>) offsets(%dma_start3A_284 : memref<32xi32, #tpu.memory_space<vmem>>) semaphore(%arg14 : memref<!tpu.dma_semaphore, #tpu.memory_space<semaphore_mem>>)
    %add3A_288 = arith.constant 0 : i32
    %add3A_289 = arith.addi %mul3A_2, %add3A_288 : i32
    %dma_start3A_290 = arith.constant 0 : i32
    %dma_start3A_291 = tpu.memref_slice %arg4[%add3A_289, %dma_start3A_290] : memref<2048x1024xf32, #tpu.memory_space<hbm>> -> memref<8x1024xf32, #tpu.memory_space<hbm>>
    %dma_start3A_292 = arith.constant 0 : i32
    %dma_start3A_293 = tpu.memref_slice %arg4[%add3A_289, %dma_start3A_292] : memref<2048x1024xf32, #tpu.memory_space<hbm>> -> memref<8x1024xf32, #tpu.memory_space<hbm>>
    tpu.enqueue_dma source(%dma_start3A_293 : memref<8x1024xf32, #tpu.memory_space<hbm>>) target(%arg11 : memref<8x1024xf32, #tpu.memory_space<vmem>>) target_semaphore(%arg20 : memref<!tpu.dma_semaphore, #tpu.memory_space<semaphore_mem>>)
    %dma_start3A_294 = arith.constant 32 : i32
    %dma_start3A_295 = tpu.memref_slice %arg7[%dma_start3A_294] : memref<256xi32, #tpu.memory_space<vmem>> -> memref<32xi32, #tpu.memory_space<vmem>>
    %dma_start3A_296 = arith.constant 0 : i32
    %dma_start3A_297 = arith.constant 0 : i32
    %dma_start3A_298 = tpu.memref_slice %arg3[%dma_start3A_296, %dma_start3A_297] : memref<100000x1024xf32, #tpu.memory_space<hbm>> -> memref<100000x1024xf32, #tpu.memory_space<hbm>>
    tpu.enqueue_indirect_dma source(%dma_start3A_298 : memref<100000x1024xf32, #tpu.memory_space<hbm>>) target(%arg9 : memref<32x1024xf32, #tpu.memory_space<vmem>>) offsets(%dma_start3A_295 : memref<32xi32, #tpu.memory_space<vmem>>) semaphore(%arg15 : memref<!tpu.dma_semaphore, #tpu.memory_space<semaphore_mem>>)
    %add3A_299 = arith.constant 8 : i32
    %add3A_300 = arith.addi %mul3A_2, %add3A_299 : i32
    %dma_start3A_301 = arith.constant 0 : i32
    %dma_start3A_302 = tpu.memref_slice %arg4[%add3A_300, %dma_start3A_301] : memref<2048x1024xf32, #tpu.memory_space<hbm>> -> memref<8x1024xf32, #tpu.memory_space<hbm>>
    %dma_start3A_303 = arith.constant 0 : i32
    %dma_start3A_304 = tpu.memref_slice %arg4[%add3A_300, %dma_start3A_303] : memref<2048x1024xf32, #tpu.memory_space<hbm>> -> memref<8x1024xf32, #tpu.memory_space<hbm>>
    tpu.enqueue_dma source(%dma_start3A_304 : memref<8x1024xf32, #tpu.memory_space<hbm>>) target(%arg12 : memref<8x1024xf32, #tpu.memory_space<vmem>>) target_semaphore(%arg21 : memref<!tpu.dma_semaphore, #tpu.memory_space<semaphore_mem>>)
    %dma_wait3A_305 = arith.constant 0 : i32
    %dma_wait3A_306 = tpu.memref_slice %arg7[%dma_wait3A_305] : memref<256xi32, #tpu.memory_space<vmem>> -> memref<32xi32, #tpu.memory_space<vmem>>
    %dma_wait3A_307 = arith.constant 0 : i32
    %dma_wait3A_308 = arith.constant 0 : i32
    %dma_wait3A_309 = tpu.memref_slice %arg3[%dma_wait3A_307, %dma_wait3A_308] : memref<100000x1024xf32, #tpu.memory_space<hbm>> -> memref<100000x1024xf32, #tpu.memory_space<hbm>>
    tpu.wait_indirect_dma semaphore(%arg14 : memref<!tpu.dma_semaphore, #tpu.memory_space<semaphore_mem>>) src(%dma_wait3A_309 : memref<100000x1024xf32, #tpu.memory_space<hbm>>) dst(%arg8 : memref<32x1024xf32, #tpu.memory_space<vmem>>)
    %dma_wait3A_310 = arith.constant 0 : i32
    %dma_wait3A_311 = tpu.memref_slice %arg4[%add3A_289, %dma_wait3A_310] : memref<2048x1024xf32, #tpu.memory_space<hbm>> -> memref<8x1024xf32, #tpu.memory_space<hbm>>
    %dma_wait3A_312 = arith.constant 0 : i32
    %dma_wait3A_313 = tpu.memref_slice %arg4[%add3A_289, %dma_wait3A_312] : memref<2048x1024xf32, #tpu.memory_space<hbm>> -> memref<8x1024xf32, #tpu.memory_space<hbm>>
    tpu.wait_dma2 semaphore(%arg20 : memref<!tpu.dma_semaphore, #tpu.memory_space<semaphore_mem>>) src(%dma_wait3A_313 : memref<8x1024xf32, #tpu.memory_space<hbm>>) dst(%arg11 : memref<8x1024xf32, #tpu.memory_space<vmem>>)
    %dma_start3A_314 = arith.constant 64 : i32
    %dma_start3A_315 = tpu.memref_slice %arg7[%dma_start3A_314] : memref<256xi32, #tpu.memory_space<vmem>> -> memref<32xi32, #tpu.memory_space<vmem>>
    %dma_start3A_316 = arith.constant 0 : i32
    %dma_start3A_317 = arith.constant 0 : i32
    %dma_start3A_318 = tpu.memref_slice %arg3[%dma_start3A_316, %dma_start3A_317] : memref<100000x1024xf32, #tpu.memory_space<hbm>> -> memref<100000x1024xf32, #tpu.memory_space<hbm>>
    tpu.enqueue_indirect_dma source(%dma_start3A_318 : memref<100000x1024xf32, #tpu.memory_space<hbm>>) target(%arg10 : memref<32x1024xf32, #tpu.memory_space<vmem>>) offsets(%dma_start3A_315 : memref<32xi32, #tpu.memory_space<vmem>>) semaphore(%arg16 : memref<!tpu.dma_semaphore, #tpu.memory_space<semaphore_mem>>)
    %add3A_319 = arith.constant 16 : i32
    %add3A_320 = arith.addi %mul3A_2, %add3A_319 : i32
    %dma_start3A_321 = arith.constant 0 : i32
    %dma_start3A_322 = tpu.memref_slice %arg4[%add3A_320, %dma_start3A_321] : memref<2048x1024xf32, #tpu.memory_space<hbm>> -> memref<8x1024xf32, #tpu.memory_space<hbm>>
    %dma_start3A_323 = arith.constant 0 : i32
    %dma_start3A_324 = tpu.memref_slice %arg4[%add3A_320, %dma_start3A_323] : memref<2048x1024xf32, #tpu.memory_space<hbm>> -> memref<8x1024xf32, #tpu.memory_space<hbm>>
    tpu.enqueue_dma source(%dma_start3A_324 : memref<8x1024xf32, #tpu.memory_space<hbm>>) target(%arg13 : memref<8x1024xf32, #tpu.memory_space<vmem>>) target_semaphore(%arg22 : memref<!tpu.dma_semaphore, #tpu.memory_space<semaphore_mem>>)
    %scan3A = arith.constant 0 : i32
    %scan3A_325 = arith.constant 8 : i32
    %scan3A_326 = arith.addi %scan3A, %scan3A_325 : i32
    %scan3A_327 = arith.constant 1 : i32
    scf.for %scan3A_1250 = %scan3A to %scan3A_326 step %scan3A_327  : i32 {
      %mul3A_1251 = arith.constant 1 : i32
      %mul3A_1252 = arith.muli %scan3A_1250, %mul3A_1251 : i32
      %add3A_1253 = arith.constant 0 : i32
      %add3A_1254 = arith.addi %add3A_1253, %mul3A_1252 : i32
      %parallel_loop3A = arith.constant 0 : i32
      %parallel_loop3A_1255 = arith.constant 1024 : i32
      %parallel_loop3A_1256 = arith.constant 16 : i32
      scf.for %parallel_loop3A_1257 = %parallel_loop3A to %parallel_loop3A_1255 step %parallel_loop3A_1256  : i32 {
        %parallel_loop3A_1258 = arith.index_cast %add3A_1254 : i32 to index
        %parallel_loop3A_1259 = arith.index_cast %parallel_loop3A_1257 : i32 to index
        %parallel_loop3A_1260 = tpu.vector_load %arg11[%parallel_loop3A_1258, %parallel_loop3A_1259] {strides = array<i32>} : memref<8x1024xf32, #tpu.memory_space<vmem>>, vector<16xf32>,
        %parallel_loop3A_1261 = arith.constant 0 : i32
        %parallel_loop3A_1262 = arith.addi %parallel_loop3A_1261, %add3A_1254 : i32
        %parallel_loop3A_1263 = arith.index_cast %parallel_loop3A_1262 : i32 to index
        %parallel_loop3A_1264 = arith.index_cast %parallel_loop3A_1257 : i32 to index
        %parallel_loop3A_1265 = tpu.vector_load %arg8[%parallel_loop3A_1263, %parallel_loop3A_1264] {strides = array<i32>} : memref<32x1024xf32, #tpu.memory_space<vmem>>, vector<16xf32>,
        %parallel_loop3A_1266 = arith.addf %parallel_loop3A_1265, %parallel_loop3A_1260 : vector<16xf32>
        %parallel_loop3A_1267 = arith.constant 0.000000e+00 : f32
        %parallel_loop3A_1268 = vector.broadcast %parallel_loop3A_1267 : f32 to vector<16xf32>
        %parallel_loop3A_1269 = arith.maximumf %parallel_loop3A_1266, %parallel_loop3A_1268 : vector<16xf32>
        %parallel_loop3A_1270 = arith.constant 0 : i32
        %parallel_loop3A_1271 = arith.addi %parallel_loop3A_1270, %add3A_1254 : i32
        %parallel_loop3A_1272 = arith.index_cast %parallel_loop3A_1271 : i32 to index
        %parallel_loop3A_1273 = arith.index_cast %parallel_loop3A_1257 : i32 to index
        %parallel_loop3A_1274 = tpu.vector_load %arg8[%parallel_loop3A_1272, %parallel_loop3A_1273] {strides = array<i32>} : memref<32x1024xf32, #tpu.memory_space<vmem>>, vector<16xf32>,
        tpu.vector_store %arg8[%parallel_loop3A_1272, %parallel_loop3A_1273], %parallel_loop3A_1269 {strides = array<i32>} : memref<32x1024xf32, #tpu.memory_space<vmem>>, vector<16xf32>,
        %parallel_loop3A_1275 = arith.constant 8 : i32
        %parallel_loop3A_1276 = arith.addi %parallel_loop3A_1275, %add3A_1254 : i32
        %parallel_loop3A_1277 = arith.index_cast %parallel_loop3A_1276 : i32 to index
        %parallel_loop3A_1278 = arith.index_cast %parallel_loop3A_1257 : i32 to index
        %parallel_loop3A_1279 = tpu.vector_load %arg8[%parallel_loop3A_1277, %parallel_loop3A_1278] {strides = array<i32>} : memref<32x1024xf32, #tpu.memory_space<vmem>>, vector<16xf32>,
        %parallel_loop3A_1280 = arith.addf %parallel_loop3A_1279, %parallel_loop3A_1260 : vector<16xf32>
        %parallel_loop3A_1281 = arith.constant 0.000000e+00 : f32
        %parallel_loop3A_1282 = vector.broadcast %parallel_loop3A_1281 : f32 to vector<16xf32>
        %parallel_loop3A_1283 = arith.maximumf %parallel_loop3A_1280, %parallel_loop3A_1282 : vector<16xf32>
        %parallel_loop3A_1284 = arith.constant 8 : i32
        %parallel_loop3A_1285 = arith.addi %parallel_loop3A_1284, %add3A_1254 : i32
        %parallel_loop3A_1286 = arith.index_cast %parallel_loop3A_1285 : i32 to index
        %parallel_loop3A_1287 = arith.index_cast %parallel_loop3A_1257 : i32 to index
        %parallel_loop3A_1288 = tpu.vector_load %arg8[%parallel_loop3A_1286, %parallel_loop3A_1287] {strides = array<i32>} : memref<32x1024xf32, #tpu.memory_space<vmem>>, vector<16xf32>,
        tpu.vector_store %arg8[%parallel_loop3A_1286, %parallel_loop3A_1287], %parallel_loop3A_1283 {strides = array<i32>} : memref<32x1024xf32, #tpu.memory_space<vmem>>, vector<16xf32>,
        %parallel_loop3A_1289 = arith.constant 16 : i32
        %parallel_loop3A_1290 = arith.addi %parallel_loop3A_1289, %add3A_1254 : i32
        %parallel_loop3A_1291 = arith.index_cast %parallel_loop3A_1290 : i32 to index
        %parallel_loop3A_1292 = arith.index_cast %parallel_loop3A_1257 : i32 to index
        %parallel_loop3A_1293 = tpu.vector_load %arg8[%parallel_loop3A_1291, %parallel_loop3A_1292] {strides = array<i32>} : memref<32x1024xf32, #tpu.memory_space<vmem>>, vector<16xf32>,
        %parallel_loop3A_1294 = arith.addf %parallel_loop3A_1293, %parallel_loop3A_1260 : vector<16xf32>
        %parallel_loop3A_1295 = arith.constant 0.000000e+00 : f32
        %parallel_loop3A_1296 = vector.broadcast %parallel_loop3A_1295 : f32 to vector<16xf32>
        %parallel_loop3A_1297 = arith.maximumf %parallel_loop3A_1294, %parallel_loop3A_1296 : vector<16xf32>
        %parallel_loop3A_1298 = arith.constant 16 : i32
        %parallel_loop3A_1299 = arith.addi %parallel_loop3A_1298, %add3A_1254 : i32
        %parallel_loop3A_1300 = arith.index_cast %parallel_loop3A_1299 : i32 to index
        %parallel_loop3A_1301 = arith.index_cast %parallel_loop3A_1257 : i32 to index
        %parallel_loop3A_1302 = tpu.vector_load %arg8[%parallel_loop3A_1300, %parallel_loop3A_1301] {strides = array<i32>} : memref<32x1024xf32, #tpu.memory_space<vmem>>, vector<16xf32>,
        tpu.vector_store %arg8[%parallel_loop3A_1300, %parallel_loop3A_1301], %parallel_loop3A_1297 {strides = array<i32>} : memref<32x1024xf32, #tpu.memory_space<vmem>>, vector<16xf32>,
        %parallel_loop3A_1303 = arith.constant 24 : i32
        %parallel_loop3A_1304 = arith.addi %parallel_loop3A_1303, %add3A_1254 : i32
        %parallel_loop3A_1305 = arith.index_cast %parallel_loop3A_1304 : i32 to index
        %parallel_loop3A_1306 = arith.index_cast %parallel_loop3A_1257 : i32 to index
        %parallel_loop3A_1307 = tpu.vector_load %arg8[%parallel_loop3A_1305, %parallel_loop3A_1306] {strides = array<i32>} : memref<32x1024xf32, #tpu.memory_space<vmem>>, vector<16xf32>,
        %parallel_loop3A_1308 = arith.addf %parallel_loop3A_1307, %parallel_loop3A_1260 : vector<16xf32>
        %parallel_loop3A_1309 = arith.constant 0.000000e+00 : f32
        %parallel_loop3A_1310 = vector.broadcast %parallel_loop3A_1309 : f32 to vector<16xf32>
        %parallel_loop3A_1311 = arith.maximumf %parallel_loop3A_1308, %parallel_loop3A_1310 : vector<16xf32>
        %parallel_loop3A_1312 = arith.constant 24 : i32
        %parallel_loop3A_1313 = arith.addi %parallel_loop3A_1312, %add3A_1254 : i32
        %parallel_loop3A_1314 = arith.index_cast %parallel_loop3A_1313 : i32 to index
        %parallel_loop3A_1315 = arith.index_cast %parallel_loop3A_1257 : i32 to index
        %parallel_loop3A_1316 = tpu.vector_load %arg8[%parallel_loop3A_1314, %parallel_loop3A_1315] {strides = array<i32>} : memref<32x1024xf32, #tpu.memory_space<vmem>>, vector<16xf32>,
        tpu.vector_store %arg8[%parallel_loop3A_1314, %parallel_loop3A_1315], %parallel_loop3A_1311 {strides = array<i32>} : memref<32x1024xf32, #tpu.memory_space<vmem>>, vector<16xf32>,
      } {sc.loop_unroll_factor = 8 : i64, sc.parallel_access}
    }
    %scan3A_328 = arith.constant 8 : i32
    %add3A_329 = arith.constant 0 : i32
    %add3A_330 = arith.addi %add3A_329, %mul3A_2 : i32
    %add3A_331 = arith.constant 0 : i32
    %add3A_332 = arith.addi %add3A_330, %add3A_331 : i32
    %dma_start3A_333 = arith.constant 0 : i32
    %dma_start3A_334 = arith.constant 0 : i32
    %dma_start3A_335 = tpu.memref_slice %arg8[%dma_start3A_333, %dma_start3A_334] : memref<32x1024xf32, #tpu.memory_space<vmem>> -> memref<8x1024xf32, #tpu.memory_space<vmem>>
    %dma_start3A_336 = arith.constant 0 : i32
    %dma_start3A_337 = tpu.memref_slice %arg5[%add3A_332, %dma_start3A_336] : memref<8192x1024xf32, #tpu.memory_space<hbm>> -> memref<8x1024xf32, #tpu.memory_space<hbm>>
    %dma_start3A_338 = arith.constant 0 : i32
    %dma_start3A_339 = tpu.memref_slice %arg5[%add3A_332, %dma_start3A_338] : memref<8192x1024xf32, #tpu.memory_space<hbm>> -> memref<8x1024xf32, #tpu.memory_space<hbm>>
    %dma_start3A_340 = arith.constant 0 : i32
    %dma_start3A_341 = arith.constant 0 : i32
    %dma_start3A_342 = tpu.memref_slice %arg8[%dma_start3A_340, %dma_start3A_341] : memref<32x1024xf32, #tpu.memory_space<vmem>> -> memref<8x1024xf32, #tpu.memory_space<vmem>>
    tpu.enqueue_dma source(%dma_start3A_342 : memref<8x1024xf32, #tpu.memory_space<vmem>>) target(%dma_start3A_339 : memref<8x1024xf32, #tpu.memory_space<hbm>>) target_semaphore(%arg17 : memref<!tpu.dma_semaphore, #tpu.memory_space<semaphore_mem>>)
    %add3A_343 = arith.constant 2048 : i32
    %add3A_344 = arith.addi %add3A_343, %mul3A_2 : i32
    %add3A_345 = arith.constant 0 : i32
    %add3A_346 = arith.addi %add3A_344, %add3A_345 : i32
    %dma_start3A_347 = arith.constant 8 : i32
    %dma_start3A_348 = arith.constant 0 : i32
    %dma_start3A_349 = tpu.memref_slice %arg8[%dma_start3A_347, %dma_start3A_348] : memref<32x1024xf32, #tpu.memory_space<vmem>> -> memref<8x1024xf32, #tpu.memory_space<vmem>>
    %dma_start3A_350 = arith.constant 0 : i32
    %dma_start3A_351 = tpu.memref_slice %arg5[%add3A_346, %dma_start3A_350] : memref<8192x1024xf32, #tpu.memory_space<hbm>> -> memref<8x1024xf32, #tpu.memory_space<hbm>>
    %dma_start3A_352 = arith.constant 0 : i32
    %dma_start3A_353 = tpu.memref_slice %arg5[%add3A_346, %dma_start3A_352] : memref<8192x1024xf32, #tpu.memory_space<hbm>> -> memref<8x1024xf32, #tpu.memory_space<hbm>>
    %dma_start3A_354 = arith.constant 8 : i32
    %dma_start3A_355 = arith.constant 0 : i32
    %dma_start3A_356 = tpu.memref_slice %arg8[%dma_start3A_354, %dma_start3A_355] : memref<32x1024xf32, #tpu.memory_space<vmem>> -> memref<8x1024xf32, #tpu.memory_space<vmem>>
    tpu.enqueue_dma source(%dma_start3A_356 : memref<8x1024xf32, #tpu.memory_space<vmem>>) target(%dma_start3A_353 : memref<8x1024xf32, #tpu.memory_space<hbm>>) target_semaphore(%arg17 : memref<!tpu.dma_semaphore, #tpu.memory_space<semaphore_mem>>)
    %add3A_357 = arith.constant 4096 : i32
    %add3A_358 = arith.addi %add3A_357, %mul3A_2 : i32
    %add3A_359 = arith.constant 0 : i32
    %add3A_360 = arith.addi %add3A_358, %add3A_359 : i32
    %dma_start3A_361 = arith.constant 16 : i32
    %dma_start3A_362 = arith.constant 0 : i32
    %dma_start3A_363 = tpu.memref_slice %arg8[%dma_start3A_361, %dma_start3A_362] : memref<32x1024xf32, #tpu.memory_space<vmem>> -> memref<8x1024xf32, #tpu.memory_space<vmem>>
    %dma_start3A_364 = arith.constant 0 : i32
    %dma_start3A_365 = tpu.memref_slice %arg5[%add3A_360, %dma_start3A_364] : memref<8192x1024xf32, #tpu.memory_space<hbm>> -> memref<8x1024xf32, #tpu.memory_space<hbm>>
    %dma_start3A_366 = arith.constant 0 : i32
    %dma_start3A_367 = tpu.memref_slice %arg5[%add3A_360, %dma_start3A_366] : memref<8192x1024xf32, #tpu.memory_space<hbm>> -> memref<8x1024xf32, #tpu.memory_space<hbm>>
    %dma_start3A_368 = arith.constant 16 : i32
    %dma_start3A_369 = arith.constant 0 : i32
    %dma_start3A_370 = tpu.memref_slice %arg8[%dma_start3A_368, %dma_start3A_369] : memref<32x1024xf32, #tpu.memory_space<vmem>> -> memref<8x1024xf32, #tpu.memory_space<vmem>>
    tpu.enqueue_dma source(%dma_start3A_370 : memref<8x1024xf32, #tpu.memory_space<vmem>>) target(%dma_start3A_367 : memref<8x1024xf32, #tpu.memory_space<hbm>>) target_semaphore(%arg17 : memref<!tpu.dma_semaphore, #tpu.memory_space<semaphore_mem>>)
    %add3A_371 = arith.constant 6144 : i32
    %add3A_372 = arith.addi %add3A_371, %mul3A_2 : i32
    %add3A_373 = arith.constant 0 : i32
    %add3A_374 = arith.addi %add3A_372, %add3A_373 : i32
    %dma_start3A_375 = arith.constant 24 : i32
    %dma_start3A_376 = arith.constant 0 : i32
    %dma_start3A_377 = tpu.memref_slice %arg8[%dma_start3A_375, %dma_start3A_376] : memref<32x1024xf32, #tpu.memory_space<vmem>> -> memref<8x1024xf32, #tpu.memory_space<vmem>>
    %dma_start3A_378 = arith.constant 0 : i32
    %dma_start3A_379 = tpu.memref_slice %arg5[%add3A_374, %dma_start3A_378] : memref<8192x1024xf32, #tpu.memory_space<hbm>> -> memref<8x1024xf32, #tpu.memory_space<hbm>>
    %dma_start3A_380 = arith.constant 0 : i32
    %dma_start3A_381 = tpu.memref_slice %arg5[%add3A_374, %dma_start3A_380] : memref<8192x1024xf32, #tpu.memory_space<hbm>> -> memref<8x1024xf32, #tpu.memory_space<hbm>>
    %dma_start3A_382 = arith.constant 24 : i32
    %dma_start3A_383 = arith.constant 0 : i32
    %dma_start3A_384 = tpu.memref_slice %arg8[%dma_start3A_382, %dma_start3A_383] : memref<32x1024xf32, #tpu.memory_space<vmem>> -> memref<8x1024xf32, #tpu.memory_space<vmem>>
    tpu.enqueue_dma source(%dma_start3A_384 : memref<8x1024xf32, #tpu.memory_space<vmem>>) target(%dma_start3A_381 : memref<8x1024xf32, #tpu.memory_space<hbm>>) target_semaphore(%arg17 : memref<!tpu.dma_semaphore, #tpu.memory_space<semaphore_mem>>)
    %dma_wait3A_385 = arith.constant 32 : i32
    %dma_wait3A_386 = tpu.memref_slice %arg7[%dma_wait3A_385] : memref<256xi32, #tpu.memory_space<vmem>> -> memref<32xi32, #tpu.memory_space<vmem>>
    %dma_wait3A_387 = arith.constant 0 : i32
    %dma_wait3A_388 = arith.constant 0 : i32
    %dma_wait3A_389 = tpu.memref_slice %arg3[%dma_wait3A_387, %dma_wait3A_388] : memref<100000x1024xf32, #tpu.memory_space<hbm>> -> memref<100000x1024xf32, #tpu.memory_space<hbm>>
    tpu.wait_indirect_dma semaphore(%arg15 : memref<!tpu.dma_semaphore, #tpu.memory_space<semaphore_mem>>) src(%dma_wait3A_389 : memref<100000x1024xf32, #tpu.memory_space<hbm>>) dst(%arg9 : memref<32x1024xf32, #tpu.memory_space<vmem>>)
    %dma_wait3A_390 = arith.constant 0 : i32
    %dma_wait3A_391 = tpu.memref_slice %arg4[%add3A_300, %dma_wait3A_390] : memref<2048x1024xf32, #tpu.memory_space<hbm>> -> memref<8x1024xf32, #tpu.memory_space<hbm>>
    %dma_wait3A_392 = arith.constant 0 : i32
    %dma_wait3A_393 = tpu.memref_slice %arg4[%add3A_300, %dma_wait3A_392] : memref<2048x1024xf32, #tpu.memory_space<hbm>> -> memref<8x1024xf32, #tpu.memory_space<hbm>>
    tpu.wait_dma2 semaphore(%arg21 : memref<!tpu.dma_semaphore, #tpu.memory_space<semaphore_mem>>) src(%dma_wait3A_393 : memref<8x1024xf32, #tpu.memory_space<hbm>>) dst(%arg12 : memref<8x1024xf32, #tpu.memory_space<vmem>>)
    %dma_wait3A_394 = arith.constant 0 : i32
    %dma_wait3A_395 = arith.constant 0 : i32
    %dma_wait3A_396 = tpu.memref_slice %arg8[%dma_wait3A_394, %dma_wait3A_395] : memref<32x1024xf32, #tpu.memory_space<vmem>> -> memref<8x1024xf32, #tpu.memory_space<vmem>>
    %dma_wait3A_397 = arith.constant 0 : i32
    %dma_wait3A_398 = tpu.memref_slice %arg5[%add3A_332, %dma_wait3A_397] : memref<8192x1024xf32, #tpu.memory_space<hbm>> -> memref<8x1024xf32, #tpu.memory_space<hbm>>
    %dma_wait3A_399 = arith.constant 0 : i32
    %dma_wait3A_400 = tpu.memref_slice %arg5[%add3A_332, %dma_wait3A_399] : memref<8192x1024xf32, #tpu.memory_space<hbm>> -> memref<8x1024xf32, #tpu.memory_space<hbm>>
    %dma_wait3A_401 = arith.constant 0 : i32
    %dma_wait3A_402 = arith.constant 0 : i32
    %dma_wait3A_403 = tpu.memref_slice %arg8[%dma_wait3A_401, %dma_wait3A_402] : memref<32x1024xf32, #tpu.memory_space<vmem>> -> memref<8x1024xf32, #tpu.memory_space<vmem>>
    tpu.wait_dma2 semaphore(%arg17 : memref<!tpu.dma_semaphore, #tpu.memory_space<semaphore_mem>>) src(%dma_wait3A_403 : memref<8x1024xf32, #tpu.memory_space<vmem>>) dst(%dma_wait3A_400 : memref<8x1024xf32, #tpu.memory_space<hbm>>)
    %dma_wait3A_404 = arith.constant 8 : i32
    %dma_wait3A_405 = arith.constant 0 : i32
    %dma_wait3A_406 = tpu.memref_slice %arg8[%dma_wait3A_404, %dma_wait3A_405] : memref<32x1024xf32, #tpu.memory_space<vmem>> -> memref<8x1024xf32, #tpu.memory_space<vmem>>
    %dma_wait3A_407 = arith.constant 0 : i32
    %dma_wait3A_408 = tpu.memref_slice %arg5[%add3A_346, %dma_wait3A_407] : memref<8192x1024xf32, #tpu.memory_space<hbm>> -> memref<8x1024xf32, #tpu.memory_space<hbm>>
    %dma_wait3A_409 = arith.constant 0 : i32
    %dma_wait3A_410 = tpu.memref_slice %arg5[%add3A_346, %dma_wait3A_409] : memref<8192x1024xf32, #tpu.memory_space<hbm>> -> memref<8x1024xf32, #tpu.memory_space<hbm>>
    %dma_wait3A_411 = arith.constant 8 : i32
    %dma_wait3A_412 = arith.constant 0 : i32
    %dma_wait3A_413 = tpu.memref_slice %arg8[%dma_wait3A_411, %dma_wait3A_412] : memref<32x1024xf32, #tpu.memory_space<vmem>> -> memref<8x1024xf32, #tpu.memory_space<vmem>>
    tpu.wait_dma2 semaphore(%arg17 : memref<!tpu.dma_semaphore, #tpu.memory_space<semaphore_mem>>) src(%dma_wait3A_413 : memref<8x1024xf32, #tpu.memory_space<vmem>>) dst(%dma_wait3A_410 : memref<8x1024xf32, #tpu.memory_space<hbm>>)
    %dma_wait3A_414 = arith.constant 16 : i32
    %dma_wait3A_415 = arith.constant 0 : i32
    %dma_wait3A_416 = tpu.memref_slice %arg8[%dma_wait3A_414, %dma_wait3A_415] : memref<32x1024xf32, #tpu.memory_space<vmem>> -> memref<8x1024xf32, #tpu.memory_space<vmem>>
    %dma_wait3A_417 = arith.constant 0 : i32
    %dma_wait3A_418 = tpu.memref_slice %arg5[%add3A_360, %dma_wait3A_417] : memref<8192x1024xf32, #tpu.memory_space<hbm>> -> memref<8x1024xf32, #tpu.memory_space<hbm>>
    %dma_wait3A_419 = arith.constant 0 : i32
    %dma_wait3A_420 = tpu.memref_slice %arg5[%add3A_360, %dma_wait3A_419] : memref<8192x1024xf32, #tpu.memory_space<hbm>> -> memref<8x1024xf32, #tpu.memory_space<hbm>>
    %dma_wait3A_421 = arith.constant 16 : i32
    %dma_wait3A_422 = arith.constant 0 : i32
    %dma_wait3A_423 = tpu.memref_slice %arg8[%dma_wait3A_421, %dma_wait3A_422] : memref<32x1024xf32, #tpu.memory_space<vmem>> -> memref<8x1024xf32, #tpu.memory_space<vmem>>
    tpu.wait_dma2 semaphore(%arg17 : memref<!tpu.dma_semaphore, #tpu.memory_space<semaphore_mem>>) src(%dma_wait3A_423 : memref<8x1024xf32, #tpu.memory_space<vmem>>) dst(%dma_wait3A_420 : memref<8x1024xf32, #tpu.memory_space<hbm>>)
    %dma_wait3A_424 = arith.constant 24 : i32
    %dma_wait3A_425 = arith.constant 0 : i32
    %dma_wait3A_426 = tpu.memref_slice %arg8[%dma_wait3A_424, %dma_wait3A_425] : memref<32x1024xf32, #tpu.memory_space<vmem>> -> memref<8x1024xf32, #tpu.memory_space<vmem>>
    %dma_wait3A_427 = arith.constant 0 : i32
    %dma_wait3A_428 = tpu.memref_slice %arg5[%add3A_374, %dma_wait3A_427] : memref<8192x1024xf32, #tpu.memory_space<hbm>> -> memref<8x1024xf32, #tpu.memory_space<hbm>>
    %dma_wait3A_429 = arith.constant 0 : i32
    %dma_wait3A_430 = tpu.memref_slice %arg5[%add3A_374, %dma_wait3A_429] : memref<8192x1024xf32, #tpu.memory_space<hbm>> -> memref<8x1024xf32, #tpu.memory_space<hbm>>
    %dma_wait3A_431 = arith.constant 24 : i32
    %dma_wait3A_432 = arith.constant 0 : i32
    %dma_wait3A_433 = tpu.memref_slice %arg8[%dma_wait3A_431, %dma_wait3A_432] : memref<32x1024xf32, #tpu.memory_space<vmem>> -> memref<8x1024xf32, #tpu.memory_space<vmem>>
    tpu.wait_dma2 semaphore(%arg17 : memref<!tpu.dma_semaphore, #tpu.memory_space<semaphore_mem>>) src(%dma_wait3A_433 : memref<8x1024xf32, #tpu.memory_space<vmem>>) dst(%dma_wait3A_430 : memref<8x1024xf32, #tpu.memory_space<hbm>>)
    %dma_start3A_434 = arith.constant 96 : i32
    %dma_start3A_435 = tpu.memref_slice %arg7[%dma_start3A_434] : memref<256xi32, #tpu.memory_space<vmem>> -> memref<32xi32, #tpu.memory_space<vmem>>
    %dma_start3A_436 = arith.constant 0 : i32
    %dma_start3A_437 = arith.constant 0 : i32
    %dma_start3A_438 = tpu.memref_slice %arg3[%dma_start3A_436, %dma_start3A_437] : memref<100000x1024xf32, #tpu.memory_space<hbm>> -> memref<100000x1024xf32, #tpu.memory_space<hbm>>
    tpu.enqueue_indirect_dma source(%dma_start3A_438 : memref<100000x1024xf32, #tpu.memory_space<hbm>>) target(%arg8 : memref<32x1024xf32, #tpu.memory_space<vmem>>) offsets(%dma_start3A_435 : memref<32xi32, #tpu.memory_space<vmem>>) semaphore(%arg14 : memref<!tpu.dma_semaphore, #tpu.memory_space<semaphore_mem>>)
    %add3A_439 = arith.constant 24 : i32
    %add3A_440 = arith.addi %mul3A_2, %add3A_439 : i32
    %dma_start3A_441 = arith.constant 0 : i32
    %dma_start3A_442 = tpu.memref_slice %arg4[%add3A_440, %dma_start3A_441] : memref<2048x1024xf32, #tpu.memory_space<hbm>> -> memref<8x1024xf32, #tpu.memory_space<hbm>>
    %dma_start3A_443 = arith.constant 0 : i32
    %dma_start3A_444 = tpu.memref_slice %arg4[%add3A_440, %dma_start3A_443] : memref<2048x1024xf32, #tpu.memory_space<hbm>> -> memref<8x1024xf32, #tpu.memory_space<hbm>>
    tpu.enqueue_dma source(%dma_start3A_444 : memref<8x1024xf32, #tpu.memory_space<hbm>>) target(%arg11 : memref<8x1024xf32, #tpu.memory_space<vmem>>) target_semaphore(%arg20 : memref<!tpu.dma_semaphore, #tpu.memory_space<semaphore_mem>>)
    %scan3A_445 = arith.constant 0 : i32
    %scan3A_446 = arith.constant 8 : i32
    %scan3A_447 = arith.addi %scan3A_445, %scan3A_446 : i32
    %scan3A_448 = arith.constant 1 : i32
    scf.for %scan3A_1250 = %scan3A_445 to %scan3A_447 step %scan3A_448  : i32 {
      %mul3A_1251 = arith.constant 1 : i32
      %mul3A_1252 = arith.muli %scan3A_1250, %mul3A_1251 : i32
      %add3A_1253 = arith.constant 0 : i32
      %add3A_1254 = arith.addi %add3A_1253, %mul3A_1252 : i32
      %parallel_loop3A = arith.constant 0 : i32
      %parallel_loop3A_1255 = arith.constant 1024 : i32
      %parallel_loop3A_1256 = arith.constant 16 : i32
      scf.for %parallel_loop3A_1257 = %parallel_loop3A to %parallel_loop3A_1255 step %parallel_loop3A_1256  : i32 {
        %parallel_loop3A_1258 = arith.index_cast %add3A_1254 : i32 to index
        %parallel_loop3A_1259 = arith.index_cast %parallel_loop3A_1257 : i32 to index
        %parallel_loop3A_1260 = tpu.vector_load %arg12[%parallel_loop3A_1258, %parallel_loop3A_1259] {strides = array<i32>} : memref<8x1024xf32, #tpu.memory_space<vmem>>, vector<16xf32>,
        %parallel_loop3A_1261 = arith.constant 0 : i32
        %parallel_loop3A_1262 = arith.addi %parallel_loop3A_1261, %add3A_1254 : i32
        %parallel_loop3A_1263 = arith.index_cast %parallel_loop3A_1262 : i32 to index
        %parallel_loop3A_1264 = arith.index_cast %parallel_loop3A_1257 : i32 to index
        %parallel_loop3A_1265 = tpu.vector_load %arg9[%parallel_loop3A_1263, %parallel_loop3A_1264] {strides = array<i32>} : memref<32x1024xf32, #tpu.memory_space<vmem>>, vector<16xf32>,
        %parallel_loop3A_1266 = arith.addf %parallel_loop3A_1265, %parallel_loop3A_1260 : vector<16xf32>
        %parallel_loop3A_1267 = arith.constant 0.000000e+00 : f32
        %parallel_loop3A_1268 = vector.broadcast %parallel_loop3A_1267 : f32 to vector<16xf32>
        %parallel_loop3A_1269 = arith.maximumf %parallel_loop3A_1266, %parallel_loop3A_1268 : vector<16xf32>
        %parallel_loop3A_1270 = arith.constant 0 : i32
        %parallel_loop3A_1271 = arith.addi %parallel_loop3A_1270, %add3A_1254 : i32
        %parallel_loop3A_1272 = arith.index_cast %parallel_loop3A_1271 : i32 to index
        %parallel_loop3A_1273 = arith.index_cast %parallel_loop3A_1257 : i32 to index
        %parallel_loop3A_1274 = tpu.vector_load %arg9[%parallel_loop3A_1272, %parallel_loop3A_1273] {strides = array<i32>} : memref<32x1024xf32, #tpu.memory_space<vmem>>, vector<16xf32>,
        tpu.vector_store %arg9[%parallel_loop3A_1272, %parallel_loop3A_1273], %parallel_loop3A_1269 {strides = array<i32>} : memref<32x1024xf32, #tpu.memory_space<vmem>>, vector<16xf32>,
        %parallel_loop3A_1275 = arith.constant 8 : i32
        %parallel_loop3A_1276 = arith.addi %parallel_loop3A_1275, %add3A_1254 : i32
        %parallel_loop3A_1277 = arith.index_cast %parallel_loop3A_1276 : i32 to index
        %parallel_loop3A_1278 = arith.index_cast %parallel_loop3A_1257 : i32 to index
        %parallel_loop3A_1279 = tpu.vector_load %arg9[%parallel_loop3A_1277, %parallel_loop3A_1278] {strides = array<i32>} : memref<32x1024xf32, #tpu.memory_space<vmem>>, vector<16xf32>,
        %parallel_loop3A_1280 = arith.addf %parallel_loop3A_1279, %parallel_loop3A_1260 : vector<16xf32>
        %parallel_loop3A_1281 = arith.constant 0.000000e+00 : f32
        %parallel_loop3A_1282 = vector.broadcast %parallel_loop3A_1281 : f32 to vector<16xf32>
        %parallel_loop3A_1283 = arith.maximumf %parallel_loop3A_1280, %parallel_loop3A_1282 : vector<16xf32>
        %parallel_loop3A_1284 = arith.constant 8 : i32
        %parallel_loop3A_1285 = arith.addi %parallel_loop3A_1284, %add3A_1254 : i32
        %parallel_loop3A_1286 = arith.index_cast %parallel_loop3A_1285 : i32 to index
        %parallel_loop3A_1287 = arith.index_cast %parallel_loop3A_1257 : i32 to index
        %parallel_loop3A_1288 = tpu.vector_load %arg9[%parallel_loop3A_1286, %parallel_loop3A_1287] {strides = array<i32>} : memref<32x1024xf32, #tpu.memory_space<vmem>>, vector<16xf32>,
        tpu.vector_store %arg9[%parallel_loop3A_1286, %parallel_loop3A_1287], %parallel_loop3A_1283 {strides = array<i32>} : memref<32x1024xf32, #tpu.memory_space<vmem>>, vector<16xf32>,
        %parallel_loop3A_1289 = arith.constant 16 : i32
        %parallel_loop3A_1290 = arith.addi %parallel_loop3A_1289, %add3A_1254 : i32
        %parallel_loop3A_1291 = arith.index_cast %parallel_loop3A_1290 : i32 to index
        %parallel_loop3A_1292 = arith.index_cast %parallel_loop3A_1257 : i32 to index
        %parallel_loop3A_1293 = tpu.vector_load %arg9[%parallel_loop3A_1291, %parallel_loop3A_1292] {strides = array<i32>} : memref<32x1024xf32, #tpu.memory_space<vmem>>, vector<16xf32>,
        %parallel_loop3A_1294 = arith.addf %parallel_loop3A_1293, %parallel_loop3A_1260 : vector<16xf32>
        %parallel_loop3A_1295 = arith.constant 0.000000e+00 : f32
        %parallel_loop3A_1296 = vector.broadcast %parallel_loop3A_1295 : f32 to vector<16xf32>
        %parallel_loop3A_1297 = arith.maximumf %parallel_loop3A_1294, %parallel_loop3A_1296 : vector<16xf32>
        %parallel_loop3A_1298 = arith.constant 16 : i32
        %parallel_loop3A_1299 = arith.addi %parallel_loop3A_1298, %add3A_1254 : i32
        %parallel_loop3A_1300 = arith.index_cast %parallel_loop3A_1299 : i32 to index
        %parallel_loop3A_1301 = arith.index_cast %parallel_loop3A_1257 : i32 to index
        %parallel_loop3A_1302 = tpu.vector_load %arg9[%parallel_loop3A_1300, %parallel_loop3A_1301] {strides = array<i32>} : memref<32x1024xf32, #tpu.memory_space<vmem>>, vector<16xf32>,
        tpu.vector_store %arg9[%parallel_loop3A_1300, %parallel_loop3A_1301], %parallel_loop3A_1297 {strides = array<i32>} : memref<32x1024xf32, #tpu.memory_space<vmem>>, vector<16xf32>,
        %parallel_loop3A_1303 = arith.constant 24 : i32
        %parallel_loop3A_1304 = arith.addi %parallel_loop3A_1303, %add3A_1254 : i32
        %parallel_loop3A_1305 = arith.index_cast %parallel_loop3A_1304 : i32 to index
        %parallel_loop3A_1306 = arith.index_cast %parallel_loop3A_1257 : i32 to index
        %parallel_loop3A_1307 = tpu.vector_load %arg9[%parallel_loop3A_1305, %parallel_loop3A_1306] {strides = array<i32>} : memref<32x1024xf32, #tpu.memory_space<vmem>>, vector<16xf32>,
        %parallel_loop3A_1308 = arith.addf %parallel_loop3A_1307, %parallel_loop3A_1260 : vector<16xf32>
        %parallel_loop3A_1309 = arith.constant 0.000000e+00 : f32
        %parallel_loop3A_1310 = vector.broadcast %parallel_loop3A_1309 : f32 to vector<16xf32>
        %parallel_loop3A_1311 = arith.maximumf %parallel_loop3A_1308, %parallel_loop3A_1310 : vector<16xf32>
        %parallel_loop3A_1312 = arith.constant 24 : i32
        %parallel_loop3A_1313 = arith.addi %parallel_loop3A_1312, %add3A_1254 : i32
        %parallel_loop3A_1314 = arith.index_cast %parallel_loop3A_1313 : i32 to index
        %parallel_loop3A_1315 = arith.index_cast %parallel_loop3A_1257 : i32 to index
        %parallel_loop3A_1316 = tpu.vector_load %arg9[%parallel_loop3A_1314, %parallel_loop3A_1315] {strides = array<i32>} : memref<32x1024xf32, #tpu.memory_space<vmem>>, vector<16xf32>,
        tpu.vector_store %arg9[%parallel_loop3A_1314, %parallel_loop3A_1315], %parallel_loop3A_1311 {strides = array<i32>} : memref<32x1024xf32, #tpu.memory_space<vmem>>, vector<16xf32>,
      } {sc.loop_unroll_factor = 8 : i64, sc.parallel_access}
    }
    %scan3A_449 = arith.constant 8 : i32
    %add3A_450 = arith.constant 0 : i32
    %add3A_451 = arith.addi %add3A_450, %mul3A_2 : i32
    %add3A_452 = arith.constant 8 : i32
    %add3A_453 = arith.addi %add3A_451, %add3A_452 : i32
    %dma_start3A_454 = arith.constant 0 : i32
    %dma_start3A_455 = arith.constant 0 : i32
    %dma_start3A_456 = tpu.memref_slice %arg9[%dma_start3A_454, %dma_start3A_455] : memref<32x1024xf32, #tpu.memory_space<vmem>> -> memref<8x1024xf32, #tpu.memory_space<vmem>>
    %dma_start3A_457 = arith.constant 0 : i32
    %dma_start3A_458 = tpu.memref_slice %arg5[%add3A_453, %dma_start3A_457] : memref<8192x1024xf32, #tpu.memory_space<hbm>> -> memref<8x1024xf32, #tpu.memory_space<hbm>>
    %dma_start3A_459 = arith.constant 0 : i32
    %dma_start3A_460 = tpu.memref_slice %arg5[%add3A_453, %dma_start3A_459] : memref<8192x1024xf32, #tpu.memory_space<hbm>> -> memref<8x1024xf32, #tpu.memory_space<hbm>>
    %dma_start3A_461 = arith.constant 0 : i32
    %dma_start3A_462 = arith.constant 0 : i32
    %dma_start3A_463 = tpu.memref_slice %arg9[%dma_start3A_461, %dma_start3A_462] : memref<32x1024xf32, #tpu.memory_space<vmem>> -> memref<8x1024xf32, #tpu.memory_space<vmem>>
    tpu.enqueue_dma source(%dma_start3A_463 : memref<8x1024xf32, #tpu.memory_space<vmem>>) target(%dma_start3A_460 : memref<8x1024xf32, #tpu.memory_space<hbm>>) target_semaphore(%arg18 : memref<!tpu.dma_semaphore, #tpu.memory_space<semaphore_mem>>)
    %add3A_464 = arith.constant 2048 : i32
    %add3A_465 = arith.addi %add3A_464, %mul3A_2 : i32
    %add3A_466 = arith.constant 8 : i32
    %add3A_467 = arith.addi %add3A_465, %add3A_466 : i32
    %dma_start3A_468 = arith.constant 8 : i32
    %dma_start3A_469 = arith.constant 0 : i32
    %dma_start3A_470 = tpu.memref_slice %arg9[%dma_start3A_468, %dma_start3A_469] : memref<32x1024xf32, #tpu.memory_space<vmem>> -> memref<8x1024xf32, #tpu.memory_space<vmem>>
    %dma_start3A_471 = arith.constant 0 : i32
    %dma_start3A_472 = tpu.memref_slice %arg5[%add3A_467, %dma_start3A_471] : memref<8192x1024xf32, #tpu.memory_space<hbm>> -> memref<8x1024xf32, #tpu.memory_space<hbm>>
    %dma_start3A_473 = arith.constant 0 : i32
    %dma_start3A_474 = tpu.memref_slice %arg5[%add3A_467, %dma_start3A_473] : memref<8192x1024xf32, #tpu.memory_space<hbm>> -> memref<8x1024xf32, #tpu.memory_space<hbm>>
    %dma_start3A_475 = arith.constant 8 : i32
    %dma_start3A_476 = arith.constant 0 : i32
    %dma_start3A_477 = tpu.memref_slice %arg9[%dma_start3A_475, %dma_start3A_476] : memref<32x1024xf32, #tpu.memory_space<vmem>> -> memref<8x1024xf32, #tpu.memory_space<vmem>>
    tpu.enqueue_dma source(%dma_start3A_477 : memref<8x1024xf32, #tpu.memory_space<vmem>>) target(%dma_start3A_474 : memref<8x1024xf32, #tpu.memory_space<hbm>>) target_semaphore(%arg18 : memref<!tpu.dma_semaphore, #tpu.memory_space<semaphore_mem>>)
    %add3A_478 = arith.constant 4096 : i32
    %add3A_479 = arith.addi %add3A_478, %mul3A_2 : i32
    %add3A_480 = arith.constant 8 : i32
    %add3A_481 = arith.addi %add3A_479, %add3A_480 : i32
    %dma_start3A_482 = arith.constant 16 : i32
    %dma_start3A_483 = arith.constant 0 : i32
    %dma_start3A_484 = tpu.memref_slice %arg9[%dma_start3A_482, %dma_start3A_483] : memref<32x1024xf32, #tpu.memory_space<vmem>> -> memref<8x1024xf32, #tpu.memory_space<vmem>>
    %dma_start3A_485 = arith.constant 0 : i32
    %dma_start3A_486 = tpu.memref_slice %arg5[%add3A_481, %dma_start3A_485] : memref<8192x1024xf32, #tpu.memory_space<hbm>> -> memref<8x1024xf32, #tpu.memory_space<hbm>>
    %dma_start3A_487 = arith.constant 0 : i32
    %dma_start3A_488 = tpu.memref_slice %arg5[%add3A_481, %dma_start3A_487] : memref<8192x1024xf32, #tpu.memory_space<hbm>> -> memref<8x1024xf32, #tpu.memory_space<hbm>>
    %dma_start3A_489 = arith.constant 16 : i32
    %dma_start3A_490 = arith.constant 0 : i32
    %dma_start3A_491 = tpu.memref_slice %arg9[%dma_start3A_489, %dma_start3A_490] : memref<32x1024xf32, #tpu.memory_space<vmem>> -> memref<8x1024xf32, #tpu.memory_space<vmem>>
    tpu.enqueue_dma source(%dma_start3A_491 : memref<8x1024xf32, #tpu.memory_space<vmem>>) target(%dma_start3A_488 : memref<8x1024xf32, #tpu.memory_space<hbm>>) target_semaphore(%arg18 : memref<!tpu.dma_semaphore, #tpu.memory_space<semaphore_mem>>)
    %add3A_492 = arith.constant 6144 : i32
    %add3A_493 = arith.addi %add3A_492, %mul3A_2 : i32
    %add3A_494 = arith.constant 8 : i32
    %add3A_495 = arith.addi %add3A_493, %add3A_494 : i32
    %dma_start3A_496 = arith.constant 24 : i32
    %dma_start3A_497 = arith.constant 0 : i32
    %dma_start3A_498 = tpu.memref_slice %arg9[%dma_start3A_496, %dma_start3A_497] : memref<32x1024xf32, #tpu.memory_space<vmem>> -> memref<8x1024xf32, #tpu.memory_space<vmem>>
    %dma_start3A_499 = arith.constant 0 : i32
    %dma_start3A_500 = tpu.memref_slice %arg5[%add3A_495, %dma_start3A_499] : memref<8192x1024xf32, #tpu.memory_space<hbm>> -> memref<8x1024xf32, #tpu.memory_space<hbm>>
    %dma_start3A_501 = arith.constant 0 : i32
    %dma_start3A_502 = tpu.memref_slice %arg5[%add3A_495, %dma_start3A_501] : memref<8192x1024xf32, #tpu.memory_space<hbm>> -> memref<8x1024xf32, #tpu.memory_space<hbm>>
    %dma_start3A_503 = arith.constant 24 : i32
    %dma_start3A_504 = arith.constant 0 : i32
    %dma_start3A_505 = tpu.memref_slice %arg9[%dma_start3A_503, %dma_start3A_504] : memref<32x1024xf32, #tpu.memory_space<vmem>> -> memref<8x1024xf32, #tpu.memory_space<vmem>>
    tpu.enqueue_dma source(%dma_start3A_505 : memref<8x1024xf32, #tpu.memory_space<vmem>>) target(%dma_start3A_502 : memref<8x1024xf32, #tpu.memory_space<hbm>>) target_semaphore(%arg18 : memref<!tpu.dma_semaphore, #tpu.memory_space<semaphore_mem>>)
    %dma_wait3A_506 = arith.constant 64 : i32
    %dma_wait3A_507 = tpu.memref_slice %arg7[%dma_wait3A_506] : memref<256xi32, #tpu.memory_space<vmem>> -> memref<32xi32, #tpu.memory_space<vmem>>
    %dma_wait3A_508 = arith.constant 0 : i32
    %dma_wait3A_509 = arith.constant 0 : i32
    %dma_wait3A_510 = tpu.memref_slice %arg3[%dma_wait3A_508, %dma_wait3A_509] : memref<100000x1024xf32, #tpu.memory_space<hbm>> -> memref<100000x1024xf32, #tpu.memory_space<hbm>>
    tpu.wait_indirect_dma semaphore(%arg16 : memref<!tpu.dma_semaphore, #tpu.memory_space<semaphore_mem>>) src(%dma_wait3A_510 : memref<100000x1024xf32, #tpu.memory_space<hbm>>) dst(%arg10 : memref<32x1024xf32, #tpu.memory_space<vmem>>)
    %dma_wait3A_511 = arith.constant 0 : i32
    %dma_wait3A_512 = tpu.memref_slice %arg4[%add3A_320, %dma_wait3A_511] : memref<2048x1024xf32, #tpu.memory_space<hbm>> -> memref<8x1024xf32, #tpu.memory_space<hbm>>
    %dma_wait3A_513 = arith.constant 0 : i32
    %dma_wait3A_514 = tpu.memref_slice %arg4[%add3A_320, %dma_wait3A_513] : memref<2048x1024xf32, #tpu.memory_space<hbm>> -> memref<8x1024xf32, #tpu.memory_space<hbm>>
    tpu.wait_dma2 semaphore(%arg22 : memref<!tpu.dma_semaphore, #tpu.memory_space<semaphore_mem>>) src(%dma_wait3A_514 : memref<8x1024xf32, #tpu.memory_space<hbm>>) dst(%arg13 : memref<8x1024xf32, #tpu.memory_space<vmem>>)
    %dma_wait3A_515 = arith.constant 0 : i32
    %dma_wait3A_516 = arith.constant 0 : i32
    %dma_wait3A_517 = tpu.memref_slice %arg9[%dma_wait3A_515, %dma_wait3A_516] : memref<32x1024xf32, #tpu.memory_space<vmem>> -> memref<8x1024xf32, #tpu.memory_space<vmem>>
    %dma_wait3A_518 = arith.constant 0 : i32
    %dma_wait3A_519 = tpu.memref_slice %arg5[%add3A_453, %dma_wait3A_518] : memref<8192x1024xf32, #tpu.memory_space<hbm>> -> memref<8x1024xf32, #tpu.memory_space<hbm>>
    %dma_wait3A_520 = arith.constant 0 : i32
    %dma_wait3A_521 = tpu.memref_slice %arg5[%add3A_453, %dma_wait3A_520] : memref<8192x1024xf32, #tpu.memory_space<hbm>> -> memref<8x1024xf32, #tpu.memory_space<hbm>>
    %dma_wait3A_522 = arith.constant 0 : i32
    %dma_wait3A_523 = arith.constant 0 : i32
    %dma_wait3A_524 = tpu.memref_slice %arg9[%dma_wait3A_522, %dma_wait3A_523] : memref<32x1024xf32, #tpu.memory_space<vmem>> -> memref<8x1024xf32, #tpu.memory_space<vmem>>
    tpu.wait_dma2 semaphore(%arg18 : memref<!tpu.dma_semaphore, #tpu.memory_space<semaphore_mem>>) src(%dma_wait3A_524 : memref<8x1024xf32, #tpu.memory_space<vmem>>) dst(%dma_wait3A_521 : memref<8x1024xf32, #tpu.memory_space<hbm>>)
    %dma_wait3A_525 = arith.constant 8 : i32
    %dma_wait3A_526 = arith.constant 0 : i32
    %dma_wait3A_527 = tpu.memref_slice %arg9[%dma_wait3A_525, %dma_wait3A_526] : memref<32x1024xf32, #tpu.memory_space<vmem>> -> memref<8x1024xf32, #tpu.memory_space<vmem>>
    %dma_wait3A_528 = arith.constant 0 : i32
    %dma_wait3A_529 = tpu.memref_slice %arg5[%add3A_467, %dma_wait3A_528] : memref<8192x1024xf32, #tpu.memory_space<hbm>> -> memref<8x1024xf32, #tpu.memory_space<hbm>>
    %dma_wait3A_530 = arith.constant 0 : i32
    %dma_wait3A_531 = tpu.memref_slice %arg5[%add3A_467, %dma_wait3A_530] : memref<8192x1024xf32, #tpu.memory_space<hbm>> -> memref<8x1024xf32, #tpu.memory_space<hbm>>
    %dma_wait3A_532 = arith.constant 8 : i32
    %dma_wait3A_533 = arith.constant 0 : i32
    %dma_wait3A_534 = tpu.memref_slice %arg9[%dma_wait3A_532, %dma_wait3A_533] : memref<32x1024xf32, #tpu.memory_space<vmem>> -> memref<8x1024xf32, #tpu.memory_space<vmem>>
    tpu.wait_dma2 semaphore(%arg18 : memref<!tpu.dma_semaphore, #tpu.memory_space<semaphore_mem>>) src(%dma_wait3A_534 : memref<8x1024xf32, #tpu.memory_space<vmem>>) dst(%dma_wait3A_531 : memref<8x1024xf32, #tpu.memory_space<hbm>>)
    %dma_wait3A_535 = arith.constant 16 : i32
    %dma_wait3A_536 = arith.constant 0 : i32
    %dma_wait3A_537 = tpu.memref_slice %arg9[%dma_wait3A_535, %dma_wait3A_536] : memref<32x1024xf32, #tpu.memory_space<vmem>> -> memref<8x1024xf32, #tpu.memory_space<vmem>>
    %dma_wait3A_538 = arith.constant 0 : i32
    %dma_wait3A_539 = tpu.memref_slice %arg5[%add3A_481, %dma_wait3A_538] : memref<8192x1024xf32, #tpu.memory_space<hbm>> -> memref<8x1024xf32, #tpu.memory_space<hbm>>
    %dma_wait3A_540 = arith.constant 0 : i32
    %dma_wait3A_541 = tpu.memref_slice %arg5[%add3A_481, %dma_wait3A_540] : memref<8192x1024xf32, #tpu.memory_space<hbm>> -> memref<8x1024xf32, #tpu.memory_space<hbm>>
    %dma_wait3A_542 = arith.constant 16 : i32
    %dma_wait3A_543 = arith.constant 0 : i32
    %dma_wait3A_544 = tpu.memref_slice %arg9[%dma_wait3A_542, %dma_wait3A_543] : memref<32x1024xf32, #tpu.memory_space<vmem>> -> memref<8x1024xf32, #tpu.memory_space<vmem>>
    tpu.wait_dma2 semaphore(%arg18 : memref<!tpu.dma_semaphore, #tpu.memory_space<semaphore_mem>>) src(%dma_wait3A_544 : memref<8x1024xf32, #tpu.memory_space<vmem>>) dst(%dma_wait3A_541 : memref<8x1024xf32, #tpu.memory_space<hbm>>)
    %dma_wait3A_545 = arith.constant 24 : i32
    %dma_wait3A_546 = arith.constant 0 : i32
    %dma_wait3A_547 = tpu.memref_slice %arg9[%dma_wait3A_545, %dma_wait3A_546] : memref<32x1024xf32, #tpu.memory_space<vmem>> -> memref<8x1024xf32, #tpu.memory_space<vmem>>
    %dma_wait3A_548 = arith.constant 0 : i32
    %dma_wait3A_549 = tpu.memref_slice %arg5[%add3A_495, %dma_wait3A_548] : memref<8192x1024xf32, #tpu.memory_space<hbm>> -> memref<8x1024xf32, #tpu.memory_space<hbm>>
    %dma_wait3A_550 = arith.constant 0 : i32
    %dma_wait3A_551 = tpu.memref_slice %arg5[%add3A_495, %dma_wait3A_550] : memref<8192x1024xf32, #tpu.memory_space<hbm>> -> memref<8x1024xf32, #tpu.memory_space<hbm>>
    %dma_wait3A_552 = arith.constant 24 : i32
    %dma_wait3A_553 = arith.constant 0 : i32
    %dma_wait3A_554 = tpu.memref_slice %arg9[%dma_wait3A_552, %dma_wait3A_553] : memref<32x1024xf32, #tpu.memory_space<vmem>> -> memref<8x1024xf32, #tpu.memory_space<vmem>>
    tpu.wait_dma2 semaphore(%arg18 : memref<!tpu.dma_semaphore, #tpu.memory_space<semaphore_mem>>) src(%dma_wait3A_554 : memref<8x1024xf32, #tpu.memory_space<vmem>>) dst(%dma_wait3A_551 : memref<8x1024xf32, #tpu.memory_space<hbm>>)
    %dma_start3A_555 = arith.constant 128 : i32
    %dma_start3A_556 = tpu.memref_slice %arg7[%dma_start3A_555] : memref<256xi32, #tpu.memory_space<vmem>> -> memref<32xi32, #tpu.memory_space<vmem>>
    %dma_start3A_557 = arith.constant 0 : i32
    %dma_start3A_558 = arith.constant 0 : i32
    %dma_start3A_559 = tpu.memref_slice %arg3[%dma_start3A_557, %dma_start3A_558] : memref<100000x1024xf32, #tpu.memory_space<hbm>> -> memref<100000x1024xf32, #tpu.memory_space<hbm>>
    tpu.enqueue_indirect_dma source(%dma_start3A_559 : memref<100000x1024xf32, #tpu.memory_space<hbm>>) target(%arg9 : memref<32x1024xf32, #tpu.memory_space<vmem>>) offsets(%dma_start3A_556 : memref<32xi32, #tpu.memory_space<vmem>>) semaphore(%arg15 : memref<!tpu.dma_semaphore, #tpu.memory_space<semaphore_mem>>)
    %add3A_560 = arith.constant 32 : i32
    %add3A_561 = arith.addi %mul3A_2, %add3A_560 : i32
    %dma_start3A_562 = arith.constant 0 : i32
    %dma_start3A_563 = tpu.memref_slice %arg4[%add3A_561, %dma_start3A_562] : memref<2048x1024xf32, #tpu.memory_space<hbm>> -> memref<8x1024xf32, #tpu.memory_space<hbm>>
    %dma_start3A_564 = arith.constant 0 : i32
    %dma_start3A_565 = tpu.memref_slice %arg4[%add3A_561, %dma_start3A_564] : memref<2048x1024xf32, #tpu.memory_space<hbm>> -> memref<8x1024xf32, #tpu.memory_space<hbm>>
    tpu.enqueue_dma source(%dma_start3A_565 : memref<8x1024xf32, #tpu.memory_space<hbm>>) target(%arg12 : memref<8x1024xf32, #tpu.memory_space<vmem>>) target_semaphore(%arg21 : memref<!tpu.dma_semaphore, #tpu.memory_space<semaphore_mem>>)
    %scan3A_566 = arith.constant 0 : i32
    %scan3A_567 = arith.constant 8 : i32
    %scan3A_568 = arith.addi %scan3A_566, %scan3A_567 : i32
    %scan3A_569 = arith.constant 1 : i32
    scf.for %scan3A_1250 = %scan3A_566 to %scan3A_568 step %scan3A_569  : i32 {
      %mul3A_1251 = arith.constant 1 : i32
      %mul3A_1252 = arith.muli %scan3A_1250, %mul3A_1251 : i32
      %add3A_1253 = arith.constant 0 : i32
      %add3A_1254 = arith.addi %add3A_1253, %mul3A_1252 : i32
      %parallel_loop3A = arith.constant 0 : i32
      %parallel_loop3A_1255 = arith.constant 1024 : i32
      %parallel_loop3A_1256 = arith.constant 16 : i32
      scf.for %parallel_loop3A_1257 = %parallel_loop3A to %parallel_loop3A_1255 step %parallel_loop3A_1256  : i32 {
        %parallel_loop3A_1258 = arith.index_cast %add3A_1254 : i32 to index
        %parallel_loop3A_1259 = arith.index_cast %parallel_loop3A_1257 : i32 to index
        %parallel_loop3A_1260 = tpu.vector_load %arg13[%parallel_loop3A_1258, %parallel_loop3A_1259] {strides = array<i32>} : memref<8x1024xf32, #tpu.memory_space<vmem>>, vector<16xf32>,
        %parallel_loop3A_1261 = arith.constant 0 : i32
        %parallel_loop3A_1262 = arith.addi %parallel_loop3A_1261, %add3A_1254 : i32
        %parallel_loop3A_1263 = arith.index_cast %parallel_loop3A_1262 : i32 to index
        %parallel_loop3A_1264 = arith.index_cast %parallel_loop3A_1257 : i32 to index
        %parallel_loop3A_1265 = tpu.vector_load %arg10[%parallel_loop3A_1263, %parallel_loop3A_1264] {strides = array<i32>} : memref<32x1024xf32, #tpu.memory_space<vmem>>, vector<16xf32>,
        %parallel_loop3A_1266 = arith.addf %parallel_loop3A_1265, %parallel_loop3A_1260 : vector<16xf32>
        %parallel_loop3A_1267 = arith.constant 0.000000e+00 : f32
        %parallel_loop3A_1268 = vector.broadcast %parallel_loop3A_1267 : f32 to vector<16xf32>
        %parallel_loop3A_1269 = arith.maximumf %parallel_loop3A_1266, %parallel_loop3A_1268 : vector<16xf32>
        %parallel_loop3A_1270 = arith.constant 0 : i32
        %parallel_loop3A_1271 = arith.addi %parallel_loop3A_1270, %add3A_1254 : i32
        %parallel_loop3A_1272 = arith.index_cast %parallel_loop3A_1271 : i32 to index
        %parallel_loop3A_1273 = arith.index_cast %parallel_loop3A_1257 : i32 to index
        %parallel_loop3A_1274 = tpu.vector_load %arg10[%parallel_loop3A_1272, %parallel_loop3A_1273] {strides = array<i32>} : memref<32x1024xf32, #tpu.memory_space<vmem>>, vector<16xf32>,
        tpu.vector_store %arg10[%parallel_loop3A_1272, %parallel_loop3A_1273], %parallel_loop3A_1269 {strides = array<i32>} : memref<32x1024xf32, #tpu.memory_space<vmem>>, vector<16xf32>,
        %parallel_loop3A_1275 = arith.constant 8 : i32
        %parallel_loop3A_1276 = arith.addi %parallel_loop3A_1275, %add3A_1254 : i32
        %parallel_loop3A_1277 = arith.index_cast %parallel_loop3A_1276 : i32 to index
        %parallel_loop3A_1278 = arith.index_cast %parallel_loop3A_1257 : i32 to index
        %parallel_loop3A_1279 = tpu.vector_load %arg10[%parallel_loop3A_1277, %parallel_loop3A_1278] {strides = array<i32>} : memref<32x1024xf32, #tpu.memory_space<vmem>>, vector<16xf32>,
        %parallel_loop3A_1280 = arith.addf %parallel_loop3A_1279, %parallel_loop3A_1260 : vector<16xf32>
        %parallel_loop3A_1281 = arith.constant 0.000000e+00 : f32
        %parallel_loop3A_1282 = vector.broadcast %parallel_loop3A_1281 : f32 to vector<16xf32>
        %parallel_loop3A_1283 = arith.maximumf %parallel_loop3A_1280, %parallel_loop3A_1282 : vector<16xf32>
        %parallel_loop3A_1284 = arith.constant 8 : i32
        %parallel_loop3A_1285 = arith.addi %parallel_loop3A_1284, %add3A_1254 : i32
        %parallel_loop3A_1286 = arith.index_cast %parallel_loop3A_1285 : i32 to index
        %parallel_loop3A_1287 = arith.index_cast %parallel_loop3A_1257 : i32 to index
        %parallel_loop3A_1288 = tpu.vector_load %arg10[%parallel_loop3A_1286, %parallel_loop3A_1287] {strides = array<i32>} : memref<32x1024xf32, #tpu.memory_space<vmem>>, vector<16xf32>,
        tpu.vector_store %arg10[%parallel_loop3A_1286, %parallel_loop3A_1287], %parallel_loop3A_1283 {strides = array<i32>} : memref<32x1024xf32, #tpu.memory_space<vmem>>, vector<16xf32>,
        %parallel_loop3A_1289 = arith.constant 16 : i32
        %parallel_loop3A_1290 = arith.addi %parallel_loop3A_1289, %add3A_1254 : i32
        %parallel_loop3A_1291 = arith.index_cast %parallel_loop3A_1290 : i32 to index
        %parallel_loop3A_1292 = arith.index_cast %parallel_loop3A_1257 : i32 to index
        %parallel_loop3A_1293 = tpu.vector_load %arg10[%parallel_loop3A_1291, %parallel_loop3A_1292] {strides = array<i32>} : memref<32x1024xf32, #tpu.memory_space<vmem>>, vector<16xf32>,
        %parallel_loop3A_1294 = arith.addf %parallel_loop3A_1293, %parallel_loop3A_1260 : vector<16xf32>
        %parallel_loop3A_1295 = arith.constant 0.000000e+00 : f32
        %parallel_loop3A_1296 = vector.broadcast %parallel_loop3A_1295 : f32 to vector<16xf32>
        %parallel_loop3A_1297 = arith.maximumf %parallel_loop3A_1294, %parallel_loop3A_1296 : vector<16xf32>
        %parallel_loop3A_1298 = arith.constant 16 : i32
        %parallel_loop3A_1299 = arith.addi %parallel_loop3A_1298, %add3A_1254 : i32
        %parallel_loop3A_1300 = arith.index_cast %parallel_loop3A_1299 : i32 to index
        %parallel_loop3A_1301 = arith.index_cast %parallel_loop3A_1257 : i32 to index
        %parallel_loop3A_1302 = tpu.vector_load %arg10[%parallel_loop3A_1300, %parallel_loop3A_1301] {strides = array<i32>} : memref<32x1024xf32, #tpu.memory_space<vmem>>, vector<16xf32>,
        tpu.vector_store %arg10[%parallel_loop3A_1300, %parallel_loop3A_1301], %parallel_loop3A_1297 {strides = array<i32>} : memref<32x1024xf32, #tpu.memory_space<vmem>>, vector<16xf32>,
        %parallel_loop3A_1303 = arith.constant 24 : i32
        %parallel_loop3A_1304 = arith.addi %parallel_loop3A_1303, %add3A_1254 : i32
        %parallel_loop3A_1305 = arith.index_cast %parallel_loop3A_1304 : i32 to index
        %parallel_loop3A_1306 = arith.index_cast %parallel_loop3A_1257 : i32 to index
        %parallel_loop3A_1307 = tpu.vector_load %arg10[%parallel_loop3A_1305, %parallel_loop3A_1306] {strides = array<i32>} : memref<32x1024xf32, #tpu.memory_space<vmem>>, vector<16xf32>,
        %parallel_loop3A_1308 = arith.addf %parallel_loop3A_1307, %parallel_loop3A_1260 : vector<16xf32>
        %parallel_loop3A_1309 = arith.constant 0.000000e+00 : f32
        %parallel_loop3A_1310 = vector.broadcast %parallel_loop3A_1309 : f32 to vector<16xf32>
        %parallel_loop3A_1311 = arith.maximumf %parallel_loop3A_1308, %parallel_loop3A_1310 : vector<16xf32>
        %parallel_loop3A_1312 = arith.constant 24 : i32
        %parallel_loop3A_1313 = arith.addi %parallel_loop3A_1312, %add3A_1254 : i32
        %parallel_loop3A_1314 = arith.index_cast %parallel_loop3A_1313 : i32 to index
        %parallel_loop3A_1315 = arith.index_cast %parallel_loop3A_1257 : i32 to index
        %parallel_loop3A_1316 = tpu.vector_load %arg10[%parallel_loop3A_1314, %parallel_loop3A_1315] {strides = array<i32>} : memref<32x1024xf32, #tpu.memory_space<vmem>>, vector<16xf32>,
        tpu.vector_store %arg10[%parallel_loop3A_1314, %parallel_loop3A_1315], %parallel_loop3A_1311 {strides = array<i32>} : memref<32x1024xf32, #tpu.memory_space<vmem>>, vector<16xf32>,
      } {sc.loop_unroll_factor = 8 : i64, sc.parallel_access}
    }
    %scan3A_570 = arith.constant 8 : i32
    %add3A_571 = arith.constant 0 : i32
    %add3A_572 = arith.addi %add3A_571, %mul3A_2 : i32
    %add3A_573 = arith.constant 16 : i32
    %add3A_574 = arith.addi %add3A_572, %add3A_573 : i32
    %dma_start3A_575 = arith.constant 0 : i32
    %dma_start3A_576 = arith.constant 0 : i32
    %dma_start3A_577 = tpu.memref_slice %arg10[%dma_start3A_575, %dma_start3A_576] : memref<32x1024xf32, #tpu.memory_space<vmem>> -> memref<8x1024xf32, #tpu.memory_space<vmem>>
    %dma_start3A_578 = arith.constant 0 : i32
    %dma_start3A_579 = tpu.memref_slice %arg5[%add3A_574, %dma_start3A_578] : memref<8192x1024xf32, #tpu.memory_space<hbm>> -> memref<8x1024xf32, #tpu.memory_space<hbm>>
    %dma_start3A_580 = arith.constant 0 : i32
    %dma_start3A_581 = tpu.memref_slice %arg5[%add3A_574, %dma_start3A_580] : memref<8192x1024xf32, #tpu.memory_space<hbm>> -> memref<8x1024xf32, #tpu.memory_space<hbm>>
    %dma_start3A_582 = arith.constant 0 : i32
    %dma_start3A_583 = arith.constant 0 : i32
    %dma_start3A_584 = tpu.memref_slice %arg10[%dma_start3A_582, %dma_start3A_583] : memref<32x1024xf32, #tpu.memory_space<vmem>> -> memref<8x1024xf32, #tpu.memory_space<vmem>>
    tpu.enqueue_dma source(%dma_start3A_584 : memref<8x1024xf32, #tpu.memory_space<vmem>>) target(%dma_start3A_581 : memref<8x1024xf32, #tpu.memory_space<hbm>>) target_semaphore(%arg19 : memref<!tpu.dma_semaphore, #tpu.memory_space<semaphore_mem>>)
    %add3A_585 = arith.constant 2048 : i32
    %add3A_586 = arith.addi %add3A_585, %mul3A_2 : i32
    %add3A_587 = arith.constant 16 : i32
    %add3A_588 = arith.addi %add3A_586, %add3A_587 : i32
    %dma_start3A_589 = arith.constant 8 : i32
    %dma_start3A_590 = arith.constant 0 : i32
    %dma_start3A_591 = tpu.memref_slice %arg10[%dma_start3A_589, %dma_start3A_590] : memref<32x1024xf32, #tpu.memory_space<vmem>> -> memref<8x1024xf32, #tpu.memory_space<vmem>>
    %dma_start3A_592 = arith.constant 0 : i32
    %dma_start3A_593 = tpu.memref_slice %arg5[%add3A_588, %dma_start3A_592] : memref<8192x1024xf32, #tpu.memory_space<hbm>> -> memref<8x1024xf32, #tpu.memory_space<hbm>>
    %dma_start3A_594 = arith.constant 0 : i32
    %dma_start3A_595 = tpu.memref_slice %arg5[%add3A_588, %dma_start3A_594] : memref<8192x1024xf32, #tpu.memory_space<hbm>> -> memref<8x1024xf32, #tpu.memory_space<hbm>>
    %dma_start3A_596 = arith.constant 8 : i32
    %dma_start3A_597 = arith.constant 0 : i32
    %dma_start3A_598 = tpu.memref_slice %arg10[%dma_start3A_596, %dma_start3A_597] : memref<32x1024xf32, #tpu.memory_space<vmem>> -> memref<8x1024xf32, #tpu.memory_space<vmem>>
    tpu.enqueue_dma source(%dma_start3A_598 : memref<8x1024xf32, #tpu.memory_space<vmem>>) target(%dma_start3A_595 : memref<8x1024xf32, #tpu.memory_space<hbm>>) target_semaphore(%arg19 : memref<!tpu.dma_semaphore, #tpu.memory_space<semaphore_mem>>)
    %add3A_599 = arith.constant 4096 : i32
    %add3A_600 = arith.addi %add3A_599, %mul3A_2 : i32
    %add3A_601 = arith.constant 16 : i32
    %add3A_602 = arith.addi %add3A_600, %add3A_601 : i32
    %dma_start3A_603 = arith.constant 16 : i32
    %dma_start3A_604 = arith.constant 0 : i32
    %dma_start3A_605 = tpu.memref_slice %arg10[%dma_start3A_603, %dma_start3A_604] : memref<32x1024xf32, #tpu.memory_space<vmem>> -> memref<8x1024xf32, #tpu.memory_space<vmem>>
    %dma_start3A_606 = arith.constant 0 : i32
    %dma_start3A_607 = tpu.memref_slice %arg5[%add3A_602, %dma_start3A_606] : memref<8192x1024xf32, #tpu.memory_space<hbm>> -> memref<8x1024xf32, #tpu.memory_space<hbm>>
    %dma_start3A_608 = arith.constant 0 : i32
    %dma_start3A_609 = tpu.memref_slice %arg5[%add3A_602, %dma_start3A_608] : memref<8192x1024xf32, #tpu.memory_space<hbm>> -> memref<8x1024xf32, #tpu.memory_space<hbm>>
    %dma_start3A_610 = arith.constant 16 : i32
    %dma_start3A_611 = arith.constant 0 : i32
    %dma_start3A_612 = tpu.memref_slice %arg10[%dma_start3A_610, %dma_start3A_611] : memref<32x1024xf32, #tpu.memory_space<vmem>> -> memref<8x1024xf32, #tpu.memory_space<vmem>>
    tpu.enqueue_dma source(%dma_start3A_612 : memref<8x1024xf32, #tpu.memory_space<vmem>>) target(%dma_start3A_609 : memref<8x1024xf32, #tpu.memory_space<hbm>>) target_semaphore(%arg19 : memref<!tpu.dma_semaphore, #tpu.memory_space<semaphore_mem>>)
    %add3A_613 = arith.constant 6144 : i32
    %add3A_614 = arith.addi %add3A_613, %mul3A_2 : i32
    %add3A_615 = arith.constant 16 : i32
    %add3A_616 = arith.addi %add3A_614, %add3A_615 : i32
    %dma_start3A_617 = arith.constant 24 : i32
    %dma_start3A_618 = arith.constant 0 : i32
    %dma_start3A_619 = tpu.memref_slice %arg10[%dma_start3A_617, %dma_start3A_618] : memref<32x1024xf32, #tpu.memory_space<vmem>> -> memref<8x1024xf32, #tpu.memory_space<vmem>>
    %dma_start3A_620 = arith.constant 0 : i32
    %dma_start3A_621 = tpu.memref_slice %arg5[%add3A_616, %dma_start3A_620] : memref<8192x1024xf32, #tpu.memory_space<hbm>> -> memref<8x1024xf32, #tpu.memory_space<hbm>>
    %dma_start3A_622 = arith.constant 0 : i32
    %dma_start3A_623 = tpu.memref_slice %arg5[%add3A_616, %dma_start3A_622] : memref<8192x1024xf32, #tpu.memory_space<hbm>> -> memref<8x1024xf32, #tpu.memory_space<hbm>>
    %dma_start3A_624 = arith.constant 24 : i32
    %dma_start3A_625 = arith.constant 0 : i32
    %dma_start3A_626 = tpu.memref_slice %arg10[%dma_start3A_624, %dma_start3A_625] : memref<32x1024xf32, #tpu.memory_space<vmem>> -> memref<8x1024xf32, #tpu.memory_space<vmem>>
    tpu.enqueue_dma source(%dma_start3A_626 : memref<8x1024xf32, #tpu.memory_space<vmem>>) target(%dma_start3A_623 : memref<8x1024xf32, #tpu.memory_space<hbm>>) target_semaphore(%arg19 : memref<!tpu.dma_semaphore, #tpu.memory_space<semaphore_mem>>)
    %dma_wait3A_627 = arith.constant 96 : i32
    %dma_wait3A_628 = tpu.memref_slice %arg7[%dma_wait3A_627] : memref<256xi32, #tpu.memory_space<vmem>> -> memref<32xi32, #tpu.memory_space<vmem>>
    %dma_wait3A_629 = arith.constant 0 : i32
    %dma_wait3A_630 = arith.constant 0 : i32
    %dma_wait3A_631 = tpu.memref_slice %arg3[%dma_wait3A_629, %dma_wait3A_630] : memref<100000x1024xf32, #tpu.memory_space<hbm>> -> memref<100000x1024xf32, #tpu.memory_space<hbm>>
    tpu.wait_indirect_dma semaphore(%arg14 : memref<!tpu.dma_semaphore, #tpu.memory_space<semaphore_mem>>) src(%dma_wait3A_631 : memref<100000x1024xf32, #tpu.memory_space<hbm>>) dst(%arg8 : memref<32x1024xf32, #tpu.memory_space<vmem>>)
    %dma_wait3A_632 = arith.constant 0 : i32
    %dma_wait3A_633 = tpu.memref_slice %arg4[%add3A_440, %dma_wait3A_632] : memref<2048x1024xf32, #tpu.memory_space<hbm>> -> memref<8x1024xf32, #tpu.memory_space<hbm>>
    %dma_wait3A_634 = arith.constant 0 : i32
    %dma_wait3A_635 = tpu.memref_slice %arg4[%add3A_440, %dma_wait3A_634] : memref<2048x1024xf32, #tpu.memory_space<hbm>> -> memref<8x1024xf32, #tpu.memory_space<hbm>>
    tpu.wait_dma2 semaphore(%arg20 : memref<!tpu.dma_semaphore, #tpu.memory_space<semaphore_mem>>) src(%dma_wait3A_635 : memref<8x1024xf32, #tpu.memory_space<hbm>>) dst(%arg11 : memref<8x1024xf32, #tpu.memory_space<vmem>>)
    %dma_wait3A_636 = arith.constant 0 : i32
    %dma_wait3A_637 = arith.constant 0 : i32
    %dma_wait3A_638 = tpu.memref_slice %arg10[%dma_wait3A_636, %dma_wait3A_637] : memref<32x1024xf32, #tpu.memory_space<vmem>> -> memref<8x1024xf32, #tpu.memory_space<vmem>>
    %dma_wait3A_639 = arith.constant 0 : i32
    %dma_wait3A_640 = tpu.memref_slice %arg5[%add3A_574, %dma_wait3A_639] : memref<8192x1024xf32, #tpu.memory_space<hbm>> -> memref<8x1024xf32, #tpu.memory_space<hbm>>
    %dma_wait3A_641 = arith.constant 0 : i32
    %dma_wait3A_642 = tpu.memref_slice %arg5[%add3A_574, %dma_wait3A_641] : memref<8192x1024xf32, #tpu.memory_space<hbm>> -> memref<8x1024xf32, #tpu.memory_space<hbm>>
    %dma_wait3A_643 = arith.constant 0 : i32
    %dma_wait3A_644 = arith.constant 0 : i32
    %dma_wait3A_645 = tpu.memref_slice %arg10[%dma_wait3A_643, %dma_wait3A_644] : memref<32x1024xf32, #tpu.memory_space<vmem>> -> memref<8x1024xf32, #tpu.memory_space<vmem>>
    tpu.wait_dma2 semaphore(%arg19 : memref<!tpu.dma_semaphore, #tpu.memory_space<semaphore_mem>>) src(%dma_wait3A_645 : memref<8x1024xf32, #tpu.memory_space<vmem>>) dst(%dma_wait3A_642 : memref<8x1024xf32, #tpu.memory_space<hbm>>)
    %dma_wait3A_646 = arith.constant 8 : i32
    %dma_wait3A_647 = arith.constant 0 : i32
    %dma_wait3A_648 = tpu.memref_slice %arg10[%dma_wait3A_646, %dma_wait3A_647] : memref<32x1024xf32, #tpu.memory_space<vmem>> -> memref<8x1024xf32, #tpu.memory_space<vmem>>
    %dma_wait3A_649 = arith.constant 0 : i32
    %dma_wait3A_650 = tpu.memref_slice %arg5[%add3A_588, %dma_wait3A_649] : memref<8192x1024xf32, #tpu.memory_space<hbm>> -> memref<8x1024xf32, #tpu.memory_space<hbm>>
    %dma_wait3A_651 = arith.constant 0 : i32
    %dma_wait3A_652 = tpu.memref_slice %arg5[%add3A_588, %dma_wait3A_651] : memref<8192x1024xf32, #tpu.memory_space<hbm>> -> memref<8x1024xf32, #tpu.memory_space<hbm>>
    %dma_wait3A_653 = arith.constant 8 : i32
    %dma_wait3A_654 = arith.constant 0 : i32
    %dma_wait3A_655 = tpu.memref_slice %arg10[%dma_wait3A_653, %dma_wait3A_654] : memref<32x1024xf32, #tpu.memory_space<vmem>> -> memref<8x1024xf32, #tpu.memory_space<vmem>>
    tpu.wait_dma2 semaphore(%arg19 : memref<!tpu.dma_semaphore, #tpu.memory_space<semaphore_mem>>) src(%dma_wait3A_655 : memref<8x1024xf32, #tpu.memory_space<vmem>>) dst(%dma_wait3A_652 : memref<8x1024xf32, #tpu.memory_space<hbm>>)
    %dma_wait3A_656 = arith.constant 16 : i32
    %dma_wait3A_657 = arith.constant 0 : i32
    %dma_wait3A_658 = tpu.memref_slice %arg10[%dma_wait3A_656, %dma_wait3A_657] : memref<32x1024xf32, #tpu.memory_space<vmem>> -> memref<8x1024xf32, #tpu.memory_space<vmem>>
    %dma_wait3A_659 = arith.constant 0 : i32
    %dma_wait3A_660 = tpu.memref_slice %arg5[%add3A_602, %dma_wait3A_659] : memref<8192x1024xf32, #tpu.memory_space<hbm>> -> memref<8x1024xf32, #tpu.memory_space<hbm>>
    %dma_wait3A_661 = arith.constant 0 : i32
    %dma_wait3A_662 = tpu.memref_slice %arg5[%add3A_602, %dma_wait3A_661] : memref<8192x1024xf32, #tpu.memory_space<hbm>> -> memref<8x1024xf32, #tpu.memory_space<hbm>>
    %dma_wait3A_663 = arith.constant 16 : i32
    %dma_wait3A_664 = arith.constant 0 : i32
    %dma_wait3A_665 = tpu.memref_slice %arg10[%dma_wait3A_663, %dma_wait3A_664] : memref<32x1024xf32, #tpu.memory_space<vmem>> -> memref<8x1024xf32, #tpu.memory_space<vmem>>
    tpu.wait_dma2 semaphore(%arg19 : memref<!tpu.dma_semaphore, #tpu.memory_space<semaphore_mem>>) src(%dma_wait3A_665 : memref<8x1024xf32, #tpu.memory_space<vmem>>) dst(%dma_wait3A_662 : memref<8x1024xf32, #tpu.memory_space<hbm>>)
    %dma_wait3A_666 = arith.constant 24 : i32
    %dma_wait3A_667 = arith.constant 0 : i32
    %dma_wait3A_668 = tpu.memref_slice %arg10[%dma_wait3A_666, %dma_wait3A_667] : memref<32x1024xf32, #tpu.memory_space<vmem>> -> memref<8x1024xf32, #tpu.memory_space<vmem>>
    %dma_wait3A_669 = arith.constant 0 : i32
    %dma_wait3A_670 = tpu.memref_slice %arg5[%add3A_616, %dma_wait3A_669] : memref<8192x1024xf32, #tpu.memory_space<hbm>> -> memref<8x1024xf32, #tpu.memory_space<hbm>>
    %dma_wait3A_671 = arith.constant 0 : i32
    %dma_wait3A_672 = tpu.memref_slice %arg5[%add3A_616, %dma_wait3A_671] : memref<8192x1024xf32, #tpu.memory_space<hbm>> -> memref<8x1024xf32, #tpu.memory_space<hbm>>
    %dma_wait3A_673 = arith.constant 24 : i32
    %dma_wait3A_674 = arith.constant 0 : i32
    %dma_wait3A_675 = tpu.memref_slice %arg10[%dma_wait3A_673, %dma_wait3A_674] : memref<32x1024xf32, #tpu.memory_space<vmem>> -> memref<8x1024xf32, #tpu.memory_space<vmem>>
    tpu.wait_dma2 semaphore(%arg19 : memref<!tpu.dma_semaphore, #tpu.memory_space<semaphore_mem>>) src(%dma_wait3A_675 : memref<8x1024xf32, #tpu.memory_space<vmem>>) dst(%dma_wait3A_672 : memref<8x1024xf32, #tpu.memory_space<hbm>>)
    %dma_start3A_676 = arith.constant 160 : i32
    %dma_start3A_677 = tpu.memref_slice %arg7[%dma_start3A_676] : memref<256xi32, #tpu.memory_space<vmem>> -> memref<32xi32, #tpu.memory_space<vmem>>
    %dma_start3A_678 = arith.constant 0 : i32
    %dma_start3A_679 = arith.constant 0 : i32
    %dma_start3A_680 = tpu.memref_slice %arg3[%dma_start3A_678, %dma_start3A_679] : memref<100000x1024xf32, #tpu.memory_space<hbm>> -> memref<100000x1024xf32, #tpu.memory_space<hbm>>
    tpu.enqueue_indirect_dma source(%dma_start3A_680 : memref<100000x1024xf32, #tpu.memory_space<hbm>>) target(%arg10 : memref<32x1024xf32, #tpu.memory_space<vmem>>) offsets(%dma_start3A_677 : memref<32xi32, #tpu.memory_space<vmem>>) semaphore(%arg16 : memref<!tpu.dma_semaphore, #tpu.memory_space<semaphore_mem>>)
    %add3A_681 = arith.constant 40 : i32
    %add3A_682 = arith.addi %mul3A_2, %add3A_681 : i32
    %dma_start3A_683 = arith.constant 0 : i32
    %dma_start3A_684 = tpu.memref_slice %arg4[%add3A_682, %dma_start3A_683] : memref<2048x1024xf32, #tpu.memory_space<hbm>> -> memref<8x1024xf32, #tpu.memory_space<hbm>>
    %dma_start3A_685 = arith.constant 0 : i32
    %dma_start3A_686 = tpu.memref_slice %arg4[%add3A_682, %dma_start3A_685] : memref<2048x1024xf32, #tpu.memory_space<hbm>> -> memref<8x1024xf32, #tpu.memory_space<hbm>>
    tpu.enqueue_dma source(%dma_start3A_686 : memref<8x1024xf32, #tpu.memory_space<hbm>>) target(%arg13 : memref<8x1024xf32, #tpu.memory_space<vmem>>) target_semaphore(%arg22 : memref<!tpu.dma_semaphore, #tpu.memory_space<semaphore_mem>>)
    %scan3A_687 = arith.constant 0 : i32
    %scan3A_688 = arith.constant 8 : i32
    %scan3A_689 = arith.addi %scan3A_687, %scan3A_688 : i32
    %scan3A_690 = arith.constant 1 : i32
    scf.for %scan3A_1250 = %scan3A_687 to %scan3A_689 step %scan3A_690  : i32 {
      %mul3A_1251 = arith.constant 1 : i32
      %mul3A_1252 = arith.muli %scan3A_1250, %mul3A_1251 : i32
      %add3A_1253 = arith.constant 0 : i32
      %add3A_1254 = arith.addi %add3A_1253, %mul3A_1252 : i32
      %parallel_loop3A = arith.constant 0 : i32
      %parallel_loop3A_1255 = arith.constant 1024 : i32
      %parallel_loop3A_1256 = arith.constant 16 : i32
      scf.for %parallel_loop3A_1257 = %parallel_loop3A to %parallel_loop3A_1255 step %parallel_loop3A_1256  : i32 {
        %parallel_loop3A_1258 = arith.index_cast %add3A_1254 : i32 to index
        %parallel_loop3A_1259 = arith.index_cast %parallel_loop3A_1257 : i32 to index
        %parallel_loop3A_1260 = tpu.vector_load %arg11[%parallel_loop3A_1258, %parallel_loop3A_1259] {strides = array<i32>} : memref<8x1024xf32, #tpu.memory_space<vmem>>, vector<16xf32>,
        %parallel_loop3A_1261 = arith.constant 0 : i32
        %parallel_loop3A_1262 = arith.addi %parallel_loop3A_1261, %add3A_1254 : i32
        %parallel_loop3A_1263 = arith.index_cast %parallel_loop3A_1262 : i32 to index
        %parallel_loop3A_1264 = arith.index_cast %parallel_loop3A_1257 : i32 to index
        %parallel_loop3A_1265 = tpu.vector_load %arg8[%parallel_loop3A_1263, %parallel_loop3A_1264] {strides = array<i32>} : memref<32x1024xf32, #tpu.memory_space<vmem>>, vector<16xf32>,
        %parallel_loop3A_1266 = arith.addf %parallel_loop3A_1265, %parallel_loop3A_1260 : vector<16xf32>
        %parallel_loop3A_1267 = arith.constant 0.000000e+00 : f32
        %parallel_loop3A_1268 = vector.broadcast %parallel_loop3A_1267 : f32 to vector<16xf32>
        %parallel_loop3A_1269 = arith.maximumf %parallel_loop3A_1266, %parallel_loop3A_1268 : vector<16xf32>
        %parallel_loop3A_1270 = arith.constant 0 : i32
        %parallel_loop3A_1271 = arith.addi %parallel_loop3A_1270, %add3A_1254 : i32
        %parallel_loop3A_1272 = arith.index_cast %parallel_loop3A_1271 : i32 to index
        %parallel_loop3A_1273 = arith.index_cast %parallel_loop3A_1257 : i32 to index
        %parallel_loop3A_1274 = tpu.vector_load %arg8[%parallel_loop3A_1272, %parallel_loop3A_1273] {strides = array<i32>} : memref<32x1024xf32, #tpu.memory_space<vmem>>, vector<16xf32>,
        tpu.vector_store %arg8[%parallel_loop3A_1272, %parallel_loop3A_1273], %parallel_loop3A_1269 {strides = array<i32>} : memref<32x1024xf32, #tpu.memory_space<vmem>>, vector<16xf32>,
        %parallel_loop3A_1275 = arith.constant 8 : i32
        %parallel_loop3A_1276 = arith.addi %parallel_loop3A_1275, %add3A_1254 : i32
        %parallel_loop3A_1277 = arith.index_cast %parallel_loop3A_1276 : i32 to index
        %parallel_loop3A_1278 = arith.index_cast %parallel_loop3A_1257 : i32 to index
        %parallel_loop3A_1279 = tpu.vector_load %arg8[%parallel_loop3A_1277, %parallel_loop3A_1278] {strides = array<i32>} : memref<32x1024xf32, #tpu.memory_space<vmem>>, vector<16xf32>,
        %parallel_loop3A_1280 = arith.addf %parallel_loop3A_1279, %parallel_loop3A_1260 : vector<16xf32>
        %parallel_loop3A_1281 = arith.constant 0.000000e+00 : f32
        %parallel_loop3A_1282 = vector.broadcast %parallel_loop3A_1281 : f32 to vector<16xf32>
        %parallel_loop3A_1283 = arith.maximumf %parallel_loop3A_1280, %parallel_loop3A_1282 : vector<16xf32>
        %parallel_loop3A_1284 = arith.constant 8 : i32
        %parallel_loop3A_1285 = arith.addi %parallel_loop3A_1284, %add3A_1254 : i32
        %parallel_loop3A_1286 = arith.index_cast %parallel_loop3A_1285 : i32 to index
        %parallel_loop3A_1287 = arith.index_cast %parallel_loop3A_1257 : i32 to index
        %parallel_loop3A_1288 = tpu.vector_load %arg8[%parallel_loop3A_1286, %parallel_loop3A_1287] {strides = array<i32>} : memref<32x1024xf32, #tpu.memory_space<vmem>>, vector<16xf32>,
        tpu.vector_store %arg8[%parallel_loop3A_1286, %parallel_loop3A_1287], %parallel_loop3A_1283 {strides = array<i32>} : memref<32x1024xf32, #tpu.memory_space<vmem>>, vector<16xf32>,
        %parallel_loop3A_1289 = arith.constant 16 : i32
        %parallel_loop3A_1290 = arith.addi %parallel_loop3A_1289, %add3A_1254 : i32
        %parallel_loop3A_1291 = arith.index_cast %parallel_loop3A_1290 : i32 to index
        %parallel_loop3A_1292 = arith.index_cast %parallel_loop3A_1257 : i32 to index
        %parallel_loop3A_1293 = tpu.vector_load %arg8[%parallel_loop3A_1291, %parallel_loop3A_1292] {strides = array<i32>} : memref<32x1024xf32, #tpu.memory_space<vmem>>, vector<16xf32>,
        %parallel_loop3A_1294 = arith.addf %parallel_loop3A_1293, %parallel_loop3A_1260 : vector<16xf32>
        %parallel_loop3A_1295 = arith.constant 0.000000e+00 : f32
        %parallel_loop3A_1296 = vector.broadcast %parallel_loop3A_1295 : f32 to vector<16xf32>
        %parallel_loop3A_1297 = arith.maximumf %parallel_loop3A_1294, %parallel_loop3A_1296 : vector<16xf32>
        %parallel_loop3A_1298 = arith.constant 16 : i32
        %parallel_loop3A_1299 = arith.addi %parallel_loop3A_1298, %add3A_1254 : i32
        %parallel_loop3A_1300 = arith.index_cast %parallel_loop3A_1299 : i32 to index
        %parallel_loop3A_1301 = arith.index_cast %parallel_loop3A_1257 : i32 to index
        %parallel_loop3A_1302 = tpu.vector_load %arg8[%parallel_loop3A_1300, %parallel_loop3A_1301] {strides = array<i32>} : memref<32x1024xf32, #tpu.memory_space<vmem>>, vector<16xf32>,
        tpu.vector_store %arg8[%parallel_loop3A_1300, %parallel_loop3A_1301], %parallel_loop3A_1297 {strides = array<i32>} : memref<32x1024xf32, #tpu.memory_space<vmem>>, vector<16xf32>,
        %parallel_loop3A_1303 = arith.constant 24 : i32
        %parallel_loop3A_1304 = arith.addi %parallel_loop3A_1303, %add3A_1254 : i32
        %parallel_loop3A_1305 = arith.index_cast %parallel_loop3A_1304 : i32 to index
        %parallel_loop3A_1306 = arith.index_cast %parallel_loop3A_1257 : i32 to index
        %parallel_loop3A_1307 = tpu.vector_load %arg8[%parallel_loop3A_1305, %parallel_loop3A_1306] {strides = array<i32>} : memref<32x1024xf32, #tpu.memory_space<vmem>>, vector<16xf32>,
        %parallel_loop3A_1308 = arith.addf %parallel_loop3A_1307, %parallel_loop3A_1260 : vector<16xf32>
        %parallel_loop3A_1309 = arith.constant 0.000000e+00 : f32
        %parallel_loop3A_1310 = vector.broadcast %parallel_loop3A_1309 : f32 to vector<16xf32>
        %parallel_loop3A_1311 = arith.maximumf %parallel_loop3A_1308, %parallel_loop3A_1310 : vector<16xf32>
        %parallel_loop3A_1312 = arith.constant 24 : i32
        %parallel_loop3A_1313 = arith.addi %parallel_loop3A_1312, %add3A_1254 : i32
        %parallel_loop3A_1314 = arith.index_cast %parallel_loop3A_1313 : i32 to index
        %parallel_loop3A_1315 = arith.index_cast %parallel_loop3A_1257 : i32 to index
        %parallel_loop3A_1316 = tpu.vector_load %arg8[%parallel_loop3A_1314, %parallel_loop3A_1315] {strides = array<i32>} : memref<32x1024xf32, #tpu.memory_space<vmem>>, vector<16xf32>,
        tpu.vector_store %arg8[%parallel_loop3A_1314, %parallel_loop3A_1315], %parallel_loop3A_1311 {strides = array<i32>} : memref<32x1024xf32, #tpu.memory_space<vmem>>, vector<16xf32>,
      } {sc.loop_unroll_factor = 8 : i64, sc.parallel_access}
    }
    %scan3A_691 = arith.constant 8 : i32
    %add3A_692 = arith.constant 0 : i32
    %add3A_693 = arith.addi %add3A_692, %mul3A_2 : i32
    %add3A_694 = arith.constant 24 : i32
    %add3A_695 = arith.addi %add3A_693, %add3A_694 : i32
    %dma_start3A_696 = arith.constant 0 : i32
    %dma_start3A_697 = arith.constant 0 : i32
    %dma_start3A_698 = tpu.memref_slice %arg8[%dma_start3A_696, %dma_start3A_697] : memref<32x1024xf32, #tpu.memory_space<vmem>> -> memref<8x1024xf32, #tpu.memory_space<vmem>>
    %dma_start3A_699 = arith.constant 0 : i32
    %dma_start3A_700 = tpu.memref_slice %arg5[%add3A_695, %dma_start3A_699] : memref<8192x1024xf32, #tpu.memory_space<hbm>> -> memref<8x1024xf32, #tpu.memory_space<hbm>>
    %dma_start3A_701 = arith.constant 0 : i32
    %dma_start3A_702 = tpu.memref_slice %arg5[%add3A_695, %dma_start3A_701] : memref<8192x1024xf32, #tpu.memory_space<hbm>> -> memref<8x1024xf32, #tpu.memory_space<hbm>>
    %dma_start3A_703 = arith.constant 0 : i32
    %dma_start3A_704 = arith.constant 0 : i32
    %dma_start3A_705 = tpu.memref_slice %arg8[%dma_start3A_703, %dma_start3A_704] : memref<32x1024xf32, #tpu.memory_space<vmem>> -> memref<8x1024xf32, #tpu.memory_space<vmem>>
    tpu.enqueue_dma source(%dma_start3A_705 : memref<8x1024xf32, #tpu.memory_space<vmem>>) target(%dma_start3A_702 : memref<8x1024xf32, #tpu.memory_space<hbm>>) target_semaphore(%arg17 : memref<!tpu.dma_semaphore, #tpu.memory_space<semaphore_mem>>)
    %add3A_706 = arith.constant 2048 : i32
    %add3A_707 = arith.addi %add3A_706, %mul3A_2 : i32
    %add3A_708 = arith.constant 24 : i32
    %add3A_709 = arith.addi %add3A_707, %add3A_708 : i32
    %dma_start3A_710 = arith.constant 8 : i32
    %dma_start3A_711 = arith.constant 0 : i32
    %dma_start3A_712 = tpu.memref_slice %arg8[%dma_start3A_710, %dma_start3A_711] : memref<32x1024xf32, #tpu.memory_space<vmem>> -> memref<8x1024xf32, #tpu.memory_space<vmem>>
    %dma_start3A_713 = arith.constant 0 : i32
    %dma_start3A_714 = tpu.memref_slice %arg5[%add3A_709, %dma_start3A_713] : memref<8192x1024xf32, #tpu.memory_space<hbm>> -> memref<8x1024xf32, #tpu.memory_space<hbm>>
    %dma_start3A_715 = arith.constant 0 : i32
    %dma_start3A_716 = tpu.memref_slice %arg5[%add3A_709, %dma_start3A_715] : memref<8192x1024xf32, #tpu.memory_space<hbm>> -> memref<8x1024xf32, #tpu.memory_space<hbm>>
    %dma_start3A_717 = arith.constant 8 : i32
    %dma_start3A_718 = arith.constant 0 : i32
    %dma_start3A_719 = tpu.memref_slice %arg8[%dma_start3A_717, %dma_start3A_718] : memref<32x1024xf32, #tpu.memory_space<vmem>> -> memref<8x1024xf32, #tpu.memory_space<vmem>>
    tpu.enqueue_dma source(%dma_start3A_719 : memref<8x1024xf32, #tpu.memory_space<vmem>>) target(%dma_start3A_716 : memref<8x1024xf32, #tpu.memory_space<hbm>>) target_semaphore(%arg17 : memref<!tpu.dma_semaphore, #tpu.memory_space<semaphore_mem>>)
    %add3A_720 = arith.constant 4096 : i32
    %add3A_721 = arith.addi %add3A_720, %mul3A_2 : i32
    %add3A_722 = arith.constant 24 : i32
    %add3A_723 = arith.addi %add3A_721, %add3A_722 : i32
    %dma_start3A_724 = arith.constant 16 : i32
    %dma_start3A_725 = arith.constant 0 : i32
    %dma_start3A_726 = tpu.memref_slice %arg8[%dma_start3A_724, %dma_start3A_725] : memref<32x1024xf32, #tpu.memory_space<vmem>> -> memref<8x1024xf32, #tpu.memory_space<vmem>>
    %dma_start3A_727 = arith.constant 0 : i32
    %dma_start3A_728 = tpu.memref_slice %arg5[%add3A_723, %dma_start3A_727] : memref<8192x1024xf32, #tpu.memory_space<hbm>> -> memref<8x1024xf32, #tpu.memory_space<hbm>>
    %dma_start3A_729 = arith.constant 0 : i32
    %dma_start3A_730 = tpu.memref_slice %arg5[%add3A_723, %dma_start3A_729] : memref<8192x1024xf32, #tpu.memory_space<hbm>> -> memref<8x1024xf32, #tpu.memory_space<hbm>>
    %dma_start3A_731 = arith.constant 16 : i32
    %dma_start3A_732 = arith.constant 0 : i32
    %dma_start3A_733 = tpu.memref_slice %arg8[%dma_start3A_731, %dma_start3A_732] : memref<32x1024xf32, #tpu.memory_space<vmem>> -> memref<8x1024xf32, #tpu.memory_space<vmem>>
    tpu.enqueue_dma source(%dma_start3A_733 : memref<8x1024xf32, #tpu.memory_space<vmem>>) target(%dma_start3A_730 : memref<8x1024xf32, #tpu.memory_space<hbm>>) target_semaphore(%arg17 : memref<!tpu.dma_semaphore, #tpu.memory_space<semaphore_mem>>)
    %add3A_734 = arith.constant 6144 : i32
    %add3A_735 = arith.addi %add3A_734, %mul3A_2 : i32
    %add3A_736 = arith.constant 24 : i32
    %add3A_737 = arith.addi %add3A_735, %add3A_736 : i32
    %dma_start3A_738 = arith.constant 24 : i32
    %dma_start3A_739 = arith.constant 0 : i32
    %dma_start3A_740 = tpu.memref_slice %arg8[%dma_start3A_738, %dma_start3A_739] : memref<32x1024xf32, #tpu.memory_space<vmem>> -> memref<8x1024xf32, #tpu.memory_space<vmem>>
    %dma_start3A_741 = arith.constant 0 : i32
    %dma_start3A_742 = tpu.memref_slice %arg5[%add3A_737, %dma_start3A_741] : memref<8192x1024xf32, #tpu.memory_space<hbm>> -> memref<8x1024xf32, #tpu.memory_space<hbm>>
    %dma_start3A_743 = arith.constant 0 : i32
    %dma_start3A_744 = tpu.memref_slice %arg5[%add3A_737, %dma_start3A_743] : memref<8192x1024xf32, #tpu.memory_space<hbm>> -> memref<8x1024xf32, #tpu.memory_space<hbm>>
    %dma_start3A_745 = arith.constant 24 : i32
    %dma_start3A_746 = arith.constant 0 : i32
    %dma_start3A_747 = tpu.memref_slice %arg8[%dma_start3A_745, %dma_start3A_746] : memref<32x1024xf32, #tpu.memory_space<vmem>> -> memref<8x1024xf32, #tpu.memory_space<vmem>>
    tpu.enqueue_dma source(%dma_start3A_747 : memref<8x1024xf32, #tpu.memory_space<vmem>>) target(%dma_start3A_744 : memref<8x1024xf32, #tpu.memory_space<hbm>>) target_semaphore(%arg17 : memref<!tpu.dma_semaphore, #tpu.memory_space<semaphore_mem>>)
    %dma_wait3A_748 = arith.constant 128 : i32
    %dma_wait3A_749 = tpu.memref_slice %arg7[%dma_wait3A_748] : memref<256xi32, #tpu.memory_space<vmem>> -> memref<32xi32, #tpu.memory_space<vmem>>
    %dma_wait3A_750 = arith.constant 0 : i32
    %dma_wait3A_751 = arith.constant 0 : i32
    %dma_wait3A_752 = tpu.memref_slice %arg3[%dma_wait3A_750, %dma_wait3A_751] : memref<100000x1024xf32, #tpu.memory_space<hbm>> -> memref<100000x1024xf32, #tpu.memory_space<hbm>>
    tpu.wait_indirect_dma semaphore(%arg15 : memref<!tpu.dma_semaphore, #tpu.memory_space<semaphore_mem>>) src(%dma_wait3A_752 : memref<100000x1024xf32, #tpu.memory_space<hbm>>) dst(%arg9 : memref<32x1024xf32, #tpu.memory_space<vmem>>)
    %dma_wait3A_753 = arith.constant 0 : i32
    %dma_wait3A_754 = tpu.memref_slice %arg4[%add3A_561, %dma_wait3A_753] : memref<2048x1024xf32, #tpu.memory_space<hbm>> -> memref<8x1024xf32, #tpu.memory_space<hbm>>
    %dma_wait3A_755 = arith.constant 0 : i32
    %dma_wait3A_756 = tpu.memref_slice %arg4[%add3A_561, %dma_wait3A_755] : memref<2048x1024xf32, #tpu.memory_space<hbm>> -> memref<8x1024xf32, #tpu.memory_space<hbm>>
    tpu.wait_dma2 semaphore(%arg21 : memref<!tpu.dma_semaphore, #tpu.memory_space<semaphore_mem>>) src(%dma_wait3A_756 : memref<8x1024xf32, #tpu.memory_space<hbm>>) dst(%arg12 : memref<8x1024xf32, #tpu.memory_space<vmem>>)
    %dma_wait3A_757 = arith.constant 0 : i32
    %dma_wait3A_758 = arith.constant 0 : i32
    %dma_wait3A_759 = tpu.memref_slice %arg8[%dma_wait3A_757, %dma_wait3A_758] : memref<32x1024xf32, #tpu.memory_space<vmem>> -> memref<8x1024xf32, #tpu.memory_space<vmem>>
    %dma_wait3A_760 = arith.constant 0 : i32
    %dma_wait3A_761 = tpu.memref_slice %arg5[%add3A_695, %dma_wait3A_760] : memref<8192x1024xf32, #tpu.memory_space<hbm>> -> memref<8x1024xf32, #tpu.memory_space<hbm>>
    %dma_wait3A_762 = arith.constant 0 : i32
    %dma_wait3A_763 = tpu.memref_slice %arg5[%add3A_695, %dma_wait3A_762] : memref<8192x1024xf32, #tpu.memory_space<hbm>> -> memref<8x1024xf32, #tpu.memory_space<hbm>>
    %dma_wait3A_764 = arith.constant 0 : i32
    %dma_wait3A_765 = arith.constant 0 : i32
    %dma_wait3A_766 = tpu.memref_slice %arg8[%dma_wait3A_764, %dma_wait3A_765] : memref<32x1024xf32, #tpu.memory_space<vmem>> -> memref<8x1024xf32, #tpu.memory_space<vmem>>
    tpu.wait_dma2 semaphore(%arg17 : memref<!tpu.dma_semaphore, #tpu.memory_space<semaphore_mem>>) src(%dma_wait3A_766 : memref<8x1024xf32, #tpu.memory_space<vmem>>) dst(%dma_wait3A_763 : memref<8x1024xf32, #tpu.memory_space<hbm>>)
    %dma_wait3A_767 = arith.constant 8 : i32
    %dma_wait3A_768 = arith.constant 0 : i32
    %dma_wait3A_769 = tpu.memref_slice %arg8[%dma_wait3A_767, %dma_wait3A_768] : memref<32x1024xf32, #tpu.memory_space<vmem>> -> memref<8x1024xf32, #tpu.memory_space<vmem>>
    %dma_wait3A_770 = arith.constant 0 : i32
    %dma_wait3A_771 = tpu.memref_slice %arg5[%add3A_709, %dma_wait3A_770] : memref<8192x1024xf32, #tpu.memory_space<hbm>> -> memref<8x1024xf32, #tpu.memory_space<hbm>>
    %dma_wait3A_772 = arith.constant 0 : i32
    %dma_wait3A_773 = tpu.memref_slice %arg5[%add3A_709, %dma_wait3A_772] : memref<8192x1024xf32, #tpu.memory_space<hbm>> -> memref<8x1024xf32, #tpu.memory_space<hbm>>
    %dma_wait3A_774 = arith.constant 8 : i32
    %dma_wait3A_775 = arith.constant 0 : i32
    %dma_wait3A_776 = tpu.memref_slice %arg8[%dma_wait3A_774, %dma_wait3A_775] : memref<32x1024xf32, #tpu.memory_space<vmem>> -> memref<8x1024xf32, #tpu.memory_space<vmem>>
    tpu.wait_dma2 semaphore(%arg17 : memref<!tpu.dma_semaphore, #tpu.memory_space<semaphore_mem>>) src(%dma_wait3A_776 : memref<8x1024xf32, #tpu.memory_space<vmem>>) dst(%dma_wait3A_773 : memref<8x1024xf32, #tpu.memory_space<hbm>>)
    %dma_wait3A_777 = arith.constant 16 : i32
    %dma_wait3A_778 = arith.constant 0 : i32
    %dma_wait3A_779 = tpu.memref_slice %arg8[%dma_wait3A_777, %dma_wait3A_778] : memref<32x1024xf32, #tpu.memory_space<vmem>> -> memref<8x1024xf32, #tpu.memory_space<vmem>>
    %dma_wait3A_780 = arith.constant 0 : i32
    %dma_wait3A_781 = tpu.memref_slice %arg5[%add3A_723, %dma_wait3A_780] : memref<8192x1024xf32, #tpu.memory_space<hbm>> -> memref<8x1024xf32, #tpu.memory_space<hbm>>
    %dma_wait3A_782 = arith.constant 0 : i32
    %dma_wait3A_783 = tpu.memref_slice %arg5[%add3A_723, %dma_wait3A_782] : memref<8192x1024xf32, #tpu.memory_space<hbm>> -> memref<8x1024xf32, #tpu.memory_space<hbm>>
    %dma_wait3A_784 = arith.constant 16 : i32
    %dma_wait3A_785 = arith.constant 0 : i32
    %dma_wait3A_786 = tpu.memref_slice %arg8[%dma_wait3A_784, %dma_wait3A_785] : memref<32x1024xf32, #tpu.memory_space<vmem>> -> memref<8x1024xf32, #tpu.memory_space<vmem>>
    tpu.wait_dma2 semaphore(%arg17 : memref<!tpu.dma_semaphore, #tpu.memory_space<semaphore_mem>>) src(%dma_wait3A_786 : memref<8x1024xf32, #tpu.memory_space<vmem>>) dst(%dma_wait3A_783 : memref<8x1024xf32, #tpu.memory_space<hbm>>)
    %dma_wait3A_787 = arith.constant 24 : i32
    %dma_wait3A_788 = arith.constant 0 : i32
    %dma_wait3A_789 = tpu.memref_slice %arg8[%dma_wait3A_787, %dma_wait3A_788] : memref<32x1024xf32, #tpu.memory_space<vmem>> -> memref<8x1024xf32, #tpu.memory_space<vmem>>
    %dma_wait3A_790 = arith.constant 0 : i32
    %dma_wait3A_791 = tpu.memref_slice %arg5[%add3A_737, %dma_wait3A_790] : memref<8192x1024xf32, #tpu.memory_space<hbm>> -> memref<8x1024xf32, #tpu.memory_space<hbm>>
    %dma_wait3A_792 = arith.constant 0 : i32
    %dma_wait3A_793 = tpu.memref_slice %arg5[%add3A_737, %dma_wait3A_792] : memref<8192x1024xf32, #tpu.memory_space<hbm>> -> memref<8x1024xf32, #tpu.memory_space<hbm>>
    %dma_wait3A_794 = arith.constant 24 : i32
    %dma_wait3A_795 = arith.constant 0 : i32
    %dma_wait3A_796 = tpu.memref_slice %arg8[%dma_wait3A_794, %dma_wait3A_795] : memref<32x1024xf32, #tpu.memory_space<vmem>> -> memref<8x1024xf32, #tpu.memory_space<vmem>>
    tpu.wait_dma2 semaphore(%arg17 : memref<!tpu.dma_semaphore, #tpu.memory_space<semaphore_mem>>) src(%dma_wait3A_796 : memref<8x1024xf32, #tpu.memory_space<vmem>>) dst(%dma_wait3A_793 : memref<8x1024xf32, #tpu.memory_space<hbm>>)
    %dma_start3A_797 = arith.constant 192 : i32
    %dma_start3A_798 = tpu.memref_slice %arg7[%dma_start3A_797] : memref<256xi32, #tpu.memory_space<vmem>> -> memref<32xi32, #tpu.memory_space<vmem>>
    %dma_start3A_799 = arith.constant 0 : i32
    %dma_start3A_800 = arith.constant 0 : i32
    %dma_start3A_801 = tpu.memref_slice %arg3[%dma_start3A_799, %dma_start3A_800] : memref<100000x1024xf32, #tpu.memory_space<hbm>> -> memref<100000x1024xf32, #tpu.memory_space<hbm>>
    tpu.enqueue_indirect_dma source(%dma_start3A_801 : memref<100000x1024xf32, #tpu.memory_space<hbm>>) target(%arg8 : memref<32x1024xf32, #tpu.memory_space<vmem>>) offsets(%dma_start3A_798 : memref<32xi32, #tpu.memory_space<vmem>>) semaphore(%arg14 : memref<!tpu.dma_semaphore, #tpu.memory_space<semaphore_mem>>)
    %add3A_802 = arith.constant 48 : i32
    %add3A_803 = arith.addi %mul3A_2, %add3A_802 : i32
    %dma_start3A_804 = arith.constant 0 : i32
    %dma_start3A_805 = tpu.memref_slice %arg4[%add3A_803, %dma_start3A_804] : memref<2048x1024xf32, #tpu.memory_space<hbm>> -> memref<8x1024xf32, #tpu.memory_space<hbm>>
    %dma_start3A_806 = arith.constant 0 : i32
    %dma_start3A_807 = tpu.memref_slice %arg4[%add3A_803, %dma_start3A_806] : memref<2048x1024xf32, #tpu.memory_space<hbm>> -> memref<8x1024xf32, #tpu.memory_space<hbm>>
    tpu.enqueue_dma source(%dma_start3A_807 : memref<8x1024xf32, #tpu.memory_space<hbm>>) target(%arg11 : memref<8x1024xf32, #tpu.memory_space<vmem>>) target_semaphore(%arg20 : memref<!tpu.dma_semaphore, #tpu.memory_space<semaphore_mem>>)
    %scan3A_808 = arith.constant 0 : i32
    %scan3A_809 = arith.constant 8 : i32
    %scan3A_810 = arith.addi %scan3A_808, %scan3A_809 : i32
    %scan3A_811 = arith.constant 1 : i32
    scf.for %scan3A_1250 = %scan3A_808 to %scan3A_810 step %scan3A_811  : i32 {
      %mul3A_1251 = arith.constant 1 : i32
      %mul3A_1252 = arith.muli %scan3A_1250, %mul3A_1251 : i32
      %add3A_1253 = arith.constant 0 : i32
      %add3A_1254 = arith.addi %add3A_1253, %mul3A_1252 : i32
      %parallel_loop3A = arith.constant 0 : i32
      %parallel_loop3A_1255 = arith.constant 1024 : i32
      %parallel_loop3A_1256 = arith.constant 16 : i32
      scf.for %parallel_loop3A_1257 = %parallel_loop3A to %parallel_loop3A_1255 step %parallel_loop3A_1256  : i32 {
        %parallel_loop3A_1258 = arith.index_cast %add3A_1254 : i32 to index
        %parallel_loop3A_1259 = arith.index_cast %parallel_loop3A_1257 : i32 to index
        %parallel_loop3A_1260 = tpu.vector_load %arg12[%parallel_loop3A_1258, %parallel_loop3A_1259] {strides = array<i32>} : memref<8x1024xf32, #tpu.memory_space<vmem>>, vector<16xf32>,
        %parallel_loop3A_1261 = arith.constant 0 : i32
        %parallel_loop3A_1262 = arith.addi %parallel_loop3A_1261, %add3A_1254 : i32
        %parallel_loop3A_1263 = arith.index_cast %parallel_loop3A_1262 : i32 to index
        %parallel_loop3A_1264 = arith.index_cast %parallel_loop3A_1257 : i32 to index
        %parallel_loop3A_1265 = tpu.vector_load %arg9[%parallel_loop3A_1263, %parallel_loop3A_1264] {strides = array<i32>} : memref<32x1024xf32, #tpu.memory_space<vmem>>, vector<16xf32>,
        %parallel_loop3A_1266 = arith.addf %parallel_loop3A_1265, %parallel_loop3A_1260 : vector<16xf32>
        %parallel_loop3A_1267 = arith.constant 0.000000e+00 : f32
        %parallel_loop3A_1268 = vector.broadcast %parallel_loop3A_1267 : f32 to vector<16xf32>
        %parallel_loop3A_1269 = arith.maximumf %parallel_loop3A_1266, %parallel_loop3A_1268 : vector<16xf32>
        %parallel_loop3A_1270 = arith.constant 0 : i32
        %parallel_loop3A_1271 = arith.addi %parallel_loop3A_1270, %add3A_1254 : i32
        %parallel_loop3A_1272 = arith.index_cast %parallel_loop3A_1271 : i32 to index
        %parallel_loop3A_1273 = arith.index_cast %parallel_loop3A_1257 : i32 to index
        %parallel_loop3A_1274 = tpu.vector_load %arg9[%parallel_loop3A_1272, %parallel_loop3A_1273] {strides = array<i32>} : memref<32x1024xf32, #tpu.memory_space<vmem>>, vector<16xf32>,
        tpu.vector_store %arg9[%parallel_loop3A_1272, %parallel_loop3A_1273], %parallel_loop3A_1269 {strides = array<i32>} : memref<32x1024xf32, #tpu.memory_space<vmem>>, vector<16xf32>,
        %parallel_loop3A_1275 = arith.constant 8 : i32
        %parallel_loop3A_1276 = arith.addi %parallel_loop3A_1275, %add3A_1254 : i32
        %parallel_loop3A_1277 = arith.index_cast %parallel_loop3A_1276 : i32 to index
        %parallel_loop3A_1278 = arith.index_cast %parallel_loop3A_1257 : i32 to index
        %parallel_loop3A_1279 = tpu.vector_load %arg9[%parallel_loop3A_1277, %parallel_loop3A_1278] {strides = array<i32>} : memref<32x1024xf32, #tpu.memory_space<vmem>>, vector<16xf32>,
        %parallel_loop3A_1280 = arith.addf %parallel_loop3A_1279, %parallel_loop3A_1260 : vector<16xf32>
        %parallel_loop3A_1281 = arith.constant 0.000000e+00 : f32
        %parallel_loop3A_1282 = vector.broadcast %parallel_loop3A_1281 : f32 to vector<16xf32>
        %parallel_loop3A_1283 = arith.maximumf %parallel_loop3A_1280, %parallel_loop3A_1282 : vector<16xf32>
        %parallel_loop3A_1284 = arith.constant 8 : i32
        %parallel_loop3A_1285 = arith.addi %parallel_loop3A_1284, %add3A_1254 : i32
        %parallel_loop3A_1286 = arith.index_cast %parallel_loop3A_1285 : i32 to index
        %parallel_loop3A_1287 = arith.index_cast %parallel_loop3A_1257 : i32 to index
        %parallel_loop3A_1288 = tpu.vector_load %arg9[%parallel_loop3A_1286, %parallel_loop3A_1287] {strides = array<i32>} : memref<32x1024xf32, #tpu.memory_space<vmem>>, vector<16xf32>,
        tpu.vector_store %arg9[%parallel_loop3A_1286, %parallel_loop3A_1287], %parallel_loop3A_1283 {strides = array<i32>} : memref<32x1024xf32, #tpu.memory_space<vmem>>, vector<16xf32>,
        %parallel_loop3A_1289 = arith.constant 16 : i32
        %parallel_loop3A_1290 = arith.addi %parallel_loop3A_1289, %add3A_1254 : i32
        %parallel_loop3A_1291 = arith.index_cast %parallel_loop3A_1290 : i32 to index
        %parallel_loop3A_1292 = arith.index_cast %parallel_loop3A_1257 : i32 to index
        %parallel_loop3A_1293 = tpu.vector_load %arg9[%parallel_loop3A_1291, %parallel_loop3A_1292] {strides = array<i32>} : memref<32x1024xf32, #tpu.memory_space<vmem>>, vector<16xf32>,
        %parallel_loop3A_1294 = arith.addf %parallel_loop3A_1293, %parallel_loop3A_1260 : vector<16xf32>
        %parallel_loop3A_1295 = arith.constant 0.000000e+00 : f32
        %parallel_loop3A_1296 = vector.broadcast %parallel_loop3A_1295 : f32 to vector<16xf32>
        %parallel_loop3A_1297 = arith.maximumf %parallel_loop3A_1294, %parallel_loop3A_1296 : vector<16xf32>
        %parallel_loop3A_1298 = arith.constant 16 : i32
        %parallel_loop3A_1299 = arith.addi %parallel_loop3A_1298, %add3A_1254 : i32
        %parallel_loop3A_1300 = arith.index_cast %parallel_loop3A_1299 : i32 to index
        %parallel_loop3A_1301 = arith.index_cast %parallel_loop3A_1257 : i32 to index
        %parallel_loop3A_1302 = tpu.vector_load %arg9[%parallel_loop3A_1300, %parallel_loop3A_1301] {strides = array<i32>} : memref<32x1024xf32, #tpu.memory_space<vmem>>, vector<16xf32>,
        tpu.vector_store %arg9[%parallel_loop3A_1300, %parallel_loop3A_1301], %parallel_loop3A_1297 {strides = array<i32>} : memref<32x1024xf32, #tpu.memory_space<vmem>>, vector<16xf32>,
        %parallel_loop3A_1303 = arith.constant 24 : i32
        %parallel_loop3A_1304 = arith.addi %parallel_loop3A_1303, %add3A_1254 : i32
        %parallel_loop3A_1305 = arith.index_cast %parallel_loop3A_1304 : i32 to index
        %parallel_loop3A_1306 = arith.index_cast %parallel_loop3A_1257 : i32 to index
        %parallel_loop3A_1307 = tpu.vector_load %arg9[%parallel_loop3A_1305, %parallel_loop3A_1306] {strides = array<i32>} : memref<32x1024xf32, #tpu.memory_space<vmem>>, vector<16xf32>,
        %parallel_loop3A_1308 = arith.addf %parallel_loop3A_1307, %parallel_loop3A_1260 : vector<16xf32>
        %parallel_loop3A_1309 = arith.constant 0.000000e+00 : f32
        %parallel_loop3A_1310 = vector.broadcast %parallel_loop3A_1309 : f32 to vector<16xf32>
        %parallel_loop3A_1311 = arith.maximumf %parallel_loop3A_1308, %parallel_loop3A_1310 : vector<16xf32>
        %parallel_loop3A_1312 = arith.constant 24 : i32
        %parallel_loop3A_1313 = arith.addi %parallel_loop3A_1312, %add3A_1254 : i32
        %parallel_loop3A_1314 = arith.index_cast %parallel_loop3A_1313 : i32 to index
        %parallel_loop3A_1315 = arith.index_cast %parallel_loop3A_1257 : i32 to index
        %parallel_loop3A_1316 = tpu.vector_load %arg9[%parallel_loop3A_1314, %parallel_loop3A_1315] {strides = array<i32>} : memref<32x1024xf32, #tpu.memory_space<vmem>>, vector<16xf32>,
        tpu.vector_store %arg9[%parallel_loop3A_1314, %parallel_loop3A_1315], %parallel_loop3A_1311 {strides = array<i32>} : memref<32x1024xf32, #tpu.memory_space<vmem>>, vector<16xf32>,
      } {sc.loop_unroll_factor = 8 : i64, sc.parallel_access}
    }
    %scan3A_812 = arith.constant 8 : i32
    %add3A_813 = arith.constant 0 : i32
    %add3A_814 = arith.addi %add3A_813, %mul3A_2 : i32
    %add3A_815 = arith.constant 32 : i32
    %add3A_816 = arith.addi %add3A_814, %add3A_815 : i32
    %dma_start3A_817 = arith.constant 0 : i32
    %dma_start3A_818 = arith.constant 0 : i32
    %dma_start3A_819 = tpu.memref_slice %arg9[%dma_start3A_817, %dma_start3A_818] : memref<32x1024xf32, #tpu.memory_space<vmem>> -> memref<8x1024xf32, #tpu.memory_space<vmem>>
    %dma_start3A_820 = arith.constant 0 : i32
    %dma_start3A_821 = tpu.memref_slice %arg5[%add3A_816, %dma_start3A_820] : memref<8192x1024xf32, #tpu.memory_space<hbm>> -> memref<8x1024xf32, #tpu.memory_space<hbm>>
    %dma_start3A_822 = arith.constant 0 : i32
    %dma_start3A_823 = tpu.memref_slice %arg5[%add3A_816, %dma_start3A_822] : memref<8192x1024xf32, #tpu.memory_space<hbm>> -> memref<8x1024xf32, #tpu.memory_space<hbm>>
    %dma_start3A_824 = arith.constant 0 : i32
    %dma_start3A_825 = arith.constant 0 : i32
    %dma_start3A_826 = tpu.memref_slice %arg9[%dma_start3A_824, %dma_start3A_825] : memref<32x1024xf32, #tpu.memory_space<vmem>> -> memref<8x1024xf32, #tpu.memory_space<vmem>>
    tpu.enqueue_dma source(%dma_start3A_826 : memref<8x1024xf32, #tpu.memory_space<vmem>>) target(%dma_start3A_823 : memref<8x1024xf32, #tpu.memory_space<hbm>>) target_semaphore(%arg18 : memref<!tpu.dma_semaphore, #tpu.memory_space<semaphore_mem>>)
    %add3A_827 = arith.constant 2048 : i32
    %add3A_828 = arith.addi %add3A_827, %mul3A_2 : i32
    %add3A_829 = arith.constant 32 : i32
    %add3A_830 = arith.addi %add3A_828, %add3A_829 : i32
    %dma_start3A_831 = arith.constant 8 : i32
    %dma_start3A_832 = arith.constant 0 : i32
    %dma_start3A_833 = tpu.memref_slice %arg9[%dma_start3A_831, %dma_start3A_832] : memref<32x1024xf32, #tpu.memory_space<vmem>> -> memref<8x1024xf32, #tpu.memory_space<vmem>>
    %dma_start3A_834 = arith.constant 0 : i32
    %dma_start3A_835 = tpu.memref_slice %arg5[%add3A_830, %dma_start3A_834] : memref<8192x1024xf32, #tpu.memory_space<hbm>> -> memref<8x1024xf32, #tpu.memory_space<hbm>>
    %dma_start3A_836 = arith.constant 0 : i32
    %dma_start3A_837 = tpu.memref_slice %arg5[%add3A_830, %dma_start3A_836] : memref<8192x1024xf32, #tpu.memory_space<hbm>> -> memref<8x1024xf32, #tpu.memory_space<hbm>>
    %dma_start3A_838 = arith.constant 8 : i32
    %dma_start3A_839 = arith.constant 0 : i32
    %dma_start3A_840 = tpu.memref_slice %arg9[%dma_start3A_838, %dma_start3A_839] : memref<32x1024xf32, #tpu.memory_space<vmem>> -> memref<8x1024xf32, #tpu.memory_space<vmem>>
    tpu.enqueue_dma source(%dma_start3A_840 : memref<8x1024xf32, #tpu.memory_space<vmem>>) target(%dma_start3A_837 : memref<8x1024xf32, #tpu.memory_space<hbm>>) target_semaphore(%arg18 : memref<!tpu.dma_semaphore, #tpu.memory_space<semaphore_mem>>)
    %add3A_841 = arith.constant 4096 : i32
    %add3A_842 = arith.addi %add3A_841, %mul3A_2 : i32
    %add3A_843 = arith.constant 32 : i32
    %add3A_844 = arith.addi %add3A_842, %add3A_843 : i32
    %dma_start3A_845 = arith.constant 16 : i32
    %dma_start3A_846 = arith.constant 0 : i32
    %dma_start3A_847 = tpu.memref_slice %arg9[%dma_start3A_845, %dma_start3A_846] : memref<32x1024xf32, #tpu.memory_space<vmem>> -> memref<8x1024xf32, #tpu.memory_space<vmem>>
    %dma_start3A_848 = arith.constant 0 : i32
    %dma_start3A_849 = tpu.memref_slice %arg5[%add3A_844, %dma_start3A_848] : memref<8192x1024xf32, #tpu.memory_space<hbm>> -> memref<8x1024xf32, #tpu.memory_space<hbm>>
    %dma_start3A_850 = arith.constant 0 : i32
    %dma_start3A_851 = tpu.memref_slice %arg5[%add3A_844, %dma_start3A_850] : memref<8192x1024xf32, #tpu.memory_space<hbm>> -> memref<8x1024xf32, #tpu.memory_space<hbm>>
    %dma_start3A_852 = arith.constant 16 : i32
    %dma_start3A_853 = arith.constant 0 : i32
    %dma_start3A_854 = tpu.memref_slice %arg9[%dma_start3A_852, %dma_start3A_853] : memref<32x1024xf32, #tpu.memory_space<vmem>> -> memref<8x1024xf32, #tpu.memory_space<vmem>>
    tpu.enqueue_dma source(%dma_start3A_854 : memref<8x1024xf32, #tpu.memory_space<vmem>>) target(%dma_start3A_851 : memref<8x1024xf32, #tpu.memory_space<hbm>>) target_semaphore(%arg18 : memref<!tpu.dma_semaphore, #tpu.memory_space<semaphore_mem>>)
    %add3A_855 = arith.constant 6144 : i32
    %add3A_856 = arith.addi %add3A_855, %mul3A_2 : i32
    %add3A_857 = arith.constant 32 : i32
    %add3A_858 = arith.addi %add3A_856, %add3A_857 : i32
    %dma_start3A_859 = arith.constant 24 : i32
    %dma_start3A_860 = arith.constant 0 : i32
    %dma_start3A_861 = tpu.memref_slice %arg9[%dma_start3A_859, %dma_start3A_860] : memref<32x1024xf32, #tpu.memory_space<vmem>> -> memref<8x1024xf32, #tpu.memory_space<vmem>>
    %dma_start3A_862 = arith.constant 0 : i32
    %dma_start3A_863 = tpu.memref_slice %arg5[%add3A_858, %dma_start3A_862] : memref<8192x1024xf32, #tpu.memory_space<hbm>> -> memref<8x1024xf32, #tpu.memory_space<hbm>>
    %dma_start3A_864 = arith.constant 0 : i32
    %dma_start3A_865 = tpu.memref_slice %arg5[%add3A_858, %dma_start3A_864] : memref<8192x1024xf32, #tpu.memory_space<hbm>> -> memref<8x1024xf32, #tpu.memory_space<hbm>>
    %dma_start3A_866 = arith.constant 24 : i32
    %dma_start3A_867 = arith.constant 0 : i32
    %dma_start3A_868 = tpu.memref_slice %arg9[%dma_start3A_866, %dma_start3A_867] : memref<32x1024xf32, #tpu.memory_space<vmem>> -> memref<8x1024xf32, #tpu.memory_space<vmem>>
    tpu.enqueue_dma source(%dma_start3A_868 : memref<8x1024xf32, #tpu.memory_space<vmem>>) target(%dma_start3A_865 : memref<8x1024xf32, #tpu.memory_space<hbm>>) target_semaphore(%arg18 : memref<!tpu.dma_semaphore, #tpu.memory_space<semaphore_mem>>)
    %dma_wait3A_869 = arith.constant 160 : i32
    %dma_wait3A_870 = tpu.memref_slice %arg7[%dma_wait3A_869] : memref<256xi32, #tpu.memory_space<vmem>> -> memref<32xi32, #tpu.memory_space<vmem>>
    %dma_wait3A_871 = arith.constant 0 : i32
    %dma_wait3A_872 = arith.constant 0 : i32
    %dma_wait3A_873 = tpu.memref_slice %arg3[%dma_wait3A_871, %dma_wait3A_872] : memref<100000x1024xf32, #tpu.memory_space<hbm>> -> memref<100000x1024xf32, #tpu.memory_space<hbm>>
    tpu.wait_indirect_dma semaphore(%arg16 : memref<!tpu.dma_semaphore, #tpu.memory_space<semaphore_mem>>) src(%dma_wait3A_873 : memref<100000x1024xf32, #tpu.memory_space<hbm>>) dst(%arg10 : memref<32x1024xf32, #tpu.memory_space<vmem>>)
    %dma_wait3A_874 = arith.constant 0 : i32
    %dma_wait3A_875 = tpu.memref_slice %arg4[%add3A_682, %dma_wait3A_874] : memref<2048x1024xf32, #tpu.memory_space<hbm>> -> memref<8x1024xf32, #tpu.memory_space<hbm>>
    %dma_wait3A_876 = arith.constant 0 : i32
    %dma_wait3A_877 = tpu.memref_slice %arg4[%add3A_682, %dma_wait3A_876] : memref<2048x1024xf32, #tpu.memory_space<hbm>> -> memref<8x1024xf32, #tpu.memory_space<hbm>>
    tpu.wait_dma2 semaphore(%arg22 : memref<!tpu.dma_semaphore, #tpu.memory_space<semaphore_mem>>) src(%dma_wait3A_877 : memref<8x1024xf32, #tpu.memory_space<hbm>>) dst(%arg13 : memref<8x1024xf32, #tpu.memory_space<vmem>>)
    %dma_wait3A_878 = arith.constant 0 : i32
    %dma_wait3A_879 = arith.constant 0 : i32
    %dma_wait3A_880 = tpu.memref_slice %arg9[%dma_wait3A_878, %dma_wait3A_879] : memref<32x1024xf32, #tpu.memory_space<vmem>> -> memref<8x1024xf32, #tpu.memory_space<vmem>>
    %dma_wait3A_881 = arith.constant 0 : i32
    %dma_wait3A_882 = tpu.memref_slice %arg5[%add3A_816, %dma_wait3A_881] : memref<8192x1024xf32, #tpu.memory_space<hbm>> -> memref<8x1024xf32, #tpu.memory_space<hbm>>
    %dma_wait3A_883 = arith.constant 0 : i32
    %dma_wait3A_884 = tpu.memref_slice %arg5[%add3A_816, %dma_wait3A_883] : memref<8192x1024xf32, #tpu.memory_space<hbm>> -> memref<8x1024xf32, #tpu.memory_space<hbm>>
    %dma_wait3A_885 = arith.constant 0 : i32
    %dma_wait3A_886 = arith.constant 0 : i32
    %dma_wait3A_887 = tpu.memref_slice %arg9[%dma_wait3A_885, %dma_wait3A_886] : memref<32x1024xf32, #tpu.memory_space<vmem>> -> memref<8x1024xf32, #tpu.memory_space<vmem>>
    tpu.wait_dma2 semaphore(%arg18 : memref<!tpu.dma_semaphore, #tpu.memory_space<semaphore_mem>>) src(%dma_wait3A_887 : memref<8x1024xf32, #tpu.memory_space<vmem>>) dst(%dma_wait3A_884 : memref<8x1024xf32, #tpu.memory_space<hbm>>)
    %dma_wait3A_888 = arith.constant 8 : i32
    %dma_wait3A_889 = arith.constant 0 : i32
    %dma_wait3A_890 = tpu.memref_slice %arg9[%dma_wait3A_888, %dma_wait3A_889] : memref<32x1024xf32, #tpu.memory_space<vmem>> -> memref<8x1024xf32, #tpu.memory_space<vmem>>
    %dma_wait3A_891 = arith.constant 0 : i32
    %dma_wait3A_892 = tpu.memref_slice %arg5[%add3A_830, %dma_wait3A_891] : memref<8192x1024xf32, #tpu.memory_space<hbm>> -> memref<8x1024xf32, #tpu.memory_space<hbm>>
    %dma_wait3A_893 = arith.constant 0 : i32
    %dma_wait3A_894 = tpu.memref_slice %arg5[%add3A_830, %dma_wait3A_893] : memref<8192x1024xf32, #tpu.memory_space<hbm>> -> memref<8x1024xf32, #tpu.memory_space<hbm>>
    %dma_wait3A_895 = arith.constant 8 : i32
    %dma_wait3A_896 = arith.constant 0 : i32
    %dma_wait3A_897 = tpu.memref_slice %arg9[%dma_wait3A_895, %dma_wait3A_896] : memref<32x1024xf32, #tpu.memory_space<vmem>> -> memref<8x1024xf32, #tpu.memory_space<vmem>>
    tpu.wait_dma2 semaphore(%arg18 : memref<!tpu.dma_semaphore, #tpu.memory_space<semaphore_mem>>) src(%dma_wait3A_897 : memref<8x1024xf32, #tpu.memory_space<vmem>>) dst(%dma_wait3A_894 : memref<8x1024xf32, #tpu.memory_space<hbm>>)
    %dma_wait3A_898 = arith.constant 16 : i32
    %dma_wait3A_899 = arith.constant 0 : i32
    %dma_wait3A_900 = tpu.memref_slice %arg9[%dma_wait3A_898, %dma_wait3A_899] : memref<32x1024xf32, #tpu.memory_space<vmem>> -> memref<8x1024xf32, #tpu.memory_space<vmem>>
    %dma_wait3A_901 = arith.constant 0 : i32
    %dma_wait3A_902 = tpu.memref_slice %arg5[%add3A_844, %dma_wait3A_901] : memref<8192x1024xf32, #tpu.memory_space<hbm>> -> memref<8x1024xf32, #tpu.memory_space<hbm>>
    %dma_wait3A_903 = arith.constant 0 : i32
    %dma_wait3A_904 = tpu.memref_slice %arg5[%add3A_844, %dma_wait3A_903] : memref<8192x1024xf32, #tpu.memory_space<hbm>> -> memref<8x1024xf32, #tpu.memory_space<hbm>>
    %dma_wait3A_905 = arith.constant 16 : i32
    %dma_wait3A_906 = arith.constant 0 : i32
    %dma_wait3A_907 = tpu.memref_slice %arg9[%dma_wait3A_905, %dma_wait3A_906] : memref<32x1024xf32, #tpu.memory_space<vmem>> -> memref<8x1024xf32, #tpu.memory_space<vmem>>
    tpu.wait_dma2 semaphore(%arg18 : memref<!tpu.dma_semaphore, #tpu.memory_space<semaphore_mem>>) src(%dma_wait3A_907 : memref<8x1024xf32, #tpu.memory_space<vmem>>) dst(%dma_wait3A_904 : memref<8x1024xf32, #tpu.memory_space<hbm>>)
    %dma_wait3A_908 = arith.constant 24 : i32
    %dma_wait3A_909 = arith.constant 0 : i32
    %dma_wait3A_910 = tpu.memref_slice %arg9[%dma_wait3A_908, %dma_wait3A_909] : memref<32x1024xf32, #tpu.memory_space<vmem>> -> memref<8x1024xf32, #tpu.memory_space<vmem>>
    %dma_wait3A_911 = arith.constant 0 : i32
    %dma_wait3A_912 = tpu.memref_slice %arg5[%add3A_858, %dma_wait3A_911] : memref<8192x1024xf32, #tpu.memory_space<hbm>> -> memref<8x1024xf32, #tpu.memory_space<hbm>>
    %dma_wait3A_913 = arith.constant 0 : i32
    %dma_wait3A_914 = tpu.memref_slice %arg5[%add3A_858, %dma_wait3A_913] : memref<8192x1024xf32, #tpu.memory_space<hbm>> -> memref<8x1024xf32, #tpu.memory_space<hbm>>
    %dma_wait3A_915 = arith.constant 24 : i32
    %dma_wait3A_916 = arith.constant 0 : i32
    %dma_wait3A_917 = tpu.memref_slice %arg9[%dma_wait3A_915, %dma_wait3A_916] : memref<32x1024xf32, #tpu.memory_space<vmem>> -> memref<8x1024xf32, #tpu.memory_space<vmem>>
    tpu.wait_dma2 semaphore(%arg18 : memref<!tpu.dma_semaphore, #tpu.memory_space<semaphore_mem>>) src(%dma_wait3A_917 : memref<8x1024xf32, #tpu.memory_space<vmem>>) dst(%dma_wait3A_914 : memref<8x1024xf32, #tpu.memory_space<hbm>>)
    %dma_start3A_918 = arith.constant 224 : i32
    %dma_start3A_919 = tpu.memref_slice %arg7[%dma_start3A_918] : memref<256xi32, #tpu.memory_space<vmem>> -> memref<32xi32, #tpu.memory_space<vmem>>
    %dma_start3A_920 = arith.constant 0 : i32
    %dma_start3A_921 = arith.constant 0 : i32
    %dma_start3A_922 = tpu.memref_slice %arg3[%dma_start3A_920, %dma_start3A_921] : memref<100000x1024xf32, #tpu.memory_space<hbm>> -> memref<100000x1024xf32, #tpu.memory_space<hbm>>
    tpu.enqueue_indirect_dma source(%dma_start3A_922 : memref<100000x1024xf32, #tpu.memory_space<hbm>>) target(%arg9 : memref<32x1024xf32, #tpu.memory_space<vmem>>) offsets(%dma_start3A_919 : memref<32xi32, #tpu.memory_space<vmem>>) semaphore(%arg15 : memref<!tpu.dma_semaphore, #tpu.memory_space<semaphore_mem>>)
    %add3A_923 = arith.constant 56 : i32
    %add3A_924 = arith.addi %mul3A_2, %add3A_923 : i32
    %dma_start3A_925 = arith.constant 0 : i32
    %dma_start3A_926 = tpu.memref_slice %arg4[%add3A_924, %dma_start3A_925] : memref<2048x1024xf32, #tpu.memory_space<hbm>> -> memref<8x1024xf32, #tpu.memory_space<hbm>>
    %dma_start3A_927 = arith.constant 0 : i32
    %dma_start3A_928 = tpu.memref_slice %arg4[%add3A_924, %dma_start3A_927] : memref<2048x1024xf32, #tpu.memory_space<hbm>> -> memref<8x1024xf32, #tpu.memory_space<hbm>>
    tpu.enqueue_dma source(%dma_start3A_928 : memref<8x1024xf32, #tpu.memory_space<hbm>>) target(%arg12 : memref<8x1024xf32, #tpu.memory_space<vmem>>) target_semaphore(%arg21 : memref<!tpu.dma_semaphore, #tpu.memory_space<semaphore_mem>>)
    %scan3A_929 = arith.constant 0 : i32
    %scan3A_930 = arith.constant 8 : i32
    %scan3A_931 = arith.addi %scan3A_929, %scan3A_930 : i32
    %scan3A_932 = arith.constant 1 : i32
    scf.for %scan3A_1250 = %scan3A_929 to %scan3A_931 step %scan3A_932  : i32 {
      %mul3A_1251 = arith.constant 1 : i32
      %mul3A_1252 = arith.muli %scan3A_1250, %mul3A_1251 : i32
      %add3A_1253 = arith.constant 0 : i32
      %add3A_1254 = arith.addi %add3A_1253, %mul3A_1252 : i32
      %parallel_loop3A = arith.constant 0 : i32
      %parallel_loop3A_1255 = arith.constant 1024 : i32
      %parallel_loop3A_1256 = arith.constant 16 : i32
      scf.for %parallel_loop3A_1257 = %parallel_loop3A to %parallel_loop3A_1255 step %parallel_loop3A_1256  : i32 {
        %parallel_loop3A_1258 = arith.index_cast %add3A_1254 : i32 to index
        %parallel_loop3A_1259 = arith.index_cast %parallel_loop3A_1257 : i32 to index
        %parallel_loop3A_1260 = tpu.vector_load %arg13[%parallel_loop3A_1258, %parallel_loop3A_1259] {strides = array<i32>} : memref<8x1024xf32, #tpu.memory_space<vmem>>, vector<16xf32>,
        %parallel_loop3A_1261 = arith.constant 0 : i32
        %parallel_loop3A_1262 = arith.addi %parallel_loop3A_1261, %add3A_1254 : i32
        %parallel_loop3A_1263 = arith.index_cast %parallel_loop3A_1262 : i32 to index
        %parallel_loop3A_1264 = arith.index_cast %parallel_loop3A_1257 : i32 to index
        %parallel_loop3A_1265 = tpu.vector_load %arg10[%parallel_loop3A_1263, %parallel_loop3A_1264] {strides = array<i32>} : memref<32x1024xf32, #tpu.memory_space<vmem>>, vector<16xf32>,
        %parallel_loop3A_1266 = arith.addf %parallel_loop3A_1265, %parallel_loop3A_1260 : vector<16xf32>
        %parallel_loop3A_1267 = arith.constant 0.000000e+00 : f32
        %parallel_loop3A_1268 = vector.broadcast %parallel_loop3A_1267 : f32 to vector<16xf32>
        %parallel_loop3A_1269 = arith.maximumf %parallel_loop3A_1266, %parallel_loop3A_1268 : vector<16xf32>
        %parallel_loop3A_1270 = arith.constant 0 : i32
        %parallel_loop3A_1271 = arith.addi %parallel_loop3A_1270, %add3A_1254 : i32
        %parallel_loop3A_1272 = arith.index_cast %parallel_loop3A_1271 : i32 to index
        %parallel_loop3A_1273 = arith.index_cast %parallel_loop3A_1257 : i32 to index
        %parallel_loop3A_1274 = tpu.vector_load %arg10[%parallel_loop3A_1272, %parallel_loop3A_1273] {strides = array<i32>} : memref<32x1024xf32, #tpu.memory_space<vmem>>, vector<16xf32>,
        tpu.vector_store %arg10[%parallel_loop3A_1272, %parallel_loop3A_1273], %parallel_loop3A_1269 {strides = array<i32>} : memref<32x1024xf32, #tpu.memory_space<vmem>>, vector<16xf32>,
        %parallel_loop3A_1275 = arith.constant 8 : i32
        %parallel_loop3A_1276 = arith.addi %parallel_loop3A_1275, %add3A_1254 : i32
        %parallel_loop3A_1277 = arith.index_cast %parallel_loop3A_1276 : i32 to index
        %parallel_loop3A_1278 = arith.index_cast %parallel_loop3A_1257 : i32 to index
        %parallel_loop3A_1279 = tpu.vector_load %arg10[%parallel_loop3A_1277, %parallel_loop3A_1278] {strides = array<i32>} : memref<32x1024xf32, #tpu.memory_space<vmem>>, vector<16xf32>,
        %parallel_loop3A_1280 = arith.addf %parallel_loop3A_1279, %parallel_loop3A_1260 : vector<16xf32>
        %parallel_loop3A_1281 = arith.constant 0.000000e+00 : f32
        %parallel_loop3A_1282 = vector.broadcast %parallel_loop3A_1281 : f32 to vector<16xf32>
        %parallel_loop3A_1283 = arith.maximumf %parallel_loop3A_1280, %parallel_loop3A_1282 : vector<16xf32>
        %parallel_loop3A_1284 = arith.constant 8 : i32
        %parallel_loop3A_1285 = arith.addi %parallel_loop3A_1284, %add3A_1254 : i32
        %parallel_loop3A_1286 = arith.index_cast %parallel_loop3A_1285 : i32 to index
        %parallel_loop3A_1287 = arith.index_cast %parallel_loop3A_1257 : i32 to index
        %parallel_loop3A_1288 = tpu.vector_load %arg10[%parallel_loop3A_1286, %parallel_loop3A_1287] {strides = array<i32>} : memref<32x1024xf32, #tpu.memory_space<vmem>>, vector<16xf32>,
        tpu.vector_store %arg10[%parallel_loop3A_1286, %parallel_loop3A_1287], %parallel_loop3A_1283 {strides = array<i32>} : memref<32x1024xf32, #tpu.memory_space<vmem>>, vector<16xf32>,
        %parallel_loop3A_1289 = arith.constant 16 : i32
        %parallel_loop3A_1290 = arith.addi %parallel_loop3A_1289, %add3A_1254 : i32
        %parallel_loop3A_1291 = arith.index_cast %parallel_loop3A_1290 : i32 to index
        %parallel_loop3A_1292 = arith.index_cast %parallel_loop3A_1257 : i32 to index
        %parallel_loop3A_1293 = tpu.vector_load %arg10[%parallel_loop3A_1291, %parallel_loop3A_1292] {strides = array<i32>} : memref<32x1024xf32, #tpu.memory_space<vmem>>, vector<16xf32>,
        %parallel_loop3A_1294 = arith.addf %parallel_loop3A_1293, %parallel_loop3A_1260 : vector<16xf32>
        %parallel_loop3A_1295 = arith.constant 0.000000e+00 : f32
        %parallel_loop3A_1296 = vector.broadcast %parallel_loop3A_1295 : f32 to vector<16xf32>
        %parallel_loop3A_1297 = arith.maximumf %parallel_loop3A_1294, %parallel_loop3A_1296 : vector<16xf32>
        %parallel_loop3A_1298 = arith.constant 16 : i32
        %parallel_loop3A_1299 = arith.addi %parallel_loop3A_1298, %add3A_1254 : i32
        %parallel_loop3A_1300 = arith.index_cast %parallel_loop3A_1299 : i32 to index
        %parallel_loop3A_1301 = arith.index_cast %parallel_loop3A_1257 : i32 to index
        %parallel_loop3A_1302 = tpu.vector_load %arg10[%parallel_loop3A_1300, %parallel_loop3A_1301] {strides = array<i32>} : memref<32x1024xf32, #tpu.memory_space<vmem>>, vector<16xf32>,
        tpu.vector_store %arg10[%parallel_loop3A_1300, %parallel_loop3A_1301], %parallel_loop3A_1297 {strides = array<i32>} : memref<32x1024xf32, #tpu.memory_space<vmem>>, vector<16xf32>,
        %parallel_loop3A_1303 = arith.constant 24 : i32
        %parallel_loop3A_1304 = arith.addi %parallel_loop3A_1303, %add3A_1254 : i32
        %parallel_loop3A_1305 = arith.index_cast %parallel_loop3A_1304 : i32 to index
        %parallel_loop3A_1306 = arith.index_cast %parallel_loop3A_1257 : i32 to index
        %parallel_loop3A_1307 = tpu.vector_load %arg10[%parallel_loop3A_1305, %parallel_loop3A_1306] {strides = array<i32>} : memref<32x1024xf32, #tpu.memory_space<vmem>>, vector<16xf32>,
        %parallel_loop3A_1308 = arith.addf %parallel_loop3A_1307, %parallel_loop3A_1260 : vector<16xf32>
        %parallel_loop3A_1309 = arith.constant 0.000000e+00 : f32
        %parallel_loop3A_1310 = vector.broadcast %parallel_loop3A_1309 : f32 to vector<16xf32>
        %parallel_loop3A_1311 = arith.maximumf %parallel_loop3A_1308, %parallel_loop3A_1310 : vector<16xf32>
        %parallel_loop3A_1312 = arith.constant 24 : i32
        %parallel_loop3A_1313 = arith.addi %parallel_loop3A_1312, %add3A_1254 : i32
        %parallel_loop3A_1314 = arith.index_cast %parallel_loop3A_1313 : i32 to index
        %parallel_loop3A_1315 = arith.index_cast %parallel_loop3A_1257 : i32 to index
        %parallel_loop3A_1316 = tpu.vector_load %arg10[%parallel_loop3A_1314, %parallel_loop3A_1315] {strides = array<i32>} : memref<32x1024xf32, #tpu.memory_space<vmem>>, vector<16xf32>,
        tpu.vector_store %arg10[%parallel_loop3A_1314, %parallel_loop3A_1315], %parallel_loop3A_1311 {strides = array<i32>} : memref<32x1024xf32, #tpu.memory_space<vmem>>, vector<16xf32>,
      } {sc.loop_unroll_factor = 8 : i64, sc.parallel_access}
    }
    %scan3A_933 = arith.constant 8 : i32
    %add3A_934 = arith.constant 0 : i32
    %add3A_935 = arith.addi %add3A_934, %mul3A_2 : i32
    %add3A_936 = arith.constant 40 : i32
    %add3A_937 = arith.addi %add3A_935, %add3A_936 : i32
    %dma_start3A_938 = arith.constant 0 : i32
    %dma_start3A_939 = arith.constant 0 : i32
    %dma_start3A_940 = tpu.memref_slice %arg10[%dma_start3A_938, %dma_start3A_939] : memref<32x1024xf32, #tpu.memory_space<vmem>> -> memref<8x1024xf32, #tpu.memory_space<vmem>>
    %dma_start3A_941 = arith.constant 0 : i32
    %dma_start3A_942 = tpu.memref_slice %arg5[%add3A_937, %dma_start3A_941] : memref<8192x1024xf32, #tpu.memory_space<hbm>> -> memref<8x1024xf32, #tpu.memory_space<hbm>>
    %dma_start3A_943 = arith.constant 0 : i32
    %dma_start3A_944 = tpu.memref_slice %arg5[%add3A_937, %dma_start3A_943] : memref<8192x1024xf32, #tpu.memory_space<hbm>> -> memref<8x1024xf32, #tpu.memory_space<hbm>>
    %dma_start3A_945 = arith.constant 0 : i32
    %dma_start3A_946 = arith.constant 0 : i32
    %dma_start3A_947 = tpu.memref_slice %arg10[%dma_start3A_945, %dma_start3A_946] : memref<32x1024xf32, #tpu.memory_space<vmem>> -> memref<8x1024xf32, #tpu.memory_space<vmem>>
    tpu.enqueue_dma source(%dma_start3A_947 : memref<8x1024xf32, #tpu.memory_space<vmem>>) target(%dma_start3A_944 : memref<8x1024xf32, #tpu.memory_space<hbm>>) target_semaphore(%arg19 : memref<!tpu.dma_semaphore, #tpu.memory_space<semaphore_mem>>)
    %add3A_948 = arith.constant 2048 : i32
    %add3A_949 = arith.addi %add3A_948, %mul3A_2 : i32
    %add3A_950 = arith.constant 40 : i32
    %add3A_951 = arith.addi %add3A_949, %add3A_950 : i32
    %dma_start3A_952 = arith.constant 8 : i32
    %dma_start3A_953 = arith.constant 0 : i32
    %dma_start3A_954 = tpu.memref_slice %arg10[%dma_start3A_952, %dma_start3A_953] : memref<32x1024xf32, #tpu.memory_space<vmem>> -> memref<8x1024xf32, #tpu.memory_space<vmem>>
    %dma_start3A_955 = arith.constant 0 : i32
    %dma_start3A_956 = tpu.memref_slice %arg5[%add3A_951, %dma_start3A_955] : memref<8192x1024xf32, #tpu.memory_space<hbm>> -> memref<8x1024xf32, #tpu.memory_space<hbm>>
    %dma_start3A_957 = arith.constant 0 : i32
    %dma_start3A_958 = tpu.memref_slice %arg5[%add3A_951, %dma_start3A_957] : memref<8192x1024xf32, #tpu.memory_space<hbm>> -> memref<8x1024xf32, #tpu.memory_space<hbm>>
    %dma_start3A_959 = arith.constant 8 : i32
    %dma_start3A_960 = arith.constant 0 : i32
    %dma_start3A_961 = tpu.memref_slice %arg10[%dma_start3A_959, %dma_start3A_960] : memref<32x1024xf32, #tpu.memory_space<vmem>> -> memref<8x1024xf32, #tpu.memory_space<vmem>>
    tpu.enqueue_dma source(%dma_start3A_961 : memref<8x1024xf32, #tpu.memory_space<vmem>>) target(%dma_start3A_958 : memref<8x1024xf32, #tpu.memory_space<hbm>>) target_semaphore(%arg19 : memref<!tpu.dma_semaphore, #tpu.memory_space<semaphore_mem>>)
    %add3A_962 = arith.constant 4096 : i32
    %add3A_963 = arith.addi %add3A_962, %mul3A_2 : i32
    %add3A_964 = arith.constant 40 : i32
    %add3A_965 = arith.addi %add3A_963, %add3A_964 : i32
    %dma_start3A_966 = arith.constant 16 : i32
    %dma_start3A_967 = arith.constant 0 : i32
    %dma_start3A_968 = tpu.memref_slice %arg10[%dma_start3A_966, %dma_start3A_967] : memref<32x1024xf32, #tpu.memory_space<vmem>> -> memref<8x1024xf32, #tpu.memory_space<vmem>>
    %dma_start3A_969 = arith.constant 0 : i32
    %dma_start3A_970 = tpu.memref_slice %arg5[%add3A_965, %dma_start3A_969] : memref<8192x1024xf32, #tpu.memory_space<hbm>> -> memref<8x1024xf32, #tpu.memory_space<hbm>>
    %dma_start3A_971 = arith.constant 0 : i32
    %dma_start3A_972 = tpu.memref_slice %arg5[%add3A_965, %dma_start3A_971] : memref<8192x1024xf32, #tpu.memory_space<hbm>> -> memref<8x1024xf32, #tpu.memory_space<hbm>>
    %dma_start3A_973 = arith.constant 16 : i32
    %dma_start3A_974 = arith.constant 0 : i32
    %dma_start3A_975 = tpu.memref_slice %arg10[%dma_start3A_973, %dma_start3A_974] : memref<32x1024xf32, #tpu.memory_space<vmem>> -> memref<8x1024xf32, #tpu.memory_space<vmem>>
    tpu.enqueue_dma source(%dma_start3A_975 : memref<8x1024xf32, #tpu.memory_space<vmem>>) target(%dma_start3A_972 : memref<8x1024xf32, #tpu.memory_space<hbm>>) target_semaphore(%arg19 : memref<!tpu.dma_semaphore, #tpu.memory_space<semaphore_mem>>)
    %add3A_976 = arith.constant 6144 : i32
    %add3A_977 = arith.addi %add3A_976, %mul3A_2 : i32
    %add3A_978 = arith.constant 40 : i32
    %add3A_979 = arith.addi %add3A_977, %add3A_978 : i32
    %dma_start3A_980 = arith.constant 24 : i32
    %dma_start3A_981 = arith.constant 0 : i32
    %dma_start3A_982 = tpu.memref_slice %arg10[%dma_start3A_980, %dma_start3A_981] : memref<32x1024xf32, #tpu.memory_space<vmem>> -> memref<8x1024xf32, #tpu.memory_space<vmem>>
    %dma_start3A_983 = arith.constant 0 : i32
    %dma_start3A_984 = tpu.memref_slice %arg5[%add3A_979, %dma_start3A_983] : memref<8192x1024xf32, #tpu.memory_space<hbm>> -> memref<8x1024xf32, #tpu.memory_space<hbm>>
    %dma_start3A_985 = arith.constant 0 : i32
    %dma_start3A_986 = tpu.memref_slice %arg5[%add3A_979, %dma_start3A_985] : memref<8192x1024xf32, #tpu.memory_space<hbm>> -> memref<8x1024xf32, #tpu.memory_space<hbm>>
    %dma_start3A_987 = arith.constant 24 : i32
    %dma_start3A_988 = arith.constant 0 : i32
    %dma_start3A_989 = tpu.memref_slice %arg10[%dma_start3A_987, %dma_start3A_988] : memref<32x1024xf32, #tpu.memory_space<vmem>> -> memref<8x1024xf32, #tpu.memory_space<vmem>>
    tpu.enqueue_dma source(%dma_start3A_989 : memref<8x1024xf32, #tpu.memory_space<vmem>>) target(%dma_start3A_986 : memref<8x1024xf32, #tpu.memory_space<hbm>>) target_semaphore(%arg19 : memref<!tpu.dma_semaphore, #tpu.memory_space<semaphore_mem>>)
    %dma_wait3A_990 = arith.constant 192 : i32
    %dma_wait3A_991 = tpu.memref_slice %arg7[%dma_wait3A_990] : memref<256xi32, #tpu.memory_space<vmem>> -> memref<32xi32, #tpu.memory_space<vmem>>
    %dma_wait3A_992 = arith.constant 0 : i32
    %dma_wait3A_993 = arith.constant 0 : i32
    %dma_wait3A_994 = tpu.memref_slice %arg3[%dma_wait3A_992, %dma_wait3A_993] : memref<100000x1024xf32, #tpu.memory_space<hbm>> -> memref<100000x1024xf32, #tpu.memory_space<hbm>>
    tpu.wait_indirect_dma semaphore(%arg14 : memref<!tpu.dma_semaphore, #tpu.memory_space<semaphore_mem>>) src(%dma_wait3A_994 : memref<100000x1024xf32, #tpu.memory_space<hbm>>) dst(%arg8 : memref<32x1024xf32, #tpu.memory_space<vmem>>)
    %dma_wait3A_995 = arith.constant 0 : i32
    %dma_wait3A_996 = tpu.memref_slice %arg4[%add3A_803, %dma_wait3A_995] : memref<2048x1024xf32, #tpu.memory_space<hbm>> -> memref<8x1024xf32, #tpu.memory_space<hbm>>
    %dma_wait3A_997 = arith.constant 0 : i32
    %dma_wait3A_998 = tpu.memref_slice %arg4[%add3A_803, %dma_wait3A_997] : memref<2048x1024xf32, #tpu.memory_space<hbm>> -> memref<8x1024xf32, #tpu.memory_space<hbm>>
    tpu.wait_dma2 semaphore(%arg20 : memref<!tpu.dma_semaphore, #tpu.memory_space<semaphore_mem>>) src(%dma_wait3A_998 : memref<8x1024xf32, #tpu.memory_space<hbm>>) dst(%arg11 : memref<8x1024xf32, #tpu.memory_space<vmem>>)
    %scan3A_999 = arith.constant 0 : i32
    %scan3A_1000 = arith.constant 8 : i32
    %scan3A_1001 = arith.addi %scan3A_999, %scan3A_1000 : i32
    %scan3A_1002 = arith.constant 1 : i32
    scf.for %scan3A_1250 = %scan3A_999 to %scan3A_1001 step %scan3A_1002  : i32 {
      %mul3A_1251 = arith.constant 1 : i32
      %mul3A_1252 = arith.muli %scan3A_1250, %mul3A_1251 : i32
      %add3A_1253 = arith.constant 0 : i32
      %add3A_1254 = arith.addi %add3A_1253, %mul3A_1252 : i32
      %parallel_loop3A = arith.constant 0 : i32
      %parallel_loop3A_1255 = arith.constant 1024 : i32
      %parallel_loop3A_1256 = arith.constant 16 : i32
      scf.for %parallel_loop3A_1257 = %parallel_loop3A to %parallel_loop3A_1255 step %parallel_loop3A_1256  : i32 {
        %parallel_loop3A_1258 = arith.index_cast %add3A_1254 : i32 to index
        %parallel_loop3A_1259 = arith.index_cast %parallel_loop3A_1257 : i32 to index
        %parallel_loop3A_1260 = tpu.vector_load %arg11[%parallel_loop3A_1258, %parallel_loop3A_1259] {strides = array<i32>} : memref<8x1024xf32, #tpu.memory_space<vmem>>, vector<16xf32>,
        %parallel_loop3A_1261 = arith.constant 0 : i32
        %parallel_loop3A_1262 = arith.addi %parallel_loop3A_1261, %add3A_1254 : i32
        %parallel_loop3A_1263 = arith.index_cast %parallel_loop3A_1262 : i32 to index
        %parallel_loop3A_1264 = arith.index_cast %parallel_loop3A_1257 : i32 to index
        %parallel_loop3A_1265 = tpu.vector_load %arg8[%parallel_loop3A_1263, %parallel_loop3A_1264] {strides = array<i32>} : memref<32x1024xf32, #tpu.memory_space<vmem>>, vector<16xf32>,
        %parallel_loop3A_1266 = arith.addf %parallel_loop3A_1265, %parallel_loop3A_1260 : vector<16xf32>
        %parallel_loop3A_1267 = arith.constant 0.000000e+00 : f32
        %parallel_loop3A_1268 = vector.broadcast %parallel_loop3A_1267 : f32 to vector<16xf32>
        %parallel_loop3A_1269 = arith.maximumf %parallel_loop3A_1266, %parallel_loop3A_1268 : vector<16xf32>
        %parallel_loop3A_1270 = arith.constant 0 : i32
        %parallel_loop3A_1271 = arith.addi %parallel_loop3A_1270, %add3A_1254 : i32
        %parallel_loop3A_1272 = arith.index_cast %parallel_loop3A_1271 : i32 to index
        %parallel_loop3A_1273 = arith.index_cast %parallel_loop3A_1257 : i32 to index
        %parallel_loop3A_1274 = tpu.vector_load %arg8[%parallel_loop3A_1272, %parallel_loop3A_1273] {strides = array<i32>} : memref<32x1024xf32, #tpu.memory_space<vmem>>, vector<16xf32>,
        tpu.vector_store %arg8[%parallel_loop3A_1272, %parallel_loop3A_1273], %parallel_loop3A_1269 {strides = array<i32>} : memref<32x1024xf32, #tpu.memory_space<vmem>>, vector<16xf32>,
        %parallel_loop3A_1275 = arith.constant 8 : i32
        %parallel_loop3A_1276 = arith.addi %parallel_loop3A_1275, %add3A_1254 : i32
        %parallel_loop3A_1277 = arith.index_cast %parallel_loop3A_1276 : i32 to index
        %parallel_loop3A_1278 = arith.index_cast %parallel_loop3A_1257 : i32 to index
        %parallel_loop3A_1279 = tpu.vector_load %arg8[%parallel_loop3A_1277, %parallel_loop3A_1278] {strides = array<i32>} : memref<32x1024xf32, #tpu.memory_space<vmem>>, vector<16xf32>,
        %parallel_loop3A_1280 = arith.addf %parallel_loop3A_1279, %parallel_loop3A_1260 : vector<16xf32>
        %parallel_loop3A_1281 = arith.constant 0.000000e+00 : f32
        %parallel_loop3A_1282 = vector.broadcast %parallel_loop3A_1281 : f32 to vector<16xf32>
        %parallel_loop3A_1283 = arith.maximumf %parallel_loop3A_1280, %parallel_loop3A_1282 : vector<16xf32>
        %parallel_loop3A_1284 = arith.constant 8 : i32
        %parallel_loop3A_1285 = arith.addi %parallel_loop3A_1284, %add3A_1254 : i32
        %parallel_loop3A_1286 = arith.index_cast %parallel_loop3A_1285 : i32 to index
        %parallel_loop3A_1287 = arith.index_cast %parallel_loop3A_1257 : i32 to index
        %parallel_loop3A_1288 = tpu.vector_load %arg8[%parallel_loop3A_1286, %parallel_loop3A_1287] {strides = array<i32>} : memref<32x1024xf32, #tpu.memory_space<vmem>>, vector<16xf32>,
        tpu.vector_store %arg8[%parallel_loop3A_1286, %parallel_loop3A_1287], %parallel_loop3A_1283 {strides = array<i32>} : memref<32x1024xf32, #tpu.memory_space<vmem>>, vector<16xf32>,
        %parallel_loop3A_1289 = arith.constant 16 : i32
        %parallel_loop3A_1290 = arith.addi %parallel_loop3A_1289, %add3A_1254 : i32
        %parallel_loop3A_1291 = arith.index_cast %parallel_loop3A_1290 : i32 to index
        %parallel_loop3A_1292 = arith.index_cast %parallel_loop3A_1257 : i32 to index
        %parallel_loop3A_1293 = tpu.vector_load %arg8[%parallel_loop3A_1291, %parallel_loop3A_1292] {strides = array<i32>} : memref<32x1024xf32, #tpu.memory_space<vmem>>, vector<16xf32>,
        %parallel_loop3A_1294 = arith.addf %parallel_loop3A_1293, %parallel_loop3A_1260 : vector<16xf32>
        %parallel_loop3A_1295 = arith.constant 0.000000e+00 : f32
        %parallel_loop3A_1296 = vector.broadcast %parallel_loop3A_1295 : f32 to vector<16xf32>
        %parallel_loop3A_1297 = arith.maximumf %parallel_loop3A_1294, %parallel_loop3A_1296 : vector<16xf32>
        %parallel_loop3A_1298 = arith.constant 16 : i32
        %parallel_loop3A_1299 = arith.addi %parallel_loop3A_1298, %add3A_1254 : i32
        %parallel_loop3A_1300 = arith.index_cast %parallel_loop3A_1299 : i32 to index
        %parallel_loop3A_1301 = arith.index_cast %parallel_loop3A_1257 : i32 to index
        %parallel_loop3A_1302 = tpu.vector_load %arg8[%parallel_loop3A_1300, %parallel_loop3A_1301] {strides = array<i32>} : memref<32x1024xf32, #tpu.memory_space<vmem>>, vector<16xf32>,
        tpu.vector_store %arg8[%parallel_loop3A_1300, %parallel_loop3A_1301], %parallel_loop3A_1297 {strides = array<i32>} : memref<32x1024xf32, #tpu.memory_space<vmem>>, vector<16xf32>,
        %parallel_loop3A_1303 = arith.constant 24 : i32
        %parallel_loop3A_1304 = arith.addi %parallel_loop3A_1303, %add3A_1254 : i32
        %parallel_loop3A_1305 = arith.index_cast %parallel_loop3A_1304 : i32 to index
        %parallel_loop3A_1306 = arith.index_cast %parallel_loop3A_1257 : i32 to index
        %parallel_loop3A_1307 = tpu.vector_load %arg8[%parallel_loop3A_1305, %parallel_loop3A_1306] {strides = array<i32>} : memref<32x1024xf32, #tpu.memory_space<vmem>>, vector<16xf32>,
        %parallel_loop3A_1308 = arith.addf %parallel_loop3A_1307, %parallel_loop3A_1260 : vector<16xf32>
        %parallel_loop3A_1309 = arith.constant 0.000000e+00 : f32
        %parallel_loop3A_1310 = vector.broadcast %parallel_loop3A_1309 : f32 to vector<16xf32>
        %parallel_loop3A_1311 = arith.maximumf %parallel_loop3A_1308, %parallel_loop3A_1310 : vector<16xf32>
        %parallel_loop3A_1312 = arith.constant 24 : i32
        %parallel_loop3A_1313 = arith.addi %parallel_loop3A_1312, %add3A_1254 : i32
        %parallel_loop3A_1314 = arith.index_cast %parallel_loop3A_1313 : i32 to index
        %parallel_loop3A_1315 = arith.index_cast %parallel_loop3A_1257 : i32 to index
        %parallel_loop3A_1316 = tpu.vector_load %arg8[%parallel_loop3A_1314, %parallel_loop3A_1315] {strides = array<i32>} : memref<32x1024xf32, #tpu.memory_space<vmem>>, vector<16xf32>,
        tpu.vector_store %arg8[%parallel_loop3A_1314, %parallel_loop3A_1315], %parallel_loop3A_1311 {strides = array<i32>} : memref<32x1024xf32, #tpu.memory_space<vmem>>, vector<16xf32>,
      } {sc.loop_unroll_factor = 8 : i64, sc.parallel_access}
    }
    %scan3A_1003 = arith.constant 8 : i32
    %add3A_1004 = arith.constant 0 : i32
    %add3A_1005 = arith.addi %add3A_1004, %mul3A_2 : i32
    %add3A_1006 = arith.constant 48 : i32
    %add3A_1007 = arith.addi %add3A_1005, %add3A_1006 : i32
    %dma_start3A_1008 = arith.constant 0 : i32
    %dma_start3A_1009 = arith.constant 0 : i32
    %dma_start3A_1010 = tpu.memref_slice %arg8[%dma_start3A_1008, %dma_start3A_1009] : memref<32x1024xf32, #tpu.memory_space<vmem>> -> memref<8x1024xf32, #tpu.memory_space<vmem>>
    %dma_start3A_1011 = arith.constant 0 : i32
    %dma_start3A_1012 = tpu.memref_slice %arg5[%add3A_1007, %dma_start3A_1011] : memref<8192x1024xf32, #tpu.memory_space<hbm>> -> memref<8x1024xf32, #tpu.memory_space<hbm>>
    %dma_start3A_1013 = arith.constant 0 : i32
    %dma_start3A_1014 = tpu.memref_slice %arg5[%add3A_1007, %dma_start3A_1013] : memref<8192x1024xf32, #tpu.memory_space<hbm>> -> memref<8x1024xf32, #tpu.memory_space<hbm>>
    %dma_start3A_1015 = arith.constant 0 : i32
    %dma_start3A_1016 = arith.constant 0 : i32
    %dma_start3A_1017 = tpu.memref_slice %arg8[%dma_start3A_1015, %dma_start3A_1016] : memref<32x1024xf32, #tpu.memory_space<vmem>> -> memref<8x1024xf32, #tpu.memory_space<vmem>>
    tpu.enqueue_dma source(%dma_start3A_1017 : memref<8x1024xf32, #tpu.memory_space<vmem>>) target(%dma_start3A_1014 : memref<8x1024xf32, #tpu.memory_space<hbm>>) target_semaphore(%arg17 : memref<!tpu.dma_semaphore, #tpu.memory_space<semaphore_mem>>)
    %add3A_1018 = arith.constant 2048 : i32
    %add3A_1019 = arith.addi %add3A_1018, %mul3A_2 : i32
    %add3A_1020 = arith.constant 48 : i32
    %add3A_1021 = arith.addi %add3A_1019, %add3A_1020 : i32
    %dma_start3A_1022 = arith.constant 8 : i32
    %dma_start3A_1023 = arith.constant 0 : i32
    %dma_start3A_1024 = tpu.memref_slice %arg8[%dma_start3A_1022, %dma_start3A_1023] : memref<32x1024xf32, #tpu.memory_space<vmem>> -> memref<8x1024xf32, #tpu.memory_space<vmem>>
    %dma_start3A_1025 = arith.constant 0 : i32
    %dma_start3A_1026 = tpu.memref_slice %arg5[%add3A_1021, %dma_start3A_1025] : memref<8192x1024xf32, #tpu.memory_space<hbm>> -> memref<8x1024xf32, #tpu.memory_space<hbm>>
    %dma_start3A_1027 = arith.constant 0 : i32
    %dma_start3A_1028 = tpu.memref_slice %arg5[%add3A_1021, %dma_start3A_1027] : memref<8192x1024xf32, #tpu.memory_space<hbm>> -> memref<8x1024xf32, #tpu.memory_space<hbm>>
    %dma_start3A_1029 = arith.constant 8 : i32
    %dma_start3A_1030 = arith.constant 0 : i32
    %dma_start3A_1031 = tpu.memref_slice %arg8[%dma_start3A_1029, %dma_start3A_1030] : memref<32x1024xf32, #tpu.memory_space<vmem>> -> memref<8x1024xf32, #tpu.memory_space<vmem>>
    tpu.enqueue_dma source(%dma_start3A_1031 : memref<8x1024xf32, #tpu.memory_space<vmem>>) target(%dma_start3A_1028 : memref<8x1024xf32, #tpu.memory_space<hbm>>) target_semaphore(%arg17 : memref<!tpu.dma_semaphore, #tpu.memory_space<semaphore_mem>>)
    %add3A_1032 = arith.constant 4096 : i32
    %add3A_1033 = arith.addi %add3A_1032, %mul3A_2 : i32
    %add3A_1034 = arith.constant 48 : i32
    %add3A_1035 = arith.addi %add3A_1033, %add3A_1034 : i32
    %dma_start3A_1036 = arith.constant 16 : i32
    %dma_start3A_1037 = arith.constant 0 : i32
    %dma_start3A_1038 = tpu.memref_slice %arg8[%dma_start3A_1036, %dma_start3A_1037] : memref<32x1024xf32, #tpu.memory_space<vmem>> -> memref<8x1024xf32, #tpu.memory_space<vmem>>
    %dma_start3A_1039 = arith.constant 0 : i32
    %dma_start3A_1040 = tpu.memref_slice %arg5[%add3A_1035, %dma_start3A_1039] : memref<8192x1024xf32, #tpu.memory_space<hbm>> -> memref<8x1024xf32, #tpu.memory_space<hbm>>
    %dma_start3A_1041 = arith.constant 0 : i32
    %dma_start3A_1042 = tpu.memref_slice %arg5[%add3A_1035, %dma_start3A_1041] : memref<8192x1024xf32, #tpu.memory_space<hbm>> -> memref<8x1024xf32, #tpu.memory_space<hbm>>
    %dma_start3A_1043 = arith.constant 16 : i32
    %dma_start3A_1044 = arith.constant 0 : i32
    %dma_start3A_1045 = tpu.memref_slice %arg8[%dma_start3A_1043, %dma_start3A_1044] : memref<32x1024xf32, #tpu.memory_space<vmem>> -> memref<8x1024xf32, #tpu.memory_space<vmem>>
    tpu.enqueue_dma source(%dma_start3A_1045 : memref<8x1024xf32, #tpu.memory_space<vmem>>) target(%dma_start3A_1042 : memref<8x1024xf32, #tpu.memory_space<hbm>>) target_semaphore(%arg17 : memref<!tpu.dma_semaphore, #tpu.memory_space<semaphore_mem>>)
    %add3A_1046 = arith.constant 6144 : i32
    %add3A_1047 = arith.addi %add3A_1046, %mul3A_2 : i32
    %add3A_1048 = arith.constant 48 : i32
    %add3A_1049 = arith.addi %add3A_1047, %add3A_1048 : i32
    %dma_start3A_1050 = arith.constant 24 : i32
    %dma_start3A_1051 = arith.constant 0 : i32
    %dma_start3A_1052 = tpu.memref_slice %arg8[%dma_start3A_1050, %dma_start3A_1051] : memref<32x1024xf32, #tpu.memory_space<vmem>> -> memref<8x1024xf32, #tpu.memory_space<vmem>>
    %dma_start3A_1053 = arith.constant 0 : i32
    %dma_start3A_1054 = tpu.memref_slice %arg5[%add3A_1049, %dma_start3A_1053] : memref<8192x1024xf32, #tpu.memory_space<hbm>> -> memref<8x1024xf32, #tpu.memory_space<hbm>>
    %dma_start3A_1055 = arith.constant 0 : i32
    %dma_start3A_1056 = tpu.memref_slice %arg5[%add3A_1049, %dma_start3A_1055] : memref<8192x1024xf32, #tpu.memory_space<hbm>> -> memref<8x1024xf32, #tpu.memory_space<hbm>>
    %dma_start3A_1057 = arith.constant 24 : i32
    %dma_start3A_1058 = arith.constant 0 : i32
    %dma_start3A_1059 = tpu.memref_slice %arg8[%dma_start3A_1057, %dma_start3A_1058] : memref<32x1024xf32, #tpu.memory_space<vmem>> -> memref<8x1024xf32, #tpu.memory_space<vmem>>
    tpu.enqueue_dma source(%dma_start3A_1059 : memref<8x1024xf32, #tpu.memory_space<vmem>>) target(%dma_start3A_1056 : memref<8x1024xf32, #tpu.memory_space<hbm>>) target_semaphore(%arg17 : memref<!tpu.dma_semaphore, #tpu.memory_space<semaphore_mem>>)
    %dma_wait3A_1060 = arith.constant 224 : i32
    %dma_wait3A_1061 = tpu.memref_slice %arg7[%dma_wait3A_1060] : memref<256xi32, #tpu.memory_space<vmem>> -> memref<32xi32, #tpu.memory_space<vmem>>
    %dma_wait3A_1062 = arith.constant 0 : i32
    %dma_wait3A_1063 = arith.constant 0 : i32
    %dma_wait3A_1064 = tpu.memref_slice %arg3[%dma_wait3A_1062, %dma_wait3A_1063] : memref<100000x1024xf32, #tpu.memory_space<hbm>> -> memref<100000x1024xf32, #tpu.memory_space<hbm>>
    tpu.wait_indirect_dma semaphore(%arg15 : memref<!tpu.dma_semaphore, #tpu.memory_space<semaphore_mem>>) src(%dma_wait3A_1064 : memref<100000x1024xf32, #tpu.memory_space<hbm>>) dst(%arg9 : memref<32x1024xf32, #tpu.memory_space<vmem>>)
    %dma_wait3A_1065 = arith.constant 0 : i32
    %dma_wait3A_1066 = tpu.memref_slice %arg4[%add3A_924, %dma_wait3A_1065] : memref<2048x1024xf32, #tpu.memory_space<hbm>> -> memref<8x1024xf32, #tpu.memory_space<hbm>>
    %dma_wait3A_1067 = arith.constant 0 : i32
    %dma_wait3A_1068 = tpu.memref_slice %arg4[%add3A_924, %dma_wait3A_1067] : memref<2048x1024xf32, #tpu.memory_space<hbm>> -> memref<8x1024xf32, #tpu.memory_space<hbm>>
    tpu.wait_dma2 semaphore(%arg21 : memref<!tpu.dma_semaphore, #tpu.memory_space<semaphore_mem>>) src(%dma_wait3A_1068 : memref<8x1024xf32, #tpu.memory_space<hbm>>) dst(%arg12 : memref<8x1024xf32, #tpu.memory_space<vmem>>)
    %scan3A_1069 = arith.constant 0 : i32
    %scan3A_1070 = arith.constant 8 : i32
    %scan3A_1071 = arith.addi %scan3A_1069, %scan3A_1070 : i32
    %scan3A_1072 = arith.constant 1 : i32
    scf.for %scan3A_1250 = %scan3A_1069 to %scan3A_1071 step %scan3A_1072  : i32 {
      %mul3A_1251 = arith.constant 1 : i32
      %mul3A_1252 = arith.muli %scan3A_1250, %mul3A_1251 : i32
      %add3A_1253 = arith.constant 0 : i32
      %add3A_1254 = arith.addi %add3A_1253, %mul3A_1252 : i32
      %parallel_loop3A = arith.constant 0 : i32
      %parallel_loop3A_1255 = arith.constant 1024 : i32
      %parallel_loop3A_1256 = arith.constant 16 : i32
      scf.for %parallel_loop3A_1257 = %parallel_loop3A to %parallel_loop3A_1255 step %parallel_loop3A_1256  : i32 {
        %parallel_loop3A_1258 = arith.index_cast %add3A_1254 : i32 to index
        %parallel_loop3A_1259 = arith.index_cast %parallel_loop3A_1257 : i32 to index
        %parallel_loop3A_1260 = tpu.vector_load %arg12[%parallel_loop3A_1258, %parallel_loop3A_1259] {strides = array<i32>} : memref<8x1024xf32, #tpu.memory_space<vmem>>, vector<16xf32>,
        %parallel_loop3A_1261 = arith.constant 0 : i32
        %parallel_loop3A_1262 = arith.addi %parallel_loop3A_1261, %add3A_1254 : i32
        %parallel_loop3A_1263 = arith.index_cast %parallel_loop3A_1262 : i32 to index
        %parallel_loop3A_1264 = arith.index_cast %parallel_loop3A_1257 : i32 to index
        %parallel_loop3A_1265 = tpu.vector_load %arg9[%parallel_loop3A_1263, %parallel_loop3A_1264] {strides = array<i32>} : memref<32x1024xf32, #tpu.memory_space<vmem>>, vector<16xf32>,
        %parallel_loop3A_1266 = arith.addf %parallel_loop3A_1265, %parallel_loop3A_1260 : vector<16xf32>
        %parallel_loop3A_1267 = arith.constant 0.000000e+00 : f32
        %parallel_loop3A_1268 = vector.broadcast %parallel_loop3A_1267 : f32 to vector<16xf32>
        %parallel_loop3A_1269 = arith.maximumf %parallel_loop3A_1266, %parallel_loop3A_1268 : vector<16xf32>
        %parallel_loop3A_1270 = arith.constant 0 : i32
        %parallel_loop3A_1271 = arith.addi %parallel_loop3A_1270, %add3A_1254 : i32
        %parallel_loop3A_1272 = arith.index_cast %parallel_loop3A_1271 : i32 to index
        %parallel_loop3A_1273 = arith.index_cast %parallel_loop3A_1257 : i32 to index
        %parallel_loop3A_1274 = tpu.vector_load %arg9[%parallel_loop3A_1272, %parallel_loop3A_1273] {strides = array<i32>} : memref<32x1024xf32, #tpu.memory_space<vmem>>, vector<16xf32>,
        tpu.vector_store %arg9[%parallel_loop3A_1272, %parallel_loop3A_1273], %parallel_loop3A_1269 {strides = array<i32>} : memref<32x1024xf32, #tpu.memory_space<vmem>>, vector<16xf32>,
        %parallel_loop3A_1275 = arith.constant 8 : i32
        %parallel_loop3A_1276 = arith.addi %parallel_loop3A_1275, %add3A_1254 : i32
        %parallel_loop3A_1277 = arith.index_cast %parallel_loop3A_1276 : i32 to index
        %parallel_loop3A_1278 = arith.index_cast %parallel_loop3A_1257 : i32 to index
        %parallel_loop3A_1279 = tpu.vector_load %arg9[%parallel_loop3A_1277, %parallel_loop3A_1278] {strides = array<i32>} : memref<32x1024xf32, #tpu.memory_space<vmem>>, vector<16xf32>,
        %parallel_loop3A_1280 = arith.addf %parallel_loop3A_1279, %parallel_loop3A_1260 : vector<16xf32>
        %parallel_loop3A_1281 = arith.constant 0.000000e+00 : f32
        %parallel_loop3A_1282 = vector.broadcast %parallel_loop3A_1281 : f32 to vector<16xf32>
        %parallel_loop3A_1283 = arith.maximumf %parallel_loop3A_1280, %parallel_loop3A_1282 : vector<16xf32>
        %parallel_loop3A_1284 = arith.constant 8 : i32
        %parallel_loop3A_1285 = arith.addi %parallel_loop3A_1284, %add3A_1254 : i32
        %parallel_loop3A_1286 = arith.index_cast %parallel_loop3A_1285 : i32 to index
        %parallel_loop3A_1287 = arith.index_cast %parallel_loop3A_1257 : i32 to index
        %parallel_loop3A_1288 = tpu.vector_load %arg9[%parallel_loop3A_1286, %parallel_loop3A_1287] {strides = array<i32>} : memref<32x1024xf32, #tpu.memory_space<vmem>>, vector<16xf32>,
        tpu.vector_store %arg9[%parallel_loop3A_1286, %parallel_loop3A_1287], %parallel_loop3A_1283 {strides = array<i32>} : memref<32x1024xf32, #tpu.memory_space<vmem>>, vector<16xf32>,
        %parallel_loop3A_1289 = arith.constant 16 : i32
        %parallel_loop3A_1290 = arith.addi %parallel_loop3A_1289, %add3A_1254 : i32
        %parallel_loop3A_1291 = arith.index_cast %parallel_loop3A_1290 : i32 to index
        %parallel_loop3A_1292 = arith.index_cast %parallel_loop3A_1257 : i32 to index
        %parallel_loop3A_1293 = tpu.vector_load %arg9[%parallel_loop3A_1291, %parallel_loop3A_1292] {strides = array<i32>} : memref<32x1024xf32, #tpu.memory_space<vmem>>, vector<16xf32>,
        %parallel_loop3A_1294 = arith.addf %parallel_loop3A_1293, %parallel_loop3A_1260 : vector<16xf32>
        %parallel_loop3A_1295 = arith.constant 0.000000e+00 : f32
        %parallel_loop3A_1296 = vector.broadcast %parallel_loop3A_1295 : f32 to vector<16xf32>
        %parallel_loop3A_1297 = arith.maximumf %parallel_loop3A_1294, %parallel_loop3A_1296 : vector<16xf32>
        %parallel_loop3A_1298 = arith.constant 16 : i32
        %parallel_loop3A_1299 = arith.addi %parallel_loop3A_1298, %add3A_1254 : i32
        %parallel_loop3A_1300 = arith.index_cast %parallel_loop3A_1299 : i32 to index
        %parallel_loop3A_1301 = arith.index_cast %parallel_loop3A_1257 : i32 to index
        %parallel_loop3A_1302 = tpu.vector_load %arg9[%parallel_loop3A_1300, %parallel_loop3A_1301] {strides = array<i32>} : memref<32x1024xf32, #tpu.memory_space<vmem>>, vector<16xf32>,
        tpu.vector_store %arg9[%parallel_loop3A_1300, %parallel_loop3A_1301], %parallel_loop3A_1297 {strides = array<i32>} : memref<32x1024xf32, #tpu.memory_space<vmem>>, vector<16xf32>,
        %parallel_loop3A_1303 = arith.constant 24 : i32
        %parallel_loop3A_1304 = arith.addi %parallel_loop3A_1303, %add3A_1254 : i32
        %parallel_loop3A_1305 = arith.index_cast %parallel_loop3A_1304 : i32 to index
        %parallel_loop3A_1306 = arith.index_cast %parallel_loop3A_1257 : i32 to index
        %parallel_loop3A_1307 = tpu.vector_load %arg9[%parallel_loop3A_1305, %parallel_loop3A_1306] {strides = array<i32>} : memref<32x1024xf32, #tpu.memory_space<vmem>>, vector<16xf32>,
        %parallel_loop3A_1308 = arith.addf %parallel_loop3A_1307, %parallel_loop3A_1260 : vector<16xf32>
        %parallel_loop3A_1309 = arith.constant 0.000000e+00 : f32
        %parallel_loop3A_1310 = vector.broadcast %parallel_loop3A_1309 : f32 to vector<16xf32>
        %parallel_loop3A_1311 = arith.maximumf %parallel_loop3A_1308, %parallel_loop3A_1310 : vector<16xf32>
        %parallel_loop3A_1312 = arith.constant 24 : i32
        %parallel_loop3A_1313 = arith.addi %parallel_loop3A_1312, %add3A_1254 : i32
        %parallel_loop3A_1314 = arith.index_cast %parallel_loop3A_1313 : i32 to index
        %parallel_loop3A_1315 = arith.index_cast %parallel_loop3A_1257 : i32 to index
        %parallel_loop3A_1316 = tpu.vector_load %arg9[%parallel_loop3A_1314, %parallel_loop3A_1315] {strides = array<i32>} : memref<32x1024xf32, #tpu.memory_space<vmem>>, vector<16xf32>,
        tpu.vector_store %arg9[%parallel_loop3A_1314, %parallel_loop3A_1315], %parallel_loop3A_1311 {strides = array<i32>} : memref<32x1024xf32, #tpu.memory_space<vmem>>, vector<16xf32>,
      } {sc.loop_unroll_factor = 8 : i64, sc.parallel_access}
    }
    %scan3A_1073 = arith.constant 8 : i32
    %add3A_1074 = arith.constant 0 : i32
    %add3A_1075 = arith.addi %add3A_1074, %mul3A_2 : i32
    %add3A_1076 = arith.constant 56 : i32
    %add3A_1077 = arith.addi %add3A_1075, %add3A_1076 : i32
    %dma_start3A_1078 = arith.constant 0 : i32
    %dma_start3A_1079 = arith.constant 0 : i32
    %dma_start3A_1080 = tpu.memref_slice %arg9[%dma_start3A_1078, %dma_start3A_1079] : memref<32x1024xf32, #tpu.memory_space<vmem>> -> memref<8x1024xf32, #tpu.memory_space<vmem>>
    %dma_start3A_1081 = arith.constant 0 : i32
    %dma_start3A_1082 = tpu.memref_slice %arg5[%add3A_1077, %dma_start3A_1081] : memref<8192x1024xf32, #tpu.memory_space<hbm>> -> memref<8x1024xf32, #tpu.memory_space<hbm>>
    %dma_start3A_1083 = arith.constant 0 : i32
    %dma_start3A_1084 = tpu.memref_slice %arg5[%add3A_1077, %dma_start3A_1083] : memref<8192x1024xf32, #tpu.memory_space<hbm>> -> memref<8x1024xf32, #tpu.memory_space<hbm>>
    %dma_start3A_1085 = arith.constant 0 : i32
    %dma_start3A_1086 = arith.constant 0 : i32
    %dma_start3A_1087 = tpu.memref_slice %arg9[%dma_start3A_1085, %dma_start3A_1086] : memref<32x1024xf32, #tpu.memory_space<vmem>> -> memref<8x1024xf32, #tpu.memory_space<vmem>>
    tpu.enqueue_dma source(%dma_start3A_1087 : memref<8x1024xf32, #tpu.memory_space<vmem>>) target(%dma_start3A_1084 : memref<8x1024xf32, #tpu.memory_space<hbm>>) target_semaphore(%arg18 : memref<!tpu.dma_semaphore, #tpu.memory_space<semaphore_mem>>)
    %add3A_1088 = arith.constant 2048 : i32
    %add3A_1089 = arith.addi %add3A_1088, %mul3A_2 : i32
    %add3A_1090 = arith.constant 56 : i32
    %add3A_1091 = arith.addi %add3A_1089, %add3A_1090 : i32
    %dma_start3A_1092 = arith.constant 8 : i32
    %dma_start3A_1093 = arith.constant 0 : i32
    %dma_start3A_1094 = tpu.memref_slice %arg9[%dma_start3A_1092, %dma_start3A_1093] : memref<32x1024xf32, #tpu.memory_space<vmem>> -> memref<8x1024xf32, #tpu.memory_space<vmem>>
    %dma_start3A_1095 = arith.constant 0 : i32
    %dma_start3A_1096 = tpu.memref_slice %arg5[%add3A_1091, %dma_start3A_1095] : memref<8192x1024xf32, #tpu.memory_space<hbm>> -> memref<8x1024xf32, #tpu.memory_space<hbm>>
    %dma_start3A_1097 = arith.constant 0 : i32
    %dma_start3A_1098 = tpu.memref_slice %arg5[%add3A_1091, %dma_start3A_1097] : memref<8192x1024xf32, #tpu.memory_space<hbm>> -> memref<8x1024xf32, #tpu.memory_space<hbm>>
    %dma_start3A_1099 = arith.constant 8 : i32
    %dma_start3A_1100 = arith.constant 0 : i32
    %dma_start3A_1101 = tpu.memref_slice %arg9[%dma_start3A_1099, %dma_start3A_1100] : memref<32x1024xf32, #tpu.memory_space<vmem>> -> memref<8x1024xf32, #tpu.memory_space<vmem>>
    tpu.enqueue_dma source(%dma_start3A_1101 : memref<8x1024xf32, #tpu.memory_space<vmem>>) target(%dma_start3A_1098 : memref<8x1024xf32, #tpu.memory_space<hbm>>) target_semaphore(%arg18 : memref<!tpu.dma_semaphore, #tpu.memory_space<semaphore_mem>>)
    %add3A_1102 = arith.constant 4096 : i32
    %add3A_1103 = arith.addi %add3A_1102, %mul3A_2 : i32
    %add3A_1104 = arith.constant 56 : i32
    %add3A_1105 = arith.addi %add3A_1103, %add3A_1104 : i32
    %dma_start3A_1106 = arith.constant 16 : i32
    %dma_start3A_1107 = arith.constant 0 : i32
    %dma_start3A_1108 = tpu.memref_slice %arg9[%dma_start3A_1106, %dma_start3A_1107] : memref<32x1024xf32, #tpu.memory_space<vmem>> -> memref<8x1024xf32, #tpu.memory_space<vmem>>
    %dma_start3A_1109 = arith.constant 0 : i32
    %dma_start3A_1110 = tpu.memref_slice %arg5[%add3A_1105, %dma_start3A_1109] : memref<8192x1024xf32, #tpu.memory_space<hbm>> -> memref<8x1024xf32, #tpu.memory_space<hbm>>
    %dma_start3A_1111 = arith.constant 0 : i32
    %dma_start3A_1112 = tpu.memref_slice %arg5[%add3A_1105, %dma_start3A_1111] : memref<8192x1024xf32, #tpu.memory_space<hbm>> -> memref<8x1024xf32, #tpu.memory_space<hbm>>
    %dma_start3A_1113 = arith.constant 16 : i32
    %dma_start3A_1114 = arith.constant 0 : i32
    %dma_start3A_1115 = tpu.memref_slice %arg9[%dma_start3A_1113, %dma_start3A_1114] : memref<32x1024xf32, #tpu.memory_space<vmem>> -> memref<8x1024xf32, #tpu.memory_space<vmem>>
    tpu.enqueue_dma source(%dma_start3A_1115 : memref<8x1024xf32, #tpu.memory_space<vmem>>) target(%dma_start3A_1112 : memref<8x1024xf32, #tpu.memory_space<hbm>>) target_semaphore(%arg18 : memref<!tpu.dma_semaphore, #tpu.memory_space<semaphore_mem>>)
    %add3A_1116 = arith.constant 6144 : i32
    %add3A_1117 = arith.addi %add3A_1116, %mul3A_2 : i32
    %add3A_1118 = arith.constant 56 : i32
    %add3A_1119 = arith.addi %add3A_1117, %add3A_1118 : i32
    %dma_start3A_1120 = arith.constant 24 : i32
    %dma_start3A_1121 = arith.constant 0 : i32
    %dma_start3A_1122 = tpu.memref_slice %arg9[%dma_start3A_1120, %dma_start3A_1121] : memref<32x1024xf32, #tpu.memory_space<vmem>> -> memref<8x1024xf32, #tpu.memory_space<vmem>>
    %dma_start3A_1123 = arith.constant 0 : i32
    %dma_start3A_1124 = tpu.memref_slice %arg5[%add3A_1119, %dma_start3A_1123] : memref<8192x1024xf32, #tpu.memory_space<hbm>> -> memref<8x1024xf32, #tpu.memory_space<hbm>>
    %dma_start3A_1125 = arith.constant 0 : i32
    %dma_start3A_1126 = tpu.memref_slice %arg5[%add3A_1119, %dma_start3A_1125] : memref<8192x1024xf32, #tpu.memory_space<hbm>> -> memref<8x1024xf32, #tpu.memory_space<hbm>>
    %dma_start3A_1127 = arith.constant 24 : i32
    %dma_start3A_1128 = arith.constant 0 : i32
    %dma_start3A_1129 = tpu.memref_slice %arg9[%dma_start3A_1127, %dma_start3A_1128] : memref<32x1024xf32, #tpu.memory_space<vmem>> -> memref<8x1024xf32, #tpu.memory_space<vmem>>
    tpu.enqueue_dma source(%dma_start3A_1129 : memref<8x1024xf32, #tpu.memory_space<vmem>>) target(%dma_start3A_1126 : memref<8x1024xf32, #tpu.memory_space<hbm>>) target_semaphore(%arg18 : memref<!tpu.dma_semaphore, #tpu.memory_space<semaphore_mem>>)
    %dma_wait3A_1130 = arith.constant 0 : i32
    %dma_wait3A_1131 = arith.constant 0 : i32
    %dma_wait3A_1132 = tpu.memref_slice %arg10[%dma_wait3A_1130, %dma_wait3A_1131] : memref<32x1024xf32, #tpu.memory_space<vmem>> -> memref<8x1024xf32, #tpu.memory_space<vmem>>
    %dma_wait3A_1133 = arith.constant 0 : i32
    %dma_wait3A_1134 = tpu.memref_slice %arg5[%add3A_937, %dma_wait3A_1133] : memref<8192x1024xf32, #tpu.memory_space<hbm>> -> memref<8x1024xf32, #tpu.memory_space<hbm>>
    %dma_wait3A_1135 = arith.constant 0 : i32
    %dma_wait3A_1136 = tpu.memref_slice %arg5[%add3A_937, %dma_wait3A_1135] : memref<8192x1024xf32, #tpu.memory_space<hbm>> -> memref<8x1024xf32, #tpu.memory_space<hbm>>
    %dma_wait3A_1137 = arith.constant 0 : i32
    %dma_wait3A_1138 = arith.constant 0 : i32
    %dma_wait3A_1139 = tpu.memref_slice %arg10[%dma_wait3A_1137, %dma_wait3A_1138] : memref<32x1024xf32, #tpu.memory_space<vmem>> -> memref<8x1024xf32, #tpu.memory_space<vmem>>
    tpu.wait_dma2 semaphore(%arg19 : memref<!tpu.dma_semaphore, #tpu.memory_space<semaphore_mem>>) src(%dma_wait3A_1139 : memref<8x1024xf32, #tpu.memory_space<vmem>>) dst(%dma_wait3A_1136 : memref<8x1024xf32, #tpu.memory_space<hbm>>)
    %dma_wait3A_1140 = arith.constant 8 : i32
    %dma_wait3A_1141 = arith.constant 0 : i32
    %dma_wait3A_1142 = tpu.memref_slice %arg10[%dma_wait3A_1140, %dma_wait3A_1141] : memref<32x1024xf32, #tpu.memory_space<vmem>> -> memref<8x1024xf32, #tpu.memory_space<vmem>>
    %dma_wait3A_1143 = arith.constant 0 : i32
    %dma_wait3A_1144 = tpu.memref_slice %arg5[%add3A_951, %dma_wait3A_1143] : memref<8192x1024xf32, #tpu.memory_space<hbm>> -> memref<8x1024xf32, #tpu.memory_space<hbm>>
    %dma_wait3A_1145 = arith.constant 0 : i32
    %dma_wait3A_1146 = tpu.memref_slice %arg5[%add3A_951, %dma_wait3A_1145] : memref<8192x1024xf32, #tpu.memory_space<hbm>> -> memref<8x1024xf32, #tpu.memory_space<hbm>>
    %dma_wait3A_1147 = arith.constant 8 : i32
    %dma_wait3A_1148 = arith.constant 0 : i32
    %dma_wait3A_1149 = tpu.memref_slice %arg10[%dma_wait3A_1147, %dma_wait3A_1148] : memref<32x1024xf32, #tpu.memory_space<vmem>> -> memref<8x1024xf32, #tpu.memory_space<vmem>>
    tpu.wait_dma2 semaphore(%arg19 : memref<!tpu.dma_semaphore, #tpu.memory_space<semaphore_mem>>) src(%dma_wait3A_1149 : memref<8x1024xf32, #tpu.memory_space<vmem>>) dst(%dma_wait3A_1146 : memref<8x1024xf32, #tpu.memory_space<hbm>>)
    %dma_wait3A_1150 = arith.constant 16 : i32
    %dma_wait3A_1151 = arith.constant 0 : i32
    %dma_wait3A_1152 = tpu.memref_slice %arg10[%dma_wait3A_1150, %dma_wait3A_1151] : memref<32x1024xf32, #tpu.memory_space<vmem>> -> memref<8x1024xf32, #tpu.memory_space<vmem>>
    %dma_wait3A_1153 = arith.constant 0 : i32
    %dma_wait3A_1154 = tpu.memref_slice %arg5[%add3A_965, %dma_wait3A_1153] : memref<8192x1024xf32, #tpu.memory_space<hbm>> -> memref<8x1024xf32, #tpu.memory_space<hbm>>
    %dma_wait3A_1155 = arith.constant 0 : i32
    %dma_wait3A_1156 = tpu.memref_slice %arg5[%add3A_965, %dma_wait3A_1155] : memref<8192x1024xf32, #tpu.memory_space<hbm>> -> memref<8x1024xf32, #tpu.memory_space<hbm>>
    %dma_wait3A_1157 = arith.constant 16 : i32
    %dma_wait3A_1158 = arith.constant 0 : i32
    %dma_wait3A_1159 = tpu.memref_slice %arg10[%dma_wait3A_1157, %dma_wait3A_1158] : memref<32x1024xf32, #tpu.memory_space<vmem>> -> memref<8x1024xf32, #tpu.memory_space<vmem>>
    tpu.wait_dma2 semaphore(%arg19 : memref<!tpu.dma_semaphore, #tpu.memory_space<semaphore_mem>>) src(%dma_wait3A_1159 : memref<8x1024xf32, #tpu.memory_space<vmem>>) dst(%dma_wait3A_1156 : memref<8x1024xf32, #tpu.memory_space<hbm>>)
    %dma_wait3A_1160 = arith.constant 24 : i32
    %dma_wait3A_1161 = arith.constant 0 : i32
    %dma_wait3A_1162 = tpu.memref_slice %arg10[%dma_wait3A_1160, %dma_wait3A_1161] : memref<32x1024xf32, #tpu.memory_space<vmem>> -> memref<8x1024xf32, #tpu.memory_space<vmem>>
    %dma_wait3A_1163 = arith.constant 0 : i32
    %dma_wait3A_1164 = tpu.memref_slice %arg5[%add3A_979, %dma_wait3A_1163] : memref<8192x1024xf32, #tpu.memory_space<hbm>> -> memref<8x1024xf32, #tpu.memory_space<hbm>>
    %dma_wait3A_1165 = arith.constant 0 : i32
    %dma_wait3A_1166 = tpu.memref_slice %arg5[%add3A_979, %dma_wait3A_1165] : memref<8192x1024xf32, #tpu.memory_space<hbm>> -> memref<8x1024xf32, #tpu.memory_space<hbm>>
    %dma_wait3A_1167 = arith.constant 24 : i32
    %dma_wait3A_1168 = arith.constant 0 : i32
    %dma_wait3A_1169 = tpu.memref_slice %arg10[%dma_wait3A_1167, %dma_wait3A_1168] : memref<32x1024xf32, #tpu.memory_space<vmem>> -> memref<8x1024xf32, #tpu.memory_space<vmem>>
    tpu.wait_dma2 semaphore(%arg19 : memref<!tpu.dma_semaphore, #tpu.memory_space<semaphore_mem>>) src(%dma_wait3A_1169 : memref<8x1024xf32, #tpu.memory_space<vmem>>) dst(%dma_wait3A_1166 : memref<8x1024xf32, #tpu.memory_space<hbm>>)
    %dma_wait3A_1170 = arith.constant 0 : i32
    %dma_wait3A_1171 = arith.constant 0 : i32
    %dma_wait3A_1172 = tpu.memref_slice %arg8[%dma_wait3A_1170, %dma_wait3A_1171] : memref<32x1024xf32, #tpu.memory_space<vmem>> -> memref<8x1024xf32, #tpu.memory_space<vmem>>
    %dma_wait3A_1173 = arith.constant 0 : i32
    %dma_wait3A_1174 = tpu.memref_slice %arg5[%add3A_1007, %dma_wait3A_1173] : memref<8192x1024xf32, #tpu.memory_space<hbm>> -> memref<8x1024xf32, #tpu.memory_space<hbm>>
    %dma_wait3A_1175 = arith.constant 0 : i32
    %dma_wait3A_1176 = tpu.memref_slice %arg5[%add3A_1007, %dma_wait3A_1175] : memref<8192x1024xf32, #tpu.memory_space<hbm>> -> memref<8x1024xf32, #tpu.memory_space<hbm>>
    %dma_wait3A_1177 = arith.constant 0 : i32
    %dma_wait3A_1178 = arith.constant 0 : i32
    %dma_wait3A_1179 = tpu.memref_slice %arg8[%dma_wait3A_1177, %dma_wait3A_1178] : memref<32x1024xf32, #tpu.memory_space<vmem>> -> memref<8x1024xf32, #tpu.memory_space<vmem>>
    tpu.wait_dma2 semaphore(%arg17 : memref<!tpu.dma_semaphore, #tpu.memory_space<semaphore_mem>>) src(%dma_wait3A_1179 : memref<8x1024xf32, #tpu.memory_space<vmem>>) dst(%dma_wait3A_1176 : memref<8x1024xf32, #tpu.memory_space<hbm>>)
    %dma_wait3A_1180 = arith.constant 8 : i32
    %dma_wait3A_1181 = arith.constant 0 : i32
    %dma_wait3A_1182 = tpu.memref_slice %arg8[%dma_wait3A_1180, %dma_wait3A_1181] : memref<32x1024xf32, #tpu.memory_space<vmem>> -> memref<8x1024xf32, #tpu.memory_space<vmem>>
    %dma_wait3A_1183 = arith.constant 0 : i32
    %dma_wait3A_1184 = tpu.memref_slice %arg5[%add3A_1021, %dma_wait3A_1183] : memref<8192x1024xf32, #tpu.memory_space<hbm>> -> memref<8x1024xf32, #tpu.memory_space<hbm>>
    %dma_wait3A_1185 = arith.constant 0 : i32
    %dma_wait3A_1186 = tpu.memref_slice %arg5[%add3A_1021, %dma_wait3A_1185] : memref<8192x1024xf32, #tpu.memory_space<hbm>> -> memref<8x1024xf32, #tpu.memory_space<hbm>>
    %dma_wait3A_1187 = arith.constant 8 : i32
    %dma_wait3A_1188 = arith.constant 0 : i32
    %dma_wait3A_1189 = tpu.memref_slice %arg8[%dma_wait3A_1187, %dma_wait3A_1188] : memref<32x1024xf32, #tpu.memory_space<vmem>> -> memref<8x1024xf32, #tpu.memory_space<vmem>>
    tpu.wait_dma2 semaphore(%arg17 : memref<!tpu.dma_semaphore, #tpu.memory_space<semaphore_mem>>) src(%dma_wait3A_1189 : memref<8x1024xf32, #tpu.memory_space<vmem>>) dst(%dma_wait3A_1186 : memref<8x1024xf32, #tpu.memory_space<hbm>>)
    %dma_wait3A_1190 = arith.constant 16 : i32
    %dma_wait3A_1191 = arith.constant 0 : i32
    %dma_wait3A_1192 = tpu.memref_slice %arg8[%dma_wait3A_1190, %dma_wait3A_1191] : memref<32x1024xf32, #tpu.memory_space<vmem>> -> memref<8x1024xf32, #tpu.memory_space<vmem>>
    %dma_wait3A_1193 = arith.constant 0 : i32
    %dma_wait3A_1194 = tpu.memref_slice %arg5[%add3A_1035, %dma_wait3A_1193] : memref<8192x1024xf32, #tpu.memory_space<hbm>> -> memref<8x1024xf32, #tpu.memory_space<hbm>>
    %dma_wait3A_1195 = arith.constant 0 : i32
    %dma_wait3A_1196 = tpu.memref_slice %arg5[%add3A_1035, %dma_wait3A_1195] : memref<8192x1024xf32, #tpu.memory_space<hbm>> -> memref<8x1024xf32, #tpu.memory_space<hbm>>
    %dma_wait3A_1197 = arith.constant 16 : i32
    %dma_wait3A_1198 = arith.constant 0 : i32
    %dma_wait3A_1199 = tpu.memref_slice %arg8[%dma_wait3A_1197, %dma_wait3A_1198] : memref<32x1024xf32, #tpu.memory_space<vmem>> -> memref<8x1024xf32, #tpu.memory_space<vmem>>
    tpu.wait_dma2 semaphore(%arg17 : memref<!tpu.dma_semaphore, #tpu.memory_space<semaphore_mem>>) src(%dma_wait3A_1199 : memref<8x1024xf32, #tpu.memory_space<vmem>>) dst(%dma_wait3A_1196 : memref<8x1024xf32, #tpu.memory_space<hbm>>)
    %dma_wait3A_1200 = arith.constant 24 : i32
    %dma_wait3A_1201 = arith.constant 0 : i32
    %dma_wait3A_1202 = tpu.memref_slice %arg8[%dma_wait3A_1200, %dma_wait3A_1201] : memref<32x1024xf32, #tpu.memory_space<vmem>> -> memref<8x1024xf32, #tpu.memory_space<vmem>>
    %dma_wait3A_1203 = arith.constant 0 : i32
    %dma_wait3A_1204 = tpu.memref_slice %arg5[%add3A_1049, %dma_wait3A_1203] : memref<8192x1024xf32, #tpu.memory_space<hbm>> -> memref<8x1024xf32, #tpu.memory_space<hbm>>
    %dma_wait3A_1205 = arith.constant 0 : i32
    %dma_wait3A_1206 = tpu.memref_slice %arg5[%add3A_1049, %dma_wait3A_1205] : memref<8192x1024xf32, #tpu.memory_space<hbm>> -> memref<8x1024xf32, #tpu.memory_space<hbm>>
    %dma_wait3A_1207 = arith.constant 24 : i32
    %dma_wait3A_1208 = arith.constant 0 : i32
    %dma_wait3A_1209 = tpu.memref_slice %arg8[%dma_wait3A_1207, %dma_wait3A_1208] : memref<32x1024xf32, #tpu.memory_space<vmem>> -> memref<8x1024xf32, #tpu.memory_space<vmem>>
    tpu.wait_dma2 semaphore(%arg17 : memref<!tpu.dma_semaphore, #tpu.memory_space<semaphore_mem>>) src(%dma_wait3A_1209 : memref<8x1024xf32, #tpu.memory_space<vmem>>) dst(%dma_wait3A_1206 : memref<8x1024xf32, #tpu.memory_space<hbm>>)
    %dma_wait3A_1210 = arith.constant 0 : i32
    %dma_wait3A_1211 = arith.constant 0 : i32
    %dma_wait3A_1212 = tpu.memref_slice %arg9[%dma_wait3A_1210, %dma_wait3A_1211] : memref<32x1024xf32, #tpu.memory_space<vmem>> -> memref<8x1024xf32, #tpu.memory_space<vmem>>
    %dma_wait3A_1213 = arith.constant 0 : i32
    %dma_wait3A_1214 = tpu.memref_slice %arg5[%add3A_1077, %dma_wait3A_1213] : memref<8192x1024xf32, #tpu.memory_space<hbm>> -> memref<8x1024xf32, #tpu.memory_space<hbm>>
    %dma_wait3A_1215 = arith.constant 0 : i32
    %dma_wait3A_1216 = tpu.memref_slice %arg5[%add3A_1077, %dma_wait3A_1215] : memref<8192x1024xf32, #tpu.memory_space<hbm>> -> memref<8x1024xf32, #tpu.memory_space<hbm>>
    %dma_wait3A_1217 = arith.constant 0 : i32
    %dma_wait3A_1218 = arith.constant 0 : i32
    %dma_wait3A_1219 = tpu.memref_slice %arg9[%dma_wait3A_1217, %dma_wait3A_1218] : memref<32x1024xf32, #tpu.memory_space<vmem>> -> memref<8x1024xf32, #tpu.memory_space<vmem>>
    tpu.wait_dma2 semaphore(%arg18 : memref<!tpu.dma_semaphore, #tpu.memory_space<semaphore_mem>>) src(%dma_wait3A_1219 : memref<8x1024xf32, #tpu.memory_space<vmem>>) dst(%dma_wait3A_1216 : memref<8x1024xf32, #tpu.memory_space<hbm>>)
    %dma_wait3A_1220 = arith.constant 8 : i32
    %dma_wait3A_1221 = arith.constant 0 : i32
    %dma_wait3A_1222 = tpu.memref_slice %arg9[%dma_wait3A_1220, %dma_wait3A_1221] : memref<32x1024xf32, #tpu.memory_space<vmem>> -> memref<8x1024xf32, #tpu.memory_space<vmem>>
    %dma_wait3A_1223 = arith.constant 0 : i32
    %dma_wait3A_1224 = tpu.memref_slice %arg5[%add3A_1091, %dma_wait3A_1223] : memref<8192x1024xf32, #tpu.memory_space<hbm>> -> memref<8x1024xf32, #tpu.memory_space<hbm>>
    %dma_wait3A_1225 = arith.constant 0 : i32
    %dma_wait3A_1226 = tpu.memref_slice %arg5[%add3A_1091, %dma_wait3A_1225] : memref<8192x1024xf32, #tpu.memory_space<hbm>> -> memref<8x1024xf32, #tpu.memory_space<hbm>>
    %dma_wait3A_1227 = arith.constant 8 : i32
    %dma_wait3A_1228 = arith.constant 0 : i32
    %dma_wait3A_1229 = tpu.memref_slice %arg9[%dma_wait3A_1227, %dma_wait3A_1228] : memref<32x1024xf32, #tpu.memory_space<vmem>> -> memref<8x1024xf32, #tpu.memory_space<vmem>>
    tpu.wait_dma2 semaphore(%arg18 : memref<!tpu.dma_semaphore, #tpu.memory_space<semaphore_mem>>) src(%dma_wait3A_1229 : memref<8x1024xf32, #tpu.memory_space<vmem>>) dst(%dma_wait3A_1226 : memref<8x1024xf32, #tpu.memory_space<hbm>>)
    %dma_wait3A_1230 = arith.constant 16 : i32
    %dma_wait3A_1231 = arith.constant 0 : i32
    %dma_wait3A_1232 = tpu.memref_slice %arg9[%dma_wait3A_1230, %dma_wait3A_1231] : memref<32x1024xf32, #tpu.memory_space<vmem>> -> memref<8x1024xf32, #tpu.memory_space<vmem>>
    %dma_wait3A_1233 = arith.constant 0 : i32
    %dma_wait3A_1234 = tpu.memref_slice %arg5[%add3A_1105, %dma_wait3A_1233] : memref<8192x1024xf32, #tpu.memory_space<hbm>> -> memref<8x1024xf32, #tpu.memory_space<hbm>>
    %dma_wait3A_1235 = arith.constant 0 : i32
    %dma_wait3A_1236 = tpu.memref_slice %arg5[%add3A_1105, %dma_wait3A_1235] : memref<8192x1024xf32, #tpu.memory_space<hbm>> -> memref<8x1024xf32, #tpu.memory_space<hbm>>
    %dma_wait3A_1237 = arith.constant 16 : i32
    %dma_wait3A_1238 = arith.constant 0 : i32
    %dma_wait3A_1239 = tpu.memref_slice %arg9[%dma_wait3A_1237, %dma_wait3A_1238] : memref<32x1024xf32, #tpu.memory_space<vmem>> -> memref<8x1024xf32, #tpu.memory_space<vmem>>
    tpu.wait_dma2 semaphore(%arg18 : memref<!tpu.dma_semaphore, #tpu.memory_space<semaphore_mem>>) src(%dma_wait3A_1239 : memref<8x1024xf32, #tpu.memory_space<vmem>>) dst(%dma_wait3A_1236 : memref<8x1024xf32, #tpu.memory_space<hbm>>)
    %dma_wait3A_1240 = arith.constant 24 : i32
    %dma_wait3A_1241 = arith.constant 0 : i32
    %dma_wait3A_1242 = tpu.memref_slice %arg9[%dma_wait3A_1240, %dma_wait3A_1241] : memref<32x1024xf32, #tpu.memory_space<vmem>> -> memref<8x1024xf32, #tpu.memory_space<vmem>>
    %dma_wait3A_1243 = arith.constant 0 : i32
    %dma_wait3A_1244 = tpu.memref_slice %arg5[%add3A_1119, %dma_wait3A_1243] : memref<8192x1024xf32, #tpu.memory_space<hbm>> -> memref<8x1024xf32, #tpu.memory_space<hbm>>
    %dma_wait3A_1245 = arith.constant 0 : i32
    %dma_wait3A_1246 = tpu.memref_slice %arg5[%add3A_1119, %dma_wait3A_1245] : memref<8192x1024xf32, #tpu.memory_space<hbm>> -> memref<8x1024xf32, #tpu.memory_space<hbm>>
    %dma_wait3A_1247 = arith.constant 24 : i32
    %dma_wait3A_1248 = arith.constant 0 : i32
    %dma_wait3A_1249 = tpu.memref_slice %arg9[%dma_wait3A_1247, %dma_wait3A_1248] : memref<32x1024xf32, #tpu.memory_space<vmem>> -> memref<8x1024xf32, #tpu.memory_space<vmem>>
    tpu.wait_dma2 semaphore(%arg18 : memref<!tpu.dma_semaphore, #tpu.memory_space<semaphore_mem>>) src(%dma_wait3A_1249 : memref<8x1024xf32, #tpu.memory_space<vmem>>) dst(%dma_wait3A_1246 : memref<8x1024xf32, #tpu.memory_space<hbm>>)
    return
  }
}

</mosaic_0001>

<sc_bundles>
// kernel: kernel.3.cloned.1.call-start
scs
__scs_entry_jumppad:
0x0: {  	(pc) =	sbr.rel $0x88, $3  }
0x1: {  	(tag) =	ssettag $0x0;
	lr =	simm.s32 $0x1  }
0x2: {  	[smem:$0x3F9E] =	sst lr;
	_ =	strace $0xD0000000  }
0x3: {  	_ = 	snop  }
0x4: {  	_ = 	snop  }
0x5: {  	_ = 	snop  }
0x6: {  	_ = 	snop  }
0x7: {  	_ = 	snop  }
__scs_overlays_trampoline_lowered:
0x8: {  	[smem:$0x3FAD] =	sst s0  }
0x9: {  	[smem:$0x3FAE] =	sst s1  }
0xa: {  	[smem:$0x3FAF] =	sst s2  }
0xb: {  	[smem:$0x3FB0] =	sst s3  }
0xc: {  	[smem:$0x3FB1] =	sst s4  }
0xd: {  	[smem:$0x3FB2] =	sst s5  }
0xe: {  	[smem:$0x3FB3] =	sst s6  }
0xf: {  	[smem:$0x3FB4] =	sst s7  }
0x10: {  	[smem:$0x3FB5] =	sst s8  }
0x11: {  	[smem:$0x3FB6] =	sst s9;
	s0 =	simm.s32 @!p0 $0x0  }
0x12: {  	s1 =	sld [smem:$0x3F9C];
	s0 =	simm.s32 @p0 $0x1  }
0x13: {  	[smem:$0x3FB7] =	sst s0;
	s0 =	simm.s32 @!p1 $0x0  }
0x14: {  	s2 =	sld [smem:$0x3F9B];
	s0 =	simm.s32 @p1 $0x1  }
0x15: {  	[smem:$0x3FB8] =	sst s0;
	s0 =	simm.s32 @!p2 $0x0  }
0x16: {  	s3 =	sld [smem:$0x3FDB];
	s0 =	simm.s32 @p2 $0x1  }
0x17: {  	s4 =	simm.s32 $0x1BF5;
	[smem:$0x3FBA] =	sst s0  }
0x18: {  	s0 =	sld [smem:$0x3F9D];
	_ =	swait.ge [sflag:s4], $0x0  }
0x19: {  	s7 =	sld [smem:$0x3F9E]  }
0x1a: {  	s8 =	sadd.s32 $0xFFFFE003, lr  }
0x1b: {  	s9 =	sadd.s32 $0xFFFFFEF7, lr;
	s5 =	simm.s32 $0xFFFFFFFF;
	p2 =	slt.u32 s8, $0xFFFFF086  }
0x1c: {  	p1 =	slt.u32 s9, $0xF7A;
	s5 =	simm.s32 @!p2 $0x0  }
0x1d: {  	s5 =	simm.s32 @p1 $0x1;
	p0 =	seq.s32 s7, s2  }
0x1e: {  	s7 =	smul.u32 @!p0 $0xF7A, s2;
	p2 =	seq.s32 @!p0 s5, $0x0  }
0x1f: {  	s9 =	smul.u32 $0xF7A, s1;
	s8 =	simm.s32 @!p0 $0x1BF5;
	p2 =	por !p2, p0  }
0x20: {  	[sflag:s8] =	ssyncset.s32 @!p0 $0xFFFFF086;
	s6 =	sadd.s32 @!p0 s3, s7;
	s7 =	simm.s32 @!p0 $0x108  }
0x21: {  	s3 =	sadd.s32 s3, s9;
	s6 =	sadd.s32 @!p0 $0x88, s6;
	s7 =	simm.s32 @p2 $0x1082  }
0x22: {  	[simem:s7], [sflag:s8] =	dma.local @!p0 [hbm:s6], $0xF7A  }
0x23: {  	s9 =	sor.u32 $0xD0000000, s2;
	s6 =	simm.s32 $0x108;
	_ =	swait.ge @!p0 [sflag:s8], $0x0  }
0x24: {  	s3 =	sadd.s32 $0x88, s3;
	s6 =	simm.s32 @!p1 $0x1082;
	[sflag:s4] =	ssyncset.s32 $0xFFFFF086  }
0x25: {  	[simem:s6], [sflag:s4] =	dma.local [hbm:s3], $0xF7A  }
0x26: {  	[smem:$0x3F9E] =	sst s1;
	(tag) =	ssettag s2;
	_ =	strace s9  }
0x27: {  	s1 =	sld [smem:$0x3FAE]  }
0x28: {  	s2 =	sld [smem:$0x3FAF]  }
0x29: {  	s4 =	sld [smem:$0x3FB1]  }
0x2a: {  	p0 =	seq.s32 s5, $0x0;
	s5 =	sld [smem:$0x3FB2]  }
0x2b: {  	s6 =	sld [smem:$0x3FB3]  }
0x2c: {  	s7 =	sld [smem:$0x3FB4]  }
0x2d: {  	s3 =	simm.s32 $0x108;
	s8 =	sld [smem:$0x3FB5]  }
0x2e: {  	s3 =	simm.s32 @!p0 $0x1082;
	s9 =	sld [smem:$0x3FB6]  }
0x2f: {  	lr =	sadd.s32 s0, s3;
	s0 =	sld [smem:$0x3FAD]  }
0x30: {  	s3 =	sld [smem:$0x3FB0]  }
0x31: {  	[smem:$0x3FB9] =	sst s10  }
0x32: {  	s10 =	sld [smem:$0x3FB7];
	_ =	sdelay $0x3  }
0x33: {  	p0 =	seq.s32 s10, $0x1;
	s10 =	sld [smem:$0x3FB9];
	_ =	sdelay $0x3  }
0x34: {  	[smem:$0x3FB9] =	sst s10  }
0x35: {  	s10 =	sld [smem:$0x3FB8];
	_ =	sdelay $0x3  }
0x36: {  	p1 =	seq.s32 s10, $0x1;
	s10 =	sld [smem:$0x3FB9];
	_ =	sdelay $0x3  }
0x37: {  	[smem:$0x3FB9] =	sst s10  }
0x38: {  	s10 =	sld [smem:$0x3FBA]  }
0x39: {  	_ = 	snop;
	(pc) =	sbr.ind lr, $3  }
0x3a: {  	_ = 	snop  }
0x3b: {  	_ = 	snop  }
0x3c: {  	p2 =	seq.s32 s10, $0x1;
	s10 =	sld [smem:$0x3FB9]  }
0x3d: {  	_ =	shalt  }
0x3e: {  	_ =	shalt  }
0x3f: {  	_ =	shalt  }
0x40: {  	_ =	shalt  }
0x41: {  	_ =	shalt  }
0x42: {  	_ =	shalt  }
0x43: {  	_ =	shalt  }
0x44: {  	_ =	shalt  }
0x45: {  	_ =	shalt  }
0x46: {  	_ =	shalt  }
0x47: {  	_ =	shalt  }
0x48: {  	_ =	shalt  }
0x49: {  	_ =	shalt  }
0x4a: {  	_ =	shalt  }
0x4b: {  	_ =	shalt  }
0x4c: {  	_ =	shalt  }
0x4d: {  	_ =	shalt  }
0x4e: {  	_ =	shalt  }
0x4f: {  	_ =	shalt  }
0x50: {  	_ =	shalt  }
0x51: {  	_ =	shalt  }
0x52: {  	_ =	shalt  }
0x53: {  	_ =	shalt  }
0x54: {  	_ =	shalt  }
0x55: {  	_ =	shalt  }
0x56: {  	_ =	shalt  }
0x57: {  	_ =	shalt  }
0x58: {  	_ =	shalt  }
0x59: {  	_ =	shalt  }
0x5a: {  	_ =	shalt  }
0x5b: {  	_ =	shalt  }
0x5c: {  	_ =	shalt  }
0x5d: {  	_ =	shalt  }
0x5e: {  	_ =	shalt  }
0x5f: {  	_ =	shalt  }
0x60: {  	_ =	shalt  }
0x61: {  	_ =	shalt  }
0x62: {  	_ =	shalt  }
0x63: {  	_ =	shalt  }
0x64: {  	_ =	shalt  }
0x65: {  	_ =	shalt  }
0x66: {  	_ =	shalt  }
0x67: {  	_ =	shalt  }
0x68: {  	_ =	shalt  }
0x69: {  	_ =	shalt  }
0x6a: {  	_ =	shalt  }
0x6b: {  	_ =	shalt  }
0x6c: {  	_ =	shalt  }
0x6d: {  	_ =	shalt  }
0x6e: {  	_ =	shalt  }
0x6f: {  	_ =	shalt  }
0x70: {  	_ =	shalt  }
0x71: {  	_ =	shalt  }
0x72: {  	_ =	shalt  }
0x73: {  	_ =	shalt  }
0x74: {  	_ =	shalt  }
0x75: {  	_ =	shalt  }
0x76: {  	_ =	shalt  }
0x77: {  	_ =	shalt  }
0x78: {  	_ =	shalt  }
0x79: {  	_ =	shalt  }
0x7a: {  	_ =	shalt  }
0x7b: {  	_ =	shalt  }
0x7c: {  	_ =	shalt  }
0x7d: {  	_ =	shalt  }
0x7e: {  	_ =	shalt  }
0x7f: {  	_ =	shalt  }
0x80: {  	_ =	shalt  }
0x81: {  	_ =	shalt  }
0x82: {  	_ =	shalt  }
0x83: {  	_ =	shalt  }
0x84: {  	_ =	shalt  }
0x85: {  	_ =	shalt  }
0x86: {  	_ =	shalt  }
0x87: {  	_ =	shalt  }
.Lfunc_end0:
.L_simem_size_0:
called_computation_lowered:
.L_overlay_start_0:
0x88: {  	s2 =	sld [smem:$0x3FD9]  }
0x89: {  	s3 =	sld [smem:$0x3FFE];
	_ =	sdelay $0x1  }
0x8a: {  	s1 =	srdreg.scid  }
0x8b: {  	s0 =	sand.u32 $0x1, s1  }
0x8c: {  	s18 =	sshll.u32 s0, $0xA;
	s2 =	sadd.s32 s3, s2  }
0x8d: {  	s2 =	sadd.s32 s2, s18  }
0x8e: {  	[smem:$0x3FC5] =	sst s2  }
0x8f: {  	_ = 	snop  }
0x90: {  	s2 =	sld [smem:$0x3FC9]  }
0x91: {  	s19 =	sld [smem:$0x3FC8]  }
0x92: {  	s4 =	sld [smem:$0x3FC7]  }
0x93: {  	s5 =	sld [smem:$0x3FD0];
	(tm) =	ssettm $0x1  }
0x94: {  	s6 =	sld [smem:$0x3FFB];
	_ =	sdelay $0x3  }
0x95: {  	_ =	strace s6  }
0x96: {  	s6 =	sld [smem:$0x3FFC];
	_ =	sdelay $0x3  }
0x97: {  	_ =	strace s6  }
0x98: {  	s6 =	sld [smem:$0x3FFD];
	_ =	sdelay $0x3  }
0x99: {  	_ =	strace s6  }
0x9a: {  	_ =	strace $0x8FFFFFFF  }
0x9b: {  	s20 =	sld [smem:$0x3FDB];
	_ =	sdelay $0x1  }
0x9c: {  	s7 =	simm.s32 $_scs_section_size  }
0x9d: {  	s8 =	simm.s32 $_size__tile_overlayer_lowered;
	s9 =	simm.s32 $_tile_overlayer_lowered  }
0x9e: {  	s23 =	simm.s32 $0x1BFF;
	s22 =	sshll.u32 s9, $0x1;
	s6 =	sadd.s32 s7, s20  }
0x9f: {  	s10 =	simm.s32 $0x0;
	s21 =	sshll.u32 s8, $0x1;
	s8 =	sadd.s32 s22, s6  }
0xa0: {  	[timem:s10], [sflag:s23] =	dma.local [hbm:s8], s21  }
0xa1: {  	_ =	swait.ge [sflag:s23], s21  }
0xa2: {  	s7 =	ssub.s32 $0x0, s21;
	[sflag:s23] =	ssyncset.done $0x0  }
0xa3: {  	[sflag:s23] =	ssyncadd.s32 s7;
	_ =	sdelay $0x1  }
0xa4: {  	s24 =	simm.s32 $0x1B8B  }
0xa5: {  	_ =	swait.ge [sflag:s24], $0x1  }
0xa6: {  	[sflag:s24] =	ssyncset.done $0x0  }
0xa7: {  	s25 =	simm.s32 $0x1B8E;
	[sflag:s24] =	ssyncadd.s32 $0xFFFFFFFF  }
0xa8: {  	s26 =	simm.s32 $execute0_lowered;
	[smem:$0x3FD2] =	sst s25  }
0xa9: {  	s7 =	sshll.u32 s26, $0x1;
	_ =	strace $0x80000046;
	[dreg:$0x1] =	wrdreg $0xFFFFFFFF  }
0xaa: {  	s28 =	simm.s32 $_size_execute0_lowered;
	s6 =	sadd.s32 s6, s7;
	[dreg:$0x0] =	wrdreg $0x0  }
0xab: {  	s7 =	sshll.u32 s28, $0x1;
	[dreg:$0x2] =	wrdreg s6  }
0xac: {  	[dreg:$0x3] =	wrdreg s7  }
0xad: {  	[dreg:$0x4] =	wrdreg $0xC0  }
0xae: {  	_ =	task [dreg:s10], $0x5FFFF  }
0xaf: {  	[dreg:$0x1] =	wrdreg $0xFFFFFFFF  }
0xb0: {  	[dreg:$0x0] =	wrdreg $0x60  }
0xb1: {  	[dreg:$0x2] =	wrdreg s2  }
0xb2: {  	[dreg:$0x3] =	wrdreg s19  }
0xb3: {  	[dreg:$0x4] =	wrdreg s4  }
0xb4: {  	[dreg:$0x5] =	wrdreg s5  }
0xb5: {  	[dreg:$0x6] =	wrdreg $0x9  }
0xb6: {  	_ =	task.clear_ibuf [dreg:s10], $0x7FFFF;
	_ =	strace $0x90000046  }
0xb7: {  	s29 =	simm.s32 $0x9;
	_ =	strace $0x80000048  }
0xb8: {  	_ =	swait.ge [sflag:s29], $0x1  }
0xb9: {  	[sflag:s29] =	ssyncadd.s32 $0xFFFFFFFF  }
0xba: {  	_ =	strace $0x90000048  }
0xbb: {  	_ =	sfence  }
0xbc: {  	s30 =	sld [smem:$0x0];
	_ =	sdelay $0x2  }
0xbd: {  	s31 =	sshll.u32 s1, $0xD;
	s1 =	sshrl.u32 s1, $0x2  }
0xbe: {  	s3 =	sand.u32 $0x4000, s31;
	s1 =	sadd.s32 s1, s30  }
0xbf: {  	s0 =	sor.u32 s3, s0;
	s1 =	sshll.u32 s1, $0x11  }
0xc0: {  	s0 =	sor.u32 s1, s0  }
0xc1: {  	s0 =	sadd.s32 $0x8F2B, s0  }
0xc2: {  	[sflag:s0] =	ssyncadd.remote.s32 $0x1  }
0xc3: {  	_ =	sfence.sel $0xFFFF  }
0xc4: {  	[dreg:$0x0] =	wrdreg $0xFFFFFFFF;
	(pc) =	sbr.abs _section_cstart, $3  }
0xc5: {  	[dreg:$0x1] =	wrdreg $0xFFFFFFFF  }
0xc6: {  	_ =	task.clear_ibuf [dreg:s10], $0x2FFFF;
	_ =	strace $0x9FFFFFFF  }
0xc7: {  	(tm) =	ssettm $0x7FFFFFFF  }
tec
execute0_lowered:
.L_overlay_start_1:
0x0: {  	(tag) =	ssettag $0x1  }
0x1: {  	v0 =	vimm.s32 $0x43424140;
	v1 =	vimm.s32 $0x47464544  }
0x2: {  	v2 =	vimm.s32 $0x76543210;
	v3 =	vimm.s32 $0xC3C2C1C0;
	vm1 =	vcmask $0x1F10  }
0x3: {  	v4 =	vimm.s32 $0xC7C6C5C4;
	v5 =	vimm.s32 $0x83828180;
	v6 =	vimm.s32 $0x87868584  }
0x4: {  	v8 =	vimm.s32 $0x53525150;
	v9 =	vimm.s32 $0x57565554;
	v11 =	vimm.s32 $0x1F1E1D1C  }
0x5: {  	v12 =	vimm.s32 $0xDBDAD9D8;
	v14 =	vimm.s32 $0x9B9A9998;
	v15 =	vimm.s32 $0x9F9E9D9C  }
0x6: {  	s5 =	rddreg [dreg:$0x0];
	v17 =	vimm.s32 $0x6F6E6D6C;
	v18 =	vimm.s32 $0x73727170;
	v19 =	vimm.s32 $0xF3F2F1F0  }
0x7: {  	s0 =	rddreg [dreg:$0x1];
	s2 =	srdreg.scid;
	v20 =	vimm.s32 $0xBFBEBDBC;
	v0 =	vunpack.c.0.s8.s32 v0;
	v1 =	vunpack.c.0.s8.s32 v1  }
0x8: {  	s1 =	rddreg [dreg:$0x2];
	s3 =	stileid.u32;
	v2 =	vunpack.c.l.s4.s8 v2;
	v3 =	vunpack.c.0.s8.s32 v3;
	v4 =	vunpack.c.0.s8.s32 v4;
	s4 =	sand.u32 $0x1, s2  }
0x9: {  	v5 =	vunpack.c.0.s8.s32 v5;
	v6 =	vunpack.c.0.s8.s32 v6;
	v10 =	vunpack.c.0.s8.s32 v8;
	s2 =	rddreg [dreg:$0x3];
	s6 =	sshll.u32 s3, $0x7;
	s3 =	simm.s32 $0x0  }
0xa: {  	v9 =	vunpack.c.0.s8.s32 v9;
	v11 =	vunpack.c.0.s8.s32 v11;
	s7 =	sshll.u32 s4, $0x6;
	[smem:$0x7FF] =	sst s3;
	v0 =	vsel vm1, v1, v0  }
0xb: {  	s4 =	ssub.s32 $0x2, s4;
	v1 =	vunpack.c.0.s8.s32 v2;
	v2 =	vsel vm1, v4, v3;
	v3 =	vsel vm1, v6, v5;
	s6 =	sor.u32 s7, s6;
	_ =	strace $0x80000047  }
0xc: {  	v4 =	vimm.s32 $0x4B4A4948;
	v5 =	vimm.s32 $0x4F4E4D4C;
	v6 =	vimm.s32 $0xFEDCBA98;
	s10 =	sshrl.u32 s4, $0x1;
	s8 =	sshll.u32 s6, $0x2;
	s6 =	sshll.u32 s6, $0x7  }
0xd: {  	v4 =	vunpack.c.0.s8.s32 v4;
	v5 =	vunpack.c.0.s8.s32 v5;
	v6 =	vunpack.c.l.s4.s8 v6;
	s19 =	sor.u32 $0x400, s6;
	s20 =	sor.u32 $0x800, s6;
	s21 =	sadd.s32 s1, s6  }
0xe: {  	v7 =	vcombine.low v3, v2;
	v3 =	vimm.s32 $0xCBCAC9C8;
	v0 =	vcombine.low v1, v0;
	s24 =	sor.u32 $0xC00, s6;
	[dreg:$0x9] =	wrdreg s21;
	s22 =	sadd.s32 s1, s19  }
0xf: {  	v3 =	vunpack.c.0.s8.s32 v3;
	s25 =	sor.u32 $0x1000, s6;
	v1 =	vsel vm1, v5, v4;
	v2 =	vunpack.c.0.s8.s32 v6;
	s23 =	sadd.s32 s1, s20;
	[dreg:$0xa] =	wrdreg s22  }
0x10: {  	s4 =	ssub.s32 s4, s10;
	v4 =	vimm.s32 $0xCFCECDCC;
	v5 =	vimm.s32 $0x8B8A8988;
	v6 =	vimm.s32 $0x8F8E8D8C;
	s26 =	sadd.s32 s1, s24;
	[dreg:$0xb] =	wrdreg s23  }
0x11: {  	s9 =	sand.u32 $0x1E00, s8;
	s12 =	sadd.s32 s1, s25;
	v4 =	vunpack.c.0.s8.s32 v4;
	v5 =	vunpack.c.0.s8.s32 v5;
	v6 =	vunpack.c.0.s8.s32 v6;
	[dreg:$0xd] =	wrdreg s26  }
0x12: {  	v12 =	vunpack.c.0.s8.s32 v12;
	v14 =	vunpack.c.0.s8.s32 v14;
	s13 =	sor.u32 $0x1400, s6;
	s10 =	sadd.s32 s2, s20;
	[dreg:$0xf] =	wrdreg s12;
	v2 =	vand.u32 $0xF, v2  }
0x13: {  	s14 =	sor.u32 $0x1800, s6;
	s15 =	sadd.s32 s1, s13;
	[dreg:$0x10] =	wrdreg s10;
	v1 =	vcombine.low v2, v1;
	v2 =	vsel vm1, v4, v3;
	v3 =	vsel vm1, v6, v5  }
0x14: {  	s16 =	sadd.s32 s1, s14;
	[dreg:$0x11] =	wrdreg s15;
	v4 =	vimm.s32 $0x17161514;
	v5 =	vimm.s32 $0xD3D2D1D0;
	v6 =	vimm.s32 $0xD7D6D5D4  }
0x15: {  	s9 =	sor.u32 s7, s9;
	s21 =	smax.u32 s4, $0x1;
	[dreg:$0x13] =	wrdreg s16;
	v8 =	vcombine.low v3, v2;
	v3 =	vimm.s32 $0x13121110;
	v4 =	vunpack.c.0.s8.s32 v4  }
0x16: {  	s17 =	sshrl.u32 s9, $0x3;
	s9 =	sadd.s32 s2, s19;
	[dreg:$0x19] =	wrdreg s21;
	v5 =	vunpack.c.0.s8.s32 v5;
	v6 =	vunpack.c.0.s8.s32 v6;
	v3 =	vunpack.c.0.s8.s32 v3  }
0x17: {  	s19 =	sadd.s32 s2, s14;
	[dreg:$0xe] =	wrdreg s9;
	v2 =	vsel vm1, v9, v10;
	v9 =	vimm.s32 $0x93929190;
	v10 =	vimm.s32 $0x97969594  }
0x18: {  	s7 =	sor.u32 s7, s8;
	s11 =	sadd.s32 s5, s17;
	[dreg:$0x17] =	wrdreg s19;
	v5 =	vsel vm1, v6, v5;
	v6 =	vimm.s32 $0x5B5A5958;
	v3 =	vsel vm1, v4, v3  }
0x19: {  	s7 =	sshrl.u32 s7, $0x3;
	s17 =	sadd.s32 s2, s25;
	[dreg:$0x5] =	wrdreg s11;
	v4 =	vunpack.c.0.s8.s32 v9;
	v9 =	vunpack.c.0.s8.s32 v10;
	v10 =	vimm.s32 $0x5F5E5D5C  }
0x1a: {  	v15 =	vunpack.c.0.s8.s32 v15;
	s18 =	sor.u32 $0x20, s7;
	s11 =	sadd.s32 $0x10, s11;
	[dreg:$0x14] =	wrdreg s17;
	v6 =	vunpack.c.0.s8.s32 v6;
	v10 =	vunpack.c.0.s8.s32 v10  }
0x1b: {  	s7 =	sor.u32 $0x30, s7;
	s8 =	sadd.s32 s5, s18;
	[dreg:$0x6] =	wrdreg s11;
	v2 =	vcombine.low v3, v2;
	v4 =	vsel vm1, v9, v4;
	v9 =	vimm.s32 $0x1B1A1918  }
0x1c: {  	s5 =	sadd.s32 s5, s7;
	[dreg:$0x7] =	wrdreg s8;
	v13 =	vunpack.c.0.s8.s32 v9;
	v9 =	vimm.s32 $0xDFDEDDDC;
	v3 =	vsel vm1, v10, v6  }
0x1d: {  	s18 =	sadd.s32 s2, s13;
	[dreg:$0x8] =	wrdreg s5;
	v6 =	vsel vm1, v15, v14;
	v14 =	vimm.s32 $0xA3A2A1A0;
	v15 =	vimm.s32 $0xA7A6A5A4  }
0x1e: {  	s5 =	sadd.s32 s2, s24;
	[dreg:$0x16] =	wrdreg s18;
	v16 =	vunpack.c.0.s8.s32 v9;
	v9 =	vcombine.low v4, v5;
	v14 =	vunpack.c.0.s8.s32 v14  }
0x1f: {  	s11 =	sadd.s32 s2, s6;
	s6 =	sor.u32 $0x1C00, s6;
	[dreg:$0x12] =	wrdreg s5;
	v15 =	vunpack.c.0.s8.s32 v15;
	v4 =	vsel vm1, v11, v13;
	v11 =	vimm.s32 $0x27262524  }
0x20: {  	s1 =	sadd.s32 s1, s6;
	[dreg:$0xc] =	wrdreg s11;
	v13 =	vimm.s32 $0xE7E6E5E4;
	v5 =	vsel vm1, v16, v12;
	v3 =	vcombine.low v4, v3  }
0x21: {  	s20 =	sadd.s32 s2, s6;
	[dreg:$0x15] =	wrdreg s1;
	v4 =	vimm.s32 $0x63626160;
	v12 =	vimm.s32 $0xE3E2E1E0;
	v11 =	vunpack.c.0.s8.s32 v11  }
0x22: {  	s22 =	sadd.s32 $0x40000, s11;
	[dreg:$0x18] =	wrdreg s20;
	v10 =	vcombine.low v6, v5;
	v5 =	vimm.s32 $0x67666564;
	v6 =	vimm.s32 $0x23222120  }
0x23: {  	s23 =	sadd.s32 $0x80000, s11;
	[dreg:$0x1a] =	wrdreg s22;
	v4 =	vunpack.c.0.s8.s32 v4;
	v5 =	vunpack.c.0.s8.s32 v5;
	v6 =	vunpack.c.0.s8.s32 v6  }
0x24: {  	s25 =	sadd.s32 $0xC0000, s11;
	[dreg:$0x1b] =	wrdreg s23;
	v13 =	vunpack.c.0.s8.s32 v13;
	v16 =	vimm.s32 $0x6B6A6968;
	v12 =	vunpack.c.0.s8.s32 v12  }
0x25: {  	s2 =	sadd.s32 $0x40400, s11;
	[dreg:$0x1c] =	wrdreg s25;
	v4 =	vsel vm1, v5, v4;
	v5 =	vsel vm1, v11, v6;
	v6 =	vimm.s32 $0x2B2A2928  }
0x26: {  	s4 =	sadd.s32 $0x80400, s11;
	[dreg:$0x1d] =	wrdreg s2;
	v11 =	vsel vm1, v13, v12;
	v12 =	vsel vm1, v15, v14;
	v13 =	vimm.s32 $0x2F2E2D2C  }
0x27: {  	s5 =	sadd.s32 $0xC0400, s11;
	[dreg:$0x1e] =	wrdreg s4;
	v14 =	vunpack.c.0.s8.s32 v17;
	v15 =	vimm.s32 $0xEFEEEDEC;
	v17 =	vimm.s32 $0xAFAEADAC  }
0x28: {  	s6 =	sadd.s32 $0x40800, s11;
	[dreg:$0x1f] =	wrdreg s5;
	v4 =	vcombine.low v5, v4;
	v11 =	vcombine.low v12, v11;
	v5 =	vimm.s32 $0xEBEAE9E8  }
0x29: {  	s7 =	sadd.s32 $0x80800, s11;
	[smem:$0x7EC] =	sst s6;
	v12 =	vunpack.c.0.s8.s32 v16;
	v6 =	vunpack.c.0.s8.s32 v6;
	v13 =	vunpack.c.0.s8.s32 v13  }
0x2a: {  	s8 =	sadd.s32 $0xC0800, s11;
	[smem:$0x7ED] =	sst s7;
	v16 =	vimm.s32 $0xABAAA9A8;
	v15 =	vunpack.c.0.s8.s32 v15;
	v5 =	vunpack.c.0.s8.s32 v5  }
0x2b: {  	s9 =	sadd.s32 $0x40C00, s11;
	[smem:$0x7EE] =	sst s8;
	v17 =	vunpack.c.0.s8.s32 v17;
	v16 =	vunpack.c.0.s8.s32 v16;
	v12 =	vsel vm1, v14, v12  }
0x2c: {  	s10 =	sadd.s32 $0x80C00, s11;
	[smem:$0x7EF] =	sst s9;
	v6 =	vsel vm1, v13, v6;
	v13 =	vimm.s32 $0x77767574;
	v14 =	vsel vm1, v15, v5  }
0x2d: {  	s12 =	sadd.s32 $0xC0C00, s11;
	[smem:$0x7F0] =	sst s10;
	v15 =	vsel vm1, v17, v16;
	v5 =	vimm.s32 $0x33323130;
	v16 =	vunpack.c.0.s8.s32 v18  }
0x2e: {  	s13 =	sadd.s32 $0x41000, s11;
	[smem:$0x7F1] =	sst s12;
	v13 =	vunpack.c.0.s8.s32 v13;
	v17 =	vimm.s32 $0x37363534;
	v18 =	vunpack.c.0.s8.s32 v5  }
0x2f: {  	s14 =	sadd.s32 $0x81000, s11;
	[smem:$0x7F2] =	sst s13;
	v17 =	vunpack.c.0.s8.s32 v17;
	v5 =	vcombine.low v6, v12;
	v12 =	vcombine.low v15, v14  }
0x30: {  	s15 =	sadd.s32 $0xC1000, s11;
	[smem:$0x7F3] =	sst s14;
	v6 =	vimm.s32 $0xF7F6F5F4;
	v15 =	vimm.s32 $0xB3B2B1B0;
	v13 =	vsel vm1, v13, v16  }
0x31: {  	s29 =	simm.s32 $0xA;
	s16 =	sadd.s32 $0x41400, s11;
	[smem:$0x7F4] =	sst s15;
	v16 =	vunpack.c.0.s8.s32 v19;
	v15 =	vunpack.c.0.s8.s32 v15;
	v19 =	vimm.s32 $0x7B7A7978  }
0x32: {  	s30 =	simm.s32 $0x12200;
	s17 =	sadd.s32 $0x81400, s11;
	[smem:$0x7F5] =	sst s16;
	v14 =	vsel vm1, v17, v18;
	v17 =	vunpack.c.0.s8.s32 v6;
	v6 =	vimm.s32 $0xB7B6B5B4  }
0x33: {  	s31 =	simm.s32 $0x4;
	s18 =	sadd.s32 $0xC1400, s11;
	[smem:$0x7F6] =	sst s17;
	v18 =	vunpack.c.0.s8.s32 v6;
	v6 =	vcombine.low v14, v13;
	v14 =	vimm.s32 $0x7F7E7D7C  }
0x34: {  	s28 =	sadd.s32 $0x300, s0;
	s19 =	sadd.s32 $0x41800, s11;
	[smem:$0x7F7] =	sst s18;
	v13 =	vsel vm1, v17, v16;
	v16 =	vunpack.c.0.s8.s32 v19;
	v17 =	vimm.s32 $0xFBFAF9F8  }
0x35: {  	s26 =	sadd.s32 $0x200, s0;
	s21 =	sadd.s32 $0xC1800, s11;
	[smem:$0x7F8] =	sst s19;
	v14 =	vunpack.c.0.s8.s32 v14;
	v15 =	vsel vm1, v18, v15;
	v18 =	vimm.s32 $0xFFFEFDFC  }
0x36: {  	s24 =	sadd.s32 $0x100, s0;
	s20 =	sadd.s32 $0x81800, s11;
	[smem:$0x7FA] =	sst s21;
	v19 =	vimm.s32 $0xBBBAB9B8;
	v17 =	vunpack.c.0.s8.s32 v17;
	v18 =	vunpack.c.0.s8.s32 v18  }
0x37: {  	s22 =	sadd.s32 $0x41C00, s11;
	s23 =	sadd.s32 $0x81C00, s11;
	s25 =	sadd.s32 $0xC1C00, s11;
	v13 =	vcombine.low v15, v13;
	v15 =	vunpack.c.0.s8.s32 v19;
	v19 =	vunpack.c.0.s8.s32 v20  }
0x38: {  	vm0 =	vmmov $0xffff;
	v7 =	vand.u32 $0xFF, v7;
	s5 =	simm.s32 $0x200;
	s9 =	simm.s32 $0x2200;
	s14 =	simm.s32 $0x4200;
	v8 =	vand.u32 $0xFF, v8  }
0x39: {  	s18 =	simm.s32 $0x6200;
	s13 =	simm.s32 $0x8200;
	s15 =	simm.s32 $0xA200;
	v14 =	vsel vm1, v14, v16;
	v16 =	vsel vm1, v18, v17;
	v15 =	vsel vm1, v19, v15  }
0x3a: {  	s19 =	simm.s32 $0xC200;
	s8 =	simm.s32 $0xE200;
	s16 =	simm.s32 $0x1;
	v17 =	vimm.s32 $0x3B3A3938;
	v15 =	vcombine.low v15, v16;
	v16 =	vimm.s32 $0x3F3E3D3C  }
0x3b: {  	s17 =	simm.s32 $0x7;
	s21 =	simm.s32 $0x10200;
	[smem:$0x7F9] =	sst s20;
	v9 =	vand.u32 $0xFF, v9;
	v17 =	vunpack.c.0.s8.s32 v17;
	v16 =	vunpack.c.0.s8.s32 v16  }
0x3c: {  	s2 =	simm.s32 $0x16200;
	s1 =	simm.s32 $0x3;
	[smem:$0x7FB] =	sst s22;
	v10 =	vand.u32 $0xFF, v10;
	v11 =	vand.u32 $0xFF, v11;
	v12 =	vand.u32 $0xFF, v12  }
0x3d: {  	s6 =	simm.s32 $0x9;
	s7 =	simm.s32 $0x5;
	[smem:$0x7FC] =	sst s23;
	v13 =	vand.u32 $0xFF, v13;
	v18 =	vlaneseq.u32;
	v16 =	vsel vm1, v16, v17  }
0x3e: {  	s10 =	simm.s32 $0x6;
	s12 =	simm.s32 $0x0;
	[smem:$0x7FD] =	sst s25;
	v15 =	vand.u32 $0xFF, v15;
	v17 =	vshrl.u32 v18, $0x3;
	v14 =	vcombine.low v16, v14  }
0x3f: {  	s22 =	simm.s32 $0x14200;
	s23 =	simm.s32 $0x2;
	s25 =	simm.s32 $0x8;
	v16 =	vand.u32 $0x7, v18;
	v17 =	vmul.u32 $0x8, v17;
	v18 =	vor.u32 $0x8, v18  }
.LBB2_1:
0x40: {  	s4 =	rddreg [dreg:$0x5]  }
0x41: {  	[tilespmem:s3], [sflag:$0xA] =	stream.linear.gather [hbm4b:s4+s3], $0x40, $0x38;
	[tilespmem:$0x1E200] =	vst v63  }
0x42: {  	s20 =	rddreg [dreg:$0x6];
	s11 =	simm.s32 $0x40  }
0x43: {  	[tilespmem:s11], [sflag:$0xA] =	stream.linear.gather [hbm4b:s20+s3], $0x40, $0x38;
	[tilespmem:$0x1E200] =	vst v63  }
0x44: {  	s11 =	rddreg [dreg:$0x7];
	s20 =	simm.s32 $0x80  }
0x45: {  	[tilespmem:s20], [sflag:$0xA] =	stream.linear.gather [hbm4b:s11+s3], $0x40, $0x38;
	[tilespmem:$0x1E200] =	vst v63  }
0x46: {  	s11 =	rddreg [dreg:$0x8];
	s20 =	simm.s32 $0xC0  }
0x47: {  	[tilespmem:s20], [sflag:$0xA] =	stream.linear.gather [hbm4b:s11+s3], $0x40, $0x38;
	[tilespmem:$0x1E200] =	vst v63  }
0x48: {  	_ =	swait.ge [sflag:s29], $0x40  }
0x49: {  	[sflag:s29] =	ssyncset.done $0x0  }
0x4a: {  	[sflag:s29] =	ssyncadd.s32 $0xFFFFFFC0  }
0x4b: {  	_ =	swait.ge [sflag:s29], $0x40  }
0x4c: {  	[sflag:s29] =	ssyncset.done $0x0  }
0x4d: {  	[sflag:s29] =	ssyncadd.s32 $0xFFFFFFC0  }
0x4e: {  	_ =	swait.ge [sflag:s29], $0x40  }
0x4f: {  	[sflag:s29] =	ssyncset.done $0x0  }
0x50: {  	[sflag:s29] =	ssyncadd.s32 $0xFFFFFFC0  }
0x51: {  	_ =	swait.ge [sflag:s29], $0x40  }
0x52: {  	[sflag:s29] =	ssyncset.done $0x0  }
0x53: {  	[sflag:s29] =	ssyncadd.s32 $0xFFFFFFC0  }
0x54: {  	v19 =	vld.idx.msk [tilespmem:v0+s3+$0x0], $0xffff;
	_ =	sdelay $0x4  }
0x55: {  	[tilespmem:$0x100] =	vst v19  }
0x56: {  	v20 =	vld.idx.msk [tilespmem:v7+s3+$0x0], $0xffff;
	_ =	sdelay $0x4  }
0x57: {  	[tilespmem:$0x110] =	vst v20  }
0x58: {  	v20 =	vld.idx.msk [tilespmem:v1+s3+$0x0], $0xffff;
	_ =	sdelay $0x4  }
0x59: {  	[tilespmem:$0x120] =	vst v20  }
0x5a: {  	v20 =	vld.idx.msk [tilespmem:v8+s3+$0x0], $0xffff;
	_ =	sdelay $0x4  }
0x5b: {  	[tilespmem:$0x130] =	vst v20  }
0x5c: {  	v20 =	vld.idx.msk [tilespmem:v2+s3+$0x0], $0xffff;
	_ =	sdelay $0x4  }
0x5d: {  	[tilespmem:$0x140] =	vst v20  }
0x5e: {  	v20 =	vld.idx.msk [tilespmem:v9+s3+$0x0], $0xffff;
	_ =	sdelay $0x4  }
0x5f: {  	[tilespmem:$0x150] =	vst v20  }
0x60: {  	v20 =	vld.idx.msk [tilespmem:v3+s3+$0x0], $0xffff;
	_ =	sdelay $0x4  }
0x61: {  	[tilespmem:$0x160] =	vst v20  }
0x62: {  	v20 =	vld.idx.msk [tilespmem:v10+s3+$0x0], $0xffff;
	_ =	sdelay $0x4  }
0x63: {  	[tilespmem:$0x170] =	vst v20  }
0x64: {  	v20 =	vld.idx.msk [tilespmem:v4+s3+$0x0], $0xffff;
	_ =	sdelay $0x4  }
0x65: {  	[tilespmem:$0x180] =	vst v20  }
0x66: {  	v20 =	vld.idx.msk [tilespmem:v11+s3+$0x0], $0xffff;
	_ =	sdelay $0x4  }
0x67: {  	[tilespmem:$0x190] =	vst v20  }
0x68: {  	v20 =	vld.idx.msk [tilespmem:v5+s3+$0x0], $0xffff;
	_ =	sdelay $0x4  }
0x69: {  	[tilespmem:$0x1A0] =	vst v20  }
0x6a: {  	v20 =	vld.idx.msk [tilespmem:v12+s3+$0x0], $0xffff;
	_ =	sdelay $0x4  }
0x6b: {  	[tilespmem:$0x1B0] =	vst v20  }
0x6c: {  	v20 =	vld.idx.msk [tilespmem:v6+s3+$0x0], $0xffff;
	_ =	sdelay $0x4  }
0x6d: {  	[tilespmem:$0x1C0] =	vst v20  }
0x6e: {  	v20 =	vld.idx.msk [tilespmem:v13+s3+$0x0], $0xffff;
	_ =	sdelay $0x4  }
0x6f: {  	[tilespmem:$0x1D0] =	vst v20  }
0x70: {  	v20 =	vld.idx.msk [tilespmem:v14+s3+$0x0], $0xffff;
	_ =	sdelay $0x1  }
0x71: {  	v21 =	vshll.u32 v19, $0x3  }
0x72: {  	v19 =	vand.u32 $0x7, v19;
	v21 =	vand.u32 $0xFFFFFFC0, v21  }
0x73: {  	v19 =	vor.u32 v19, v21  }
0x74: {  	[tilespmem:$0x1E0] =	vst v20;
	v20 =	vperm.xlane v19, v16  }
0x75: {  	v63 =	vld.idx.msk [tilespmem:v15+s3+$0x0], $0xffff  }
0x76: {  	v20 =	vadd.s32 v17, v20;
	_ =	sdelay $0x3  }
0x77: {  	[tilespmem:$0x1F0] =	vst v63  }
0x78: {  	[tilespmem:s5], [sflag:$0x1] =	stream.indirect_vreg.gather [hbm4b:s0+s3], $0x80, v20, vm0, $0xb8;
	[tilespmem:$0x1E200] =	vst v63  }
0x79: {  	s11 =	simm.s32 $0xA00;
	v19 =	vperm.xlane v19, v18  }
0x7a: {  	[tilespmem:s11], [sflag:$0x1] =	stream.indirect_vreg.gather [hbm4b:s24+s3], $0x80, v20, vm0, $0xb8;
	[tilespmem:$0x1E200] =	vst v63  }
0x7b: {  	s20 =	simm.s32 $0x1200;
	v19 =	vadd.s32 v17, v19  }
0x7c: {  	[tilespmem:s20], [sflag:$0x1] =	stream.indirect_vreg.gather [hbm4b:s26+s3], $0x80, v20, vm0, $0xb8;
	[tilespmem:$0x1E200] =	vst v63  }
0x7d: {  	s5 =	simm.s32 $0x1A00  }
0x7e: {  	[tilespmem:s5], [sflag:$0x1] =	stream.indirect_vreg.gather [hbm4b:s28+s3], $0x80, v20, vm0, $0xb8;
	[tilespmem:$0x1E200] =	vst v63  }
0x7f: {  	_ = 	snop  }
0x80: {  	[tilespmem:s9], [sflag:$0x1] =	stream.indirect_vreg.gather [hbm4b:s0+s3], $0x80, v19, vm0, $0xb8;
	[tilespmem:$0x1E200] =	vst v63  }
0x81: {  	s9 =	simm.s32 $0x2A00  }
0x82: {  	[tilespmem:s9], [sflag:$0x1] =	stream.indirect_vreg.gather [hbm4b:s24+s3], $0x80, v19, vm0, $0xb8;
	[tilespmem:$0x1E200] =	vst v63  }
0x83: {  	s11 =	simm.s32 $0x3200  }
0x84: {  	[tilespmem:s11], [sflag:$0x1] =	stream.indirect_vreg.gather [hbm4b:s26+s3], $0x80, v19, vm0, $0xb8;
	[tilespmem:$0x1E200] =	vst v63  }
0x85: {  	s20 =	simm.s32 $0x3A00  }
0x86: {  	[tilespmem:s20], [sflag:$0x1] =	stream.indirect_vreg.gather [hbm4b:s28+s3], $0x80, v19, vm0, $0xb8;
	[tilespmem:$0x1E200] =	vst v63  }
0x87: {  	v19 =	vld [tilespmem:$0x110];
	_ =	sdelay $0x4  }
0x88: {  	v20 =	vshll.u32 v19, $0x3  }
0x89: {  	v19 =	vand.u32 $0x7, v19;
	v20 =	vand.u32 $0xFFFFFFC0, v20  }
0x8a: {  	v19 =	vor.u32 v19, v20  }
0x8b: {  	v20 =	vperm.xlane v19, v16;
	_ =	sdelay $0x1  }
0x8c: {  	v20 =	vadd.s32 v17, v20;
	_ =	sdelay $0x4  }
0x8d: {  	[tilespmem:s14], [sflag:$0x1] =	stream.indirect_vreg.gather [hbm4b:s0+s3], $0x80, v20, vm0, $0xb8;
	[tilespmem:$0x1E200] =	vst v63  }
0x8e: {  	s5 =	simm.s32 $0x4A00;
	v19 =	vperm.xlane v19, v18  }
0x8f: {  	[tilespmem:s5], [sflag:$0x1] =	stream.indirect_vreg.gather [hbm4b:s24+s3], $0x80, v20, vm0, $0xb8;
	[tilespmem:$0x1E200] =	vst v63  }
0x90: {  	s9 =	simm.s32 $0x5200;
	v19 =	vadd.s32 v17, v19  }
0x91: {  	[tilespmem:s9], [sflag:$0x1] =	stream.indirect_vreg.gather [hbm4b:s26+s3], $0x80, v20, vm0, $0xb8;
	[tilespmem:$0x1E200] =	vst v63  }
0x92: {  	s11 =	simm.s32 $0x5A00  }
0x93: {  	[tilespmem:s11], [sflag:$0x1] =	stream.indirect_vreg.gather [hbm4b:s28+s3], $0x80, v20, vm0, $0xb8;
	[tilespmem:$0x1E200] =	vst v63  }
0x94: {  	_ = 	snop  }
0x95: {  	[tilespmem:s18], [sflag:$0x1] =	stream.indirect_vreg.gather [hbm4b:s0+s3], $0x80, v19, vm0, $0xb8;
	[tilespmem:$0x1E200] =	vst v63  }
0x96: {  	s14 =	simm.s32 $0x6A00  }
0x97: {  	[tilespmem:s14], [sflag:$0x1] =	stream.indirect_vreg.gather [hbm4b:s24+s3], $0x80, v19, vm0, $0xb8;
	[tilespmem:$0x1E200] =	vst v63  }
0x98: {  	s18 =	simm.s32 $0x7200  }
0x99: {  	[tilespmem:s18], [sflag:$0x1] =	stream.indirect_vreg.gather [hbm4b:s26+s3], $0x80, v19, vm0, $0xb8;
	[tilespmem:$0x1E200] =	vst v63  }
0x9a: {  	s20 =	simm.s32 $0x7A00  }
0x9b: {  	[tilespmem:s20], [sflag:$0x1] =	stream.indirect_vreg.gather [hbm4b:s28+s3], $0x80, v19, vm0, $0xb8;
	[tilespmem:$0x1E200] =	vst v63  }
0x9c: {  	s5 =	rddreg [dreg:$0x9];
	s9 =	simm.s32 $0x18200  }
0x9d: {  	[tilespmem:s9], [sflag:$0x7] =	stream.linear.gather [hbm4b:s5+s3], $0x2000, $0x38;
	[tilespmem:$0x1E200] =	vst v63  }
0x9e: {  	v19 =	vld [tilespmem:$0x120];
	_ =	sdelay $0x4  }
0x9f: {  	v20 =	vshll.u32 v19, $0x3  }
0xa0: {  	v19 =	vand.u32 $0x7, v19;
	v20 =	vand.u32 $0xFFFFFFC0, v20  }
0xa1: {  	v19 =	vor.u32 v19, v20  }
0xa2: {  	v20 =	vperm.xlane v19, v16;
	_ =	sdelay $0x1  }
0xa3: {  	v20 =	vadd.s32 v17, v20;
	_ =	sdelay $0x4  }
0xa4: {  	[tilespmem:s13], [sflag:$0x2] =	stream.indirect_vreg.gather [hbm4b:s0+s3], $0x80, v20, vm0, $0xb8;
	[tilespmem:$0x1E200] =	vst v63  }
0xa5: {  	s11 =	simm.s32 $0x8A00;
	v19 =	vperm.xlane v19, v18  }
0xa6: {  	[tilespmem:s11], [sflag:$0x2] =	stream.indirect_vreg.gather [hbm4b:s24+s3], $0x80, v20, vm0, $0xb8;
	[tilespmem:$0x1E200] =	vst v63  }
0xa7: {  	v19 =	vadd.s32 v17, v19;
	s13 =	simm.s32 $0x9200  }
0xa8: {  	[tilespmem:s13], [sflag:$0x2] =	stream.indirect_vreg.gather [hbm4b:s26+s3], $0x80, v20, vm0, $0xb8;
	[tilespmem:$0x1E200] =	vst v63  }
0xa9: {  	s14 =	simm.s32 $0x9A00  }
0xaa: {  	[tilespmem:s14], [sflag:$0x2] =	stream.indirect_vreg.gather [hbm4b:s28+s3], $0x80, v20, vm0, $0xb8;
	[tilespmem:$0x1E200] =	vst v63  }
0xab: {  	_ = 	snop  }
0xac: {  	[tilespmem:s15], [sflag:$0x2] =	stream.indirect_vreg.gather [hbm4b:s0+s3], $0x80, v19, vm0, $0xb8;
	[tilespmem:$0x1E200] =	vst v63  }
0xad: {  	s15 =	simm.s32 $0xAA00  }
0xae: {  	[tilespmem:s15], [sflag:$0x2] =	stream.indirect_vreg.gather [hbm4b:s24+s3], $0x80, v19, vm0, $0xb8;
	[tilespmem:$0x1E200] =	vst v63  }
0xaf: {  	s18 =	simm.s32 $0xB200  }
0xb0: {  	[tilespmem:s18], [sflag:$0x2] =	stream.indirect_vreg.gather [hbm4b:s26+s3], $0x80, v19, vm0, $0xb8;
	[tilespmem:$0x1E200] =	vst v63  }
0xb1: {  	s20 =	simm.s32 $0xBA00  }
0xb2: {  	[tilespmem:s20], [sflag:$0x2] =	stream.indirect_vreg.gather [hbm4b:s28+s3], $0x80, v19, vm0, $0xb8;
	[tilespmem:$0x1E200] =	vst v63  }
0xb3: {  	v19 =	vld [tilespmem:$0x130];
	_ =	sdelay $0x4  }
0xb4: {  	v20 =	vshll.u32 v19, $0x3  }
0xb5: {  	v19 =	vand.u32 $0x7, v19;
	v20 =	vand.u32 $0xFFFFFFC0, v20  }
0xb6: {  	v19 =	vor.u32 v19, v20  }
0xb7: {  	v20 =	vperm.xlane v19, v16;
	_ =	sdelay $0x1  }
0xb8: {  	v20 =	vadd.s32 v17, v20;
	_ =	sdelay $0x4  }
0xb9: {  	[tilespmem:s19], [sflag:$0x2] =	stream.indirect_vreg.gather [hbm4b:s0+s3], $0x80, v20, vm0, $0xb8;
	[tilespmem:$0x1E200] =	vst v63  }
0xba: {  	s5 =	simm.s32 $0xCA00;
	v19 =	vperm.xlane v19, v18  }
0xbb: {  	[tilespmem:s5], [sflag:$0x2] =	stream.indirect_vreg.gather [hbm4b:s24+s3], $0x80, v20, vm0, $0xb8;
	[tilespmem:$0x1E200] =	vst v63  }
0xbc: {  	s9 =	simm.s32 $0xD200;
	v19 =	vadd.s32 v17, v19  }
0xbd: {  	[tilespmem:s9], [sflag:$0x2] =	stream.indirect_vreg.gather [hbm4b:s26+s3], $0x80, v20, vm0, $0xb8;
	[tilespmem:$0x1E200] =	vst v63  }
0xbe: {  	s11 =	simm.s32 $0xDA00  }
0xbf: {  	[tilespmem:s11], [sflag:$0x2] =	stream.indirect_vreg.gather [hbm4b:s28+s3], $0x80, v20, vm0, $0xb8;
	[tilespmem:$0x1E200] =	vst v63  }
0xc0: {  	_ = 	snop  }
0xc1: {  	[tilespmem:s8], [sflag:$0x2] =	stream.indirect_vreg.gather [hbm4b:s0+s3], $0x80, v19, vm0, $0xb8;
	[tilespmem:$0x1E200] =	vst v63  }
0xc2: {  	s13 =	simm.s32 $0xEA00  }
0xc3: {  	[tilespmem:s13], [sflag:$0x2] =	stream.indirect_vreg.gather [hbm4b:s24+s3], $0x80, v19, vm0, $0xb8;
	[tilespmem:$0x1E200] =	vst v63  }
0xc4: {  	s14 =	simm.s32 $0xF200  }
0xc5: {  	[tilespmem:s14], [sflag:$0x2] =	stream.indirect_vreg.gather [hbm4b:s26+s3], $0x80, v19, vm0, $0xb8;
	[tilespmem:$0x1E200] =	vst v63  }
0xc6: {  	s15 =	simm.s32 $0xFA00  }
0xc7: {  	[tilespmem:s15], [sflag:$0x2] =	stream.indirect_vreg.gather [hbm4b:s28+s3], $0x80, v19, vm0, $0xb8;
	[tilespmem:$0x1E200] =	vst v63  }
0xc8: {  	s18 =	rddreg [dreg:$0xa];
	s19 =	simm.s32 $0x1A200  }
0xc9: {  	[tilespmem:s19], [sflag:$0x8] =	stream.linear.gather [hbm4b:s18+s3], $0x2000, $0x38;
	[tilespmem:$0x1E200] =	vst v63  }
0xca: {  	_ =	swait.ge [sflag:s16], $0x8000  }
0xcb: {  	[sflag:s16] =	ssyncset.done $0x0  }
0xcc: {  	[sflag:s16] =	ssyncadd.s32 $0xFFFF8000  }
0xcd: {  	_ =	swait.ge [sflag:s17], $0x2000  }
0xce: {  	[sflag:s17] =	ssyncset.done $0x0  }
0xcf: {  	[sflag:s17] =	ssyncadd.s32 $0xFFFFE000  }
0xd0: {  	v19 =	vld [tilespmem:$0x140];
	_ =	sdelay $0x4  }
0xd1: {  	v20 =	vshll.u32 v19, $0x3  }
0xd2: {  	v19 =	vand.u32 $0x7, v19;
	v20 =	vand.u32 $0xFFFFFFC0, v20  }
0xd3: {  	v19 =	vor.u32 v19, v20  }
0xd4: {  	v20 =	vperm.xlane v19, v16;
	_ =	sdelay $0x1  }
0xd5: {  	v20 =	vadd.s32 v17, v20;
	_ =	sdelay $0x4  }
0xd6: {  	[tilespmem:s21], [sflag:$0x3] =	stream.indirect_vreg.gather [hbm4b:s0+s3], $0x80, v20, vm0, $0xb8;
	[tilespmem:$0x1E200] =	vst v63  }
0xd7: {  	s20 =	simm.s32 $0x10A00;
	v19 =	vperm.xlane v19, v18  }
0xd8: {  	[tilespmem:s20], [sflag:$0x3] =	stream.indirect_vreg.gather [hbm4b:s24+s3], $0x80, v20, vm0, $0xb8;
	[tilespmem:$0x1E200] =	vst v63  }
0xd9: {  	v19 =	vadd.s32 v17, v19;
	s21 =	simm.s32 $0x11200  }
0xda: {  	[tilespmem:s21], [sflag:$0x3] =	stream.indirect_vreg.gather [hbm4b:s26+s3], $0x80, v20, vm0, $0xb8;
	[tilespmem:$0x1E200] =	vst v63  }
0xdb: {  	s5 =	simm.s32 $0x11A00  }
0xdc: {  	[tilespmem:s5], [sflag:$0x3] =	stream.indirect_vreg.gather [hbm4b:s28+s3], $0x80, v20, vm0, $0xb8;
	[tilespmem:$0x1E200] =	vst v63  }
0xdd: {  	_ = 	snop  }
0xde: {  	[tilespmem:s30], [sflag:$0x3] =	stream.indirect_vreg.gather [hbm4b:s0+s3], $0x80, v19, vm0, $0xb8;
	[tilespmem:$0x1E200] =	vst v63  }
0xdf: {  	s9 =	simm.s32 $0x12A00  }
0xe0: {  	[tilespmem:s9], [sflag:$0x3] =	stream.indirect_vreg.gather [hbm4b:s24+s3], $0x80, v19, vm0, $0xb8;
	[tilespmem:$0x1E200] =	vst v63  }
0xe1: {  	s11 =	simm.s32 $0x13200  }
0xe2: {  	[tilespmem:s11], [sflag:$0x3] =	stream.indirect_vreg.gather [hbm4b:s26+s3], $0x80, v19, vm0, $0xb8;
	[tilespmem:$0x1E200] =	vst v63  }
0xe3: {  	s13 =	simm.s32 $0x13A00  }
0xe4: {  	[tilespmem:s13], [sflag:$0x3] =	stream.indirect_vreg.gather [hbm4b:s28+s3], $0x80, v19, vm0, $0xb8;
	[tilespmem:$0x1E200] =	vst v63  }
0xe5: {  	v19 =	vld [tilespmem:$0x150];
	_ =	sdelay $0x4  }
0xe6: {  	v20 =	vshll.u32 v19, $0x3  }
0xe7: {  	v19 =	vand.u32 $0x7, v19;
	v20 =	vand.u32 $0xFFFFFFC0, v20  }
0xe8: {  	v19 =	vor.u32 v19, v20  }
0xe9: {  	v20 =	vperm.xlane v19, v16;
	_ =	sdelay $0x1  }
0xea: {  	v20 =	vadd.s32 v17, v20;
	_ =	sdelay $0x4  }
0xeb: {  	[tilespmem:s22], [sflag:$0x3] =	stream.indirect_vreg.gather [hbm4b:s0+s3], $0x80, v20, vm0, $0xb8;
	[tilespmem:$0x1E200] =	vst v63  }
0xec: {  	s14 =	simm.s32 $0x14A00;
	v19 =	vperm.xlane v19, v18  }
0xed: {  	[tilespmem:s14], [sflag:$0x3] =	stream.indirect_vreg.gather [hbm4b:s24+s3], $0x80, v20, vm0, $0xb8;
	[tilespmem:$0x1E200] =	vst v63  }
0xee: {  	s15 =	simm.s32 $0x15200;
	v19 =	vadd.s32 v17, v19  }
0xef: {  	[tilespmem:s15], [sflag:$0x3] =	stream.indirect_vreg.gather [hbm4b:s26+s3], $0x80, v20, vm0, $0xb8;
	[tilespmem:$0x1E200] =	vst v63  }
0xf0: {  	s18 =	simm.s32 $0x15A00  }
0xf1: {  	[tilespmem:s18], [sflag:$0x3] =	stream.indirect_vreg.gather [hbm4b:s28+s3], $0x80, v20, vm0, $0xb8;
	[tilespmem:$0x1E200] =	vst v63  }
0xf2: {  	_ = 	snop  }
0xf3: {  	[tilespmem:s2], [sflag:$0x3] =	stream.indirect_vreg.gather [hbm4b:s0+s3], $0x80, v19, vm0, $0xb8;
	[tilespmem:$0x1E200] =	vst v63  }
0xf4: {  	s19 =	simm.s32 $0x16A00  }
0xf5: {  	[tilespmem:s19], [sflag:$0x3] =	stream.indirect_vreg.gather [hbm4b:s24+s3], $0x80, v19, vm0, $0xb8;
	[tilespmem:$0x1E200] =	vst v63  }
0xf6: {  	s20 =	simm.s32 $0x17200  }
0xf7: {  	[tilespmem:s20], [sflag:$0x3] =	stream.indirect_vreg.gather [hbm4b:s26+s3], $0x80, v19, vm0, $0xb8;
	[tilespmem:$0x1E200] =	vst v63  }
0xf8: {  	s21 =	simm.s32 $0x17A00;
	s30 =	simm.s32 $0x1C200  }
0xf9: {  	[tilespmem:s21], [sflag:$0x3] =	stream.indirect_vreg.gather [hbm4b:s28+s3], $0x80, v19, vm0, $0xb8;
	[tilespmem:$0x1E200] =	vst v63  }
0xfa: {  	s13 =	simm.s32 $0x0;
	s22 =	rddreg [dreg:$0xb];
	s15 =	simm.s32 $0x0  }
0xfb: {  	[tilespmem:s30], [sflag:$0x9] =	stream.linear.gather [hbm4b:s22+s3], $0x2000, $0x38;
	[tilespmem:$0x1E200] =	vst v63  }
.LBB2_2:
0xfc: {  	s11 =	sshra.s32 s13, $0x2  }
0xfd: {  	v19 =	vld [tilespmem:s11+$0x18270]  }
0xfe: {  	v20 =	vld [tilespmem:s11+$0x6270]  }
0xff: {  	v21 =	vld [tilespmem:s11+$0x18200]  }
0x100: {  	v22 =	vld [tilespmem:s11+$0x200]  }
0x101: {  	v23 =	vld [tilespmem:s11+$0x2200]  }
0x102: {  	v24 =	vld [tilespmem:s11+$0x4200]  }
0x103: {  	v25 =	vld [tilespmem:s11+$0x6200]  }
0x104: {  	v26 =	vld [tilespmem:s11+$0x18210]  }
0x105: {  	v27 =	vld [tilespmem:s11+$0x210]  }
0x106: {  	v28 =	vld [tilespmem:s11+$0x2210]  }
0x107: {  	v29 =	vld [tilespmem:s11+$0x4210]  }
0x108: {  	v30 =	vld [tilespmem:s11+$0x6210]  }
0x109: {  	v31 =	vld [tilespmem:s11+$0x18220];
	v20 =	vadd.f32 v20, v19  }
0x10a: {  	v32 =	vld [tilespmem:s11+$0x220];
	v22 =	vadd.f32 v22, v21  }
0x10b: {  	v33 =	vld [tilespmem:s11+$0x2220];
	v23 =	vadd.f32 v23, v21;
	v20 =	vmax.f32 v20, $0.0e+00  }
0x10c: {  	v63 =	vld [tilespmem:s11+$0x18240];
	[tilespmem:s11+$0x6270] =	vst v20;
	v20 =	vmax.f32 v22, $0.0e+00;
	v22 =	vadd.f32 v24, v21  }
0x10d: {  	v24 =	vld [tilespmem:s11+$0x4220];
	v21 =	vadd.f32 v25, v21;
	[tilespmem:s11+$0x200] =	vst v20;
	v20 =	vmax.f32 v23, $0.0e+00  }
0x10e: {  	v25 =	vld [tilespmem:s11+$0x18230];
	[tilespmem:s11+$0x2200] =	vst v20;
	v20 =	vmax.f32 v22, $0.0e+00;
	v22 =	vadd.f32 v27, v26  }
0x10f: {  	v23 =	vld [tilespmem:s11+$0x6220];
	[tilespmem:s11+$0x4200] =	vst v20;
	v20 =	vmax.f32 v21, $0.0e+00;
	v21 =	vadd.f32 v28, v26  }
0x110: {  	v27 =	vld [tilespmem:s11+$0x230];
	[tilespmem:s11+$0x6200] =	vst v20;
	v20 =	vmax.f32 v22, $0.0e+00;
	v22 =	vadd.f32 v29, v26  }
0x111: {  	v28 =	vld [tilespmem:s11+$0x2230];
	[tilespmem:s11+$0x210] =	vst v20;
	v20 =	vmax.f32 v21, $0.0e+00;
	v21 =	vadd.f32 v30, v26  }
0x112: {  	v29 =	vld [tilespmem:s11+$0x6230];
	[tilespmem:s11+$0x2210] =	vst v20;
	v20 =	vmax.f32 v22, $0.0e+00;
	v22 =	vadd.f32 v32, v31  }
0x113: {  	v26 =	vld [tilespmem:s11+$0x4230];
	[tilespmem:s11+$0x4210] =	vst v20;
	v20 =	vmax.f32 v21, $0.0e+00;
	v21 =	vadd.f32 v33, v31  }
0x114: {  	[tilespmem:s11+$0x6210] =	vst v20;
	v20 =	vmax.f32 v22, $0.0e+00;
	v22 =	vadd.f32 v24, v31;
	v24 =	vld [tilespmem:s11+$0x240]  }
0x115: {  	[tilespmem:s11+$0x220] =	vst v20;
	v20 =	vmax.f32 v21, $0.0e+00;
	v21 =	vadd.f32 v23, v31;
	v23 =	vld [tilespmem:s11+$0x2240]  }
0x116: {  	[tilespmem:s11+$0x2220] =	vst v20;
	v20 =	vmax.f32 v22, $0.0e+00;
	v22 =	vadd.f32 v27, v25;
	v27 =	vld [tilespmem:s11+$0x4240]  }
0x117: {  	[tilespmem:s11+$0x4220] =	vst v20;
	v20 =	vmax.f32 v21, $0.0e+00;
	v21 =	vadd.f32 v28, v25;
	v28 =	vld [tilespmem:s11+$0x6240]  }
0x118: {  	[tilespmem:s11+$0x6220] =	vst v20;
	v20 =	vmax.f32 v22, $0.0e+00;
	v22 =	vadd.f32 v26, v25;
	v26 =	vld [tilespmem:s11+$0x18250]  }
0x119: {  	[tilespmem:s11+$0x230] =	vst v20;
	v20 =	vmax.f32 v21, $0.0e+00;
	v21 =	vadd.f32 v29, v25;
	v25 =	vld [tilespmem:s11+$0x250]  }
0x11a: {  	[tilespmem:s11+$0x2230] =	vst v20;
	v20 =	vmax.f32 v22, $0.0e+00;
	v22 =	vadd.f32 v24, v63;
	v24 =	vld [tilespmem:s11+$0x2250]  }
0x11b: {  	[tilespmem:s11+$0x4230] =	vst v20;
	v20 =	vmax.f32 v21, $0.0e+00;
	v21 =	vadd.f32 v23, v63;
	v23 =	vld [tilespmem:s11+$0x4250]  }
0x11c: {  	[tilespmem:s11+$0x6230] =	vst v20;
	v20 =	vmax.f32 v22, $0.0e+00;
	v22 =	vadd.f32 v27, v63;
	v27 =	vld [tilespmem:s11+$0x6250]  }
0x11d: {  	v29 =	vld [tilespmem:s11+$0x260];
	v28 =	vadd.f32 v28, v63;
	[tilespmem:s11+$0x240] =	vst v20;
	v21 =	vmax.f32 v21, $0.0e+00  }
0x11e: {  	v20 =	vld [tilespmem:s11+$0x18260];
	[tilespmem:s11+$0x2240] =	vst v21;
	v21 =	vmax.f32 v22, $0.0e+00;
	v22 =	vadd.f32 v25, v26  }
0x11f: {  	v25 =	vld [tilespmem:s11+$0x2260];
	[tilespmem:s11+$0x4240] =	vst v21;
	v21 =	vmax.f32 v28, $0.0e+00;
	v24 =	vadd.f32 v24, v26  }
0x120: {  	[tilespmem:s11+$0x6240] =	vst v21;
	v21 =	vmax.f32 v22, $0.0e+00;
	v28 =	vadd.f32 v23, v26;
	v22 =	vld [tilespmem:s11+$0x4260]  }
0x121: {  	v23 =	vld [tilespmem:s11+$0x6260];
	[tilespmem:s11+$0x250] =	vst v21;
	v21 =	vmax.f32 v24, $0.0e+00;
	v24 =	vadd.f32 v27, v26  }
0x122: {  	[tilespmem:s11+$0x2250] =	vst v21;
	v26 =	vmax.f32 v28, $0.0e+00;
	v21 =	vld [tilespmem:s11+$0x270]  }
0x123: {  	s4 =	simm.s32 $0x0;
	s19 =	sadd.s32 $0x1000, s13;
	[tilespmem:s11+$0x4250] =	vst v26;
	v27 =	vmax.f32 v24, $0.0e+00;
	v26 =	vadd.f32 v29, v20;
	v24 =	vld [tilespmem:s11+$0x2270]  }
.LBB2_3:
0x124: {  	s20 =	sshra.s32 s19, $0x2;
	[tilespmem:s11+$0x6250] =	vst v27;
	v25 =	vadd.f32 v25, v20;
	v27 =	vld [tilespmem:s11+$0x4270]  }
0x125: {  	s4 =	sadd.s32 $0x80, s4;
	v28 =	vld [tilespmem:s20+$0x18270];
	v26 =	vmax.f32 v26, $0.0e+00;
	v22 =	vadd.f32 v22, v20  }
0x126: {  	p0 =	slt.u32 s4, $0x380;
	v29 =	vld [tilespmem:s20+$0x6270];
	[tilespmem:s11+$0x260] =	vst v26;
	v25 =	vmax.f32 v25, $0.0e+00;
	v20 =	vadd.f32 v23, v20  }
0x127: {  	v23 =	vld [tilespmem:s20+$0x18200];
	[tilespmem:s11+$0x2260] =	vst v25;
	v22 =	vmax.f32 v22, $0.0e+00;
	v21 =	vadd.f32 v21, v19  }
0x128: {  	v25 =	vld [tilespmem:s20+$0x200];
	[tilespmem:s11+$0x4260] =	vst v22;
	v20 =	vmax.f32 v20, $0.0e+00;
	v22 =	vadd.f32 v24, v19  }
0x129: {  	v24 =	vld [tilespmem:s20+$0x2200];
	[tilespmem:s11+$0x6260] =	vst v20;
	v20 =	vmax.f32 v21, $0.0e+00;
	v21 =	vadd.f32 v27, v19  }
0x12a: {  	v26 =	vld [tilespmem:s20+$0x4200];
	[tilespmem:s11+$0x270] =	vst v20;
	v20 =	vmax.f32 v22, $0.0e+00;
	v19 =	vmov v28  }
0x12b: {  	v22 =	vld [tilespmem:s20+$0x6200];
	v27 =	vadd.f32 v29, v19;
	[tilespmem:s11+$0x2270] =	vst v20;
	v20 =	vmax.f32 v21, $0.0e+00  }
0x12c: {  	v21 =	vld [tilespmem:s20+$0x18210];
	[tilespmem:s11+$0x4270] =	vst v20;
	s11 =	smov.u32 s20  }
0x12d: {  	v20 =	vadd.f32 v25, v23;
	v25 =	vld [tilespmem:s11+$0x210];
	v27 =	vmax.f32 v27, $0.0e+00  }
0x12e: {  	v24 =	vadd.f32 v24, v23;
	v28 =	vld [tilespmem:s11+$0x2210];
	[tilespmem:s11+$0x6270] =	vst v27  }
0x12f: {  	v20 =	vmax.f32 v20, $0.0e+00;
	v26 =	vadd.f32 v26, v23;
	v27 =	vld [tilespmem:s11+$0x4210]  }
0x130: {  	[tilespmem:s11+$0x200] =	vst v20;
	v20 =	vmax.f32 v24, $0.0e+00;
	v22 =	vadd.f32 v22, v23;
	v23 =	vld [tilespmem:s11+$0x6210]  }
0x131: {  	[tilespmem:s11+$0x2200] =	vst v20;
	v20 =	vmax.f32 v26, $0.0e+00;
	v24 =	vld [tilespmem:s11+$0x18220]  }
0x132: {  	[tilespmem:s11+$0x4200] =	vst v20;
	v20 =	vmax.f32 v22, $0.0e+00;
	v22 =	vadd.f32 v25, v21;
	v25 =	vld [tilespmem:s11+$0x220]  }
0x133: {  	[tilespmem:s11+$0x6200] =	vst v20;
	v20 =	vadd.f32 v28, v21;
	v26 =	vld [tilespmem:s11+$0x2220]  }
0x134: {  	v22 =	vmax.f32 v22, $0.0e+00;
	v27 =	vadd.f32 v27, v21;
	v28 =	vld [tilespmem:s11+$0x4220]  }
0x135: {  	[tilespmem:s11+$0x210] =	vst v22;
	v20 =	vmax.f32 v20, $0.0e+00;
	v21 =	vadd.f32 v23, v21;
	v22 =	vld [tilespmem:s11+$0x6220]  }
0x136: {  	[tilespmem:s11+$0x2210] =	vst v20;
	v20 =	vmax.f32 v27, $0.0e+00;
	v23 =	vld [tilespmem:s11+$0x18230]  }
0x137: {  	[tilespmem:s11+$0x4210] =	vst v20;
	v20 =	vmax.f32 v21, $0.0e+00;
	v21 =	vadd.f32 v25, v24;
	v25 =	vld [tilespmem:s11+$0x230]  }
0x138: {  	[tilespmem:s11+$0x6210] =	vst v20;
	v20 =	vadd.f32 v26, v24;
	v26 =	vld [tilespmem:s11+$0x2230]  }
0x139: {  	v21 =	vmax.f32 v21, $0.0e+00;
	v27 =	vadd.f32 v28, v24;
	v28 =	vld [tilespmem:s11+$0x4230]  }
0x13a: {  	[tilespmem:s11+$0x220] =	vst v21;
	v20 =	vmax.f32 v20, $0.0e+00;
	v21 =	vadd.f32 v22, v24;
	v22 =	vld [tilespmem:s11+$0x6230]  }
0x13b: {  	[tilespmem:s11+$0x2220] =	vst v20;
	v20 =	vmax.f32 v27, $0.0e+00;
	v24 =	vld [tilespmem:s11+$0x18240]  }
0x13c: {  	[tilespmem:s11+$0x4220] =	vst v20;
	v20 =	vmax.f32 v21, $0.0e+00;
	v21 =	vadd.f32 v25, v23;
	v25 =	vld [tilespmem:s11+$0x240]  }
0x13d: {  	[tilespmem:s11+$0x6220] =	vst v20;
	v20 =	vadd.f32 v26, v23;
	v26 =	vld [tilespmem:s11+$0x2240]  }
0x13e: {  	v21 =	vmax.f32 v21, $0.0e+00;
	v27 =	vadd.f32 v28, v23;
	v28 =	vld [tilespmem:s11+$0x4240]  }
0x13f: {  	[tilespmem:s11+$0x230] =	vst v21;
	v20 =	vmax.f32 v20, $0.0e+00;
	v21 =	vadd.f32 v22, v23;
	v22 =	vld [tilespmem:s11+$0x6240]  }
0x140: {  	[tilespmem:s11+$0x2230] =	vst v20;
	v20 =	vmax.f32 v27, $0.0e+00;
	v23 =	vld [tilespmem:s11+$0x18250]  }
0x141: {  	[tilespmem:s11+$0x4230] =	vst v20;
	v20 =	vmax.f32 v21, $0.0e+00;
	v21 =	vadd.f32 v25, v24;
	v25 =	vld [tilespmem:s11+$0x250]  }
0x142: {  	[tilespmem:s11+$0x6230] =	vst v20;
	v20 =	vadd.f32 v26, v24;
	v26 =	vld [tilespmem:s11+$0x2250]  }
0x143: {  	v21 =	vmax.f32 v21, $0.0e+00;
	v27 =	vadd.f32 v28, v24;
	v28 =	vld [tilespmem:s11+$0x4250]  }
0x144: {  	[tilespmem:s11+$0x240] =	vst v21;
	v20 =	vmax.f32 v20, $0.0e+00;
	v21 =	vadd.f32 v22, v24;
	v24 =	vld [tilespmem:s11+$0x6250]  }
0x145: {  	[tilespmem:s11+$0x2240] =	vst v20;
	v22 =	vmax.f32 v27, $0.0e+00;
	v20 =	vld [tilespmem:s11+$0x18260]  }
0x146: {  	[tilespmem:s11+$0x4240] =	vst v22;
	v21 =	vmax.f32 v21, $0.0e+00;
	v22 =	vadd.f32 v25, v23;
	v29 =	vld [tilespmem:s11+$0x260]  }
.Ltmp0:
0x147: {  	[tilespmem:s11+$0x6240] =	vst v21;
	v21 =	vadd.f32 v26, v23;
	v25 =	vld [tilespmem:s11+$0x2260];
	(pc) =	sbr.rel @p0 .LBB2_3-.Ltmp0, $4  }
0x148: {  	v26 =	vmax.f32 v22, $0.0e+00;
	v27 =	vadd.f32 v28, v23;
	v22 =	vld [tilespmem:s11+$0x4260]  }
0x149: {  	[tilespmem:s11+$0x250] =	vst v26;
	v21 =	vmax.f32 v21, $0.0e+00;
	v24 =	vadd.f32 v24, v23;
	v23 =	vld [tilespmem:s11+$0x6260]  }
0x14a: {  	[tilespmem:s11+$0x2250] =	vst v21;
	v26 =	vmax.f32 v27, $0.0e+00;
	v21 =	vld [tilespmem:s11+$0x270]  }
0x14b: {  	s19 =	sadd.s32 $0x1000, s19;
	[tilespmem:s11+$0x4250] =	vst v26;
	v27 =	vmax.f32 v24, $0.0e+00;
	v26 =	vadd.f32 v29, v20;
	v24 =	vld [tilespmem:s11+$0x2270]  }
0x14c: {  	v25 =	vadd.f32 v25, v20;
	v28 =	vld [tilespmem:s11+$0x4270]  }
0x14d: {  	[tilespmem:s11+$0x6250] =	vst v27;
	v26 =	vmax.f32 v26, $0.0e+00;
	v22 =	vadd.f32 v22, v20  }
0x14e: {  	s15 =	sadd.s32 $0x1, s15;
	[tilespmem:s11+$0x260] =	vst v26;
	v25 =	vmax.f32 v25, $0.0e+00;
	v20 =	vadd.f32 v23, v20  }
0x14f: {  	p0 =	sne.s32 s15, $0x8;
	[tilespmem:s11+$0x2260] =	vst v25;
	v22 =	vmax.f32 v22, $0.0e+00;
	v21 =	vadd.f32 v21, v19  }
.Ltmp1:
0x150: {  	[tilespmem:s11+$0x4260] =	vst v22;
	v20 =	vmax.f32 v20, $0.0e+00;
	v63 =	vadd.f32 v24, v19;
	(pc) =	sbr.rel @p0 .LBB2_2-.Ltmp1, $4  }
0x151: {  	[tilespmem:s11+$0x6260] =	vst v20;
	v20 =	vmax.f32 v21, $0.0e+00;
	v19 =	vadd.f32 v28, v19  }
0x152: {  	[tilespmem:s11+$0x270] =	vst v20;
	v20 =	vmax.f32 v63, $0.0e+00  }
0x153: {  	[tilespmem:s11+$0x2270] =	vst v20;
	v19 =	vmax.f32 v19, $0.0e+00  }
0x154: {  	s13 =	sadd.s32 $0x200, s13;
	[tilespmem:s11+$0x4270] =	vst v19  }
0x155: {  	s13 =	simm.s32 $0x0;
	s4 =	rddreg [dreg:$0xc];
	s5 =	simm.s32 $0x200  }
0x156: {  	[hbm4b:s4+s13] =	stream.linear.scatter [tilespmem:s5], [sflag:$0x4], $0x2000, $0x38;
	[tilespmem:$0x1E200] =	vst v63  }
0x157: {  	s18 =	rddreg [dreg:$0x1a];
	s9 =	simm.s32 $0x2200  }
0x158: {  	[hbm4b:s18+s13] =	stream.linear.scatter [tilespmem:s9], [sflag:$0x4], $0x2000, $0x38;
	[tilespmem:$0x1E200] =	vst v63  }
0x159: {  	s19 =	rddreg [dreg:$0x1b];
	s11 =	simm.s32 $0x4200  }
0x15a: {  	[hbm4b:s19+s13] =	stream.linear.scatter [tilespmem:s11], [sflag:$0x4], $0x2000, $0x38;
	[tilespmem:$0x1E200] =	vst v63  }
0x15b: {  	s20 =	rddreg [dreg:$0x1c];
	s14 =	simm.s32 $0x6200  }
0x15c: {  	[hbm4b:s20+s13] =	stream.linear.scatter [tilespmem:s14], [sflag:$0x4], $0x2000, $0x38;
	[tilespmem:$0x1E200] =	vst v63  }
0x15d: {  	_ =	swait.ge [sflag:s23], $0x8000  }
0x15e: {  	[sflag:s23] =	ssyncset.done $0x0  }
0x15f: {  	[sflag:s23] =	ssyncadd.s32 $0xFFFF8000  }
0x160: {  	_ =	swait.ge [sflag:s25], $0x2000  }
0x161: {  	[sflag:s25] =	ssyncset.done $0x0  }
0x162: {  	[sflag:s25] =	ssyncadd.s32 $0xFFFFE000  }
0x163: {  	_ =	swait.ge [sflag:s31], $0x2000  }
0x164: {  	[sflag:s31] =	ssyncset.done $0x0  }
0x165: {  	[sflag:s31] =	ssyncadd.s32 $0xFFFFE000  }
0x166: {  	_ =	swait.ge [sflag:s31], $0x2000  }
0x167: {  	[sflag:s31] =	ssyncset.done $0x0  }
0x168: {  	[sflag:s31] =	ssyncadd.s32 $0xFFFFE000  }
0x169: {  	_ =	swait.ge [sflag:s31], $0x2000  }
0x16a: {  	[sflag:s31] =	ssyncset.done $0x0  }
0x16b: {  	[sflag:s31] =	ssyncadd.s32 $0xFFFFE000  }
0x16c: {  	_ =	swait.ge [sflag:s31], $0x2000  }
0x16d: {  	[sflag:s31] =	ssyncset.done $0x0  }
0x16e: {  	[sflag:s31] =	ssyncadd.s32 $0xFFFFE000  }
0x16f: {  	v19 =	vld [tilespmem:$0x160];
	_ =	sdelay $0x4  }
0x170: {  	v20 =	vshll.u32 v19, $0x3  }
0x171: {  	v19 =	vand.u32 $0x7, v19;
	v20 =	vand.u32 $0xFFFFFFC0, v20  }
0x172: {  	v19 =	vor.u32 v19, v20  }
0x173: {  	v20 =	vperm.xlane v19, v16;
	_ =	sdelay $0x1  }
0x174: {  	v20 =	vadd.s32 v17, v20;
	_ =	sdelay $0x4  }
0x175: {  	[tilespmem:s5], [sflag:$0x1] =	stream.indirect_vreg.gather [hbm4b:s0+s13], $0x80, v20, vm0, $0xb8;
	[tilespmem:$0x1E200] =	vst v63  }
0x176: {  	s21 =	simm.s32 $0xA00;
	v19 =	vperm.xlane v19, v18  }
0x177: {  	[tilespmem:s21], [sflag:$0x1] =	stream.indirect_vreg.gather [hbm4b:s24+s13], $0x80, v20, vm0, $0xb8;
	[tilespmem:$0x1E200] =	vst v63  }
0x178: {  	s22 =	simm.s32 $0x1200;
	v19 =	vadd.s32 v17, v19  }
0x179: {  	[tilespmem:s22], [sflag:$0x1] =	stream.indirect_vreg.gather [hbm4b:s26+s13], $0x80, v20, vm0, $0xb8;
	[tilespmem:$0x1E200] =	vst v63  }
0x17a: {  	s30 =	simm.s32 $0x1A00  }
0x17b: {  	[tilespmem:s30], [sflag:$0x1] =	stream.indirect_vreg.gather [hbm4b:s28+s13], $0x80, v20, vm0, $0xb8;
	[tilespmem:$0x1E200] =	vst v63  }
0x17c: {  	_ = 	snop  }
0x17d: {  	[tilespmem:s9], [sflag:$0x1] =	stream.indirect_vreg.gather [hbm4b:s0+s13], $0x80, v19, vm0, $0xb8;
	[tilespmem:$0x1E200] =	vst v63  }
0x17e: {  	s2 =	simm.s32 $0x2A00  }
0x17f: {  	[tilespmem:s2], [sflag:$0x1] =	stream.indirect_vreg.gather [hbm4b:s24+s13], $0x80, v19, vm0, $0xb8;
	[tilespmem:$0x1E200] =	vst v63  }
0x180: {  	s5 =	simm.s32 $0x3200  }
0x181: {  	[tilespmem:s5], [sflag:$0x1] =	stream.indirect_vreg.gather [hbm4b:s26+s13], $0x80, v19, vm0, $0xb8;
	[tilespmem:$0x1E200] =	vst v63  }
0x182: {  	s9 =	simm.s32 $0x3A00  }
0x183: {  	[tilespmem:s9], [sflag:$0x1] =	stream.indirect_vreg.gather [hbm4b:s28+s13], $0x80, v19, vm0, $0xb8;
	[tilespmem:$0x1E200] =	vst v63  }
0x184: {  	v19 =	vld [tilespmem:$0x170];
	_ =	sdelay $0x4  }
0x185: {  	v20 =	vshll.u32 v19, $0x3  }
0x186: {  	v19 =	vand.u32 $0x7, v19;
	v20 =	vand.u32 $0xFFFFFFC0, v20  }
0x187: {  	v19 =	vor.u32 v19, v20  }
0x188: {  	v20 =	vperm.xlane v19, v16;
	_ =	sdelay $0x1  }
0x189: {  	v20 =	vadd.s32 v17, v20;
	_ =	sdelay $0x4  }
0x18a: {  	[tilespmem:s11], [sflag:$0x1] =	stream.indirect_vreg.gather [hbm4b:s0+s13], $0x80, v20, vm0, $0xb8;
	[tilespmem:$0x1E200] =	vst v63  }
0x18b: {  	v19 =	vperm.xlane v19, v18;
	s11 =	simm.s32 $0x4A00  }
0x18c: {  	[tilespmem:s11], [sflag:$0x1] =	stream.indirect_vreg.gather [hbm4b:s24+s13], $0x80, v20, vm0, $0xb8;
	[tilespmem:$0x1E200] =	vst v63  }
0x18d: {  	s15 =	simm.s32 $0x5200;
	v19 =	vadd.s32 v17, v19  }
0x18e: {  	[tilespmem:s15], [sflag:$0x1] =	stream.indirect_vreg.gather [hbm4b:s26+s13], $0x80, v20, vm0, $0xb8;
	[tilespmem:$0x1E200] =	vst v63  }
0x18f: {  	s18 =	simm.s32 $0x5A00  }
0x190: {  	[tilespmem:s18], [sflag:$0x1] =	stream.indirect_vreg.gather [hbm4b:s28+s13], $0x80, v20, vm0, $0xb8;
	[tilespmem:$0x1E200] =	vst v63  }
0x191: {  	_ = 	snop  }
0x192: {  	[tilespmem:s14], [sflag:$0x1] =	stream.indirect_vreg.gather [hbm4b:s0+s13], $0x80, v19, vm0, $0xb8;
	[tilespmem:$0x1E200] =	vst v63  }
0x193: {  	s19 =	simm.s32 $0x6A00  }
0x194: {  	[tilespmem:s19], [sflag:$0x1] =	stream.indirect_vreg.gather [hbm4b:s24+s13], $0x80, v19, vm0, $0xb8;
	[tilespmem:$0x1E200] =	vst v63  }
0x195: {  	s20 =	simm.s32 $0x7200  }
0x196: {  	[tilespmem:s20], [sflag:$0x1] =	stream.indirect_vreg.gather [hbm4b:s26+s13], $0x80, v19, vm0, $0xb8;
	[tilespmem:$0x1E200] =	vst v63  }
0x197: {  	s21 =	simm.s32 $0x7A00  }
0x198: {  	[tilespmem:s21], [sflag:$0x1] =	stream.indirect_vreg.gather [hbm4b:s28+s13], $0x80, v19, vm0, $0xb8;
	[tilespmem:$0x1E200] =	vst v63  }
0x199: {  	s22 =	rddreg [dreg:$0xd];
	s30 =	simm.s32 $0x18200;
	s15 =	simm.s32 $0x0  }
0x19a: {  	[tilespmem:s30], [sflag:$0x7] =	stream.linear.gather [hbm4b:s22+s13], $0x2000, $0x38;
	[tilespmem:$0x1E200] =	vst v63  }
.LBB2_6:
0x19b: {  	s11 =	sshra.s32 s13, $0x2  }
0x19c: {  	v19 =	vld [tilespmem:s11+$0x1A270]  }
0x19d: {  	v20 =	vld [tilespmem:s11+$0xE270]  }
0x19e: {  	v21 =	vld [tilespmem:s11+$0x1A200]  }
0x19f: {  	v22 =	vld [tilespmem:s11+$0x8200]  }
0x1a0: {  	v23 =	vld [tilespmem:s11+$0xA200]  }
0x1a1: {  	v24 =	vld [tilespmem:s11+$0xC200]  }
0x1a2: {  	v25 =	vld [tilespmem:s11+$0xE200]  }
0x1a3: {  	v26 =	vld [tilespmem:s11+$0x1A210]  }
0x1a4: {  	v27 =	vld [tilespmem:s11+$0x8210]  }
0x1a5: {  	v28 =	vld [tilespmem:s11+$0xA210]  }
0x1a6: {  	v29 =	vld [tilespmem:s11+$0xC210]  }
0x1a7: {  	v30 =	vld [tilespmem:s11+$0xE210]  }
0x1a8: {  	v31 =	vld [tilespmem:s11+$0x1A220];
	v20 =	vadd.f32 v20, v19  }
0x1a9: {  	v32 =	vld [tilespmem:s11+$0x8220];
	v22 =	vadd.f32 v22, v21  }
0x1aa: {  	v33 =	vld [tilespmem:s11+$0xA220];
	v23 =	vadd.f32 v23, v21;
	v20 =	vmax.f32 v20, $0.0e+00  }
0x1ab: {  	v63 =	vld [tilespmem:s11+$0x1A240];
	[tilespmem:s11+$0xE270] =	vst v20;
	v20 =	vmax.f32 v22, $0.0e+00;
	v22 =	vadd.f32 v24, v21  }
0x1ac: {  	v24 =	vld [tilespmem:s11+$0xC220];
	v21 =	vadd.f32 v25, v21;
	[tilespmem:s11+$0x8200] =	vst v20;
	v20 =	vmax.f32 v23, $0.0e+00  }
0x1ad: {  	v25 =	vld [tilespmem:s11+$0x1A230];
	[tilespmem:s11+$0xA200] =	vst v20;
	v20 =	vmax.f32 v22, $0.0e+00;
	v22 =	vadd.f32 v27, v26  }
0x1ae: {  	v23 =	vld [tilespmem:s11+$0xE220];
	[tilespmem:s11+$0xC200] =	vst v20;
	v20 =	vmax.f32 v21, $0.0e+00;
	v21 =	vadd.f32 v28, v26  }
0x1af: {  	v27 =	vld [tilespmem:s11+$0x8230];
	[tilespmem:s11+$0xE200] =	vst v20;
	v20 =	vmax.f32 v22, $0.0e+00;
	v22 =	vadd.f32 v29, v26  }
0x1b0: {  	v28 =	vld [tilespmem:s11+$0xA230];
	[tilespmem:s11+$0x8210] =	vst v20;
	v20 =	vmax.f32 v21, $0.0e+00;
	v21 =	vadd.f32 v30, v26  }
0x1b1: {  	v29 =	vld [tilespmem:s11+$0xE230];
	[tilespmem:s11+$0xA210] =	vst v20;
	v20 =	vmax.f32 v22, $0.0e+00;
	v22 =	vadd.f32 v32, v31  }
0x1b2: {  	v26 =	vld [tilespmem:s11+$0xC230];
	[tilespmem:s11+$0xC210] =	vst v20;
	v20 =	vmax.f32 v21, $0.0e+00;
	v21 =	vadd.f32 v33, v31  }
0x1b3: {  	[tilespmem:s11+$0xE210] =	vst v20;
	v20 =	vmax.f32 v22, $0.0e+00;
	v22 =	vadd.f32 v24, v31;
	v24 =	vld [tilespmem:s11+$0x8240]  }
0x1b4: {  	[tilespmem:s11+$0x8220] =	vst v20;
	v20 =	vmax.f32 v21, $0.0e+00;
	v21 =	vadd.f32 v23, v31;
	v23 =	vld [tilespmem:s11+$0xA240]  }
0x1b5: {  	[tilespmem:s11+$0xA220] =	vst v20;
	v20 =	vmax.f32 v22, $0.0e+00;
	v22 =	vadd.f32 v27, v25;
	v27 =	vld [tilespmem:s11+$0xC240]  }
0x1b6: {  	[tilespmem:s11+$0xC220] =	vst v20;
	v20 =	vmax.f32 v21, $0.0e+00;
	v21 =	vadd.f32 v28, v25;
	v28 =	vld [tilespmem:s11+$0xE240]  }
0x1b7: {  	[tilespmem:s11+$0xE220] =	vst v20;
	v20 =	vmax.f32 v22, $0.0e+00;
	v22 =	vadd.f32 v26, v25;
	v26 =	vld [tilespmem:s11+$0x1A250]  }
0x1b8: {  	[tilespmem:s11+$0x8230] =	vst v20;
	v20 =	vmax.f32 v21, $0.0e+00;
	v21 =	vadd.f32 v29, v25;
	v25 =	vld [tilespmem:s11+$0x8250]  }
0x1b9: {  	[tilespmem:s11+$0xA230] =	vst v20;
	v20 =	vmax.f32 v22, $0.0e+00;
	v22 =	vadd.f32 v24, v63;
	v24 =	vld [tilespmem:s11+$0xA250]  }
0x1ba: {  	[tilespmem:s11+$0xC230] =	vst v20;
	v20 =	vmax.f32 v21, $0.0e+00;
	v21 =	vadd.f32 v23, v63;
	v23 =	vld [tilespmem:s11+$0xC250]  }
0x1bb: {  	[tilespmem:s11+$0xE230] =	vst v20;
	v20 =	vmax.f32 v22, $0.0e+00;
	v22 =	vadd.f32 v27, v63;
	v27 =	vld [tilespmem:s11+$0xE250]  }
0x1bc: {  	v29 =	vld [tilespmem:s11+$0x8260];
	v28 =	vadd.f32 v28, v63;
	[tilespmem:s11+$0x8240] =	vst v20;
	v21 =	vmax.f32 v21, $0.0e+00  }
0x1bd: {  	v20 =	vld [tilespmem:s11+$0x1A260];
	[tilespmem:s11+$0xA240] =	vst v21;
	v21 =	vmax.f32 v22, $0.0e+00;
	v22 =	vadd.f32 v25, v26  }
0x1be: {  	v25 =	vld [tilespmem:s11+$0xA260];
	[tilespmem:s11+$0xC240] =	vst v21;
	v21 =	vmax.f32 v28, $0.0e+00;
	v24 =	vadd.f32 v24, v26  }
0x1bf: {  	[tilespmem:s11+$0xE240] =	vst v21;
	v21 =	vmax.f32 v22, $0.0e+00;
	v28 =	vadd.f32 v23, v26;
	v22 =	vld [tilespmem:s11+$0xC260]  }
0x1c0: {  	v23 =	vld [tilespmem:s11+$0xE260];
	[tilespmem:s11+$0x8250] =	vst v21;
	v21 =	vmax.f32 v24, $0.0e+00;
	v24 =	vadd.f32 v27, v26  }
0x1c1: {  	[tilespmem:s11+$0xA250] =	vst v21;
	v26 =	vmax.f32 v28, $0.0e+00;
	v21 =	vld [tilespmem:s11+$0x8270]  }
0x1c2: {  	s4 =	simm.s32 $0x0;
	s19 =	sadd.s32 $0x1000, s13;
	[tilespmem:s11+$0xC250] =	vst v26;
	v27 =	vmax.f32 v24, $0.0e+00;
	v26 =	vadd.f32 v29, v20;
	v24 =	vld [tilespmem:s11+$0xA270]  }
.LBB2_7:
0x1c3: {  	s20 =	sshra.s32 s19, $0x2;
	[tilespmem:s11+$0xE250] =	vst v27;
	v25 =	vadd.f32 v25, v20;
	v27 =	vld [tilespmem:s11+$0xC270]  }
0x1c4: {  	s4 =	sadd.s32 $0x80, s4;
	v28 =	vld [tilespmem:s20+$0x1A270];
	v26 =	vmax.f32 v26, $0.0e+00;
	v22 =	vadd.f32 v22, v20  }
0x1c5: {  	p0 =	slt.u32 s4, $0x380;
	v29 =	vld [tilespmem:s20+$0xE270];
	[tilespmem:s11+$0x8260] =	vst v26;
	v25 =	vmax.f32 v25, $0.0e+00;
	v20 =	vadd.f32 v23, v20  }
0x1c6: {  	v23 =	vld [tilespmem:s20+$0x1A200];
	[tilespmem:s11+$0xA260] =	vst v25;
	v22 =	vmax.f32 v22, $0.0e+00;
	v21 =	vadd.f32 v21, v19  }
0x1c7: {  	v25 =	vld [tilespmem:s20+$0x8200];
	[tilespmem:s11+$0xC260] =	vst v22;
	v20 =	vmax.f32 v20, $0.0e+00;
	v22 =	vadd.f32 v24, v19  }
0x1c8: {  	v24 =	vld [tilespmem:s20+$0xA200];
	[tilespmem:s11+$0xE260] =	vst v20;
	v20 =	vmax.f32 v21, $0.0e+00;
	v21 =	vadd.f32 v27, v19  }
0x1c9: {  	v26 =	vld [tilespmem:s20+$0xC200];
	[tilespmem:s11+$0x8270] =	vst v20;
	v20 =	vmax.f32 v22, $0.0e+00;
	v19 =	vmov v28  }
0x1ca: {  	v22 =	vld [tilespmem:s20+$0xE200];
	v27 =	vadd.f32 v29, v19;
	[tilespmem:s11+$0xA270] =	vst v20;
	v20 =	vmax.f32 v21, $0.0e+00  }
0x1cb: {  	v21 =	vld [tilespmem:s20+$0x1A210];
	[tilespmem:s11+$0xC270] =	vst v20;
	s11 =	smov.u32 s20  }
0x1cc: {  	v20 =	vadd.f32 v25, v23;
	v25 =	vld [tilespmem:s11+$0x8210];
	v27 =	vmax.f32 v27, $0.0e+00  }
0x1cd: {  	v24 =	vadd.f32 v24, v23;
	v28 =	vld [tilespmem:s11+$0xA210];
	[tilespmem:s11+$0xE270] =	vst v27  }
0x1ce: {  	v20 =	vmax.f32 v20, $0.0e+00;
	v26 =	vadd.f32 v26, v23;
	v27 =	vld [tilespmem:s11+$0xC210]  }
0x1cf: {  	[tilespmem:s11+$0x8200] =	vst v20;
	v20 =	vmax.f32 v24, $0.0e+00;
	v22 =	vadd.f32 v22, v23;
	v23 =	vld [tilespmem:s11+$0xE210]  }
0x1d0: {  	[tilespmem:s11+$0xA200] =	vst v20;
	v20 =	vmax.f32 v26, $0.0e+00;
	v24 =	vld [tilespmem:s11+$0x1A220]  }
0x1d1: {  	[tilespmem:s11+$0xC200] =	vst v20;
	v20 =	vmax.f32 v22, $0.0e+00;
	v22 =	vadd.f32 v25, v21;
	v25 =	vld [tilespmem:s11+$0x8220]  }
0x1d2: {  	[tilespmem:s11+$0xE200] =	vst v20;
	v20 =	vadd.f32 v28, v21;
	v26 =	vld [tilespmem:s11+$0xA220]  }
0x1d3: {  	v22 =	vmax.f32 v22, $0.0e+00;
	v27 =	vadd.f32 v27, v21;
	v28 =	vld [tilespmem:s11+$0xC220]  }
0x1d4: {  	[tilespmem:s11+$0x8210] =	vst v22;
	v20 =	vmax.f32 v20, $0.0e+00;
	v21 =	vadd.f32 v23, v21;
	v22 =	vld [tilespmem:s11+$0xE220]  }
0x1d5: {  	[tilespmem:s11+$0xA210] =	vst v20;
	v20 =	vmax.f32 v27, $0.0e+00;
	v23 =	vld [tilespmem:s11+$0x1A230]  }
0x1d6: {  	[tilespmem:s11+$0xC210] =	vst v20;
	v20 =	vmax.f32 v21, $0.0e+00;
	v21 =	vadd.f32 v25, v24;
	v25 =	vld [tilespmem:s11+$0x8230]  }
0x1d7: {  	[tilespmem:s11+$0xE210] =	vst v20;
	v20 =	vadd.f32 v26, v24;
	v26 =	vld [tilespmem:s11+$0xA230]  }
0x1d8: {  	v21 =	vmax.f32 v21, $0.0e+00;
	v27 =	vadd.f32 v28, v24;
	v28 =	vld [tilespmem:s11+$0xC230]  }
0x1d9: {  	[tilespmem:s11+$0x8220] =	vst v21;
	v20 =	vmax.f32 v20, $0.0e+00;
	v21 =	vadd.f32 v22, v24;
	v22 =	vld [tilespmem:s11+$0xE230]  }
0x1da: {  	[tilespmem:s11+$0xA220] =	vst v20;
	v20 =	vmax.f32 v27, $0.0e+00;
	v24 =	vld [tilespmem:s11+$0x1A240]  }
0x1db: {  	[tilespmem:s11+$0xC220] =	vst v20;
	v20 =	vmax.f32 v21, $0.0e+00;
	v21 =	vadd.f32 v25, v23;
	v25 =	vld [tilespmem:s11+$0x8240]  }
0x1dc: {  	[tilespmem:s11+$0xE220] =	vst v20;
	v20 =	vadd.f32 v26, v23;
	v26 =	vld [tilespmem:s11+$0xA240]  }
0x1dd: {  	v21 =	vmax.f32 v21, $0.0e+00;
	v27 =	vadd.f32 v28, v23;
	v28 =	vld [tilespmem:s11+$0xC240]  }
0x1de: {  	[tilespmem:s11+$0x8230] =	vst v21;
	v20 =	vmax.f32 v20, $0.0e+00;
	v21 =	vadd.f32 v22, v23;
	v22 =	vld [tilespmem:s11+$0xE240]  }
0x1df: {  	[tilespmem:s11+$0xA230] =	vst v20;
	v20 =	vmax.f32 v27, $0.0e+00;
	v23 =	vld [tilespmem:s11+$0x1A250]  }
0x1e0: {  	[tilespmem:s11+$0xC230] =	vst v20;
	v20 =	vmax.f32 v21, $0.0e+00;
	v21 =	vadd.f32 v25, v24;
	v25 =	vld [tilespmem:s11+$0x8250]  }
0x1e1: {  	[tilespmem:s11+$0xE230] =	vst v20;
	v20 =	vadd.f32 v26, v24;
	v26 =	vld [tilespmem:s11+$0xA250]  }
0x1e2: {  	v21 =	vmax.f32 v21, $0.0e+00;
	v27 =	vadd.f32 v28, v24;
	v28 =	vld [tilespmem:s11+$0xC250]  }
0x1e3: {  	[tilespmem:s11+$0x8240] =	vst v21;
	v20 =	vmax.f32 v20, $0.0e+00;
	v21 =	vadd.f32 v22, v24;
	v24 =	vld [tilespmem:s11+$0xE250]  }
0x1e4: {  	[tilespmem:s11+$0xA240] =	vst v20;
	v22 =	vmax.f32 v27, $0.0e+00;
	v20 =	vld [tilespmem:s11+$0x1A260]  }
0x1e5: {  	[tilespmem:s11+$0xC240] =	vst v22;
	v21 =	vmax.f32 v21, $0.0e+00;
	v22 =	vadd.f32 v25, v23;
	v29 =	vld [tilespmem:s11+$0x8260]  }
.Ltmp2:
0x1e6: {  	[tilespmem:s11+$0xE240] =	vst v21;
	v21 =	vadd.f32 v26, v23;
	v25 =	vld [tilespmem:s11+$0xA260];
	(pc) =	sbr.rel @p0 .LBB2_7-.Ltmp2, $4  }
0x1e7: {  	v26 =	vmax.f32 v22, $0.0e+00;
	v27 =	vadd.f32 v28, v23;
	v22 =	vld [tilespmem:s11+$0xC260]  }
0x1e8: {  	[tilespmem:s11+$0x8250] =	vst v26;
	v21 =	vmax.f32 v21, $0.0e+00;
	v24 =	vadd.f32 v24, v23;
	v23 =	vld [tilespmem:s11+$0xE260]  }
0x1e9: {  	[tilespmem:s11+$0xA250] =	vst v21;
	v26 =	vmax.f32 v27, $0.0e+00;
	v21 =	vld [tilespmem:s11+$0x8270]  }
0x1ea: {  	s19 =	sadd.s32 $0x1000, s19;
	[tilespmem:s11+$0xC250] =	vst v26;
	v27 =	vmax.f32 v24, $0.0e+00;
	v26 =	vadd.f32 v29, v20;
	v24 =	vld [tilespmem:s11+$0xA270]  }
0x1eb: {  	v25 =	vadd.f32 v25, v20;
	v28 =	vld [tilespmem:s11+$0xC270]  }
0x1ec: {  	[tilespmem:s11+$0xE250] =	vst v27;
	v26 =	vmax.f32 v26, $0.0e+00;
	v22 =	vadd.f32 v22, v20  }
0x1ed: {  	s15 =	sadd.s32 $0x1, s15;
	[tilespmem:s11+$0x8260] =	vst v26;
	v25 =	vmax.f32 v25, $0.0e+00;
	v20 =	vadd.f32 v23, v20  }
0x1ee: {  	p0 =	sne.s32 s15, $0x8;
	[tilespmem:s11+$0xA260] =	vst v25;
	v22 =	vmax.f32 v22, $0.0e+00;
	v21 =	vadd.f32 v21, v19  }
.Ltmp3:
0x1ef: {  	[tilespmem:s11+$0xC260] =	vst v22;
	v20 =	vmax.f32 v20, $0.0e+00;
	v63 =	vadd.f32 v24, v19;
	(pc) =	sbr.rel @p0 .LBB2_6-.Ltmp3, $4  }
0x1f0: {  	[tilespmem:s11+$0xE260] =	vst v20;
	v20 =	vmax.f32 v21, $0.0e+00;
	v19 =	vadd.f32 v28, v19  }
0x1f1: {  	[tilespmem:s11+$0x8270] =	vst v20;
	v20 =	vmax.f32 v63, $0.0e+00  }
0x1f2: {  	[tilespmem:s11+$0xA270] =	vst v20;
	v19 =	vmax.f32 v19, $0.0e+00  }
0x1f3: {  	s13 =	sadd.s32 $0x200, s13;
	[tilespmem:s11+$0xC270] =	vst v19  }
0x1f4: {  	s13 =	simm.s32 $0x0;
	s4 =	rddreg [dreg:$0xe];
	s5 =	simm.s32 $0x8200  }
0x1f5: {  	[hbm4b:s4+s13] =	stream.linear.scatter [tilespmem:s5], [sflag:$0x5], $0x2000, $0x38;
	[tilespmem:$0x1E200] =	vst v63  }
0x1f6: {  	s19 =	rddreg [dreg:$0x1d];
	s9 =	simm.s32 $0xA200  }
0x1f7: {  	[hbm4b:s19+s13] =	stream.linear.scatter [tilespmem:s9], [sflag:$0x5], $0x2000, $0x38;
	[tilespmem:$0x1E200] =	vst v63  }
0x1f8: {  	s20 =	rddreg [dreg:$0x1e];
	s2 =	simm.s32 $0xC200  }
0x1f9: {  	[hbm4b:s20+s13] =	stream.linear.scatter [tilespmem:s2], [sflag:$0x5], $0x2000, $0x38;
	[tilespmem:$0x1E200] =	vst v63  }
0x1fa: {  	s21 =	rddreg [dreg:$0x1f]  }
0x1fb: {  	[hbm4b:s21+s13] =	stream.linear.scatter [tilespmem:s8], [sflag:$0x5], $0x2000, $0x38;
	[tilespmem:$0x1E200] =	vst v63  }
0x1fc: {  	_ =	swait.ge [sflag:s1], $0x8000  }
0x1fd: {  	[sflag:s1] =	ssyncset.done $0x0  }
0x1fe: {  	[sflag:s1] =	ssyncadd.s32 $0xFFFF8000  }
0x1ff: {  	_ =	swait.ge [sflag:s6], $0x2000  }
0x200: {  	[sflag:s6] =	ssyncset.done $0x0  }
0x201: {  	[sflag:s6] =	ssyncadd.s32 $0xFFFFE000  }
0x202: {  	_ =	swait.ge [sflag:s7], $0x2000  }
0x203: {  	[sflag:s7] =	ssyncset.done $0x0  }
0x204: {  	[sflag:s7] =	ssyncadd.s32 $0xFFFFE000  }
0x205: {  	_ =	swait.ge [sflag:s7], $0x2000  }
0x206: {  	[sflag:s7] =	ssyncset.done $0x0  }
0x207: {  	[sflag:s7] =	ssyncadd.s32 $0xFFFFE000  }
0x208: {  	_ =	swait.ge [sflag:s7], $0x2000  }
0x209: {  	[sflag:s7] =	ssyncset.done $0x0  }
0x20a: {  	[sflag:s7] =	ssyncadd.s32 $0xFFFFE000  }
0x20b: {  	_ =	swait.ge [sflag:s7], $0x2000  }
0x20c: {  	[sflag:s7] =	ssyncset.done $0x0  }
0x20d: {  	[sflag:s7] =	ssyncadd.s32 $0xFFFFE000  }
0x20e: {  	v19 =	vld [tilespmem:$0x180];
	_ =	sdelay $0x4  }
0x20f: {  	v20 =	vshll.u32 v19, $0x3  }
0x210: {  	v19 =	vand.u32 $0x7, v19;
	v20 =	vand.u32 $0xFFFFFFC0, v20  }
0x211: {  	v19 =	vor.u32 v19, v20  }
0x212: {  	v20 =	vperm.xlane v19, v16;
	_ =	sdelay $0x1  }
0x213: {  	v20 =	vadd.s32 v17, v20;
	_ =	sdelay $0x4  }
0x214: {  	[tilespmem:s5], [sflag:$0x2] =	stream.indirect_vreg.gather [hbm4b:s0+s13], $0x80, v20, vm0, $0xb8;
	[tilespmem:$0x1E200] =	vst v63  }
0x215: {  	s22 =	simm.s32 $0x8A00;
	v19 =	vperm.xlane v19, v18  }
0x216: {  	[tilespmem:s22], [sflag:$0x2] =	stream.indirect_vreg.gather [hbm4b:s24+s13], $0x80, v20, vm0, $0xb8;
	[tilespmem:$0x1E200] =	vst v63  }
0x217: {  	s30 =	simm.s32 $0x9200;
	v19 =	vadd.s32 v17, v19  }
0x218: {  	[tilespmem:s30], [sflag:$0x2] =	stream.indirect_vreg.gather [hbm4b:s26+s13], $0x80, v20, vm0, $0xb8;
	[tilespmem:$0x1E200] =	vst v63  }
0x219: {  	s5 =	simm.s32 $0x9A00  }
0x21a: {  	[tilespmem:s5], [sflag:$0x2] =	stream.indirect_vreg.gather [hbm4b:s28+s13], $0x80, v20, vm0, $0xb8;
	[tilespmem:$0x1E200] =	vst v63  }
0x21b: {  	_ = 	snop  }
0x21c: {  	[tilespmem:s9], [sflag:$0x2] =	stream.indirect_vreg.gather [hbm4b:s0+s13], $0x80, v19, vm0, $0xb8;
	[tilespmem:$0x1E200] =	vst v63  }
0x21d: {  	s9 =	simm.s32 $0xAA00  }
0x21e: {  	[tilespmem:s9], [sflag:$0x2] =	stream.indirect_vreg.gather [hbm4b:s24+s13], $0x80, v19, vm0, $0xb8;
	[tilespmem:$0x1E200] =	vst v63  }
0x21f: {  	s11 =	simm.s32 $0xB200  }
0x220: {  	[tilespmem:s11], [sflag:$0x2] =	stream.indirect_vreg.gather [hbm4b:s26+s13], $0x80, v19, vm0, $0xb8;
	[tilespmem:$0x1E200] =	vst v63  }
0x221: {  	s14 =	simm.s32 $0xBA00  }
0x222: {  	[tilespmem:s14], [sflag:$0x2] =	stream.indirect_vreg.gather [hbm4b:s28+s13], $0x80, v19, vm0, $0xb8;
	[tilespmem:$0x1E200] =	vst v63  }
0x223: {  	v19 =	vld [tilespmem:$0x190];
	_ =	sdelay $0x4  }
0x224: {  	v20 =	vshll.u32 v19, $0x3  }
0x225: {  	v19 =	vand.u32 $0x7, v19;
	v20 =	vand.u32 $0xFFFFFFC0, v20  }
0x226: {  	v19 =	vor.u32 v19, v20  }
0x227: {  	v20 =	vperm.xlane v19, v16;
	_ =	sdelay $0x1  }
0x228: {  	v20 =	vadd.s32 v17, v20;
	_ =	sdelay $0x4  }
0x229: {  	[tilespmem:s2], [sflag:$0x2] =	stream.indirect_vreg.gather [hbm4b:s0+s13], $0x80, v20, vm0, $0xb8;
	[tilespmem:$0x1E200] =	vst v63  }
0x22a: {  	s15 =	simm.s32 $0xCA00;
	v19 =	vperm.xlane v19, v18  }
0x22b: {  	[tilespmem:s15], [sflag:$0x2] =	stream.indirect_vreg.gather [hbm4b:s24+s13], $0x80, v20, vm0, $0xb8;
	[tilespmem:$0x1E200] =	vst v63  }
0x22c: {  	s18 =	simm.s32 $0xD200;
	v19 =	vadd.s32 v17, v19  }
0x22d: {  	[tilespmem:s18], [sflag:$0x2] =	stream.indirect_vreg.gather [hbm4b:s26+s13], $0x80, v20, vm0, $0xb8;
	[tilespmem:$0x1E200] =	vst v63  }
0x22e: {  	s19 =	simm.s32 $0xDA00  }
0x22f: {  	[tilespmem:s19], [sflag:$0x2] =	stream.indirect_vreg.gather [hbm4b:s28+s13], $0x80, v20, vm0, $0xb8;
	[tilespmem:$0x1E200] =	vst v63  }
0x230: {  	_ = 	snop  }
0x231: {  	[tilespmem:s8], [sflag:$0x2] =	stream.indirect_vreg.gather [hbm4b:s0+s13], $0x80, v19, vm0, $0xb8;
	[tilespmem:$0x1E200] =	vst v63  }
0x232: {  	s20 =	simm.s32 $0xEA00  }
0x233: {  	[tilespmem:s20], [sflag:$0x2] =	stream.indirect_vreg.gather [hbm4b:s24+s13], $0x80, v19, vm0, $0xb8;
	[tilespmem:$0x1E200] =	vst v63  }
0x234: {  	s21 =	simm.s32 $0xF200  }
0x235: {  	[tilespmem:s21], [sflag:$0x2] =	stream.indirect_vreg.gather [hbm4b:s26+s13], $0x80, v19, vm0, $0xb8;
	[tilespmem:$0x1E200] =	vst v63  }
0x236: {  	s22 =	simm.s32 $0xFA00  }
0x237: {  	[tilespmem:s22], [sflag:$0x2] =	stream.indirect_vreg.gather [hbm4b:s28+s13], $0x80, v19, vm0, $0xb8;
	[tilespmem:$0x1E200] =	vst v63  }
0x238: {  	s30 =	rddreg [dreg:$0xf];
	s11 =	simm.s32 $0x1A200;
	s15 =	simm.s32 $0x0  }
0x239: {  	[tilespmem:s11], [sflag:$0x8] =	stream.linear.gather [hbm4b:s30+s13], $0x2000, $0x38;
	[tilespmem:$0x1E200] =	vst v63  }
.LBB2_10:
0x23a: {  	s11 =	sshra.s32 s13, $0x2  }
0x23b: {  	v19 =	vld [tilespmem:s11+$0x1C270]  }
0x23c: {  	v20 =	vld [tilespmem:s11+$0x16270]  }
0x23d: {  	v21 =	vld [tilespmem:s11+$0x1C200]  }
0x23e: {  	v22 =	vld [tilespmem:s11+$0x10200]  }
0x23f: {  	v23 =	vld [tilespmem:s11+$0x12200]  }
0x240: {  	v24 =	vld [tilespmem:s11+$0x14200]  }
0x241: {  	v25 =	vld [tilespmem:s11+$0x16200]  }
0x242: {  	v26 =	vld [tilespmem:s11+$0x1C210]  }
0x243: {  	v27 =	vld [tilespmem:s11+$0x10210]  }
0x244: {  	v28 =	vld [tilespmem:s11+$0x12210]  }
0x245: {  	v29 =	vld [tilespmem:s11+$0x14210]  }
0x246: {  	v30 =	vld [tilespmem:s11+$0x16210]  }
0x247: {  	v31 =	vld [tilespmem:s11+$0x1C220];
	v20 =	vadd.f32 v20, v19  }
0x248: {  	v32 =	vld [tilespmem:s11+$0x10220];
	v22 =	vadd.f32 v22, v21  }
0x249: {  	v33 =	vld [tilespmem:s11+$0x12220];
	v23 =	vadd.f32 v23, v21;
	v20 =	vmax.f32 v20, $0.0e+00  }
0x24a: {  	v63 =	vld [tilespmem:s11+$0x1C240];
	[tilespmem:s11+$0x16270] =	vst v20;
	v20 =	vmax.f32 v22, $0.0e+00;
	v22 =	vadd.f32 v24, v21  }
0x24b: {  	v24 =	vld [tilespmem:s11+$0x14220];
	v21 =	vadd.f32 v25, v21;
	[tilespmem:s11+$0x10200] =	vst v20;
	v20 =	vmax.f32 v23, $0.0e+00  }
0x24c: {  	v25 =	vld [tilespmem:s11+$0x1C230];
	[tilespmem:s11+$0x12200] =	vst v20;
	v20 =	vmax.f32 v22, $0.0e+00;
	v22 =	vadd.f32 v27, v26  }
0x24d: {  	v23 =	vld [tilespmem:s11+$0x16220];
	[tilespmem:s11+$0x14200] =	vst v20;
	v20 =	vmax.f32 v21, $0.0e+00;
	v21 =	vadd.f32 v28, v26  }
0x24e: {  	v27 =	vld [tilespmem:s11+$0x10230];
	[tilespmem:s11+$0x16200] =	vst v20;
	v20 =	vmax.f32 v22, $0.0e+00;
	v22 =	vadd.f32 v29, v26  }
0x24f: {  	v28 =	vld [tilespmem:s11+$0x12230];
	[tilespmem:s11+$0x10210] =	vst v20;
	v20 =	vmax.f32 v21, $0.0e+00;
	v21 =	vadd.f32 v30, v26  }
0x250: {  	v29 =	vld [tilespmem:s11+$0x16230];
	[tilespmem:s11+$0x12210] =	vst v20;
	v20 =	vmax.f32 v22, $0.0e+00;
	v22 =	vadd.f32 v32, v31  }
0x251: {  	v26 =	vld [tilespmem:s11+$0x14230];
	[tilespmem:s11+$0x14210] =	vst v20;
	v20 =	vmax.f32 v21, $0.0e+00;
	v21 =	vadd.f32 v33, v31  }
0x252: {  	[tilespmem:s11+$0x16210] =	vst v20;
	v20 =	vmax.f32 v22, $0.0e+00;
	v22 =	vadd.f32 v24, v31;
	v24 =	vld [tilespmem:s11+$0x10240]  }
0x253: {  	[tilespmem:s11+$0x10220] =	vst v20;
	v20 =	vmax.f32 v21, $0.0e+00;
	v21 =	vadd.f32 v23, v31;
	v23 =	vld [tilespmem:s11+$0x12240]  }
0x254: {  	[tilespmem:s11+$0x12220] =	vst v20;
	v20 =	vmax.f32 v22, $0.0e+00;
	v22 =	vadd.f32 v27, v25;
	v27 =	vld [tilespmem:s11+$0x14240]  }
0x255: {  	[tilespmem:s11+$0x14220] =	vst v20;
	v20 =	vmax.f32 v21, $0.0e+00;
	v21 =	vadd.f32 v28, v25;
	v28 =	vld [tilespmem:s11+$0x16240]  }
0x256: {  	[tilespmem:s11+$0x16220] =	vst v20;
	v20 =	vmax.f32 v22, $0.0e+00;
	v22 =	vadd.f32 v26, v25;
	v26 =	vld [tilespmem:s11+$0x1C250]  }
0x257: {  	[tilespmem:s11+$0x10230] =	vst v20;
	v20 =	vmax.f32 v21, $0.0e+00;
	v21 =	vadd.f32 v29, v25;
	v25 =	vld [tilespmem:s11+$0x10250]  }
0x258: {  	[tilespmem:s11+$0x12230] =	vst v20;
	v20 =	vmax.f32 v22, $0.0e+00;
	v22 =	vadd.f32 v24, v63;
	v24 =	vld [tilespmem:s11+$0x12250]  }
0x259: {  	[tilespmem:s11+$0x14230] =	vst v20;
	v20 =	vmax.f32 v21, $0.0e+00;
	v21 =	vadd.f32 v23, v63;
	v23 =	vld [tilespmem:s11+$0x14250]  }
0x25a: {  	[tilespmem:s11+$0x16230] =	vst v20;
	v20 =	vmax.f32 v22, $0.0e+00;
	v22 =	vadd.f32 v27, v63;
	v27 =	vld [tilespmem:s11+$0x16250]  }
0x25b: {  	v29 =	vld [tilespmem:s11+$0x10260];
	v28 =	vadd.f32 v28, v63;
	[tilespmem:s11+$0x10240] =	vst v20;
	v21 =	vmax.f32 v21, $0.0e+00  }
0x25c: {  	v20 =	vld [tilespmem:s11+$0x1C260];
	[tilespmem:s11+$0x12240] =	vst v21;
	v21 =	vmax.f32 v22, $0.0e+00;
	v22 =	vadd.f32 v25, v26  }
0x25d: {  	v25 =	vld [tilespmem:s11+$0x12260];
	[tilespmem:s11+$0x14240] =	vst v21;
	v21 =	vmax.f32 v28, $0.0e+00;
	v24 =	vadd.f32 v24, v26  }
0x25e: {  	[tilespmem:s11+$0x16240] =	vst v21;
	v21 =	vmax.f32 v22, $0.0e+00;
	v28 =	vadd.f32 v23, v26;
	v22 =	vld [tilespmem:s11+$0x14260]  }
0x25f: {  	v23 =	vld [tilespmem:s11+$0x16260];
	[tilespmem:s11+$0x10250] =	vst v21;
	v21 =	vmax.f32 v24, $0.0e+00;
	v24 =	vadd.f32 v27, v26  }
0x260: {  	[tilespmem:s11+$0x12250] =	vst v21;
	v26 =	vmax.f32 v28, $0.0e+00;
	v21 =	vld [tilespmem:s11+$0x10270]  }
0x261: {  	s4 =	simm.s32 $0x0;
	s19 =	sadd.s32 $0x1000, s13;
	[tilespmem:s11+$0x14250] =	vst v26;
	v27 =	vmax.f32 v24, $0.0e+00;
	v26 =	vadd.f32 v29, v20;
	v24 =	vld [tilespmem:s11+$0x12270]  }
.LBB2_11:
0x262: {  	s20 =	sshra.s32 s19, $0x2;
	[tilespmem:s11+$0x16250] =	vst v27;
	v25 =	vadd.f32 v25, v20;
	v27 =	vld [tilespmem:s11+$0x14270]  }
0x263: {  	s4 =	sadd.s32 $0x80, s4;
	v28 =	vld [tilespmem:s20+$0x1C270];
	v26 =	vmax.f32 v26, $0.0e+00;
	v22 =	vadd.f32 v22, v20  }
0x264: {  	p0 =	slt.u32 s4, $0x380;
	v29 =	vld [tilespmem:s20+$0x16270];
	[tilespmem:s11+$0x10260] =	vst v26;
	v25 =	vmax.f32 v25, $0.0e+00;
	v20 =	vadd.f32 v23, v20  }
0x265: {  	v23 =	vld [tilespmem:s20+$0x1C200];
	[tilespmem:s11+$0x12260] =	vst v25;
	v22 =	vmax.f32 v22, $0.0e+00;
	v21 =	vadd.f32 v21, v19  }
0x266: {  	v25 =	vld [tilespmem:s20+$0x10200];
	[tilespmem:s11+$0x14260] =	vst v22;
	v20 =	vmax.f32 v20, $0.0e+00;
	v22 =	vadd.f32 v24, v19  }
0x267: {  	v24 =	vld [tilespmem:s20+$0x12200];
	[tilespmem:s11+$0x16260] =	vst v20;
	v20 =	vmax.f32 v21, $0.0e+00;
	v21 =	vadd.f32 v27, v19  }
0x268: {  	v26 =	vld [tilespmem:s20+$0x14200];
	[tilespmem:s11+$0x10270] =	vst v20;
	v20 =	vmax.f32 v22, $0.0e+00;
	v19 =	vmov v28  }
0x269: {  	v22 =	vld [tilespmem:s20+$0x16200];
	v27 =	vadd.f32 v29, v19;
	[tilespmem:s11+$0x12270] =	vst v20;
	v20 =	vmax.f32 v21, $0.0e+00  }
0x26a: {  	v21 =	vld [tilespmem:s20+$0x1C210];
	[tilespmem:s11+$0x14270] =	vst v20;
	s11 =	smov.u32 s20  }
0x26b: {  	v20 =	vadd.f32 v25, v23;
	v25 =	vld [tilespmem:s11+$0x10210];
	v27 =	vmax.f32 v27, $0.0e+00  }
0x26c: {  	v24 =	vadd.f32 v24, v23;
	v28 =	vld [tilespmem:s11+$0x12210];
	[tilespmem:s11+$0x16270] =	vst v27  }
0x26d: {  	v20 =	vmax.f32 v20, $0.0e+00;
	v26 =	vadd.f32 v26, v23;
	v27 =	vld [tilespmem:s11+$0x14210]  }
0x26e: {  	[tilespmem:s11+$0x10200] =	vst v20;
	v20 =	vmax.f32 v24, $0.0e+00;
	v22 =	vadd.f32 v22, v23;
	v23 =	vld [tilespmem:s11+$0x16210]  }
0x26f: {  	[tilespmem:s11+$0x12200] =	vst v20;
	v20 =	vmax.f32 v26, $0.0e+00;
	v24 =	vld [tilespmem:s11+$0x1C220]  }
0x270: {  	[tilespmem:s11+$0x14200] =	vst v20;
	v20 =	vmax.f32 v22, $0.0e+00;
	v22 =	vadd.f32 v25, v21;
	v25 =	vld [tilespmem:s11+$0x10220]  }
0x271: {  	[tilespmem:s11+$0x16200] =	vst v20;
	v20 =	vadd.f32 v28, v21;
	v26 =	vld [tilespmem:s11+$0x12220]  }
0x272: {  	v22 =	vmax.f32 v22, $0.0e+00;
	v27 =	vadd.f32 v27, v21;
	v28 =	vld [tilespmem:s11+$0x14220]  }
0x273: {  	[tilespmem:s11+$0x10210] =	vst v22;
	v20 =	vmax.f32 v20, $0.0e+00;
	v21 =	vadd.f32 v23, v21;
	v22 =	vld [tilespmem:s11+$0x16220]  }
0x274: {  	[tilespmem:s11+$0x12210] =	vst v20;
	v20 =	vmax.f32 v27, $0.0e+00;
	v23 =	vld [tilespmem:s11+$0x1C230]  }
0x275: {  	[tilespmem:s11+$0x14210] =	vst v20;
	v20 =	vmax.f32 v21, $0.0e+00;
	v21 =	vadd.f32 v25, v24;
	v25 =	vld [tilespmem:s11+$0x10230]  }
0x276: {  	[tilespmem:s11+$0x16210] =	vst v20;
	v20 =	vadd.f32 v26, v24;
	v26 =	vld [tilespmem:s11+$0x12230]  }
0x277: {  	v21 =	vmax.f32 v21, $0.0e+00;
	v27 =	vadd.f32 v28, v24;
	v28 =	vld [tilespmem:s11+$0x14230]  }
0x278: {  	[tilespmem:s11+$0x10220] =	vst v21;
	v20 =	vmax.f32 v20, $0.0e+00;
	v21 =	vadd.f32 v22, v24;
	v22 =	vld [tilespmem:s11+$0x16230]  }
0x279: {  	[tilespmem:s11+$0x12220] =	vst v20;
	v20 =	vmax.f32 v27, $0.0e+00;
	v24 =	vld [tilespmem:s11+$0x1C240]  }
0x27a: {  	[tilespmem:s11+$0x14220] =	vst v20;
	v20 =	vmax.f32 v21, $0.0e+00;
	v21 =	vadd.f32 v25, v23;
	v25 =	vld [tilespmem:s11+$0x10240]  }
0x27b: {  	[tilespmem:s11+$0x16220] =	vst v20;
	v20 =	vadd.f32 v26, v23;
	v26 =	vld [tilespmem:s11+$0x12240]  }
0x27c: {  	v21 =	vmax.f32 v21, $0.0e+00;
	v27 =	vadd.f32 v28, v23;
	v28 =	vld [tilespmem:s11+$0x14240]  }
0x27d: {  	[tilespmem:s11+$0x10230] =	vst v21;
	v20 =	vmax.f32 v20, $0.0e+00;
	v21 =	vadd.f32 v22, v23;
	v22 =	vld [tilespmem:s11+$0x16240]  }
0x27e: {  	[tilespmem:s11+$0x12230] =	vst v20;
	v20 =	vmax.f32 v27, $0.0e+00;
	v23 =	vld [tilespmem:s11+$0x1C250]  }
0x27f: {  	[tilespmem:s11+$0x14230] =	vst v20;
	v20 =	vmax.f32 v21, $0.0e+00;
	v21 =	vadd.f32 v25, v24;
	v25 =	vld [tilespmem:s11+$0x10250]  }
0x280: {  	[tilespmem:s11+$0x16230] =	vst v20;
	v20 =	vadd.f32 v26, v24;
	v26 =	vld [tilespmem:s11+$0x12250]  }
0x281: {  	v21 =	vmax.f32 v21, $0.0e+00;
	v27 =	vadd.f32 v28, v24;
	v28 =	vld [tilespmem:s11+$0x14250]  }
0x282: {  	[tilespmem:s11+$0x10240] =	vst v21;
	v20 =	vmax.f32 v20, $0.0e+00;
	v21 =	vadd.f32 v22, v24;
	v24 =	vld [tilespmem:s11+$0x16250]  }
0x283: {  	[tilespmem:s11+$0x12240] =	vst v20;
	v22 =	vmax.f32 v27, $0.0e+00;
	v20 =	vld [tilespmem:s11+$0x1C260]  }
0x284: {  	[tilespmem:s11+$0x14240] =	vst v22;
	v21 =	vmax.f32 v21, $0.0e+00;
	v22 =	vadd.f32 v25, v23;
	v29 =	vld [tilespmem:s11+$0x10260]  }
.Ltmp4:
0x285: {  	[tilespmem:s11+$0x16240] =	vst v21;
	v21 =	vadd.f32 v26, v23;
	v25 =	vld [tilespmem:s11+$0x12260];
	(pc) =	sbr.rel @p0 .LBB2_11-.Ltmp4, $4  }
0x286: {  	v26 =	vmax.f32 v22, $0.0e+00;
	v27 =	vadd.f32 v28, v23;
	v22 =	vld [tilespmem:s11+$0x14260]  }
0x287: {  	[tilespmem:s11+$0x10250] =	vst v26;
	v21 =	vmax.f32 v21, $0.0e+00;
	v24 =	vadd.f32 v24, v23;
	v23 =	vld [tilespmem:s11+$0x16260]  }
0x288: {  	[tilespmem:s11+$0x12250] =	vst v21;
	v26 =	vmax.f32 v27, $0.0e+00;
	v21 =	vld [tilespmem:s11+$0x10270]  }
0x289: {  	s19 =	sadd.s32 $0x1000, s19;
	[tilespmem:s11+$0x14250] =	vst v26;
	v27 =	vmax.f32 v24, $0.0e+00;
	v26 =	vadd.f32 v29, v20;
	v24 =	vld [tilespmem:s11+$0x12270]  }
0x28a: {  	v25 =	vadd.f32 v25, v20;
	v28 =	vld [tilespmem:s11+$0x14270]  }
0x28b: {  	[tilespmem:s11+$0x16250] =	vst v27;
	v26 =	vmax.f32 v26, $0.0e+00;
	v22 =	vadd.f32 v22, v20  }
0x28c: {  	s15 =	sadd.s32 $0x1, s15;
	[tilespmem:s11+$0x10260] =	vst v26;
	v25 =	vmax.f32 v25, $0.0e+00;
	v20 =	vadd.f32 v23, v20  }
0x28d: {  	p0 =	sne.s32 s15, $0x8;
	[tilespmem:s11+$0x12260] =	vst v25;
	v22 =	vmax.f32 v22, $0.0e+00;
	v21 =	vadd.f32 v21, v19  }
.Ltmp5:
0x28e: {  	[tilespmem:s11+$0x14260] =	vst v22;
	v20 =	vmax.f32 v20, $0.0e+00;
	v63 =	vadd.f32 v24, v19;
	(pc) =	sbr.rel @p0 .LBB2_10-.Ltmp5, $4  }
0x28f: {  	[tilespmem:s11+$0x16260] =	vst v20;
	v20 =	vmax.f32 v21, $0.0e+00;
	v19 =	vadd.f32 v28, v19  }
0x290: {  	[tilespmem:s11+$0x10270] =	vst v20;
	v20 =	vmax.f32 v63, $0.0e+00  }
0x291: {  	[tilespmem:s11+$0x12270] =	vst v20;
	v19 =	vmax.f32 v19, $0.0e+00  }
0x292: {  	s13 =	sadd.s32 $0x200, s13;
	[tilespmem:s11+$0x14270] =	vst v19  }
0x293: {  	s4 =	rddreg [dreg:$0x10]  }
0x294: {  	s13 =	simm.s32 $0x0;
	s11 =	simm.s32 $0x10200;
	s21 =	sld [smem:$0x7EC]  }
0x295: {  	[hbm4b:s4+s13] =	stream.linear.scatter [tilespmem:s11], [sflag:$0x6], $0x2000, $0x38;
	[tilespmem:$0x1E200] =	vst v63  }
0x296: {  	s15 =	simm.s32 $0x12200;
	s22 =	sld [smem:$0x7ED]  }
0x297: {  	[hbm4b:s21+s13] =	stream.linear.scatter [tilespmem:s15], [sflag:$0x6], $0x2000, $0x38;
	[tilespmem:$0x1E200] =	vst v63  }
0x298: {  	s5 =	simm.s32 $0x14200;
	s2 =	sld [smem:$0x7EE]  }
0x299: {  	[hbm4b:s22+s13] =	stream.linear.scatter [tilespmem:s5], [sflag:$0x6], $0x2000, $0x38;
	[tilespmem:$0x1E200] =	vst v63  }
0x29a: {  	s9 =	simm.s32 $0x16200  }
0x29b: {  	[hbm4b:s2+s13] =	stream.linear.scatter [tilespmem:s9], [sflag:$0x6], $0x2000, $0x38;
	[tilespmem:$0x1E200] =	vst v63  }
0x29c: {  	_ =	swait.ge [sflag:s16], $0x8000  }
0x29d: {  	[sflag:s16] =	ssyncset.done $0x0  }
0x29e: {  	[sflag:s16] =	ssyncadd.s32 $0xFFFF8000  }
0x29f: {  	_ =	swait.ge [sflag:s17], $0x2000  }
0x2a0: {  	[sflag:s17] =	ssyncset.done $0x0  }
0x2a1: {  	[sflag:s17] =	ssyncadd.s32 $0xFFFFE000  }
0x2a2: {  	_ =	swait.ge [sflag:s10], $0x2000  }
0x2a3: {  	[sflag:s10] =	ssyncset.done $0x0  }
0x2a4: {  	[sflag:s10] =	ssyncadd.s32 $0xFFFFE000  }
0x2a5: {  	_ =	swait.ge [sflag:s10], $0x2000  }
0x2a6: {  	[sflag:s10] =	ssyncset.done $0x0  }
0x2a7: {  	[sflag:s10] =	ssyncadd.s32 $0xFFFFE000  }
0x2a8: {  	_ =	swait.ge [sflag:s10], $0x2000  }
0x2a9: {  	[sflag:s10] =	ssyncset.done $0x0  }
0x2aa: {  	[sflag:s10] =	ssyncadd.s32 $0xFFFFE000  }
0x2ab: {  	_ =	swait.ge [sflag:s10], $0x2000  }
0x2ac: {  	[sflag:s10] =	ssyncset.done $0x0  }
0x2ad: {  	[sflag:s10] =	ssyncadd.s32 $0xFFFFE000  }
0x2ae: {  	v19 =	vld [tilespmem:$0x1A0];
	_ =	sdelay $0x4  }
0x2af: {  	v20 =	vshll.u32 v19, $0x3  }
0x2b0: {  	v19 =	vand.u32 $0x7, v19;
	v20 =	vand.u32 $0xFFFFFFC0, v20  }
0x2b1: {  	v19 =	vor.u32 v19, v20  }
0x2b2: {  	v20 =	vperm.xlane v19, v16;
	_ =	sdelay $0x1  }
0x2b3: {  	v20 =	vadd.s32 v17, v20;
	_ =	sdelay $0x4  }
0x2b4: {  	[tilespmem:s11], [sflag:$0x3] =	stream.indirect_vreg.gather [hbm4b:s0+s13], $0x80, v20, vm0, $0xb8;
	[tilespmem:$0x1E200] =	vst v63  }
0x2b5: {  	v19 =	vperm.xlane v19, v18;
	s11 =	simm.s32 $0x10A00  }
0x2b6: {  	[tilespmem:s11], [sflag:$0x3] =	stream.indirect_vreg.gather [hbm4b:s24+s13], $0x80, v20, vm0, $0xb8;
	[tilespmem:$0x1E200] =	vst v63  }
0x2b7: {  	s14 =	simm.s32 $0x11200;
	v19 =	vadd.s32 v17, v19  }
0x2b8: {  	[tilespmem:s14], [sflag:$0x3] =	stream.indirect_vreg.gather [hbm4b:s26+s13], $0x80, v20, vm0, $0xb8;
	[tilespmem:$0x1E200] =	vst v63  }
0x2b9: {  	s18 =	simm.s32 $0x11A00  }
0x2ba: {  	[tilespmem:s18], [sflag:$0x3] =	stream.indirect_vreg.gather [hbm4b:s28+s13], $0x80, v20, vm0, $0xb8;
	[tilespmem:$0x1E200] =	vst v63  }
0x2bb: {  	_ = 	snop  }
0x2bc: {  	[tilespmem:s15], [sflag:$0x3] =	stream.indirect_vreg.gather [hbm4b:s0+s13], $0x80, v19, vm0, $0xb8;
	[tilespmem:$0x1E200] =	vst v63  }
0x2bd: {  	s19 =	simm.s32 $0x12A00  }
0x2be: {  	[tilespmem:s19], [sflag:$0x3] =	stream.indirect_vreg.gather [hbm4b:s24+s13], $0x80, v19, vm0, $0xb8;
	[tilespmem:$0x1E200] =	vst v63  }
0x2bf: {  	s20 =	simm.s32 $0x13200  }
0x2c0: {  	[tilespmem:s20], [sflag:$0x3] =	stream.indirect_vreg.gather [hbm4b:s26+s13], $0x80, v19, vm0, $0xb8;
	[tilespmem:$0x1E200] =	vst v63  }
0x2c1: {  	s22 =	simm.s32 $0x13A00  }
0x2c2: {  	[tilespmem:s22], [sflag:$0x3] =	stream.indirect_vreg.gather [hbm4b:s28+s13], $0x80, v19, vm0, $0xb8;
	[tilespmem:$0x1E200] =	vst v63  }
0x2c3: {  	v19 =	vld [tilespmem:$0x1B0];
	_ =	sdelay $0x4  }
0x2c4: {  	v20 =	vshll.u32 v19, $0x3  }
0x2c5: {  	v19 =	vand.u32 $0x7, v19;
	v20 =	vand.u32 $0xFFFFFFC0, v20  }
0x2c6: {  	v19 =	vor.u32 v19, v20  }
0x2c7: {  	v20 =	vperm.xlane v19, v16;
	_ =	sdelay $0x1  }
0x2c8: {  	v20 =	vadd.s32 v17, v20;
	_ =	sdelay $0x4  }
0x2c9: {  	[tilespmem:s5], [sflag:$0x3] =	stream.indirect_vreg.gather [hbm4b:s0+s13], $0x80, v20, vm0, $0xb8;
	[tilespmem:$0x1E200] =	vst v63  }
0x2ca: {  	s2 =	simm.s32 $0x14A00;
	v19 =	vperm.xlane v19, v18  }
0x2cb: {  	[tilespmem:s2], [sflag:$0x3] =	stream.indirect_vreg.gather [hbm4b:s24+s13], $0x80, v20, vm0, $0xb8;
	[tilespmem:$0x1E200] =	vst v63  }
0x2cc: {  	v19 =	vadd.s32 v17, v19;
	s5 =	simm.s32 $0x15200  }
0x2cd: {  	[tilespmem:s5], [sflag:$0x3] =	stream.indirect_vreg.gather [hbm4b:s26+s13], $0x80, v20, vm0, $0xb8;
	[tilespmem:$0x1E200] =	vst v63  }
0x2ce: {  	s11 =	simm.s32 $0x15A00  }
0x2cf: {  	[tilespmem:s11], [sflag:$0x3] =	stream.indirect_vreg.gather [hbm4b:s28+s13], $0x80, v20, vm0, $0xb8;
	[tilespmem:$0x1E200] =	vst v63  }
0x2d0: {  	_ = 	snop  }
0x2d1: {  	[tilespmem:s9], [sflag:$0x3] =	stream.indirect_vreg.gather [hbm4b:s0+s13], $0x80, v19, vm0, $0xb8;
	[tilespmem:$0x1E200] =	vst v63  }
0x2d2: {  	s14 =	simm.s32 $0x16A00  }
0x2d3: {  	[tilespmem:s14], [sflag:$0x3] =	stream.indirect_vreg.gather [hbm4b:s24+s13], $0x80, v19, vm0, $0xb8;
	[tilespmem:$0x1E200] =	vst v63  }
0x2d4: {  	s30 =	simm.s32 $0x12200;
	s21 =	simm.s32 $0x10200;
	s15 =	simm.s32 $0x17200  }
0x2d5: {  	[tilespmem:s15], [sflag:$0x3] =	stream.indirect_vreg.gather [hbm4b:s26+s13], $0x80, v19, vm0, $0xb8;
	[tilespmem:$0x1E200] =	vst v63  }
0x2d6: {  	s18 =	simm.s32 $0x17A00;
	s19 =	rddreg [dreg:$0x11];
	s20 =	simm.s32 $0x1C200  }
0x2d7: {  	[tilespmem:s18], [sflag:$0x3] =	stream.indirect_vreg.gather [hbm4b:s28+s13], $0x80, v19, vm0, $0xb8;
	[tilespmem:$0x1E200] =	vst v63  }
0x2d8: {  	s22 =	simm.s32 $0x14200;
	s2 =	simm.s32 $0x16200;
	s15 =	simm.s32 $0x0  }
0x2d9: {  	[tilespmem:s20], [sflag:$0x9] =	stream.linear.gather [hbm4b:s19+s13], $0x2000, $0x38;
	[tilespmem:$0x1E200] =	vst v63  }
.LBB2_14:
0x2da: {  	s11 =	sshra.s32 s13, $0x2  }
0x2db: {  	v19 =	vld [tilespmem:s11+$0x18270]  }
0x2dc: {  	v20 =	vld [tilespmem:s11+$0x6270]  }
0x2dd: {  	v21 =	vld [tilespmem:s11+$0x18200]  }
0x2de: {  	v22 =	vld [tilespmem:s11+$0x200]  }
0x2df: {  	v23 =	vld [tilespmem:s11+$0x2200]  }
0x2e0: {  	v24 =	vld [tilespmem:s11+$0x4200]  }
0x2e1: {  	v25 =	vld [tilespmem:s11+$0x6200]  }
0x2e2: {  	v26 =	vld [tilespmem:s11+$0x18210]  }
0x2e3: {  	v27 =	vld [tilespmem:s11+$0x210]  }
0x2e4: {  	v28 =	vld [tilespmem:s11+$0x2210]  }
0x2e5: {  	v29 =	vld [tilespmem:s11+$0x4210]  }
0x2e6: {  	v30 =	vld [tilespmem:s11+$0x6210]  }
0x2e7: {  	v31 =	vld [tilespmem:s11+$0x18220];
	v20 =	vadd.f32 v20, v19  }
0x2e8: {  	v32 =	vld [tilespmem:s11+$0x220];
	v22 =	vadd.f32 v22, v21  }
0x2e9: {  	v33 =	vld [tilespmem:s11+$0x2220];
	v23 =	vadd.f32 v23, v21;
	v20 =	vmax.f32 v20, $0.0e+00  }
0x2ea: {  	v63 =	vld [tilespmem:s11+$0x18240];
	[tilespmem:s11+$0x6270] =	vst v20;
	v20 =	vmax.f32 v22, $0.0e+00;
	v22 =	vadd.f32 v24, v21  }
0x2eb: {  	v24 =	vld [tilespmem:s11+$0x4220];
	v21 =	vadd.f32 v25, v21;
	[tilespmem:s11+$0x200] =	vst v20;
	v20 =	vmax.f32 v23, $0.0e+00  }
0x2ec: {  	v25 =	vld [tilespmem:s11+$0x18230];
	[tilespmem:s11+$0x2200] =	vst v20;
	v20 =	vmax.f32 v22, $0.0e+00;
	v22 =	vadd.f32 v27, v26  }
0x2ed: {  	v23 =	vld [tilespmem:s11+$0x6220];
	[tilespmem:s11+$0x4200] =	vst v20;
	v20 =	vmax.f32 v21, $0.0e+00;
	v21 =	vadd.f32 v28, v26  }
0x2ee: {  	v27 =	vld [tilespmem:s11+$0x230];
	[tilespmem:s11+$0x6200] =	vst v20;
	v20 =	vmax.f32 v22, $0.0e+00;
	v22 =	vadd.f32 v29, v26  }
0x2ef: {  	v28 =	vld [tilespmem:s11+$0x2230];
	[tilespmem:s11+$0x210] =	vst v20;
	v20 =	vmax.f32 v21, $0.0e+00;
	v21 =	vadd.f32 v30, v26  }
0x2f0: {  	v29 =	vld [tilespmem:s11+$0x6230];
	[tilespmem:s11+$0x2210] =	vst v20;
	v20 =	vmax.f32 v22, $0.0e+00;
	v22 =	vadd.f32 v32, v31  }
0x2f1: {  	v26 =	vld [tilespmem:s11+$0x4230];
	[tilespmem:s11+$0x4210] =	vst v20;
	v20 =	vmax.f32 v21, $0.0e+00;
	v21 =	vadd.f32 v33, v31  }
0x2f2: {  	[tilespmem:s11+$0x6210] =	vst v20;
	v20 =	vmax.f32 v22, $0.0e+00;
	v22 =	vadd.f32 v24, v31;
	v24 =	vld [tilespmem:s11+$0x240]  }
0x2f3: {  	[tilespmem:s11+$0x220] =	vst v20;
	v20 =	vmax.f32 v21, $0.0e+00;
	v21 =	vadd.f32 v23, v31;
	v23 =	vld [tilespmem:s11+$0x2240]  }
0x2f4: {  	[tilespmem:s11+$0x2220] =	vst v20;
	v20 =	vmax.f32 v22, $0.0e+00;
	v22 =	vadd.f32 v27, v25;
	v27 =	vld [tilespmem:s11+$0x4240]  }
0x2f5: {  	[tilespmem:s11+$0x4220] =	vst v20;
	v20 =	vmax.f32 v21, $0.0e+00;
	v21 =	vadd.f32 v28, v25;
	v28 =	vld [tilespmem:s11+$0x6240]  }
0x2f6: {  	[tilespmem:s11+$0x6220] =	vst v20;
	v20 =	vmax.f32 v22, $0.0e+00;
	v22 =	vadd.f32 v26, v25;
	v26 =	vld [tilespmem:s11+$0x18250]  }
0x2f7: {  	[tilespmem:s11+$0x230] =	vst v20;
	v20 =	vmax.f32 v21, $0.0e+00;
	v21 =	vadd.f32 v29, v25;
	v25 =	vld [tilespmem:s11+$0x250]  }
0x2f8: {  	[tilespmem:s11+$0x2230] =	vst v20;
	v20 =	vmax.f32 v22, $0.0e+00;
	v22 =	vadd.f32 v24, v63;
	v24 =	vld [tilespmem:s11+$0x2250]  }
0x2f9: {  	[tilespmem:s11+$0x4230] =	vst v20;
	v20 =	vmax.f32 v21, $0.0e+00;
	v21 =	vadd.f32 v23, v63;
	v23 =	vld [tilespmem:s11+$0x4250]  }
0x2fa: {  	[tilespmem:s11+$0x6230] =	vst v20;
	v20 =	vmax.f32 v22, $0.0e+00;
	v22 =	vadd.f32 v27, v63;
	v27 =	vld [tilespmem:s11+$0x6250]  }
0x2fb: {  	v29 =	vld [tilespmem:s11+$0x260];
	v28 =	vadd.f32 v28, v63;
	[tilespmem:s11+$0x240] =	vst v20;
	v21 =	vmax.f32 v21, $0.0e+00  }
0x2fc: {  	v20 =	vld [tilespmem:s11+$0x18260];
	[tilespmem:s11+$0x2240] =	vst v21;
	v21 =	vmax.f32 v22, $0.0e+00;
	v22 =	vadd.f32 v25, v26  }
0x2fd: {  	v25 =	vld [tilespmem:s11+$0x2260];
	[tilespmem:s11+$0x4240] =	vst v21;
	v21 =	vmax.f32 v28, $0.0e+00;
	v24 =	vadd.f32 v24, v26  }
0x2fe: {  	[tilespmem:s11+$0x6240] =	vst v21;
	v21 =	vmax.f32 v22, $0.0e+00;
	v28 =	vadd.f32 v23, v26;
	v22 =	vld [tilespmem:s11+$0x4260]  }
0x2ff: {  	v23 =	vld [tilespmem:s11+$0x6260];
	[tilespmem:s11+$0x250] =	vst v21;
	v21 =	vmax.f32 v24, $0.0e+00;
	v24 =	vadd.f32 v27, v26  }
0x300: {  	[tilespmem:s11+$0x2250] =	vst v21;
	v26 =	vmax.f32 v28, $0.0e+00;
	v21 =	vld [tilespmem:s11+$0x270]  }
0x301: {  	s4 =	simm.s32 $0x0;
	s19 =	sadd.s32 $0x1000, s13;
	[tilespmem:s11+$0x4250] =	vst v26;
	v27 =	vmax.f32 v24, $0.0e+00;
	v26 =	vadd.f32 v29, v20;
	v24 =	vld [tilespmem:s11+$0x2270]  }
.LBB2_15:
0x302: {  	s20 =	sshra.s32 s19, $0x2;
	[tilespmem:s11+$0x6250] =	vst v27;
	v25 =	vadd.f32 v25, v20;
	v27 =	vld [tilespmem:s11+$0x4270]  }
0x303: {  	s4 =	sadd.s32 $0x80, s4;
	v28 =	vld [tilespmem:s20+$0x18270];
	v26 =	vmax.f32 v26, $0.0e+00;
	v22 =	vadd.f32 v22, v20  }
0x304: {  	p0 =	slt.u32 s4, $0x380;
	v29 =	vld [tilespmem:s20+$0x6270];
	[tilespmem:s11+$0x260] =	vst v26;
	v25 =	vmax.f32 v25, $0.0e+00;
	v20 =	vadd.f32 v23, v20  }
0x305: {  	v23 =	vld [tilespmem:s20+$0x18200];
	[tilespmem:s11+$0x2260] =	vst v25;
	v22 =	vmax.f32 v22, $0.0e+00;
	v21 =	vadd.f32 v21, v19  }
0x306: {  	v25 =	vld [tilespmem:s20+$0x200];
	[tilespmem:s11+$0x4260] =	vst v22;
	v20 =	vmax.f32 v20, $0.0e+00;
	v22 =	vadd.f32 v24, v19  }
0x307: {  	v24 =	vld [tilespmem:s20+$0x2200];
	[tilespmem:s11+$0x6260] =	vst v20;
	v20 =	vmax.f32 v21, $0.0e+00;
	v21 =	vadd.f32 v27, v19  }
0x308: {  	v26 =	vld [tilespmem:s20+$0x4200];
	[tilespmem:s11+$0x270] =	vst v20;
	v20 =	vmax.f32 v22, $0.0e+00;
	v19 =	vmov v28  }
0x309: {  	v22 =	vld [tilespmem:s20+$0x6200];
	v27 =	vadd.f32 v29, v19;
	[tilespmem:s11+$0x2270] =	vst v20;
	v20 =	vmax.f32 v21, $0.0e+00  }
0x30a: {  	v21 =	vld [tilespmem:s20+$0x18210];
	[tilespmem:s11+$0x4270] =	vst v20;
	s11 =	smov.u32 s20  }
0x30b: {  	v20 =	vadd.f32 v25, v23;
	v25 =	vld [tilespmem:s11+$0x210];
	v27 =	vmax.f32 v27, $0.0e+00  }
0x30c: {  	v24 =	vadd.f32 v24, v23;
	v28 =	vld [tilespmem:s11+$0x2210];
	[tilespmem:s11+$0x6270] =	vst v27  }
0x30d: {  	v20 =	vmax.f32 v20, $0.0e+00;
	v26 =	vadd.f32 v26, v23;
	v27 =	vld [tilespmem:s11+$0x4210]  }
0x30e: {  	[tilespmem:s11+$0x200] =	vst v20;
	v20 =	vmax.f32 v24, $0.0e+00;
	v22 =	vadd.f32 v22, v23;
	v23 =	vld [tilespmem:s11+$0x6210]  }
0x30f: {  	[tilespmem:s11+$0x2200] =	vst v20;
	v20 =	vmax.f32 v26, $0.0e+00;
	v24 =	vld [tilespmem:s11+$0x18220]  }
0x310: {  	[tilespmem:s11+$0x4200] =	vst v20;
	v20 =	vmax.f32 v22, $0.0e+00;
	v22 =	vadd.f32 v25, v21;
	v25 =	vld [tilespmem:s11+$0x220]  }
0x311: {  	[tilespmem:s11+$0x6200] =	vst v20;
	v20 =	vadd.f32 v28, v21;
	v26 =	vld [tilespmem:s11+$0x2220]  }
0x312: {  	v22 =	vmax.f32 v22, $0.0e+00;
	v27 =	vadd.f32 v27, v21;
	v28 =	vld [tilespmem:s11+$0x4220]  }
0x313: {  	[tilespmem:s11+$0x210] =	vst v22;
	v20 =	vmax.f32 v20, $0.0e+00;
	v21 =	vadd.f32 v23, v21;
	v22 =	vld [tilespmem:s11+$0x6220]  }
0x314: {  	[tilespmem:s11+$0x2210] =	vst v20;
	v20 =	vmax.f32 v27, $0.0e+00;
	v23 =	vld [tilespmem:s11+$0x18230]  }
0x315: {  	[tilespmem:s11+$0x4210] =	vst v20;
	v20 =	vmax.f32 v21, $0.0e+00;
	v21 =	vadd.f32 v25, v24;
	v25 =	vld [tilespmem:s11+$0x230]  }
0x316: {  	[tilespmem:s11+$0x6210] =	vst v20;
	v20 =	vadd.f32 v26, v24;
	v26 =	vld [tilespmem:s11+$0x2230]  }
0x317: {  	v21 =	vmax.f32 v21, $0.0e+00;
	v27 =	vadd.f32 v28, v24;
	v28 =	vld [tilespmem:s11+$0x4230]  }
0x318: {  	[tilespmem:s11+$0x220] =	vst v21;
	v20 =	vmax.f32 v20, $0.0e+00;
	v21 =	vadd.f32 v22, v24;
	v22 =	vld [tilespmem:s11+$0x6230]  }
0x319: {  	[tilespmem:s11+$0x2220] =	vst v20;
	v20 =	vmax.f32 v27, $0.0e+00;
	v24 =	vld [tilespmem:s11+$0x18240]  }
0x31a: {  	[tilespmem:s11+$0x4220] =	vst v20;
	v20 =	vmax.f32 v21, $0.0e+00;
	v21 =	vadd.f32 v25, v23;
	v25 =	vld [tilespmem:s11+$0x240]  }
0x31b: {  	[tilespmem:s11+$0x6220] =	vst v20;
	v20 =	vadd.f32 v26, v23;
	v26 =	vld [tilespmem:s11+$0x2240]  }
0x31c: {  	v21 =	vmax.f32 v21, $0.0e+00;
	v27 =	vadd.f32 v28, v23;
	v28 =	vld [tilespmem:s11+$0x4240]  }
0x31d: {  	[tilespmem:s11+$0x230] =	vst v21;
	v20 =	vmax.f32 v20, $0.0e+00;
	v21 =	vadd.f32 v22, v23;
	v22 =	vld [tilespmem:s11+$0x6240]  }
0x31e: {  	[tilespmem:s11+$0x2230] =	vst v20;
	v20 =	vmax.f32 v27, $0.0e+00;
	v23 =	vld [tilespmem:s11+$0x18250]  }
0x31f: {  	[tilespmem:s11+$0x4230] =	vst v20;
	v20 =	vmax.f32 v21, $0.0e+00;
	v21 =	vadd.f32 v25, v24;
	v25 =	vld [tilespmem:s11+$0x250]  }
0x320: {  	[tilespmem:s11+$0x6230] =	vst v20;
	v20 =	vadd.f32 v26, v24;
	v26 =	vld [tilespmem:s11+$0x2250]  }
0x321: {  	v21 =	vmax.f32 v21, $0.0e+00;
	v27 =	vadd.f32 v28, v24;
	v28 =	vld [tilespmem:s11+$0x4250]  }
0x322: {  	[tilespmem:s11+$0x240] =	vst v21;
	v20 =	vmax.f32 v20, $0.0e+00;
	v21 =	vadd.f32 v22, v24;
	v24 =	vld [tilespmem:s11+$0x6250]  }
0x323: {  	[tilespmem:s11+$0x2240] =	vst v20;
	v22 =	vmax.f32 v27, $0.0e+00;
	v20 =	vld [tilespmem:s11+$0x18260]  }
0x324: {  	[tilespmem:s11+$0x4240] =	vst v22;
	v21 =	vmax.f32 v21, $0.0e+00;
	v22 =	vadd.f32 v25, v23;
	v29 =	vld [tilespmem:s11+$0x260]  }
.Ltmp6:
0x325: {  	[tilespmem:s11+$0x6240] =	vst v21;
	v21 =	vadd.f32 v26, v23;
	v25 =	vld [tilespmem:s11+$0x2260];
	(pc) =	sbr.rel @p0 .LBB2_15-.Ltmp6, $4  }
0x326: {  	v26 =	vmax.f32 v22, $0.0e+00;
	v27 =	vadd.f32 v28, v23;
	v22 =	vld [tilespmem:s11+$0x4260]  }
0x327: {  	[tilespmem:s11+$0x250] =	vst v26;
	v21 =	vmax.f32 v21, $0.0e+00;
	v24 =	vadd.f32 v24, v23;
	v23 =	vld [tilespmem:s11+$0x6260]  }
0x328: {  	[tilespmem:s11+$0x2250] =	vst v21;
	v26 =	vmax.f32 v27, $0.0e+00;
	v21 =	vld [tilespmem:s11+$0x270]  }
0x329: {  	s19 =	sadd.s32 $0x1000, s19;
	[tilespmem:s11+$0x4250] =	vst v26;
	v27 =	vmax.f32 v24, $0.0e+00;
	v26 =	vadd.f32 v29, v20;
	v24 =	vld [tilespmem:s11+$0x2270]  }
0x32a: {  	v25 =	vadd.f32 v25, v20;
	v28 =	vld [tilespmem:s11+$0x4270]  }
0x32b: {  	[tilespmem:s11+$0x6250] =	vst v27;
	v26 =	vmax.f32 v26, $0.0e+00;
	v22 =	vadd.f32 v22, v20  }
0x32c: {  	s15 =	sadd.s32 $0x1, s15;
	[tilespmem:s11+$0x260] =	vst v26;
	v25 =	vmax.f32 v25, $0.0e+00;
	v20 =	vadd.f32 v23, v20  }
0x32d: {  	p0 =	sne.s32 s15, $0x8;
	[tilespmem:s11+$0x2260] =	vst v25;
	v22 =	vmax.f32 v22, $0.0e+00;
	v21 =	vadd.f32 v21, v19  }
.Ltmp7:
0x32e: {  	[tilespmem:s11+$0x4260] =	vst v22;
	v20 =	vmax.f32 v20, $0.0e+00;
	v63 =	vadd.f32 v24, v19;
	(pc) =	sbr.rel @p0 .LBB2_14-.Ltmp7, $4  }
0x32f: {  	[tilespmem:s11+$0x6260] =	vst v20;
	v20 =	vmax.f32 v21, $0.0e+00;
	v19 =	vadd.f32 v28, v19  }
0x330: {  	[tilespmem:s11+$0x270] =	vst v20;
	v20 =	vmax.f32 v63, $0.0e+00  }
0x331: {  	[tilespmem:s11+$0x2270] =	vst v20;
	v19 =	vmax.f32 v19, $0.0e+00  }
0x332: {  	s13 =	sadd.s32 $0x200, s13;
	[tilespmem:s11+$0x4270] =	vst v19  }
0x333: {  	s4 =	rddreg [dreg:$0x12]  }
0x334: {  	s13 =	simm.s32 $0x0;
	s11 =	simm.s32 $0x200;
	s19 =	sld [smem:$0x7EF]  }
0x335: {  	[hbm4b:s4+s13] =	stream.linear.scatter [tilespmem:s11], [sflag:$0x4], $0x2000, $0x38;
	[tilespmem:$0x1E200] =	vst v63  }
0x336: {  	s15 =	simm.s32 $0x2200;
	s20 =	sld [smem:$0x7F0]  }
0x337: {  	[hbm4b:s19+s13] =	stream.linear.scatter [tilespmem:s15], [sflag:$0x4], $0x2000, $0x38;
	[tilespmem:$0x1E200] =	vst v63  }
0x338: {  	s5 =	sld [smem:$0x7F1];
	s19 =	simm.s32 $0x4200  }
0x339: {  	[hbm4b:s20+s13] =	stream.linear.scatter [tilespmem:s19], [sflag:$0x4], $0x2000, $0x38;
	[tilespmem:$0x1E200] =	vst v63  }
0x33a: {  	s20 =	simm.s32 $0x6200  }
0x33b: {  	[hbm4b:s5+s13] =	stream.linear.scatter [tilespmem:s20], [sflag:$0x4], $0x2000, $0x38;
	[tilespmem:$0x1E200] =	vst v63  }
0x33c: {  	_ =	swait.ge [sflag:s23], $0x8000  }
0x33d: {  	[sflag:s23] =	ssyncset.done $0x0  }
0x33e: {  	[sflag:s23] =	ssyncadd.s32 $0xFFFF8000  }
0x33f: {  	_ =	swait.ge [sflag:s25], $0x2000  }
0x340: {  	[sflag:s25] =	ssyncset.done $0x0  }
0x341: {  	[sflag:s25] =	ssyncadd.s32 $0xFFFFE000  }
0x342: {  	_ =	swait.ge [sflag:s31], $0x2000  }
0x343: {  	[sflag:s31] =	ssyncset.done $0x0  }
0x344: {  	[sflag:s31] =	ssyncadd.s32 $0xFFFFE000  }
0x345: {  	_ =	swait.ge [sflag:s31], $0x2000  }
0x346: {  	[sflag:s31] =	ssyncset.done $0x0  }
0x347: {  	[sflag:s31] =	ssyncadd.s32 $0xFFFFE000  }
0x348: {  	_ =	swait.ge [sflag:s31], $0x2000  }
0x349: {  	[sflag:s31] =	ssyncset.done $0x0  }
0x34a: {  	[sflag:s31] =	ssyncadd.s32 $0xFFFFE000  }
0x34b: {  	_ =	swait.ge [sflag:s31], $0x2000  }
0x34c: {  	[sflag:s31] =	ssyncset.done $0x0  }
0x34d: {  	[sflag:s31] =	ssyncadd.s32 $0xFFFFE000  }
0x34e: {  	v19 =	vld [tilespmem:$0x1C0];
	_ =	sdelay $0x4  }
0x34f: {  	v20 =	vshll.u32 v19, $0x3  }
0x350: {  	v19 =	vand.u32 $0x7, v19;
	v20 =	vand.u32 $0xFFFFFFC0, v20  }
0x351: {  	v19 =	vor.u32 v19, v20  }
0x352: {  	v20 =	vperm.xlane v19, v16;
	_ =	sdelay $0x1  }
0x353: {  	v20 =	vadd.s32 v17, v20;
	_ =	sdelay $0x4  }
0x354: {  	[tilespmem:s11], [sflag:$0x1] =	stream.indirect_vreg.gather [hbm4b:s0+s13], $0x80, v20, vm0, $0xb8;
	[tilespmem:$0x1E200] =	vst v63  }
0x355: {  	s9 =	simm.s32 $0xA00;
	v19 =	vperm.xlane v19, v18  }
0x356: {  	[tilespmem:s9], [sflag:$0x1] =	stream.indirect_vreg.gather [hbm4b:s24+s13], $0x80, v20, vm0, $0xb8;
	[tilespmem:$0x1E200] =	vst v63  }
0x357: {  	v19 =	vadd.s32 v17, v19;
	s11 =	simm.s32 $0x1200  }
0x358: {  	[tilespmem:s11], [sflag:$0x1] =	stream.indirect_vreg.gather [hbm4b:s26+s13], $0x80, v20, vm0, $0xb8;
	[tilespmem:$0x1E200] =	vst v63  }
0x359: {  	s14 =	simm.s32 $0x1A00  }
0x35a: {  	[tilespmem:s14], [sflag:$0x1] =	stream.indirect_vreg.gather [hbm4b:s28+s13], $0x80, v20, vm0, $0xb8;
	[tilespmem:$0x1E200] =	vst v63  }
0x35b: {  	_ = 	snop  }
0x35c: {  	[tilespmem:s15], [sflag:$0x1] =	stream.indirect_vreg.gather [hbm4b:s0+s13], $0x80, v19, vm0, $0xb8;
	[tilespmem:$0x1E200] =	vst v63  }
0x35d: {  	s18 =	simm.s32 $0x2A00  }
0x35e: {  	[tilespmem:s18], [sflag:$0x1] =	stream.indirect_vreg.gather [hbm4b:s24+s13], $0x80, v19, vm0, $0xb8;
	[tilespmem:$0x1E200] =	vst v63  }
0x35f: {  	s11 =	simm.s32 $0x3200  }
0x360: {  	[tilespmem:s11], [sflag:$0x1] =	stream.indirect_vreg.gather [hbm4b:s26+s13], $0x80, v19, vm0, $0xb8;
	[tilespmem:$0x1E200] =	vst v63  }
0x361: {  	s14 =	simm.s32 $0x3A00  }
0x362: {  	[tilespmem:s14], [sflag:$0x1] =	stream.indirect_vreg.gather [hbm4b:s28+s13], $0x80, v19, vm0, $0xb8;
	[tilespmem:$0x1E200] =	vst v63  }
0x363: {  	v19 =	vld [tilespmem:$0x1D0];
	_ =	sdelay $0x4  }
0x364: {  	v20 =	vshll.u32 v19, $0x3  }
0x365: {  	v19 =	vand.u32 $0x7, v19;
	v20 =	vand.u32 $0xFFFFFFC0, v20  }
0x366: {  	v19 =	vor.u32 v19, v20  }
0x367: {  	v20 =	vperm.xlane v19, v16;
	_ =	sdelay $0x1  }
0x368: {  	v20 =	vadd.s32 v17, v20;
	_ =	sdelay $0x4  }
0x369: {  	[tilespmem:s19], [sflag:$0x1] =	stream.indirect_vreg.gather [hbm4b:s0+s13], $0x80, v20, vm0, $0xb8;
	[tilespmem:$0x1E200] =	vst v63  }
0x36a: {  	s15 =	simm.s32 $0x4A00;
	v19 =	vperm.xlane v19, v18  }
0x36b: {  	[tilespmem:s15], [sflag:$0x1] =	stream.indirect_vreg.gather [hbm4b:s24+s13], $0x80, v20, vm0, $0xb8;
	[tilespmem:$0x1E200] =	vst v63  }
0x36c: {  	s18 =	simm.s32 $0x5200;
	v19 =	vadd.s32 v17, v19  }
0x36d: {  	[tilespmem:s18], [sflag:$0x1] =	stream.indirect_vreg.gather [hbm4b:s26+s13], $0x80, v20, vm0, $0xb8;
	[tilespmem:$0x1E200] =	vst v63  }
0x36e: {  	s19 =	simm.s32 $0x5A00  }
0x36f: {  	[tilespmem:s19], [sflag:$0x1] =	stream.indirect_vreg.gather [hbm4b:s28+s13], $0x80, v20, vm0, $0xb8;
	[tilespmem:$0x1E200] =	vst v63  }
0x370: {  	_ = 	snop  }
0x371: {  	[tilespmem:s20], [sflag:$0x1] =	stream.indirect_vreg.gather [hbm4b:s0+s13], $0x80, v19, vm0, $0xb8;
	[tilespmem:$0x1E200] =	vst v63  }
0x372: {  	s20 =	simm.s32 $0x6A00  }
0x373: {  	[tilespmem:s20], [sflag:$0x1] =	stream.indirect_vreg.gather [hbm4b:s24+s13], $0x80, v19, vm0, $0xb8;
	[tilespmem:$0x1E200] =	vst v63  }
0x374: {  	s5 =	simm.s32 $0x200;
	s9 =	simm.s32 $0x2200;
	s11 =	simm.s32 $0x7200  }
0x375: {  	[tilespmem:s11], [sflag:$0x1] =	stream.indirect_vreg.gather [hbm4b:s26+s13], $0x80, v19, vm0, $0xb8;
	[tilespmem:$0x1E200] =	vst v63  }
0x376: {  	s14 =	simm.s32 $0x4200;
	s15 =	simm.s32 $0x7A00;
	s18 =	simm.s32 $0x6200  }
0x377: {  	[tilespmem:s15], [sflag:$0x1] =	stream.indirect_vreg.gather [hbm4b:s28+s13], $0x80, v19, vm0, $0xb8;
	[tilespmem:$0x1E200] =	vst v63  }
0x378: {  	s19 =	rddreg [dreg:$0x13];
	s20 =	simm.s32 $0x18200;
	s15 =	simm.s32 $0x0  }
0x379: {  	[tilespmem:s20], [sflag:$0x7] =	stream.linear.gather [hbm4b:s19+s13], $0x2000, $0x38;
	[tilespmem:$0x1E200] =	vst v63  }
.LBB2_18:
0x37a: {  	s11 =	sshra.s32 s13, $0x2  }
0x37b: {  	v19 =	vld [tilespmem:s11+$0x1A270]  }
0x37c: {  	v20 =	vld [tilespmem:s11+$0xE270]  }
0x37d: {  	v21 =	vld [tilespmem:s11+$0x1A200]  }
0x37e: {  	v22 =	vld [tilespmem:s11+$0x8200]  }
0x37f: {  	v23 =	vld [tilespmem:s11+$0xA200]  }
0x380: {  	v24 =	vld [tilespmem:s11+$0xC200]  }
0x381: {  	v25 =	vld [tilespmem:s11+$0xE200]  }
0x382: {  	v26 =	vld [tilespmem:s11+$0x1A210]  }
0x383: {  	v27 =	vld [tilespmem:s11+$0x8210]  }
0x384: {  	v28 =	vld [tilespmem:s11+$0xA210]  }
0x385: {  	v29 =	vld [tilespmem:s11+$0xC210]  }
0x386: {  	v30 =	vld [tilespmem:s11+$0xE210]  }
0x387: {  	v31 =	vld [tilespmem:s11+$0x1A220];
	v20 =	vadd.f32 v20, v19  }
0x388: {  	v32 =	vld [tilespmem:s11+$0x8220];
	v22 =	vadd.f32 v22, v21  }
0x389: {  	v33 =	vld [tilespmem:s11+$0xA220];
	v23 =	vadd.f32 v23, v21;
	v20 =	vmax.f32 v20, $0.0e+00  }
0x38a: {  	v63 =	vld [tilespmem:s11+$0x1A240];
	[tilespmem:s11+$0xE270] =	vst v20;
	v20 =	vmax.f32 v22, $0.0e+00;
	v22 =	vadd.f32 v24, v21  }
0x38b: {  	v24 =	vld [tilespmem:s11+$0xC220];
	v21 =	vadd.f32 v25, v21;
	[tilespmem:s11+$0x8200] =	vst v20;
	v20 =	vmax.f32 v23, $0.0e+00  }
0x38c: {  	v25 =	vld [tilespmem:s11+$0x1A230];
	[tilespmem:s11+$0xA200] =	vst v20;
	v20 =	vmax.f32 v22, $0.0e+00;
	v22 =	vadd.f32 v27, v26  }
0x38d: {  	v23 =	vld [tilespmem:s11+$0xE220];
	[tilespmem:s11+$0xC200] =	vst v20;
	v20 =	vmax.f32 v21, $0.0e+00;
	v21 =	vadd.f32 v28, v26  }
0x38e: {  	v27 =	vld [tilespmem:s11+$0x8230];
	[tilespmem:s11+$0xE200] =	vst v20;
	v20 =	vmax.f32 v22, $0.0e+00;
	v22 =	vadd.f32 v29, v26  }
0x38f: {  	v28 =	vld [tilespmem:s11+$0xA230];
	[tilespmem:s11+$0x8210] =	vst v20;
	v20 =	vmax.f32 v21, $0.0e+00;
	v21 =	vadd.f32 v30, v26  }
0x390: {  	v29 =	vld [tilespmem:s11+$0xE230];
	[tilespmem:s11+$0xA210] =	vst v20;
	v20 =	vmax.f32 v22, $0.0e+00;
	v22 =	vadd.f32 v32, v31  }
0x391: {  	v26 =	vld [tilespmem:s11+$0xC230];
	[tilespmem:s11+$0xC210] =	vst v20;
	v20 =	vmax.f32 v21, $0.0e+00;
	v21 =	vadd.f32 v33, v31  }
0x392: {  	[tilespmem:s11+$0xE210] =	vst v20;
	v20 =	vmax.f32 v22, $0.0e+00;
	v22 =	vadd.f32 v24, v31;
	v24 =	vld [tilespmem:s11+$0x8240]  }
0x393: {  	[tilespmem:s11+$0x8220] =	vst v20;
	v20 =	vmax.f32 v21, $0.0e+00;
	v21 =	vadd.f32 v23, v31;
	v23 =	vld [tilespmem:s11+$0xA240]  }
0x394: {  	[tilespmem:s11+$0xA220] =	vst v20;
	v20 =	vmax.f32 v22, $0.0e+00;
	v22 =	vadd.f32 v27, v25;
	v27 =	vld [tilespmem:s11+$0xC240]  }
0x395: {  	[tilespmem:s11+$0xC220] =	vst v20;
	v20 =	vmax.f32 v21, $0.0e+00;
	v21 =	vadd.f32 v28, v25;
	v28 =	vld [tilespmem:s11+$0xE240]  }
0x396: {  	[tilespmem:s11+$0xE220] =	vst v20;
	v20 =	vmax.f32 v22, $0.0e+00;
	v22 =	vadd.f32 v26, v25;
	v26 =	vld [tilespmem:s11+$0x1A250]  }
0x397: {  	[tilespmem:s11+$0x8230] =	vst v20;
	v20 =	vmax.f32 v21, $0.0e+00;
	v21 =	vadd.f32 v29, v25;
	v25 =	vld [tilespmem:s11+$0x8250]  }
0x398: {  	[tilespmem:s11+$0xA230] =	vst v20;
	v20 =	vmax.f32 v22, $0.0e+00;
	v22 =	vadd.f32 v24, v63;
	v24 =	vld [tilespmem:s11+$0xA250]  }
0x399: {  	[tilespmem:s11+$0xC230] =	vst v20;
	v20 =	vmax.f32 v21, $0.0e+00;
	v21 =	vadd.f32 v23, v63;
	v23 =	vld [tilespmem:s11+$0xC250]  }
0x39a: {  	[tilespmem:s11+$0xE230] =	vst v20;
	v20 =	vmax.f32 v22, $0.0e+00;
	v22 =	vadd.f32 v27, v63;
	v27 =	vld [tilespmem:s11+$0xE250]  }
0x39b: {  	v29 =	vld [tilespmem:s11+$0x8260];
	v28 =	vadd.f32 v28, v63;
	[tilespmem:s11+$0x8240] =	vst v20;
	v21 =	vmax.f32 v21, $0.0e+00  }
0x39c: {  	v20 =	vld [tilespmem:s11+$0x1A260];
	[tilespmem:s11+$0xA240] =	vst v21;
	v21 =	vmax.f32 v22, $0.0e+00;
	v22 =	vadd.f32 v25, v26  }
0x39d: {  	v25 =	vld [tilespmem:s11+$0xA260];
	[tilespmem:s11+$0xC240] =	vst v21;
	v21 =	vmax.f32 v28, $0.0e+00;
	v24 =	vadd.f32 v24, v26  }
0x39e: {  	[tilespmem:s11+$0xE240] =	vst v21;
	v21 =	vmax.f32 v22, $0.0e+00;
	v28 =	vadd.f32 v23, v26;
	v22 =	vld [tilespmem:s11+$0xC260]  }
0x39f: {  	v23 =	vld [tilespmem:s11+$0xE260];
	[tilespmem:s11+$0x8250] =	vst v21;
	v21 =	vmax.f32 v24, $0.0e+00;
	v24 =	vadd.f32 v27, v26  }
0x3a0: {  	[tilespmem:s11+$0xA250] =	vst v21;
	v26 =	vmax.f32 v28, $0.0e+00;
	v21 =	vld [tilespmem:s11+$0x8270]  }
0x3a1: {  	s4 =	simm.s32 $0x0;
	s19 =	sadd.s32 $0x1000, s13;
	[tilespmem:s11+$0xC250] =	vst v26;
	v27 =	vmax.f32 v24, $0.0e+00;
	v26 =	vadd.f32 v29, v20;
	v24 =	vld [tilespmem:s11+$0xA270]  }
.LBB2_19:
0x3a2: {  	s20 =	sshra.s32 s19, $0x2;
	[tilespmem:s11+$0xE250] =	vst v27;
	v25 =	vadd.f32 v25, v20;
	v27 =	vld [tilespmem:s11+$0xC270]  }
0x3a3: {  	s4 =	sadd.s32 $0x80, s4;
	v28 =	vld [tilespmem:s20+$0x1A270];
	v26 =	vmax.f32 v26, $0.0e+00;
	v22 =	vadd.f32 v22, v20  }
0x3a4: {  	p0 =	slt.u32 s4, $0x380;
	v29 =	vld [tilespmem:s20+$0xE270];
	[tilespmem:s11+$0x8260] =	vst v26;
	v25 =	vmax.f32 v25, $0.0e+00;
	v20 =	vadd.f32 v23, v20  }
0x3a5: {  	v23 =	vld [tilespmem:s20+$0x1A200];
	[tilespmem:s11+$0xA260] =	vst v25;
	v22 =	vmax.f32 v22, $0.0e+00;
	v21 =	vadd.f32 v21, v19  }
0x3a6: {  	v25 =	vld [tilespmem:s20+$0x8200];
	[tilespmem:s11+$0xC260] =	vst v22;
	v20 =	vmax.f32 v20, $0.0e+00;
	v22 =	vadd.f32 v24, v19  }
0x3a7: {  	v24 =	vld [tilespmem:s20+$0xA200];
	[tilespmem:s11+$0xE260] =	vst v20;
	v20 =	vmax.f32 v21, $0.0e+00;
	v21 =	vadd.f32 v27, v19  }
0x3a8: {  	v26 =	vld [tilespmem:s20+$0xC200];
	[tilespmem:s11+$0x8270] =	vst v20;
	v20 =	vmax.f32 v22, $0.0e+00;
	v19 =	vmov v28  }
0x3a9: {  	v22 =	vld [tilespmem:s20+$0xE200];
	v27 =	vadd.f32 v29, v19;
	[tilespmem:s11+$0xA270] =	vst v20;
	v20 =	vmax.f32 v21, $0.0e+00  }
0x3aa: {  	v21 =	vld [tilespmem:s20+$0x1A210];
	[tilespmem:s11+$0xC270] =	vst v20;
	s11 =	smov.u32 s20  }
0x3ab: {  	v20 =	vadd.f32 v25, v23;
	v25 =	vld [tilespmem:s11+$0x8210];
	v27 =	vmax.f32 v27, $0.0e+00  }
0x3ac: {  	v24 =	vadd.f32 v24, v23;
	v28 =	vld [tilespmem:s11+$0xA210];
	[tilespmem:s11+$0xE270] =	vst v27  }
0x3ad: {  	v20 =	vmax.f32 v20, $0.0e+00;
	v26 =	vadd.f32 v26, v23;
	v27 =	vld [tilespmem:s11+$0xC210]  }
0x3ae: {  	[tilespmem:s11+$0x8200] =	vst v20;
	v20 =	vmax.f32 v24, $0.0e+00;
	v22 =	vadd.f32 v22, v23;
	v23 =	vld [tilespmem:s11+$0xE210]  }
0x3af: {  	[tilespmem:s11+$0xA200] =	vst v20;
	v20 =	vmax.f32 v26, $0.0e+00;
	v24 =	vld [tilespmem:s11+$0x1A220]  }
0x3b0: {  	[tilespmem:s11+$0xC200] =	vst v20;
	v20 =	vmax.f32 v22, $0.0e+00;
	v22 =	vadd.f32 v25, v21;
	v25 =	vld [tilespmem:s11+$0x8220]  }
0x3b1: {  	[tilespmem:s11+$0xE200] =	vst v20;
	v20 =	vadd.f32 v28, v21;
	v26 =	vld [tilespmem:s11+$0xA220]  }
0x3b2: {  	v22 =	vmax.f32 v22, $0.0e+00;
	v27 =	vadd.f32 v27, v21;
	v28 =	vld [tilespmem:s11+$0xC220]  }
0x3b3: {  	[tilespmem:s11+$0x8210] =	vst v22;
	v20 =	vmax.f32 v20, $0.0e+00;
	v21 =	vadd.f32 v23, v21;
	v22 =	vld [tilespmem:s11+$0xE220]  }
0x3b4: {  	[tilespmem:s11+$0xA210] =	vst v20;
	v20 =	vmax.f32 v27, $0.0e+00;
	v23 =	vld [tilespmem:s11+$0x1A230]  }
0x3b5: {  	[tilespmem:s11+$0xC210] =	vst v20;
	v20 =	vmax.f32 v21, $0.0e+00;
	v21 =	vadd.f32 v25, v24;
	v25 =	vld [tilespmem:s11+$0x8230]  }
0x3b6: {  	[tilespmem:s11+$0xE210] =	vst v20;
	v20 =	vadd.f32 v26, v24;
	v26 =	vld [tilespmem:s11+$0xA230]  }
0x3b7: {  	v21 =	vmax.f32 v21, $0.0e+00;
	v27 =	vadd.f32 v28, v24;
	v28 =	vld [tilespmem:s11+$0xC230]  }
0x3b8: {  	[tilespmem:s11+$0x8220] =	vst v21;
	v20 =	vmax.f32 v20, $0.0e+00;
	v21 =	vadd.f32 v22, v24;
	v22 =	vld [tilespmem:s11+$0xE230]  }
0x3b9: {  	[tilespmem:s11+$0xA220] =	vst v20;
	v20 =	vmax.f32 v27, $0.0e+00;
	v24 =	vld [tilespmem:s11+$0x1A240]  }
0x3ba: {  	[tilespmem:s11+$0xC220] =	vst v20;
	v20 =	vmax.f32 v21, $0.0e+00;
	v21 =	vadd.f32 v25, v23;
	v25 =	vld [tilespmem:s11+$0x8240]  }
0x3bb: {  	[tilespmem:s11+$0xE220] =	vst v20;
	v20 =	vadd.f32 v26, v23;
	v26 =	vld [tilespmem:s11+$0xA240]  }
0x3bc: {  	v21 =	vmax.f32 v21, $0.0e+00;
	v27 =	vadd.f32 v28, v23;
	v28 =	vld [tilespmem:s11+$0xC240]  }
0x3bd: {  	[tilespmem:s11+$0x8230] =	vst v21;
	v20 =	vmax.f32 v20, $0.0e+00;
	v21 =	vadd.f32 v22, v23;
	v22 =	vld [tilespmem:s11+$0xE240]  }
0x3be: {  	[tilespmem:s11+$0xA230] =	vst v20;
	v20 =	vmax.f32 v27, $0.0e+00;
	v23 =	vld [tilespmem:s11+$0x1A250]  }
0x3bf: {  	[tilespmem:s11+$0xC230] =	vst v20;
	v20 =	vmax.f32 v21, $0.0e+00;
	v21 =	vadd.f32 v25, v24;
	v25 =	vld [tilespmem:s11+$0x8250]  }
0x3c0: {  	[tilespmem:s11+$0xE230] =	vst v20;
	v20 =	vadd.f32 v26, v24;
	v26 =	vld [tilespmem:s11+$0xA250]  }
0x3c1: {  	v21 =	vmax.f32 v21, $0.0e+00;
	v27 =	vadd.f32 v28, v24;
	v28 =	vld [tilespmem:s11+$0xC250]  }
0x3c2: {  	[tilespmem:s11+$0x8240] =	vst v21;
	v20 =	vmax.f32 v20, $0.0e+00;
	v21 =	vadd.f32 v22, v24;
	v24 =	vld [tilespmem:s11+$0xE250]  }
0x3c3: {  	[tilespmem:s11+$0xA240] =	vst v20;
	v22 =	vmax.f32 v27, $0.0e+00;
	v20 =	vld [tilespmem:s11+$0x1A260]  }
0x3c4: {  	[tilespmem:s11+$0xC240] =	vst v22;
	v21 =	vmax.f32 v21, $0.0e+00;
	v22 =	vadd.f32 v25, v23;
	v29 =	vld [tilespmem:s11+$0x8260]  }
.Ltmp8:
0x3c5: {  	[tilespmem:s11+$0xE240] =	vst v21;
	v21 =	vadd.f32 v26, v23;
	v25 =	vld [tilespmem:s11+$0xA260];
	(pc) =	sbr.rel @p0 .LBB2_19-.Ltmp8, $4  }
0x3c6: {  	v26 =	vmax.f32 v22, $0.0e+00;
	v27 =	vadd.f32 v28, v23;
	v22 =	vld [tilespmem:s11+$0xC260]  }
0x3c7: {  	[tilespmem:s11+$0x8250] =	vst v26;
	v21 =	vmax.f32 v21, $0.0e+00;
	v24 =	vadd.f32 v24, v23;
	v23 =	vld [tilespmem:s11+$0xE260]  }
0x3c8: {  	[tilespmem:s11+$0xA250] =	vst v21;
	v26 =	vmax.f32 v27, $0.0e+00;
	v21 =	vld [tilespmem:s11+$0x8270]  }
0x3c9: {  	s19 =	sadd.s32 $0x1000, s19;
	[tilespmem:s11+$0xC250] =	vst v26;
	v27 =	vmax.f32 v24, $0.0e+00;
	v26 =	vadd.f32 v29, v20;
	v24 =	vld [tilespmem:s11+$0xA270]  }
0x3ca: {  	v25 =	vadd.f32 v25, v20;
	v28 =	vld [tilespmem:s11+$0xC270]  }
0x3cb: {  	[tilespmem:s11+$0xE250] =	vst v27;
	v26 =	vmax.f32 v26, $0.0e+00;
	v22 =	vadd.f32 v22, v20  }
0x3cc: {  	s15 =	sadd.s32 $0x1, s15;
	[tilespmem:s11+$0x8260] =	vst v26;
	v25 =	vmax.f32 v25, $0.0e+00;
	v20 =	vadd.f32 v23, v20  }
0x3cd: {  	p0 =	sne.s32 s15, $0x8;
	[tilespmem:s11+$0xA260] =	vst v25;
	v22 =	vmax.f32 v22, $0.0e+00;
	v21 =	vadd.f32 v21, v19  }
.Ltmp9:
0x3ce: {  	[tilespmem:s11+$0xC260] =	vst v22;
	v20 =	vmax.f32 v20, $0.0e+00;
	v63 =	vadd.f32 v24, v19;
	(pc) =	sbr.rel @p0 .LBB2_18-.Ltmp9, $4  }
0x3cf: {  	[tilespmem:s11+$0xE260] =	vst v20;
	v20 =	vmax.f32 v21, $0.0e+00;
	v19 =	vadd.f32 v28, v19  }
0x3d0: {  	[tilespmem:s11+$0x8270] =	vst v20;
	v20 =	vmax.f32 v63, $0.0e+00  }
0x3d1: {  	[tilespmem:s11+$0xA270] =	vst v20;
	v19 =	vmax.f32 v19, $0.0e+00  }
0x3d2: {  	s13 =	sadd.s32 $0x200, s13;
	[tilespmem:s11+$0xC270] =	vst v19  }
0x3d3: {  	s4 =	rddreg [dreg:$0x14]  }
0x3d4: {  	s13 =	simm.s32 $0x0;
	s11 =	simm.s32 $0x8200;
	s19 =	sld [smem:$0x7F2]  }
0x3d5: {  	[hbm4b:s4+s13] =	stream.linear.scatter [tilespmem:s11], [sflag:$0x5], $0x2000, $0x38;
	[tilespmem:$0x1E200] =	vst v63  }
0x3d6: {  	s15 =	simm.s32 $0xA200;
	s20 =	sld [smem:$0x7F3]  }
0x3d7: {  	[hbm4b:s19+s13] =	stream.linear.scatter [tilespmem:s15], [sflag:$0x5], $0x2000, $0x38;
	[tilespmem:$0x1E200] =	vst v63  }
0x3d8: {  	s19 =	simm.s32 $0xC200  }
0x3d9: {  	[hbm4b:s20+s13] =	stream.linear.scatter [tilespmem:s19], [sflag:$0x5], $0x2000, $0x38;
	[tilespmem:$0x1E200] =	vst v63  }
0x3da: {  	s20 =	sld [smem:$0x7F4];
	_ =	sdelay $0x2  }
0x3db: {  	[hbm4b:s20+s13] =	stream.linear.scatter [tilespmem:s8], [sflag:$0x5], $0x2000, $0x38;
	[tilespmem:$0x1E200] =	vst v63  }
0x3dc: {  	_ =	swait.ge [sflag:s1], $0x8000  }
0x3dd: {  	[sflag:s1] =	ssyncset.done $0x0  }
0x3de: {  	[sflag:s1] =	ssyncadd.s32 $0xFFFF8000  }
0x3df: {  	_ =	swait.ge [sflag:s6], $0x2000  }
0x3e0: {  	[sflag:s6] =	ssyncset.done $0x0  }
0x3e1: {  	[sflag:s6] =	ssyncadd.s32 $0xFFFFE000  }
0x3e2: {  	_ =	swait.ge [sflag:s7], $0x2000  }
0x3e3: {  	[sflag:s7] =	ssyncset.done $0x0  }
0x3e4: {  	[sflag:s7] =	ssyncadd.s32 $0xFFFFE000  }
0x3e5: {  	_ =	swait.ge [sflag:s7], $0x2000  }
0x3e6: {  	[sflag:s7] =	ssyncset.done $0x0  }
0x3e7: {  	[sflag:s7] =	ssyncadd.s32 $0xFFFFE000  }
0x3e8: {  	_ =	swait.ge [sflag:s7], $0x2000  }
0x3e9: {  	[sflag:s7] =	ssyncset.done $0x0  }
0x3ea: {  	[sflag:s7] =	ssyncadd.s32 $0xFFFFE000  }
0x3eb: {  	_ =	swait.ge [sflag:s7], $0x2000  }
0x3ec: {  	[sflag:s7] =	ssyncset.done $0x0  }
0x3ed: {  	[sflag:s7] =	ssyncadd.s32 $0xFFFFE000  }
0x3ee: {  	v19 =	vld [tilespmem:$0x1E0];
	_ =	sdelay $0x4  }
0x3ef: {  	v20 =	vshll.u32 v19, $0x3  }
0x3f0: {  	v19 =	vand.u32 $0x7, v19;
	v20 =	vand.u32 $0xFFFFFFC0, v20  }
0x3f1: {  	v19 =	vor.u32 v19, v20  }
0x3f2: {  	v20 =	vperm.xlane v19, v16;
	_ =	sdelay $0x1  }
0x3f3: {  	v20 =	vadd.s32 v17, v20;
	_ =	sdelay $0x4  }
0x3f4: {  	[tilespmem:s11], [sflag:$0x2] =	stream.indirect_vreg.gather [hbm4b:s0+s13], $0x80, v20, vm0, $0xb8;
	[tilespmem:$0x1E200] =	vst v63  }
0x3f5: {  	s20 =	simm.s32 $0x8A00;
	v19 =	vperm.xlane v19, v18  }
0x3f6: {  	[tilespmem:s20], [sflag:$0x2] =	stream.indirect_vreg.gather [hbm4b:s24+s13], $0x80, v20, vm0, $0xb8;
	[tilespmem:$0x1E200] =	vst v63  }
0x3f7: {  	v19 =	vadd.s32 v17, v19;
	s11 =	simm.s32 $0x9200  }
0x3f8: {  	[tilespmem:s11], [sflag:$0x2] =	stream.indirect_vreg.gather [hbm4b:s26+s13], $0x80, v20, vm0, $0xb8;
	[tilespmem:$0x1E200] =	vst v63  }
0x3f9: {  	s20 =	simm.s32 $0x9A00  }
0x3fa: {  	[tilespmem:s20], [sflag:$0x2] =	stream.indirect_vreg.gather [hbm4b:s28+s13], $0x80, v20, vm0, $0xb8;
	[tilespmem:$0x1E200] =	vst v63  }
0x3fb: {  	_ = 	snop  }
0x3fc: {  	[tilespmem:s15], [sflag:$0x2] =	stream.indirect_vreg.gather [hbm4b:s0+s13], $0x80, v19, vm0, $0xb8;
	[tilespmem:$0x1E200] =	vst v63  }
0x3fd: {  	s11 =	simm.s32 $0xAA00  }
0x3fe: {  	[tilespmem:s11], [sflag:$0x2] =	stream.indirect_vreg.gather [hbm4b:s24+s13], $0x80, v19, vm0, $0xb8;
	[tilespmem:$0x1E200] =	vst v63  }
0x3ff: {  	s15 =	simm.s32 $0xB200  }
0x400: {  	[tilespmem:s15], [sflag:$0x2] =	stream.indirect_vreg.gather [hbm4b:s26+s13], $0x80, v19, vm0, $0xb8;
	[tilespmem:$0x1E200] =	vst v63  }
0x401: {  	s20 =	simm.s32 $0xBA00  }
0x402: {  	[tilespmem:s20], [sflag:$0x2] =	stream.indirect_vreg.gather [hbm4b:s28+s13], $0x80, v19, vm0, $0xb8;
	[tilespmem:$0x1E200] =	vst v63  }
0x403: {  	v19 =	vld [tilespmem:$0x1F0];
	_ =	sdelay $0x4  }
0x404: {  	v20 =	vshll.u32 v19, $0x3  }
0x405: {  	v19 =	vand.u32 $0x7, v19;
	v20 =	vand.u32 $0xFFFFFFC0, v20  }
0x406: {  	v19 =	vor.u32 v19, v20  }
0x407: {  	v20 =	vperm.xlane v19, v16;
	_ =	sdelay $0x1  }
0x408: {  	v20 =	vadd.s32 v17, v20;
	_ =	sdelay $0x4  }
0x409: {  	[tilespmem:s19], [sflag:$0x2] =	stream.indirect_vreg.gather [hbm4b:s0+s13], $0x80, v20, vm0, $0xb8;
	[tilespmem:$0x1E200] =	vst v63  }
0x40a: {  	s11 =	simm.s32 $0xCA00;
	v19 =	vperm.xlane v19, v18  }
0x40b: {  	[tilespmem:s11], [sflag:$0x2] =	stream.indirect_vreg.gather [hbm4b:s24+s13], $0x80, v20, vm0, $0xb8;
	[tilespmem:$0x1E200] =	vst v63  }
0x40c: {  	s15 =	simm.s32 $0xD200;
	v19 =	vadd.s32 v17, v19  }
0x40d: {  	[tilespmem:s15], [sflag:$0x2] =	stream.indirect_vreg.gather [hbm4b:s26+s13], $0x80, v20, vm0, $0xb8;
	[tilespmem:$0x1E200] =	vst v63  }
0x40e: {  	s19 =	simm.s32 $0xDA00  }
0x40f: {  	[tilespmem:s19], [sflag:$0x2] =	stream.indirect_vreg.gather [hbm4b:s28+s13], $0x80, v20, vm0, $0xb8;
	[tilespmem:$0x1E200] =	vst v63  }
0x410: {  	_ = 	snop  }
0x411: {  	[tilespmem:s8], [sflag:$0x2] =	stream.indirect_vreg.gather [hbm4b:s0+s13], $0x80, v19, vm0, $0xb8;
	[tilespmem:$0x1E200] =	vst v63  }
0x412: {  	s20 =	simm.s32 $0xEA00  }
0x413: {  	[tilespmem:s20], [sflag:$0x2] =	stream.indirect_vreg.gather [hbm4b:s24+s13], $0x80, v19, vm0, $0xb8;
	[tilespmem:$0x1E200] =	vst v63  }
0x414: {  	s11 =	simm.s32 $0xF200  }
0x415: {  	[tilespmem:s11], [sflag:$0x2] =	stream.indirect_vreg.gather [hbm4b:s26+s13], $0x80, v19, vm0, $0xb8;
	[tilespmem:$0x1E200] =	vst v63  }
0x416: {  	s15 =	simm.s32 $0xFA00  }
0x417: {  	[tilespmem:s15], [sflag:$0x2] =	stream.indirect_vreg.gather [hbm4b:s28+s13], $0x80, v19, vm0, $0xb8;
	[tilespmem:$0x1E200] =	vst v63  }
0x418: {  	s19 =	rddreg [dreg:$0x15];
	s20 =	simm.s32 $0x1A200;
	s15 =	simm.s32 $0x0  }
0x419: {  	[tilespmem:s20], [sflag:$0x8] =	stream.linear.gather [hbm4b:s19+s13], $0x2000, $0x38;
	[tilespmem:$0x1E200] =	vst v63  }
.LBB2_22:
0x41a: {  	s11 =	sshra.s32 s13, $0x2  }
0x41b: {  	v19 =	vld [tilespmem:s11+$0x1C270]  }
0x41c: {  	v20 =	vld [tilespmem:s11+$0x16270]  }
0x41d: {  	v21 =	vld [tilespmem:s11+$0x1C200]  }
0x41e: {  	v22 =	vld [tilespmem:s11+$0x10200]  }
0x41f: {  	v23 =	vld [tilespmem:s11+$0x12200]  }
0x420: {  	v24 =	vld [tilespmem:s11+$0x14200]  }
0x421: {  	v25 =	vld [tilespmem:s11+$0x16200]  }
0x422: {  	v26 =	vld [tilespmem:s11+$0x1C210]  }
0x423: {  	v27 =	vld [tilespmem:s11+$0x10210]  }
0x424: {  	v28 =	vld [tilespmem:s11+$0x12210]  }
0x425: {  	v29 =	vld [tilespmem:s11+$0x14210]  }
0x426: {  	v30 =	vld [tilespmem:s11+$0x16210]  }
0x427: {  	v31 =	vld [tilespmem:s11+$0x1C220];
	v20 =	vadd.f32 v20, v19  }
0x428: {  	v32 =	vld [tilespmem:s11+$0x10220];
	v22 =	vadd.f32 v22, v21  }
0x429: {  	v33 =	vld [tilespmem:s11+$0x12220];
	v23 =	vadd.f32 v23, v21;
	v20 =	vmax.f32 v20, $0.0e+00  }
0x42a: {  	v63 =	vld [tilespmem:s11+$0x1C240];
	[tilespmem:s11+$0x16270] =	vst v20;
	v20 =	vmax.f32 v22, $0.0e+00;
	v22 =	vadd.f32 v24, v21  }
0x42b: {  	v24 =	vld [tilespmem:s11+$0x14220];
	v21 =	vadd.f32 v25, v21;
	[tilespmem:s11+$0x10200] =	vst v20;
	v20 =	vmax.f32 v23, $0.0e+00  }
0x42c: {  	v25 =	vld [tilespmem:s11+$0x1C230];
	[tilespmem:s11+$0x12200] =	vst v20;
	v20 =	vmax.f32 v22, $0.0e+00;
	v22 =	vadd.f32 v27, v26  }
0x42d: {  	v23 =	vld [tilespmem:s11+$0x16220];
	[tilespmem:s11+$0x14200] =	vst v20;
	v20 =	vmax.f32 v21, $0.0e+00;
	v21 =	vadd.f32 v28, v26  }
0x42e: {  	v27 =	vld [tilespmem:s11+$0x10230];
	[tilespmem:s11+$0x16200] =	vst v20;
	v20 =	vmax.f32 v22, $0.0e+00;
	v22 =	vadd.f32 v29, v26  }
0x42f: {  	v28 =	vld [tilespmem:s11+$0x12230];
	[tilespmem:s11+$0x10210] =	vst v20;
	v20 =	vmax.f32 v21, $0.0e+00;
	v21 =	vadd.f32 v30, v26  }
0x430: {  	v29 =	vld [tilespmem:s11+$0x16230];
	[tilespmem:s11+$0x12210] =	vst v20;
	v20 =	vmax.f32 v22, $0.0e+00;
	v22 =	vadd.f32 v32, v31  }
0x431: {  	v26 =	vld [tilespmem:s11+$0x14230];
	[tilespmem:s11+$0x14210] =	vst v20;
	v20 =	vmax.f32 v21, $0.0e+00;
	v21 =	vadd.f32 v33, v31  }
0x432: {  	[tilespmem:s11+$0x16210] =	vst v20;
	v20 =	vmax.f32 v22, $0.0e+00;
	v22 =	vadd.f32 v24, v31;
	v24 =	vld [tilespmem:s11+$0x10240]  }
0x433: {  	[tilespmem:s11+$0x10220] =	vst v20;
	v20 =	vmax.f32 v21, $0.0e+00;
	v21 =	vadd.f32 v23, v31;
	v23 =	vld [tilespmem:s11+$0x12240]  }
0x434: {  	[tilespmem:s11+$0x12220] =	vst v20;
	v20 =	vmax.f32 v22, $0.0e+00;
	v22 =	vadd.f32 v27, v25;
	v27 =	vld [tilespmem:s11+$0x14240]  }
0x435: {  	[tilespmem:s11+$0x14220] =	vst v20;
	v20 =	vmax.f32 v21, $0.0e+00;
	v21 =	vadd.f32 v28, v25;
	v28 =	vld [tilespmem:s11+$0x16240]  }
0x436: {  	[tilespmem:s11+$0x16220] =	vst v20;
	v20 =	vmax.f32 v22, $0.0e+00;
	v22 =	vadd.f32 v26, v25;
	v26 =	vld [tilespmem:s11+$0x1C250]  }
0x437: {  	[tilespmem:s11+$0x10230] =	vst v20;
	v20 =	vmax.f32 v21, $0.0e+00;
	v21 =	vadd.f32 v29, v25;
	v25 =	vld [tilespmem:s11+$0x10250]  }
0x438: {  	[tilespmem:s11+$0x12230] =	vst v20;
	v20 =	vmax.f32 v22, $0.0e+00;
	v22 =	vadd.f32 v24, v63;
	v24 =	vld [tilespmem:s11+$0x12250]  }
0x439: {  	[tilespmem:s11+$0x14230] =	vst v20;
	v20 =	vmax.f32 v21, $0.0e+00;
	v21 =	vadd.f32 v23, v63;
	v23 =	vld [tilespmem:s11+$0x14250]  }
0x43a: {  	[tilespmem:s11+$0x16230] =	vst v20;
	v20 =	vmax.f32 v22, $0.0e+00;
	v22 =	vadd.f32 v27, v63;
	v27 =	vld [tilespmem:s11+$0x16250]  }
0x43b: {  	v29 =	vld [tilespmem:s11+$0x10260];
	v28 =	vadd.f32 v28, v63;
	[tilespmem:s11+$0x10240] =	vst v20;
	v21 =	vmax.f32 v21, $0.0e+00  }
0x43c: {  	v20 =	vld [tilespmem:s11+$0x1C260];
	[tilespmem:s11+$0x12240] =	vst v21;
	v21 =	vmax.f32 v22, $0.0e+00;
	v22 =	vadd.f32 v25, v26  }
0x43d: {  	v25 =	vld [tilespmem:s11+$0x12260];
	[tilespmem:s11+$0x14240] =	vst v21;
	v21 =	vmax.f32 v28, $0.0e+00;
	v24 =	vadd.f32 v24, v26  }
0x43e: {  	[tilespmem:s11+$0x16240] =	vst v21;
	v21 =	vmax.f32 v22, $0.0e+00;
	v28 =	vadd.f32 v23, v26;
	v22 =	vld [tilespmem:s11+$0x14260]  }
0x43f: {  	v23 =	vld [tilespmem:s11+$0x16260];
	[tilespmem:s11+$0x10250] =	vst v21;
	v21 =	vmax.f32 v24, $0.0e+00;
	v24 =	vadd.f32 v27, v26  }
0x440: {  	[tilespmem:s11+$0x12250] =	vst v21;
	v26 =	vmax.f32 v28, $0.0e+00;
	v21 =	vld [tilespmem:s11+$0x10270]  }
0x441: {  	s4 =	simm.s32 $0x0;
	s19 =	sadd.s32 $0x1000, s13;
	[tilespmem:s11+$0x14250] =	vst v26;
	v27 =	vmax.f32 v24, $0.0e+00;
	v26 =	vadd.f32 v29, v20;
	v24 =	vld [tilespmem:s11+$0x12270]  }
.LBB2_23:
0x442: {  	s20 =	sshra.s32 s19, $0x2;
	[tilespmem:s11+$0x16250] =	vst v27;
	v25 =	vadd.f32 v25, v20;
	v27 =	vld [tilespmem:s11+$0x14270]  }
0x443: {  	s4 =	sadd.s32 $0x80, s4;
	v28 =	vld [tilespmem:s20+$0x1C270];
	v26 =	vmax.f32 v26, $0.0e+00;
	v22 =	vadd.f32 v22, v20  }
0x444: {  	p0 =	slt.u32 s4, $0x380;
	v29 =	vld [tilespmem:s20+$0x16270];
	[tilespmem:s11+$0x10260] =	vst v26;
	v25 =	vmax.f32 v25, $0.0e+00;
	v20 =	vadd.f32 v23, v20  }
0x445: {  	v23 =	vld [tilespmem:s20+$0x1C200];
	[tilespmem:s11+$0x12260] =	vst v25;
	v22 =	vmax.f32 v22, $0.0e+00;
	v21 =	vadd.f32 v21, v19  }
0x446: {  	v25 =	vld [tilespmem:s20+$0x10200];
	[tilespmem:s11+$0x14260] =	vst v22;
	v20 =	vmax.f32 v20, $0.0e+00;
	v22 =	vadd.f32 v24, v19  }
0x447: {  	v24 =	vld [tilespmem:s20+$0x12200];
	[tilespmem:s11+$0x16260] =	vst v20;
	v20 =	vmax.f32 v21, $0.0e+00;
	v21 =	vadd.f32 v27, v19  }
0x448: {  	v26 =	vld [tilespmem:s20+$0x14200];
	[tilespmem:s11+$0x10270] =	vst v20;
	v20 =	vmax.f32 v22, $0.0e+00;
	v19 =	vmov v28  }
0x449: {  	v22 =	vld [tilespmem:s20+$0x16200];
	v27 =	vadd.f32 v29, v19;
	[tilespmem:s11+$0x12270] =	vst v20;
	v20 =	vmax.f32 v21, $0.0e+00  }
0x44a: {  	v21 =	vld [tilespmem:s20+$0x1C210];
	[tilespmem:s11+$0x14270] =	vst v20;
	s11 =	smov.u32 s20  }
0x44b: {  	v20 =	vadd.f32 v25, v23;
	v25 =	vld [tilespmem:s11+$0x10210];
	v27 =	vmax.f32 v27, $0.0e+00  }
0x44c: {  	v24 =	vadd.f32 v24, v23;
	v28 =	vld [tilespmem:s11+$0x12210];
	[tilespmem:s11+$0x16270] =	vst v27  }
0x44d: {  	v20 =	vmax.f32 v20, $0.0e+00;
	v26 =	vadd.f32 v26, v23;
	v27 =	vld [tilespmem:s11+$0x14210]  }
0x44e: {  	[tilespmem:s11+$0x10200] =	vst v20;
	v20 =	vmax.f32 v24, $0.0e+00;
	v22 =	vadd.f32 v22, v23;
	v23 =	vld [tilespmem:s11+$0x16210]  }
0x44f: {  	[tilespmem:s11+$0x12200] =	vst v20;
	v20 =	vmax.f32 v26, $0.0e+00;
	v24 =	vld [tilespmem:s11+$0x1C220]  }
0x450: {  	[tilespmem:s11+$0x14200] =	vst v20;
	v20 =	vmax.f32 v22, $0.0e+00;
	v22 =	vadd.f32 v25, v21;
	v25 =	vld [tilespmem:s11+$0x10220]  }
0x451: {  	[tilespmem:s11+$0x16200] =	vst v20;
	v20 =	vadd.f32 v28, v21;
	v26 =	vld [tilespmem:s11+$0x12220]  }
0x452: {  	v22 =	vmax.f32 v22, $0.0e+00;
	v27 =	vadd.f32 v27, v21;
	v28 =	vld [tilespmem:s11+$0x14220]  }
0x453: {  	[tilespmem:s11+$0x10210] =	vst v22;
	v20 =	vmax.f32 v20, $0.0e+00;
	v21 =	vadd.f32 v23, v21;
	v22 =	vld [tilespmem:s11+$0x16220]  }
0x454: {  	[tilespmem:s11+$0x12210] =	vst v20;
	v20 =	vmax.f32 v27, $0.0e+00;
	v23 =	vld [tilespmem:s11+$0x1C230]  }
0x455: {  	[tilespmem:s11+$0x14210] =	vst v20;
	v20 =	vmax.f32 v21, $0.0e+00;
	v21 =	vadd.f32 v25, v24;
	v25 =	vld [tilespmem:s11+$0x10230]  }
0x456: {  	[tilespmem:s11+$0x16210] =	vst v20;
	v20 =	vadd.f32 v26, v24;
	v26 =	vld [tilespmem:s11+$0x12230]  }
0x457: {  	v21 =	vmax.f32 v21, $0.0e+00;
	v27 =	vadd.f32 v28, v24;
	v28 =	vld [tilespmem:s11+$0x14230]  }
0x458: {  	[tilespmem:s11+$0x10220] =	vst v21;
	v20 =	vmax.f32 v20, $0.0e+00;
	v21 =	vadd.f32 v22, v24;
	v22 =	vld [tilespmem:s11+$0x16230]  }
0x459: {  	[tilespmem:s11+$0x12220] =	vst v20;
	v20 =	vmax.f32 v27, $0.0e+00;
	v24 =	vld [tilespmem:s11+$0x1C240]  }
0x45a: {  	[tilespmem:s11+$0x14220] =	vst v20;
	v20 =	vmax.f32 v21, $0.0e+00;
	v21 =	vadd.f32 v25, v23;
	v25 =	vld [tilespmem:s11+$0x10240]  }
0x45b: {  	[tilespmem:s11+$0x16220] =	vst v20;
	v20 =	vadd.f32 v26, v23;
	v26 =	vld [tilespmem:s11+$0x12240]  }
0x45c: {  	v21 =	vmax.f32 v21, $0.0e+00;
	v27 =	vadd.f32 v28, v23;
	v28 =	vld [tilespmem:s11+$0x14240]  }
0x45d: {  	[tilespmem:s11+$0x10230] =	vst v21;
	v20 =	vmax.f32 v20, $0.0e+00;
	v21 =	vadd.f32 v22, v23;
	v22 =	vld [tilespmem:s11+$0x16240]  }
0x45e: {  	[tilespmem:s11+$0x12230] =	vst v20;
	v20 =	vmax.f32 v27, $0.0e+00;
	v23 =	vld [tilespmem:s11+$0x1C250]  }
0x45f: {  	[tilespmem:s11+$0x14230] =	vst v20;
	v20 =	vmax.f32 v21, $0.0e+00;
	v21 =	vadd.f32 v25, v24;
	v25 =	vld [tilespmem:s11+$0x10250]  }
0x460: {  	[tilespmem:s11+$0x16230] =	vst v20;
	v20 =	vadd.f32 v26, v24;
	v26 =	vld [tilespmem:s11+$0x12250]  }
0x461: {  	v21 =	vmax.f32 v21, $0.0e+00;
	v27 =	vadd.f32 v28, v24;
	v28 =	vld [tilespmem:s11+$0x14250]  }
0x462: {  	[tilespmem:s11+$0x10240] =	vst v21;
	v20 =	vmax.f32 v20, $0.0e+00;
	v21 =	vadd.f32 v22, v24;
	v24 =	vld [tilespmem:s11+$0x16250]  }
0x463: {  	[tilespmem:s11+$0x12240] =	vst v20;
	v22 =	vmax.f32 v27, $0.0e+00;
	v20 =	vld [tilespmem:s11+$0x1C260]  }
0x464: {  	[tilespmem:s11+$0x14240] =	vst v22;
	v21 =	vmax.f32 v21, $0.0e+00;
	v22 =	vadd.f32 v25, v23;
	v29 =	vld [tilespmem:s11+$0x10260]  }
.Ltmp10:
0x465: {  	[tilespmem:s11+$0x16240] =	vst v21;
	v21 =	vadd.f32 v26, v23;
	v25 =	vld [tilespmem:s11+$0x12260];
	(pc) =	sbr.rel @p0 .LBB2_23-.Ltmp10, $4  }
0x466: {  	v26 =	vmax.f32 v22, $0.0e+00;
	v27 =	vadd.f32 v28, v23;
	v22 =	vld [tilespmem:s11+$0x14260]  }
0x467: {  	[tilespmem:s11+$0x10250] =	vst v26;
	v21 =	vmax.f32 v21, $0.0e+00;
	v24 =	vadd.f32 v24, v23;
	v23 =	vld [tilespmem:s11+$0x16260]  }
0x468: {  	[tilespmem:s11+$0x12250] =	vst v21;
	v26 =	vmax.f32 v27, $0.0e+00;
	v21 =	vld [tilespmem:s11+$0x10270]  }
0x469: {  	s19 =	sadd.s32 $0x1000, s19;
	[tilespmem:s11+$0x14250] =	vst v26;
	v27 =	vmax.f32 v24, $0.0e+00;
	v26 =	vadd.f32 v29, v20;
	v24 =	vld [tilespmem:s11+$0x12270]  }
0x46a: {  	v25 =	vadd.f32 v25, v20;
	v28 =	vld [tilespmem:s11+$0x14270]  }
0x46b: {  	[tilespmem:s11+$0x16250] =	vst v27;
	v26 =	vmax.f32 v26, $0.0e+00;
	v22 =	vadd.f32 v22, v20  }
0x46c: {  	s15 =	sadd.s32 $0x1, s15;
	[tilespmem:s11+$0x10260] =	vst v26;
	v25 =	vmax.f32 v25, $0.0e+00;
	v20 =	vadd.f32 v23, v20  }
0x46d: {  	p0 =	sne.s32 s15, $0x8;
	[tilespmem:s11+$0x12260] =	vst v25;
	v22 =	vmax.f32 v22, $0.0e+00;
	v21 =	vadd.f32 v21, v19  }
.Ltmp11:
0x46e: {  	[tilespmem:s11+$0x14260] =	vst v22;
	v20 =	vmax.f32 v20, $0.0e+00;
	v63 =	vadd.f32 v24, v19;
	(pc) =	sbr.rel @p0 .LBB2_22-.Ltmp11, $4  }
0x46f: {  	[tilespmem:s11+$0x16260] =	vst v20;
	v20 =	vmax.f32 v21, $0.0e+00;
	v19 =	vadd.f32 v28, v19  }
0x470: {  	[tilespmem:s11+$0x10270] =	vst v20;
	v20 =	vmax.f32 v63, $0.0e+00  }
0x471: {  	[tilespmem:s11+$0x12270] =	vst v20;
	v19 =	vmax.f32 v19, $0.0e+00  }
0x472: {  	s13 =	sadd.s32 $0x200, s13;
	[tilespmem:s11+$0x14270] =	vst v19  }
0x473: {  	s4 =	rddreg [dreg:$0x16]  }
0x474: {  	s13 =	simm.s32 $0x0;
	s15 =	sld [smem:$0x7F5]  }
0x475: {  	[hbm4b:s4+s13] =	stream.linear.scatter [tilespmem:s21], [sflag:$0x6], $0x2000, $0x38;
	[tilespmem:$0x1E200] =	vst v63  }
0x476: {  	s19 =	sld [smem:$0x7F6]  }
0x477: {  	[hbm4b:s15+s13] =	stream.linear.scatter [tilespmem:s30], [sflag:$0x6], $0x2000, $0x38;
	[tilespmem:$0x1E200] =	vst v63  }
0x478: {  	s20 =	sld [smem:$0x7F7]  }
0x479: {  	[hbm4b:s19+s13] =	stream.linear.scatter [tilespmem:s22], [sflag:$0x6], $0x2000, $0x38;
	[tilespmem:$0x1E200] =	vst v63  }
0x47a: {  	_ = 	snop  }
0x47b: {  	[hbm4b:s20+s13] =	stream.linear.scatter [tilespmem:s2], [sflag:$0x6], $0x2000, $0x38;
	[tilespmem:$0x1E200] =	vst v63  }
0x47c: {  	_ =	swait.ge [sflag:s16], $0x8000  }
0x47d: {  	[sflag:s16] =	ssyncset.done $0x0  }
0x47e: {  	[sflag:s16] =	ssyncadd.s32 $0xFFFF8000  }
0x47f: {  	_ =	swait.ge [sflag:s17], $0x2000  }
0x480: {  	[sflag:s17] =	ssyncset.done $0x0  }
0x481: {  	s15 =	simm.s32 $0x0;
	[sflag:s17] =	ssyncadd.s32 $0xFFFFE000  }
.LBB2_26:
0x482: {  	s11 =	sshra.s32 s13, $0x2  }
0x483: {  	v19 =	vld [tilespmem:s11+$0x18270]  }
0x484: {  	v20 =	vld [tilespmem:s11+$0x6270]  }
0x485: {  	v21 =	vld [tilespmem:s11+$0x18200]  }
0x486: {  	v22 =	vld [tilespmem:s11+$0x200]  }
0x487: {  	v23 =	vld [tilespmem:s11+$0x2200]  }
0x488: {  	v24 =	vld [tilespmem:s11+$0x4200]  }
0x489: {  	v25 =	vld [tilespmem:s11+$0x6200]  }
0x48a: {  	v26 =	vld [tilespmem:s11+$0x18210]  }
0x48b: {  	v27 =	vld [tilespmem:s11+$0x210]  }
0x48c: {  	v28 =	vld [tilespmem:s11+$0x2210]  }
0x48d: {  	v29 =	vld [tilespmem:s11+$0x4210]  }
0x48e: {  	v30 =	vld [tilespmem:s11+$0x6210]  }
0x48f: {  	v31 =	vld [tilespmem:s11+$0x18220];
	v20 =	vadd.f32 v20, v19  }
0x490: {  	v32 =	vld [tilespmem:s11+$0x220];
	v22 =	vadd.f32 v22, v21  }
0x491: {  	v33 =	vld [tilespmem:s11+$0x2220];
	v23 =	vadd.f32 v23, v21;
	v20 =	vmax.f32 v20, $0.0e+00  }
0x492: {  	v63 =	vld [tilespmem:s11+$0x18240];
	[tilespmem:s11+$0x6270] =	vst v20;
	v20 =	vmax.f32 v22, $0.0e+00;
	v22 =	vadd.f32 v24, v21  }
0x493: {  	v24 =	vld [tilespmem:s11+$0x4220];
	v21 =	vadd.f32 v25, v21;
	[tilespmem:s11+$0x200] =	vst v20;
	v20 =	vmax.f32 v23, $0.0e+00  }
0x494: {  	v25 =	vld [tilespmem:s11+$0x18230];
	[tilespmem:s11+$0x2200] =	vst v20;
	v20 =	vmax.f32 v22, $0.0e+00;
	v22 =	vadd.f32 v27, v26  }
0x495: {  	v23 =	vld [tilespmem:s11+$0x6220];
	[tilespmem:s11+$0x4200] =	vst v20;
	v20 =	vmax.f32 v21, $0.0e+00;
	v21 =	vadd.f32 v28, v26  }
0x496: {  	v27 =	vld [tilespmem:s11+$0x230];
	[tilespmem:s11+$0x6200] =	vst v20;
	v20 =	vmax.f32 v22, $0.0e+00;
	v22 =	vadd.f32 v29, v26  }
0x497: {  	v28 =	vld [tilespmem:s11+$0x2230];
	[tilespmem:s11+$0x210] =	vst v20;
	v20 =	vmax.f32 v21, $0.0e+00;
	v21 =	vadd.f32 v30, v26  }
0x498: {  	v29 =	vld [tilespmem:s11+$0x6230];
	[tilespmem:s11+$0x2210] =	vst v20;
	v20 =	vmax.f32 v22, $0.0e+00;
	v22 =	vadd.f32 v32, v31  }
0x499: {  	v26 =	vld [tilespmem:s11+$0x4230];
	[tilespmem:s11+$0x4210] =	vst v20;
	v20 =	vmax.f32 v21, $0.0e+00;
	v21 =	vadd.f32 v33, v31  }
0x49a: {  	[tilespmem:s11+$0x6210] =	vst v20;
	v20 =	vmax.f32 v22, $0.0e+00;
	v22 =	vadd.f32 v24, v31;
	v24 =	vld [tilespmem:s11+$0x240]  }
0x49b: {  	[tilespmem:s11+$0x220] =	vst v20;
	v20 =	vmax.f32 v21, $0.0e+00;
	v21 =	vadd.f32 v23, v31;
	v23 =	vld [tilespmem:s11+$0x2240]  }
0x49c: {  	[tilespmem:s11+$0x2220] =	vst v20;
	v20 =	vmax.f32 v22, $0.0e+00;
	v22 =	vadd.f32 v27, v25;
	v27 =	vld [tilespmem:s11+$0x4240]  }
0x49d: {  	[tilespmem:s11+$0x4220] =	vst v20;
	v20 =	vmax.f32 v21, $0.0e+00;
	v21 =	vadd.f32 v28, v25;
	v28 =	vld [tilespmem:s11+$0x6240]  }
0x49e: {  	[tilespmem:s11+$0x6220] =	vst v20;
	v20 =	vmax.f32 v22, $0.0e+00;
	v22 =	vadd.f32 v26, v25;
	v26 =	vld [tilespmem:s11+$0x18250]  }
0x49f: {  	[tilespmem:s11+$0x230] =	vst v20;
	v20 =	vmax.f32 v21, $0.0e+00;
	v21 =	vadd.f32 v29, v25;
	v25 =	vld [tilespmem:s11+$0x250]  }
0x4a0: {  	[tilespmem:s11+$0x2230] =	vst v20;
	v20 =	vmax.f32 v22, $0.0e+00;
	v22 =	vadd.f32 v24, v63;
	v24 =	vld [tilespmem:s11+$0x2250]  }
0x4a1: {  	[tilespmem:s11+$0x4230] =	vst v20;
	v20 =	vmax.f32 v21, $0.0e+00;
	v21 =	vadd.f32 v23, v63;
	v23 =	vld [tilespmem:s11+$0x4250]  }
0x4a2: {  	[tilespmem:s11+$0x6230] =	vst v20;
	v20 =	vmax.f32 v22, $0.0e+00;
	v22 =	vadd.f32 v27, v63;
	v27 =	vld [tilespmem:s11+$0x6250]  }
0x4a3: {  	v29 =	vld [tilespmem:s11+$0x260];
	v28 =	vadd.f32 v28, v63;
	[tilespmem:s11+$0x240] =	vst v20;
	v21 =	vmax.f32 v21, $0.0e+00  }
0x4a4: {  	v20 =	vld [tilespmem:s11+$0x18260];
	[tilespmem:s11+$0x2240] =	vst v21;
	v21 =	vmax.f32 v22, $0.0e+00;
	v22 =	vadd.f32 v25, v26  }
0x4a5: {  	v25 =	vld [tilespmem:s11+$0x2260];
	[tilespmem:s11+$0x4240] =	vst v21;
	v21 =	vmax.f32 v28, $0.0e+00;
	v24 =	vadd.f32 v24, v26  }
0x4a6: {  	[tilespmem:s11+$0x6240] =	vst v21;
	v21 =	vmax.f32 v22, $0.0e+00;
	v28 =	vadd.f32 v23, v26;
	v22 =	vld [tilespmem:s11+$0x4260]  }
0x4a7: {  	v23 =	vld [tilespmem:s11+$0x6260];
	[tilespmem:s11+$0x250] =	vst v21;
	v21 =	vmax.f32 v24, $0.0e+00;
	v24 =	vadd.f32 v27, v26  }
0x4a8: {  	[tilespmem:s11+$0x2250] =	vst v21;
	v26 =	vmax.f32 v28, $0.0e+00;
	v21 =	vld [tilespmem:s11+$0x270]  }
0x4a9: {  	s4 =	simm.s32 $0x0;
	s19 =	sadd.s32 $0x1000, s13;
	[tilespmem:s11+$0x4250] =	vst v26;
	v27 =	vmax.f32 v24, $0.0e+00;
	v26 =	vadd.f32 v29, v20;
	v24 =	vld [tilespmem:s11+$0x2270]  }
.LBB2_27:
0x4aa: {  	s20 =	sshra.s32 s19, $0x2;
	[tilespmem:s11+$0x6250] =	vst v27;
	v25 =	vadd.f32 v25, v20;
	v27 =	vld [tilespmem:s11+$0x4270]  }
0x4ab: {  	s4 =	sadd.s32 $0x80, s4;
	v28 =	vld [tilespmem:s20+$0x18270];
	v26 =	vmax.f32 v26, $0.0e+00;
	v22 =	vadd.f32 v22, v20  }
0x4ac: {  	p0 =	slt.u32 s4, $0x380;
	v29 =	vld [tilespmem:s20+$0x6270];
	[tilespmem:s11+$0x260] =	vst v26;
	v25 =	vmax.f32 v25, $0.0e+00;
	v20 =	vadd.f32 v23, v20  }
0x4ad: {  	v23 =	vld [tilespmem:s20+$0x18200];
	[tilespmem:s11+$0x2260] =	vst v25;
	v22 =	vmax.f32 v22, $0.0e+00;
	v21 =	vadd.f32 v21, v19  }
0x4ae: {  	v25 =	vld [tilespmem:s20+$0x200];
	[tilespmem:s11+$0x4260] =	vst v22;
	v20 =	vmax.f32 v20, $0.0e+00;
	v22 =	vadd.f32 v24, v19  }
0x4af: {  	v24 =	vld [tilespmem:s20+$0x2200];
	[tilespmem:s11+$0x6260] =	vst v20;
	v20 =	vmax.f32 v21, $0.0e+00;
	v21 =	vadd.f32 v27, v19  }
0x4b0: {  	v26 =	vld [tilespmem:s20+$0x4200];
	[tilespmem:s11+$0x270] =	vst v20;
	v20 =	vmax.f32 v22, $0.0e+00;
	v19 =	vmov v28  }
0x4b1: {  	v22 =	vld [tilespmem:s20+$0x6200];
	v27 =	vadd.f32 v29, v19;
	[tilespmem:s11+$0x2270] =	vst v20;
	v20 =	vmax.f32 v21, $0.0e+00  }
0x4b2: {  	v21 =	vld [tilespmem:s20+$0x18210];
	[tilespmem:s11+$0x4270] =	vst v20;
	s11 =	smov.u32 s20  }
0x4b3: {  	v20 =	vadd.f32 v25, v23;
	v25 =	vld [tilespmem:s11+$0x210];
	v27 =	vmax.f32 v27, $0.0e+00  }
0x4b4: {  	v24 =	vadd.f32 v24, v23;
	v28 =	vld [tilespmem:s11+$0x2210];
	[tilespmem:s11+$0x6270] =	vst v27  }
0x4b5: {  	v20 =	vmax.f32 v20, $0.0e+00;
	v26 =	vadd.f32 v26, v23;
	v27 =	vld [tilespmem:s11+$0x4210]  }
0x4b6: {  	[tilespmem:s11+$0x200] =	vst v20;
	v20 =	vmax.f32 v24, $0.0e+00;
	v22 =	vadd.f32 v22, v23;
	v23 =	vld [tilespmem:s11+$0x6210]  }
0x4b7: {  	[tilespmem:s11+$0x2200] =	vst v20;
	v20 =	vmax.f32 v26, $0.0e+00;
	v24 =	vld [tilespmem:s11+$0x18220]  }
0x4b8: {  	[tilespmem:s11+$0x4200] =	vst v20;
	v20 =	vmax.f32 v22, $0.0e+00;
	v22 =	vadd.f32 v25, v21;
	v25 =	vld [tilespmem:s11+$0x220]  }
0x4b9: {  	[tilespmem:s11+$0x6200] =	vst v20;
	v20 =	vadd.f32 v28, v21;
	v26 =	vld [tilespmem:s11+$0x2220]  }
0x4ba: {  	v22 =	vmax.f32 v22, $0.0e+00;
	v27 =	vadd.f32 v27, v21;
	v28 =	vld [tilespmem:s11+$0x4220]  }
0x4bb: {  	[tilespmem:s11+$0x210] =	vst v22;
	v20 =	vmax.f32 v20, $0.0e+00;
	v21 =	vadd.f32 v23, v21;
	v22 =	vld [tilespmem:s11+$0x6220]  }
0x4bc: {  	[tilespmem:s11+$0x2210] =	vst v20;
	v20 =	vmax.f32 v27, $0.0e+00;
	v23 =	vld [tilespmem:s11+$0x18230]  }
0x4bd: {  	[tilespmem:s11+$0x4210] =	vst v20;
	v20 =	vmax.f32 v21, $0.0e+00;
	v21 =	vadd.f32 v25, v24;
	v25 =	vld [tilespmem:s11+$0x230]  }
0x4be: {  	[tilespmem:s11+$0x6210] =	vst v20;
	v20 =	vadd.f32 v26, v24;
	v26 =	vld [tilespmem:s11+$0x2230]  }
0x4bf: {  	v21 =	vmax.f32 v21, $0.0e+00;
	v27 =	vadd.f32 v28, v24;
	v28 =	vld [tilespmem:s11+$0x4230]  }
0x4c0: {  	[tilespmem:s11+$0x220] =	vst v21;
	v20 =	vmax.f32 v20, $0.0e+00;
	v21 =	vadd.f32 v22, v24;
	v22 =	vld [tilespmem:s11+$0x6230]  }
0x4c1: {  	[tilespmem:s11+$0x2220] =	vst v20;
	v20 =	vmax.f32 v27, $0.0e+00;
	v24 =	vld [tilespmem:s11+$0x18240]  }
0x4c2: {  	[tilespmem:s11+$0x4220] =	vst v20;
	v20 =	vmax.f32 v21, $0.0e+00;
	v21 =	vadd.f32 v25, v23;
	v25 =	vld [tilespmem:s11+$0x240]  }
0x4c3: {  	[tilespmem:s11+$0x6220] =	vst v20;
	v20 =	vadd.f32 v26, v23;
	v26 =	vld [tilespmem:s11+$0x2240]  }
0x4c4: {  	v21 =	vmax.f32 v21, $0.0e+00;
	v27 =	vadd.f32 v28, v23;
	v28 =	vld [tilespmem:s11+$0x4240]  }
0x4c5: {  	[tilespmem:s11+$0x230] =	vst v21;
	v20 =	vmax.f32 v20, $0.0e+00;
	v21 =	vadd.f32 v22, v23;
	v22 =	vld [tilespmem:s11+$0x6240]  }
0x4c6: {  	[tilespmem:s11+$0x2230] =	vst v20;
	v20 =	vmax.f32 v27, $0.0e+00;
	v23 =	vld [tilespmem:s11+$0x18250]  }
0x4c7: {  	[tilespmem:s11+$0x4230] =	vst v20;
	v20 =	vmax.f32 v21, $0.0e+00;
	v21 =	vadd.f32 v25, v24;
	v25 =	vld [tilespmem:s11+$0x250]  }
0x4c8: {  	[tilespmem:s11+$0x6230] =	vst v20;
	v20 =	vadd.f32 v26, v24;
	v26 =	vld [tilespmem:s11+$0x2250]  }
0x4c9: {  	v21 =	vmax.f32 v21, $0.0e+00;
	v27 =	vadd.f32 v28, v24;
	v28 =	vld [tilespmem:s11+$0x4250]  }
0x4ca: {  	[tilespmem:s11+$0x240] =	vst v21;
	v20 =	vmax.f32 v20, $0.0e+00;
	v21 =	vadd.f32 v22, v24;
	v24 =	vld [tilespmem:s11+$0x6250]  }
0x4cb: {  	[tilespmem:s11+$0x2240] =	vst v20;
	v22 =	vmax.f32 v27, $0.0e+00;
	v20 =	vld [tilespmem:s11+$0x18260]  }
0x4cc: {  	[tilespmem:s11+$0x4240] =	vst v22;
	v21 =	vmax.f32 v21, $0.0e+00;
	v22 =	vadd.f32 v25, v23;
	v29 =	vld [tilespmem:s11+$0x260]  }
.Ltmp12:
0x4cd: {  	[tilespmem:s11+$0x6240] =	vst v21;
	v21 =	vadd.f32 v26, v23;
	v25 =	vld [tilespmem:s11+$0x2260];
	(pc) =	sbr.rel @p0 .LBB2_27-.Ltmp12, $4  }
0x4ce: {  	v26 =	vmax.f32 v22, $0.0e+00;
	v27 =	vadd.f32 v28, v23;
	v22 =	vld [tilespmem:s11+$0x4260]  }
0x4cf: {  	[tilespmem:s11+$0x250] =	vst v26;
	v21 =	vmax.f32 v21, $0.0e+00;
	v24 =	vadd.f32 v24, v23;
	v23 =	vld [tilespmem:s11+$0x6260]  }
0x4d0: {  	[tilespmem:s11+$0x2250] =	vst v21;
	v26 =	vmax.f32 v27, $0.0e+00;
	v21 =	vld [tilespmem:s11+$0x270]  }
0x4d1: {  	s19 =	sadd.s32 $0x1000, s19;
	[tilespmem:s11+$0x4250] =	vst v26;
	v27 =	vmax.f32 v24, $0.0e+00;
	v26 =	vadd.f32 v29, v20;
	v24 =	vld [tilespmem:s11+$0x2270]  }
0x4d2: {  	v25 =	vadd.f32 v25, v20;
	v28 =	vld [tilespmem:s11+$0x4270]  }
0x4d3: {  	[tilespmem:s11+$0x6250] =	vst v27;
	v26 =	vmax.f32 v26, $0.0e+00;
	v22 =	vadd.f32 v22, v20  }
0x4d4: {  	s15 =	sadd.s32 $0x1, s15;
	[tilespmem:s11+$0x260] =	vst v26;
	v25 =	vmax.f32 v25, $0.0e+00;
	v20 =	vadd.f32 v23, v20  }
0x4d5: {  	p0 =	sne.s32 s15, $0x8;
	[tilespmem:s11+$0x2260] =	vst v25;
	v22 =	vmax.f32 v22, $0.0e+00;
	v21 =	vadd.f32 v21, v19  }
.Ltmp13:
0x4d6: {  	[tilespmem:s11+$0x4260] =	vst v22;
	v20 =	vmax.f32 v20, $0.0e+00;
	v63 =	vadd.f32 v24, v19;
	(pc) =	sbr.rel @p0 .LBB2_26-.Ltmp13, $4  }
0x4d7: {  	[tilespmem:s11+$0x6260] =	vst v20;
	v20 =	vmax.f32 v21, $0.0e+00;
	v19 =	vadd.f32 v28, v19  }
0x4d8: {  	[tilespmem:s11+$0x270] =	vst v20;
	v20 =	vmax.f32 v63, $0.0e+00  }
0x4d9: {  	[tilespmem:s11+$0x2270] =	vst v20;
	v19 =	vmax.f32 v19, $0.0e+00  }
0x4da: {  	s13 =	sadd.s32 $0x200, s13;
	[tilespmem:s11+$0x4270] =	vst v19  }
0x4db: {  	s4 =	rddreg [dreg:$0x17]  }
0x4dc: {  	s13 =	simm.s32 $0x0;
	s15 =	sld [smem:$0x7F8]  }
0x4dd: {  	[hbm4b:s4+s13] =	stream.linear.scatter [tilespmem:s5], [sflag:$0x4], $0x2000, $0x38;
	[tilespmem:$0x1E200] =	vst v63  }
0x4de: {  	s19 =	sld [smem:$0x7F9]  }
0x4df: {  	[hbm4b:s15+s13] =	stream.linear.scatter [tilespmem:s9], [sflag:$0x4], $0x2000, $0x38;
	[tilespmem:$0x1E200] =	vst v63  }
0x4e0: {  	s20 =	sld [smem:$0x7FA]  }
0x4e1: {  	[hbm4b:s19+s13] =	stream.linear.scatter [tilespmem:s14], [sflag:$0x4], $0x2000, $0x38;
	[tilespmem:$0x1E200] =	vst v63  }
0x4e2: {  	_ = 	snop  }
0x4e3: {  	[hbm4b:s20+s13] =	stream.linear.scatter [tilespmem:s18], [sflag:$0x4], $0x2000, $0x38;
	[tilespmem:$0x1E200] =	vst v63  }
0x4e4: {  	_ =	swait.ge [sflag:s23], $0x8000  }
0x4e5: {  	[sflag:s23] =	ssyncset.done $0x0  }
0x4e6: {  	[sflag:s23] =	ssyncadd.s32 $0xFFFF8000  }
0x4e7: {  	_ =	swait.ge [sflag:s25], $0x2000  }
0x4e8: {  	[sflag:s25] =	ssyncset.done $0x0  }
0x4e9: {  	s15 =	simm.s32 $0x0;
	[sflag:s25] =	ssyncadd.s32 $0xFFFFE000  }
.LBB2_30:
0x4ea: {  	s11 =	sshra.s32 s13, $0x2  }
0x4eb: {  	v19 =	vld [tilespmem:s11+$0x1A270]  }
0x4ec: {  	v20 =	vld [tilespmem:s11+$0xE270]  }
0x4ed: {  	v21 =	vld [tilespmem:s11+$0x1A200]  }
0x4ee: {  	v22 =	vld [tilespmem:s11+$0x8200]  }
0x4ef: {  	v23 =	vld [tilespmem:s11+$0xA200]  }
0x4f0: {  	v24 =	vld [tilespmem:s11+$0xC200]  }
0x4f1: {  	v25 =	vld [tilespmem:s11+$0xE200]  }
0x4f2: {  	v26 =	vld [tilespmem:s11+$0x1A210]  }
0x4f3: {  	v27 =	vld [tilespmem:s11+$0x8210]  }
0x4f4: {  	v28 =	vld [tilespmem:s11+$0xA210]  }
0x4f5: {  	v29 =	vld [tilespmem:s11+$0xC210]  }
0x4f6: {  	v30 =	vld [tilespmem:s11+$0xE210]  }
0x4f7: {  	v31 =	vld [tilespmem:s11+$0x1A220];
	v20 =	vadd.f32 v20, v19  }
0x4f8: {  	v32 =	vld [tilespmem:s11+$0x8220];
	v22 =	vadd.f32 v22, v21  }
0x4f9: {  	v33 =	vld [tilespmem:s11+$0xA220];
	v23 =	vadd.f32 v23, v21;
	v20 =	vmax.f32 v20, $0.0e+00  }
0x4fa: {  	v63 =	vld [tilespmem:s11+$0x1A240];
	[tilespmem:s11+$0xE270] =	vst v20;
	v20 =	vmax.f32 v22, $0.0e+00;
	v22 =	vadd.f32 v24, v21  }
0x4fb: {  	v24 =	vld [tilespmem:s11+$0xC220];
	v21 =	vadd.f32 v25, v21;
	[tilespmem:s11+$0x8200] =	vst v20;
	v20 =	vmax.f32 v23, $0.0e+00  }
0x4fc: {  	v25 =	vld [tilespmem:s11+$0x1A230];
	[tilespmem:s11+$0xA200] =	vst v20;
	v20 =	vmax.f32 v22, $0.0e+00;
	v22 =	vadd.f32 v27, v26  }
0x4fd: {  	v23 =	vld [tilespmem:s11+$0xE220];
	[tilespmem:s11+$0xC200] =	vst v20;
	v20 =	vmax.f32 v21, $0.0e+00;
	v21 =	vadd.f32 v28, v26  }
0x4fe: {  	v27 =	vld [tilespmem:s11+$0x8230];
	[tilespmem:s11+$0xE200] =	vst v20;
	v20 =	vmax.f32 v22, $0.0e+00;
	v22 =	vadd.f32 v29, v26  }
0x4ff: {  	v28 =	vld [tilespmem:s11+$0xA230];
	[tilespmem:s11+$0x8210] =	vst v20;
	v20 =	vmax.f32 v21, $0.0e+00;
	v21 =	vadd.f32 v30, v26  }
0x500: {  	v29 =	vld [tilespmem:s11+$0xE230];
	[tilespmem:s11+$0xA210] =	vst v20;
	v20 =	vmax.f32 v22, $0.0e+00;
	v22 =	vadd.f32 v32, v31  }
0x501: {  	v26 =	vld [tilespmem:s11+$0xC230];
	[tilespmem:s11+$0xC210] =	vst v20;
	v20 =	vmax.f32 v21, $0.0e+00;
	v21 =	vadd.f32 v33, v31  }
0x502: {  	[tilespmem:s11+$0xE210] =	vst v20;
	v20 =	vmax.f32 v22, $0.0e+00;
	v22 =	vadd.f32 v24, v31;
	v24 =	vld [tilespmem:s11+$0x8240]  }
0x503: {  	[tilespmem:s11+$0x8220] =	vst v20;
	v20 =	vmax.f32 v21, $0.0e+00;
	v21 =	vadd.f32 v23, v31;
	v23 =	vld [tilespmem:s11+$0xA240]  }
0x504: {  	[tilespmem:s11+$0xA220] =	vst v20;
	v20 =	vmax.f32 v22, $0.0e+00;
	v22 =	vadd.f32 v27, v25;
	v27 =	vld [tilespmem:s11+$0xC240]  }
0x505: {  	[tilespmem:s11+$0xC220] =	vst v20;
	v20 =	vmax.f32 v21, $0.0e+00;
	v21 =	vadd.f32 v28, v25;
	v28 =	vld [tilespmem:s11+$0xE240]  }
0x506: {  	[tilespmem:s11+$0xE220] =	vst v20;
	v20 =	vmax.f32 v22, $0.0e+00;
	v22 =	vadd.f32 v26, v25;
	v26 =	vld [tilespmem:s11+$0x1A250]  }
0x507: {  	[tilespmem:s11+$0x8230] =	vst v20;
	v20 =	vmax.f32 v21, $0.0e+00;
	v21 =	vadd.f32 v29, v25;
	v25 =	vld [tilespmem:s11+$0x8250]  }
0x508: {  	[tilespmem:s11+$0xA230] =	vst v20;
	v20 =	vmax.f32 v22, $0.0e+00;
	v22 =	vadd.f32 v24, v63;
	v24 =	vld [tilespmem:s11+$0xA250]  }
0x509: {  	[tilespmem:s11+$0xC230] =	vst v20;
	v20 =	vmax.f32 v21, $0.0e+00;
	v21 =	vadd.f32 v23, v63;
	v23 =	vld [tilespmem:s11+$0xC250]  }
0x50a: {  	[tilespmem:s11+$0xE230] =	vst v20;
	v20 =	vmax.f32 v22, $0.0e+00;
	v22 =	vadd.f32 v27, v63;
	v27 =	vld [tilespmem:s11+$0xE250]  }
0x50b: {  	v29 =	vld [tilespmem:s11+$0x8260];
	v28 =	vadd.f32 v28, v63;
	[tilespmem:s11+$0x8240] =	vst v20;
	v21 =	vmax.f32 v21, $0.0e+00  }
0x50c: {  	v20 =	vld [tilespmem:s11+$0x1A260];
	[tilespmem:s11+$0xA240] =	vst v21;
	v21 =	vmax.f32 v22, $0.0e+00;
	v22 =	vadd.f32 v25, v26  }
0x50d: {  	v25 =	vld [tilespmem:s11+$0xA260];
	[tilespmem:s11+$0xC240] =	vst v21;
	v21 =	vmax.f32 v28, $0.0e+00;
	v24 =	vadd.f32 v24, v26  }
0x50e: {  	[tilespmem:s11+$0xE240] =	vst v21;
	v21 =	vmax.f32 v22, $0.0e+00;
	v28 =	vadd.f32 v23, v26;
	v22 =	vld [tilespmem:s11+$0xC260]  }
0x50f: {  	v23 =	vld [tilespmem:s11+$0xE260];
	[tilespmem:s11+$0x8250] =	vst v21;
	v21 =	vmax.f32 v24, $0.0e+00;
	v24 =	vadd.f32 v27, v26  }
0x510: {  	[tilespmem:s11+$0xA250] =	vst v21;
	v26 =	vmax.f32 v28, $0.0e+00;
	v21 =	vld [tilespmem:s11+$0x8270]  }
0x511: {  	s4 =	simm.s32 $0x0;
	s19 =	sadd.s32 $0x1000, s13;
	[tilespmem:s11+$0xC250] =	vst v26;
	v27 =	vmax.f32 v24, $0.0e+00;
	v26 =	vadd.f32 v29, v20;
	v24 =	vld [tilespmem:s11+$0xA270]  }
.LBB2_31:
0x512: {  	s20 =	sshra.s32 s19, $0x2;
	[tilespmem:s11+$0xE250] =	vst v27;
	v25 =	vadd.f32 v25, v20;
	v27 =	vld [tilespmem:s11+$0xC270]  }
0x513: {  	s4 =	sadd.s32 $0x80, s4;
	v28 =	vld [tilespmem:s20+$0x1A270];
	v26 =	vmax.f32 v26, $0.0e+00;
	v22 =	vadd.f32 v22, v20  }
0x514: {  	p0 =	slt.u32 s4, $0x380;
	v29 =	vld [tilespmem:s20+$0xE270];
	[tilespmem:s11+$0x8260] =	vst v26;
	v25 =	vmax.f32 v25, $0.0e+00;
	v20 =	vadd.f32 v23, v20  }
0x515: {  	v23 =	vld [tilespmem:s20+$0x1A200];
	[tilespmem:s11+$0xA260] =	vst v25;
	v22 =	vmax.f32 v22, $0.0e+00;
	v21 =	vadd.f32 v21, v19  }
0x516: {  	v25 =	vld [tilespmem:s20+$0x8200];
	[tilespmem:s11+$0xC260] =	vst v22;
	v20 =	vmax.f32 v20, $0.0e+00;
	v22 =	vadd.f32 v24, v19  }
0x517: {  	v24 =	vld [tilespmem:s20+$0xA200];
	[tilespmem:s11+$0xE260] =	vst v20;
	v20 =	vmax.f32 v21, $0.0e+00;
	v21 =	vadd.f32 v27, v19  }
0x518: {  	v26 =	vld [tilespmem:s20+$0xC200];
	[tilespmem:s11+$0x8270] =	vst v20;
	v20 =	vmax.f32 v22, $0.0e+00;
	v19 =	vmov v28  }
0x519: {  	v22 =	vld [tilespmem:s20+$0xE200];
	v27 =	vadd.f32 v29, v19;
	[tilespmem:s11+$0xA270] =	vst v20;
	v20 =	vmax.f32 v21, $0.0e+00  }
0x51a: {  	v21 =	vld [tilespmem:s20+$0x1A210];
	[tilespmem:s11+$0xC270] =	vst v20;
	s11 =	smov.u32 s20  }
0x51b: {  	v20 =	vadd.f32 v25, v23;
	v25 =	vld [tilespmem:s11+$0x8210];
	v27 =	vmax.f32 v27, $0.0e+00  }
0x51c: {  	v24 =	vadd.f32 v24, v23;
	v28 =	vld [tilespmem:s11+$0xA210];
	[tilespmem:s11+$0xE270] =	vst v27  }
0x51d: {  	v20 =	vmax.f32 v20, $0.0e+00;
	v26 =	vadd.f32 v26, v23;
	v27 =	vld [tilespmem:s11+$0xC210]  }
0x51e: {  	[tilespmem:s11+$0x8200] =	vst v20;
	v20 =	vmax.f32 v24, $0.0e+00;
	v22 =	vadd.f32 v22, v23;
	v23 =	vld [tilespmem:s11+$0xE210]  }
0x51f: {  	[tilespmem:s11+$0xA200] =	vst v20;
	v20 =	vmax.f32 v26, $0.0e+00;
	v24 =	vld [tilespmem:s11+$0x1A220]  }
0x520: {  	[tilespmem:s11+$0xC200] =	vst v20;
	v20 =	vmax.f32 v22, $0.0e+00;
	v22 =	vadd.f32 v25, v21;
	v25 =	vld [tilespmem:s11+$0x8220]  }
0x521: {  	[tilespmem:s11+$0xE200] =	vst v20;
	v20 =	vadd.f32 v28, v21;
	v26 =	vld [tilespmem:s11+$0xA220]  }
0x522: {  	v22 =	vmax.f32 v22, $0.0e+00;
	v27 =	vadd.f32 v27, v21;
	v28 =	vld [tilespmem:s11+$0xC220]  }
0x523: {  	[tilespmem:s11+$0x8210] =	vst v22;
	v20 =	vmax.f32 v20, $0.0e+00;
	v21 =	vadd.f32 v23, v21;
	v22 =	vld [tilespmem:s11+$0xE220]  }
0x524: {  	[tilespmem:s11+$0xA210] =	vst v20;
	v20 =	vmax.f32 v27, $0.0e+00;
	v23 =	vld [tilespmem:s11+$0x1A230]  }
0x525: {  	[tilespmem:s11+$0xC210] =	vst v20;
	v20 =	vmax.f32 v21, $0.0e+00;
	v21 =	vadd.f32 v25, v24;
	v25 =	vld [tilespmem:s11+$0x8230]  }
0x526: {  	[tilespmem:s11+$0xE210] =	vst v20;
	v20 =	vadd.f32 v26, v24;
	v26 =	vld [tilespmem:s11+$0xA230]  }
0x527: {  	v21 =	vmax.f32 v21, $0.0e+00;
	v27 =	vadd.f32 v28, v24;
	v28 =	vld [tilespmem:s11+$0xC230]  }
0x528: {  	[tilespmem:s11+$0x8220] =	vst v21;
	v20 =	vmax.f32 v20, $0.0e+00;
	v21 =	vadd.f32 v22, v24;
	v22 =	vld [tilespmem:s11+$0xE230]  }
0x529: {  	[tilespmem:s11+$0xA220] =	vst v20;
	v20 =	vmax.f32 v27, $0.0e+00;
	v24 =	vld [tilespmem:s11+$0x1A240]  }
0x52a: {  	[tilespmem:s11+$0xC220] =	vst v20;
	v20 =	vmax.f32 v21, $0.0e+00;
	v21 =	vadd.f32 v25, v23;
	v25 =	vld [tilespmem:s11+$0x8240]  }
0x52b: {  	[tilespmem:s11+$0xE220] =	vst v20;
	v20 =	vadd.f32 v26, v23;
	v26 =	vld [tilespmem:s11+$0xA240]  }
0x52c: {  	v21 =	vmax.f32 v21, $0.0e+00;
	v27 =	vadd.f32 v28, v23;
	v28 =	vld [tilespmem:s11+$0xC240]  }
0x52d: {  	[tilespmem:s11+$0x8230] =	vst v21;
	v20 =	vmax.f32 v20, $0.0e+00;
	v21 =	vadd.f32 v22, v23;
	v22 =	vld [tilespmem:s11+$0xE240]  }
0x52e: {  	[tilespmem:s11+$0xA230] =	vst v20;
	v20 =	vmax.f32 v27, $0.0e+00;
	v23 =	vld [tilespmem:s11+$0x1A250]  }
0x52f: {  	[tilespmem:s11+$0xC230] =	vst v20;
	v20 =	vmax.f32 v21, $0.0e+00;
	v21 =	vadd.f32 v25, v24;
	v25 =	vld [tilespmem:s11+$0x8250]  }
0x530: {  	[tilespmem:s11+$0xE230] =	vst v20;
	v20 =	vadd.f32 v26, v24;
	v26 =	vld [tilespmem:s11+$0xA250]  }
0x531: {  	v21 =	vmax.f32 v21, $0.0e+00;
	v27 =	vadd.f32 v28, v24;
	v28 =	vld [tilespmem:s11+$0xC250]  }
0x532: {  	[tilespmem:s11+$0x8240] =	vst v21;
	v20 =	vmax.f32 v20, $0.0e+00;
	v21 =	vadd.f32 v22, v24;
	v24 =	vld [tilespmem:s11+$0xE250]  }
0x533: {  	[tilespmem:s11+$0xA240] =	vst v20;
	v22 =	vmax.f32 v27, $0.0e+00;
	v20 =	vld [tilespmem:s11+$0x1A260]  }
0x534: {  	[tilespmem:s11+$0xC240] =	vst v22;
	v21 =	vmax.f32 v21, $0.0e+00;
	v22 =	vadd.f32 v25, v23;
	v29 =	vld [tilespmem:s11+$0x8260]  }
.Ltmp14:
0x535: {  	[tilespmem:s11+$0xE240] =	vst v21;
	v21 =	vadd.f32 v26, v23;
	v25 =	vld [tilespmem:s11+$0xA260];
	(pc) =	sbr.rel @p0 .LBB2_31-.Ltmp14, $4  }
0x536: {  	v26 =	vmax.f32 v22, $0.0e+00;
	v27 =	vadd.f32 v28, v23;
	v22 =	vld [tilespmem:s11+$0xC260]  }
0x537: {  	[tilespmem:s11+$0x8250] =	vst v26;
	v21 =	vmax.f32 v21, $0.0e+00;
	v24 =	vadd.f32 v24, v23;
	v23 =	vld [tilespmem:s11+$0xE260]  }
0x538: {  	[tilespmem:s11+$0xA250] =	vst v21;
	v26 =	vmax.f32 v27, $0.0e+00;
	v21 =	vld [tilespmem:s11+$0x8270]  }
0x539: {  	s19 =	sadd.s32 $0x1000, s19;
	[tilespmem:s11+$0xC250] =	vst v26;
	v27 =	vmax.f32 v24, $0.0e+00;
	v26 =	vadd.f32 v29, v20;
	v24 =	vld [tilespmem:s11+$0xA270]  }
0x53a: {  	v25 =	vadd.f32 v25, v20;
	v28 =	vld [tilespmem:s11+$0xC270]  }
0x53b: {  	[tilespmem:s11+$0xE250] =	vst v27;
	v26 =	vmax.f32 v26, $0.0e+00;
	v22 =	vadd.f32 v22, v20  }
0x53c: {  	s15 =	sadd.s32 $0x1, s15;
	[tilespmem:s11+$0x8260] =	vst v26;
	v25 =	vmax.f32 v25, $0.0e+00;
	v20 =	vadd.f32 v23, v20  }
0x53d: {  	p0 =	sne.s32 s15, $0x8;
	[tilespmem:s11+$0xA260] =	vst v25;
	v22 =	vmax.f32 v22, $0.0e+00;
	v21 =	vadd.f32 v21, v19  }
.Ltmp15:
0x53e: {  	[tilespmem:s11+$0xC260] =	vst v22;
	v20 =	vmax.f32 v20, $0.0e+00;
	v63 =	vadd.f32 v24, v19;
	(pc) =	sbr.rel @p0 .LBB2_30-.Ltmp15, $4  }
0x53f: {  	[tilespmem:s11+$0xE260] =	vst v20;
	v20 =	vmax.f32 v21, $0.0e+00;
	v19 =	vadd.f32 v28, v19  }
0x540: {  	[tilespmem:s11+$0x8270] =	vst v20;
	v20 =	vmax.f32 v63, $0.0e+00  }
0x541: {  	[tilespmem:s11+$0xA270] =	vst v20;
	v19 =	vmax.f32 v19, $0.0e+00  }
0x542: {  	s13 =	sadd.s32 $0x200, s13;
	[tilespmem:s11+$0xC270] =	vst v19  }
0x543: {  	s4 =	rddreg [dreg:$0x18]  }
0x544: {  	s13 =	simm.s32 $0x8200;
	s19 =	sld [smem:$0x7FB]  }
0x545: {  	[hbm4b:s4+s3] =	stream.linear.scatter [tilespmem:s13], [sflag:$0x5], $0x2000, $0x38;
	[tilespmem:$0x1E200] =	vst v63  }
0x546: {  	s15 =	simm.s32 $0xA200;
	s20 =	sld [smem:$0x7FC]  }
0x547: {  	[hbm4b:s19+s3] =	stream.linear.scatter [tilespmem:s15], [sflag:$0x5], $0x2000, $0x38;
	[tilespmem:$0x1E200] =	vst v63  }
0x548: {  	s11 =	sld [smem:$0x7FD];
	s19 =	simm.s32 $0xC200  }
0x549: {  	[hbm4b:s20+s3] =	stream.linear.scatter [tilespmem:s19], [sflag:$0x5], $0x2000, $0x38;
	[tilespmem:$0x1E200] =	vst v63  }
0x54a: {  	_ = 	snop  }
0x54b: {  	[hbm4b:s11+s3] =	stream.linear.scatter [tilespmem:s8], [sflag:$0x5], $0x2000, $0x38;
	[tilespmem:$0x1E200] =	vst v63  }
0x54c: {  	_ =	swait.ge [sflag:s10], $0x2000  }
0x54d: {  	[sflag:s10] =	ssyncset.done $0x0  }
0x54e: {  	[sflag:s10] =	ssyncadd.s32 $0xFFFFE000  }
0x54f: {  	_ =	swait.ge [sflag:s10], $0x2000  }
0x550: {  	[sflag:s10] =	ssyncset.done $0x0  }
0x551: {  	[sflag:s10] =	ssyncadd.s32 $0xFFFFE000  }
0x552: {  	_ =	swait.ge [sflag:s10], $0x2000  }
0x553: {  	[sflag:s10] =	ssyncset.done $0x0  }
0x554: {  	[sflag:s10] =	ssyncadd.s32 $0xFFFFE000  }
0x555: {  	_ =	swait.ge [sflag:s10], $0x2000  }
0x556: {  	[sflag:s10] =	ssyncset.done $0x0  }
0x557: {  	[sflag:s10] =	ssyncadd.s32 $0xFFFFE000  }
0x558: {  	_ =	swait.ge [sflag:s31], $0x2000  }
0x559: {  	[sflag:s31] =	ssyncset.done $0x0  }
0x55a: {  	[sflag:s31] =	ssyncadd.s32 $0xFFFFE000  }
0x55b: {  	_ =	swait.ge [sflag:s31], $0x2000  }
0x55c: {  	[sflag:s31] =	ssyncset.done $0x0  }
0x55d: {  	[sflag:s31] =	ssyncadd.s32 $0xFFFFE000  }
0x55e: {  	_ =	swait.ge [sflag:s31], $0x2000  }
0x55f: {  	[sflag:s31] =	ssyncset.done $0x0  }
0x560: {  	[sflag:s31] =	ssyncadd.s32 $0xFFFFE000  }
0x561: {  	_ =	swait.ge [sflag:s31], $0x2000  }
0x562: {  	[sflag:s31] =	ssyncset.done $0x0  }
0x563: {  	[sflag:s31] =	ssyncadd.s32 $0xFFFFE000  }
0x564: {  	_ =	swait.ge [sflag:s7], $0x2000  }
0x565: {  	[sflag:s7] =	ssyncset.done $0x0  }
0x566: {  	[sflag:s7] =	ssyncadd.s32 $0xFFFFE000  }
0x567: {  	_ =	swait.ge [sflag:s7], $0x2000  }
0x568: {  	[sflag:s7] =	ssyncset.done $0x0  }
0x569: {  	[sflag:s7] =	ssyncadd.s32 $0xFFFFE000  }
0x56a: {  	_ =	swait.ge [sflag:s7], $0x2000  }
0x56b: {  	[sflag:s7] =	ssyncset.done $0x0  }
0x56c: {  	[sflag:s7] =	ssyncadd.s32 $0xFFFFE000  }
0x56d: {  	_ =	swait.ge [sflag:s7], $0x2000  }
0x56e: {  	s12 =	sadd.s32 $0x1, s12;
	s20 =	rddreg [dreg:$0x19]  }
0x56f: {  	p0 =	sne.s32 s12, s20  }
.Ltmp16:
0x570: {  	_ = 	snop;
	(pc) =	sbr.rel @p0 .LBB2_1-.Ltmp16, $3  }
0x571: {  	_ =	sdelay $0x1  }
0x572: {  	[sflag:s7] =	ssyncset.done $0x0  }
0x573: {  	[sflag:s7] =	ssyncadd.s32 $0xFFFFE000  }
0x574: {  	_ =	sfence.sel $0x180000  }
0x575: {  	[bflag:$0x0] =	sbarrier.arrive $0xFFFF  }
0x576: {  	_ =	strace $0x90000047  }
0x577: {  	s0 =	stileid.u32;
	[bflag:$0x2] =	sbarrier.arrive $0xFFFF  }
0x578: {  	p0 =	sne.s32 s0, $0x0;
	s0 =	rddreg [dreg:$0x4]  }
0x579: {  	s0 =	sadd.s32 @!p0 $0x100000, s0  }
0x57a: {  	[sflag:s0] =	ssyncadd.tile.s32 @!p0 $0x1;
	_ =	shalt  }
.Lfunc_end2:
_tile_overlayer_lowered:
.L_overlay_start_2:
0x57b: {  	(tag) =	ssettag $0x2  }
0x57c: {  	s0 =	rddreg [dreg:$0x0];
	s2 =	stileid.u32  }
0x57d: {  	s1 =	rddreg [dreg:$0x1];
	p0 =	sne.s32 s2, $0x0  }
0x57e: {  	s3 =	rddreg [dreg:$0x2];
	[bflag:$0x3] =	sbarrier.arrive $0xFFFF;
	s2 =	simm.s32 @!p0 $0x1C0B  }
0x57f: {  	[timem:s3], [sflag:s2] =	dma.local @!p0 [hbm:s0], s1  }
0x580: {  	s0 =	simm.s32 @!p0 $0xB  }
0x581: {  	_ =	swait.ge @!p0 [sflag:s0], s1  }
0x582: {  	s1 =	ssub.s32 @!p0 $0x0, s1;
	[sflag:s0] =	ssyncset.done @!p0 $0x0  }
0x583: {  	[sflag:s0] =	ssyncadd.s32 @!p0 s1  }
0x584: {  	[bflag:$0x3] =	sbarrier.arrive $0xFFFF  }
0x585: {  	_ =	shalt  }

</sc_bundles>
